<compile_context>
chip_gen: v7x
topology: tpu7x:2x2x1
jax: 0.10.2.dev20260603
libtpu: 0.0.44.dev20260713+nightly
codegen_flags: <defaults>
</compile_context>

<pallas_src>
import functools

import jax
import jax.numpy as jnp
from jax import lax
from jax.experimental import pallas as pl
from jax.experimental.pallas import tpu as pltpu
from jax.experimental.pallas import tpu_sc as plsc

N = 10000
E = 320000
G = 64
H = 128

_NC = 2
_NS = 16
_NW = _NC * _NS
_PER_W = E // _NW
_CH = 40
_NCHUNK = _PER_W // _CH
_NB = 5
_PASSES = _NCHUNK // _NB
_CHS = _CH
_NCHUNK_S = _NCHUNK
_NBS = 2
_PASSES_S = _NCHUNK_S // _NBS
_WB = 632
_WB_LAST = N - (_NS - 1) * _WB


def _node_proj_body(nf, w1, b1, wl, bl, wr, br, nn_out, cat_out):
    x = nf[...]
    nn_out[...] = jax.nn.relu(
        jnp.dot(x, w1[...], preferred_element_type=jnp.float32) + b1[...])
    left = jnp.dot(x, wl[...], preferred_element_type=jnp.float32) + bl[...]
    right = jnp.dot(x, wr[...], preferred_element_type=jnp.float32) + br[...]
    lb = lax.bitcast_convert_type(left.astype(jnp.bfloat16),
                                  jnp.uint16).astype(jnp.uint32)
    rb = lax.bitcast_convert_type(right.astype(jnp.bfloat16),
                                  jnp.uint16).astype(jnp.uint32)
    cat_out[...] = lax.bitcast_convert_type(lb | (rb << 16), jnp.int32)


def _node_proj_nn_body(nf, w1, b1, nn_out):
    nn_out[...] = jax.nn.relu(
        jnp.dot(nf[...], w1[...], preferred_element_type=jnp.float32) + b1[...])


def _node_proj_nn(nf, w1, b1):
    bn = 2000
    nin = nf.shape[1]
    full = lambda a: pl.BlockSpec(a.shape, lambda i: (0,) * a.ndim)
    return pl.pallas_call(
        _node_proj_nn_body,
        grid=(N // bn,),
        in_specs=[pl.BlockSpec((bn, nin), lambda i: (i, 0)),
                  full(w1), full(b1)],
        out_specs=pl.BlockSpec((bn, H), lambda i: (i, 0)),
        out_shape=jax.ShapeDtypeStruct((N, H), jnp.float32),
    )(nf, w1, b1)


def _node_proj(nf, w1, b1, wl, bl, wr, br):
    bn = 2000
    nin = nf.shape[1]
    full = lambda a: pl.BlockSpec(a.shape, lambda i: (0,) * a.ndim)
    return pl.pallas_call(
        _node_proj_body,
        grid=(N // bn,),
        in_specs=[pl.BlockSpec((bn, nin), lambda i: (i, 0)),
                  full(w1), full(b1), full(wl), full(bl), full(wr), full(br)],
        out_specs=[pl.BlockSpec((bn, H), lambda i: (i, 0)),
                   pl.BlockSpec((bn, H), lambda i: (i, 0))],
        out_shape=[jax.ShapeDtypeStruct((N, H), jnp.float32),
                   jax.ShapeDtypeStruct((N, H), jnp.int32)],
    )(nf, w1, b1, wl, bl, wr, br)


_CHG = 80
_NCHUNK_G = _PER_W // _CHG
_PASSES_G = _NCHUNK_G // _NB


def _gather_body(table, idx3, gout, *rest):
    idxv = rest[0]
    bufs = rest[1:1 + _NB]
    semg = rest[1 + _NB:1 + 2 * _NB]
    semw = rest[1 + 2 * _NB:1 + 3 * _NB]

    wid = lax.axis_index("c") * _NS + lax.axis_index("s")
    base = wid * _PER_W
    pltpu.sync_copy(idx3.at[pl.ds(wid, 1)], idxv)

    def gpass(j, carry):
        for b in range(_NB):
            c = j * _NB + b

            @pl.when(j > 0)
            def _():
                po = base + (c - _NB) * _CHG
                pltpu.make_async_copy(
                    bufs[b], gout.at[pl.ds(po, _CHG)], semw[b]).wait()

            pltpu.async_copy(table.at[idxv.at[0, c]], bufs[b], semg[b])
        for b in range(_NB):
            c = j * _NB + b
            lo = base + c * _CHG
            pltpu.make_async_copy(
                table.at[idxv.at[0, c]], bufs[b], semg[b]).wait()
            pltpu.async_copy(bufs[b], gout.at[pl.ds(lo, _CHG)], semw[b])
        return carry

    lax.fori_loop(0, _PASSES_G, gpass, 0)
    for b in range(_NB):
        lo = base + ((_PASSES_G - 1) * _NB + b) * _CHG
        pltpu.make_async_copy(bufs[b], gout.at[pl.ds(lo, _CHG)], semw[b]).wait()


def _gather_one(table, idx3):
    mesh = plsc.VectorSubcoreMesh(core_axis_name="c", subcore_axis_name="s")
    k = functools.partial(
        pl.kernel,
        mesh=mesh,
        out_type=jax.ShapeDtypeStruct((E, H), jnp.int32),
        scratch_types=(
            [pltpu.VMEM((1, _NCHUNK_G, _CHG), jnp.int32)]
            + [pltpu.VMEM((_CHG, H), jnp.int32)] * _NB
            + [pltpu.SemaphoreType.DMA] * (2 * _NB)
        ),
    )(_gather_body)
    return k(table, idx3)


def _gather_sc(table, src3, dst3):
    return _gather_one(table, src3), _gather_one(table, dst3)


def _scatter_body(e2n, dst3, zrows, out0, out1, *rest):
    idxd = rest[0]
    bufs = rest[1:1 + _NBS]
    seml = rest[1 + _NBS:1 + 2 * _NBS]
    sema = rest[1 + 2 * _NBS:1 + 3 * _NBS]
    agg = rest[1 + 3 * _NBS]

    cid = lax.axis_index("c")
    sid = lax.axis_index("s")
    wid = cid * _NS + sid
    base = wid * _PER_W
    pltpu.sync_copy(dst3.at[pl.ds(wid, 1)], idxd)

    zoff = pl.multiple_of(sid * _WB, 8)

    @pl.when(sid < _NS - 1)
    def _():
        pltpu.sync_copy(zrows, agg.at[pl.ds(zoff, _WB)])

    @pl.when(sid == _NS - 1)
    def _():
        pltpu.sync_copy(zrows.at[pl.ds(0, _WB_LAST)],
                        agg.at[pl.ds(zoff, _WB_LAST)])

    plsc.subcore_barrier()

    def spass(j, carry):
        for b in range(_NBS):
            c = j * _NBS + b

            @pl.when(j > 0)
            def _():
                pltpu.make_async_copy(
                    bufs[b], agg.at[idxd.at[0, c]], sema[b]).wait()

            pltpu.async_copy(e2n.at[pl.ds(base + c * _CHS, _CHS)], bufs[b],
                             seml[b])
        for b in range(_NBS):
            c = j * _NBS + b
            pltpu.make_async_copy(
                e2n.at[pl.ds(base + c * _CHS, _CHS)], bufs[b], seml[b]).wait()
            pltpu.async_copy(bufs[b], agg.at[idxd.at[0, c]], sema[b],
                             add=True)
        return carry

    lax.fori_loop(0, _PASSES_S, spass, 0)
    for b in range(_NBS):
        pltpu.make_async_copy(bufs[b], agg.at[idxd.at[0, 0]], sema[b]).wait()
    plsc.subcore_barrier()

    @pl.when(cid == 0)
    def _():
        @pl.when(sid < _NS - 1)
        def _():
            pltpu.sync_copy(agg.at[pl.ds(zoff, _WB)], out0.at[pl.ds(zoff, _WB)])

        @pl.when(sid == _NS - 1)
        def _():
            pltpu.sync_copy(agg.at[pl.ds(zoff, _WB_LAST)],
                            out0.at[pl.ds(zoff, _WB_LAST)])

    @pl.when(cid == 1)
    def _():
        @pl.when(sid < _NS - 1)
        def _():
            pltpu.sync_copy(agg.at[pl.ds(zoff, _WB)], out1.at[pl.ds(zoff, _WB)])

        @pl.when(sid == _NS - 1)
        def _():
            pltpu.sync_copy(agg.at[pl.ds(zoff, _WB_LAST)],
                            out1.at[pl.ds(zoff, _WB_LAST)])


def _scatter_sc(e2n, dst3):
    mesh = plsc.VectorSubcoreMesh(core_axis_name="c", subcore_axis_name="s")
    zrows = jnp.zeros((_WB, H), jnp.float32)
    k = functools.partial(
        pl.kernel,
        mesh=mesh,
        out_type=[jax.ShapeDtypeStruct((N, H), jnp.float32),
                  jax.ShapeDtypeStruct((N, H), jnp.float32)],
        scratch_types=(
            [pltpu.VMEM((1, _NCHUNK_S, _CHS), jnp.int32)]
            + [pltpu.VMEM((_CHS, H), jnp.float32)] * _NBS
            + [pltpu.SemaphoreType.DMA] * (2 * _NBS)
            + [pltpu.VMEM_SHARED((N, H), jnp.float32)]
        ),
    )(_scatter_body)
    return k(e2n, dst3, zrows)


def _msg_body(ef, we2n, be2n, e2n_out):
    e2n_out[...] = jax.nn.relu(
        jnp.dot(ef[...], we2n[...], preferred_element_type=jnp.float32)
        + be2n[...])


def _msg_mm(ef, we2n, be2n):
    be = 2000
    ein = ef.shape[1]
    full = lambda a: pl.BlockSpec(a.shape, lambda i: (0,) * a.ndim)
    return pl.pallas_call(
        _msg_body,
        grid=(E // be,),
        in_specs=[pl.BlockSpec((be, ein), lambda i: (i, 0)),
                  full(we2n), full(be2n)],
        out_specs=pl.BlockSpec((be, H), lambda i: (i, 0)),
        out_shape=jax.ShapeDtypeStruct((E, H), jnp.float32),
    )(ef, we2n, be2n)


def _ue_body(ef, gs, gd, we2e, be2e, wu, bu, nef_out):
    x = ef[...]
    unpack = lambda v: (
        lax.bitcast_convert_type(v << 16, jnp.float32),
        lax.bitcast_convert_type(v & jnp.int32(-65536), jnp.float32))
    ls, rs = unpack(gs[...])
    ld, rd = unpack(gd[...])
    first = jax.nn.relu(ls + rd)
    second = jax.nn.relu(ld + rs)
    third = jax.nn.relu(
        jnp.dot(x, we2e[...], preferred_element_type=jnp.float32) + be2e[...])
    acc = jnp.dot(first, wu[:H, :], preferred_element_type=jnp.float32)
    acc += jnp.dot(second, wu[H:2 * H, :], preferred_element_type=jnp.float32)
    acc += jnp.dot(third, wu[2 * H:, :], preferred_element_type=jnp.float32)
    nef_out[...] = jax.nn.relu(acc + bu[...])


def _ue_mm(ef, gs, gd, we2e, be2e, wu, bu):
    be = 2000
    ein = ef.shape[1]
    full = lambda a: pl.BlockSpec(a.shape, lambda i: (0,) * a.ndim)
    return pl.pallas_call(
        _ue_body,
        grid=(E // be,),
        in_specs=[pl.BlockSpec((be, ein), lambda i: (i, 0)),
                  pl.BlockSpec((be, H), lambda i: (i, 0)),
                  pl.BlockSpec((be, H), lambda i: (i, 0)),
                  full(we2e), full(be2e), full(wu), full(bu)],
        out_specs=pl.BlockSpec((be, H), lambda i: (i, 0)),
        out_shape=jax.ShapeDtypeStruct((E, H), jnp.float32),
    )(ef, gs, gd, we2e, be2e, wu, bu)


def _node_upd_body(nn, a0, a1, wu, bu, out):
    agg = a0[...] + a1[...]
    acc = jnp.dot(nn[...], wu[:H, :], preferred_element_type=jnp.float32)
    acc += jnp.dot(agg, wu[H:, :], preferred_element_type=jnp.float32)
    out[...] = jax.nn.relu(acc + bu[...])


def _node_update(nn, a0, a1, wu, bu):
    bn = 2000
    full = lambda a: pl.BlockSpec(a.shape, lambda i: (0,) * a.ndim)
    return pl.pallas_call(
        _node_upd_body,
        grid=(N // bn,),
        in_specs=[pl.BlockSpec((bn, H), lambda i: (i, 0)),
                  pl.BlockSpec((bn, H), lambda i: (i, 0)),
                  pl.BlockSpec((bn, H), lambda i: (i, 0)),
                  full(wu), full(bu)],
        out_specs=pl.BlockSpec((bn, H), lambda i: (i, 0)),
        out_shape=jax.ShapeDtypeStruct((N, H), jnp.float32),
    )(nn, a0, a1, wu, bu)


_RB = 1000


def _readout_body(nf, gid, aw, ab, p1, b1, p2, b2, out, hsum, hmax):
    i = pl.program_id(0)
    nblk = pl.num_programs(0)

    @pl.when(i == 0)
    def _():
        hsum[...] = jnp.zeros_like(hsum)
        hmax[...] = jnp.full_like(hmax, -jnp.inf)

    x = nf[...]
    ids = gid[0, 0, :]
    w = jax.nn.sigmoid(
        jnp.dot(x, aw[...], preferred_element_type=jnp.float32) + ab[...])
    wnf = w * x
    onehot = (lax.broadcasted_iota(jnp.int32, (G, _RB), 0)
              == ids[None, :]).astype(jnp.float32)
    hsum[...] += jnp.dot(onehot, wnf, preferred_element_type=jnp.float32)

    lo = gid[0, 0, 0]
    hi = gid[0, 0, _RB - 1]
    for g in range(G):
        @pl.when(jnp.logical_and(lo <= g, g <= hi))
        def _(g=g):
            m = jnp.where(ids == g, 0.0, -jnp.inf)
            rowmax = jnp.max(x + m[:, None], axis=0, keepdims=True)
            hmax[g:g + 1, :] = jnp.maximum(hmax[g:g + 1, :], rowmax)

    @pl.when(i == nblk - 1)
    def _():
        h1 = jnp.dot(hsum[...], p1[:H, :], preferred_element_type=jnp.float32)
        h1 += jnp.dot(hmax[...], p1[H:, :], preferred_element_type=jnp.float32)
        h1 += b1[...]
        out[...] = jnp.dot(h1, p2[...], preferred_element_type=jnp.float32) + b2[...]


def _readout(nf, gid3, aw, ab, p1, b1, p2, b2):
    full = lambda a: pl.BlockSpec(a.shape, lambda i: (0,) * a.ndim)
    return pl.pallas_call(
        _readout_body,
        grid=(N // _RB,),
        in_specs=[pl.BlockSpec((_RB, H), lambda i: (i, 0)),
                  pl.BlockSpec((1, 1, _RB), lambda i: (i, 0, 0)),
                  full(aw), full(ab), full(p1), full(b1), full(p2), full(b2)],
        out_specs=pl.BlockSpec((G, 1), lambda i: (0, 0)),
        out_shape=jax.ShapeDtypeStruct((G, 1), jnp.float32),
        scratch_shapes=[pltpu.VMEM((G, H), jnp.float32),
                        pltpu.VMEM((G, H), jnp.float32)],
    )(nf, gid3, aw, ab, p1, b1, p2, b2)


def kernel(node_feats, edge_feats, params, edge_index, graph_ids):
    src3 = edge_index[0].reshape(_NW, _NCHUNK_G, _CHG)
    dst3 = edge_index[1].reshape(_NW, _NCHUNK_G, _CHG)
    dst3s = edge_index[1].reshape(_NW, _NCHUNK_S, _CHS)
    row = lambda v: v.reshape(1, -1)

    nf, ef = node_feats, edge_feats
    nlayers = len(params["layers"])
    for li, p in enumerate(params["layers"]):
        last = li == nlayers - 1
        e2n = _msg_mm(ef, p["w_e2n"], row(p["b_e2n"]))
        a0, a1 = _scatter_sc(e2n, dst3s)
        if last:
            nn = _node_proj_nn(nf, p["w_n2n"], row(p["b_n2n"]))
        else:
            nn, cat = _node_proj(nf, p["w_n2n"], row(p["b_n2n"]),
                                 p["w_l"], row(p["b_l"]),
                                 p["w_r"], row(p["b_r"]))
            gs, gd = _gather_sc(cat, src3, dst3)
            ef = _ue_mm(ef, gs, gd,
                        p["w_e2e"], row(p["b_e2e"]),
                        p["w_ue"], row(p["b_ue"]))
        nf = _node_update(nn, a0, a1, p["w_un"], row(p["b_un"]))

    gid3 = graph_ids.reshape(N // _RB, 1, _RB)
    return _readout(nf, gid3, params["atom_w"], row(params["atom_b"]),
                    params["p1_w"], row(params["p1_b"]),
                    params["p2_w"], row(params["p2_b"]))

# --- scband reference (transcript-rebuilt; emitter-appended) ---
"""Pipeline reference for scband-weave-predictor-37941741093423 (READ-ONLY COPY).

The authoritative reference and input builder live on the scoring server;
editing this copy changes nothing except your own understanding.
"""

import jax, jax.numpy as jnp
import numpy as np

N = 10000
E = 320000
G = 64
NODE_IN = 128
EDGE_IN = 16
H = 128

def _lin(key, fan_in, fan_out):
    k1, k2 = jax.random.split(key)
    lim = 1.0 / np.sqrt(fan_in)
    w = jax.random.uniform(k1, (fan_in, fan_out), jnp.float32, -lim, lim)
    b = jax.random.uniform(k2, (fan_out,), jnp.float32, -lim, lim)
    return w, b

def _layer_params(key, n_in, e_in, out):
    ks = jax.random.split(key, 7)
    p = {}
    p['w_n2n'], p['b_n2n'] = _lin(ks[0], n_in, out)
    p['w_e2n'], p['b_e2n'] = _lin(ks[1], e_in, out)
    p['w_un'], p['b_un'] = _lin(ks[2], 2 * out, out)
    p['w_l'], p['b_l'] = _lin(ks[3], n_in, out)
    p['w_r'], p['b_r'] = _lin(ks[4], n_in, out)
    p['w_e2e'], p['b_e2e'] = _lin(ks[5], e_in, out)
    p['w_ue'], p['b_ue'] = _lin(ks[6], 3 * out, out)
    return p

def setup_inputs(seed: int = 0):
    key = jax.random.key(seed)
    ks = jax.random.split(key, 10)
    node_feats = jax.random.normal(ks[0], (N, NODE_IN), jnp.float32)
    edge_feats = jax.random.normal(ks[1], (E, EDGE_IN), jnp.float32)
    edge_index = jax.random.randint(ks[2], (2, E), 0, N)
    graph_ids = jnp.sort(jax.random.randint(ks[3], (N,), 0, G))
    params = {'layers': [_layer_params(ks[4], NODE_IN, EDGE_IN, H),
                         _layer_params(ks[5], H, H, H)]}
    params['atom_w'], params['atom_b'] = _lin(ks[6], H, 1)
    params['p1_w'], params['p1_b'] = _lin(ks[7], 2 * H, 64)
    params['p2_w'], params['p2_b'] = _lin(ks[8], 64, 1)
    return {'node_feats': node_feats, 'edge_feats': edge_feats,
            'params': params, 'edge_index': edge_index, 'graph_ids': graph_ids}

def _weave_layer(p, src, dst, nf, ef):
    act = jax.nn.relu
    # node update: node->node + sum of edge->node messages at dst (fn.copy_e + fn.sum)
    node_node = act(nf @ p['w_n2n'] + p['b_n2n'])
    e2n = act(ef @ p['w_e2n'] + p['b_e2n'])
    agg = jnp.zeros((nf.shape[0], e2n.shape[1]), e2n.dtype).at[dst].add(e2n)
    new_nf = act(jnp.concatenate([node_node, agg], axis=1) @ p['w_un'] + p['b_un'])
    # edge update: u_add_v / v_add_u directional combos + edge->edge
    left = nf @ p['w_l'] + p['b_l']
    right = nf @ p['w_r'] + p['b_r']
    first = act(left[src] + right[dst])
    second = act(left[dst] + right[src])
    third = act(ef @ p['w_e2e'] + p['b_e2e'])
    new_ef = act(jnp.concatenate([first, second, third], axis=1) @ p['w_ue'] + p['b_ue'])
    return new_nf, new_ef

def _forward(node_feats, edge_feats, params, src, dst, graph_ids):
    nf, ef = node_feats, edge_feats
    for p in params['layers']:
        nf, ef = _weave_layer(p, src, dst, nf, ef)
    # WeightedSumAndMax readout
    w = jax.nn.sigmoid(nf @ params['atom_w'] + params['atom_b'])
    h_sum = jax.ops.segment_sum(w * nf, graph_ids, num_segments=G)
    h_max = jax.ops.segment_max(nf, graph_ids, num_segments=G)
    h = jnp.concatenate([h_sum, h_max], axis=1)
    # predict head: Linear(256->64) then Linear(64->1), no activation between
    h = h @ params['p1_w'] + params['p1_b']
    return h @ params['p2_w'] + params['p2_b']

def reference(node_feats, edge_feats, params, edge_index, graph_ids):
    return _forward(node_feats, edge_feats, params, edge_index[0], edge_index[1], graph_ids)

if __name__ == "__main__":
    import jax
    _d = setup_inputs()
    print(jax.jit(kernel)(*tuple(_d.values())))

</pallas_src>

<mosaic_0001>
#map = affine_map<(d0, d1) -> (0, 0)>
#map1 = affine_map<(d0, d1) -> (0, 0, 0)>
module attributes {stable_mosaic.version = 14 : i64} {
  func.func @_scatter_body(%arg0: i32, %arg1: i32, %arg2: memref<320000x128xf32, #tpu.memory_space<hbm>>, %arg3: memref<32x250x40xi32, #tpu.memory_space<hbm>>, %arg4: memref<632x128xf32, #tpu.memory_space<hbm>>, %arg5: memref<10000x128xf32, #tpu.memory_space<hbm>>, %arg6: memref<10000x128xf32, #tpu.memory_space<hbm>>, %arg7: memref<1x250x40xi32, #tpu.memory_space<vmem>>, %arg8: memref<40x128xf32, #tpu.memory_space<vmem>>, %arg9: memref<40x128xf32, #tpu.memory_space<vmem>>, %arg10: memref<!tpu.dma_semaphore, #tpu.memory_space<semaphore_mem>>, %arg11: memref<!tpu.dma_semaphore, #tpu.memory_space<semaphore_mem>>, %arg12: memref<!tpu.dma_semaphore, #tpu.memory_space<semaphore_mem>>, %arg13: memref<!tpu.dma_semaphore, #tpu.memory_space<semaphore_mem>>, %arg14: memref<10000x128xf32, #tpu.memory_space<vmem_shared>>) attributes {dimension_semantics = [#tpu.dimension_semantics<core_parallel>, #tpu.dimension_semantics<subcore_parallel>], iteration_bounds = array<i64: 2, 16>, scalar_prefetch = 0 : i64, scratch_operands = 8 : i64, tpu.core_type = #tpu.core_type<sc_vector_subcore>, window_params = [{transform_indices = #map}, {transform_indices = #map1}, {transform_indices = #map}, {transform_indices = #map}, {transform_indices = #map}]} {
    %mul3A = arith.constant 16 : i32
    %mul3A_0 = arith.muli %arg0, %mul3A : i32
    %add3A = arith.addi %mul3A_0, %arg1 : i32
    %mul3A_1 = arith.constant 10000 : i32
    %mul3A_2 = arith.muli %add3A, %mul3A_1 : i32
    "tpu.region"() ({
      %run_scoped3A = tpu.sem_alloc : memref<!tpu.dma_semaphore, #tpu.memory_space<semaphore_mem>>
      %dma_start3A = arith.constant 0 : i32
      %dma_start3A_42 = arith.constant 0 : i32
      %dma_start3A_43 = tpu.memref_slice %arg3[%add3A, %dma_start3A, %dma_start3A_42] : memref<32x250x40xi32, #tpu.memory_space<hbm>> -> memref<1x250x40xi32, #tpu.memory_space<hbm>>
      %dma_start3A_44 = arith.constant 0 : i32
      %dma_start3A_45 = arith.constant 0 : i32
      %dma_start3A_46 = tpu.memref_slice %arg3[%add3A, %dma_start3A_44, %dma_start3A_45] : memref<32x250x40xi32, #tpu.memory_space<hbm>> -> memref<1x250x40xi32, #tpu.memory_space<hbm>>
      tpu.enqueue_dma source(%dma_start3A_46 : memref<1x250x40xi32, #tpu.memory_space<hbm>>) target(%arg7 : memref<1x250x40xi32, #tpu.memory_space<vmem>>) target_semaphore(%run_scoped3A : memref<!tpu.dma_semaphore, #tpu.memory_space<semaphore_mem>>)
      %dma_wait3A_47 = arith.constant 0 : i32
      %dma_wait3A_48 = arith.constant 0 : i32
      %dma_wait3A_49 = tpu.memref_slice %arg3[%add3A, %dma_wait3A_47, %dma_wait3A_48] : memref<32x250x40xi32, #tpu.memory_space<hbm>> -> memref<1x250x40xi32, #tpu.memory_space<hbm>>
      %dma_wait3A_50 = arith.constant 0 : i32
      %dma_wait3A_51 = arith.constant 0 : i32
      %dma_wait3A_52 = tpu.memref_slice %arg3[%add3A, %dma_wait3A_50, %dma_wait3A_51] : memref<32x250x40xi32, #tpu.memory_space<hbm>> -> memref<1x250x40xi32, #tpu.memory_space<hbm>>
      tpu.wait_dma2 semaphore(%run_scoped3A : memref<!tpu.dma_semaphore, #tpu.memory_space<semaphore_mem>>) src(%dma_wait3A_52 : memref<1x250x40xi32, #tpu.memory_space<hbm>>) dst(%arg7 : memref<1x250x40xi32, #tpu.memory_space<vmem>>)
      tpu.yield
    }) : () -> ()
    %mul3A_3 = arith.constant 632 : i32
    %mul3A_4 = arith.muli %arg1, %mul3A_3 : i32
    %multiple_of3A = tpu.assume_multiple %mul3A_4, 8 : i32
    %lt3A = arith.constant 15 : i32
    %lt3A_5 = arith.cmpi slt, %arg1, %lt3A : i32
    %convert_element_type3A = arith.extui %lt3A_5 : i1 to i32
    %cond3A = arith.constant 0 : i32
    %cond3A_6 = arith.cmpi ne, %convert_element_type3A, %cond3A : i32
    scf.if %cond3A_6 {
      "tpu.region"() ({
        %run_scoped3A = tpu.sem_alloc : memref<!tpu.dma_semaphore, #tpu.memory_space<semaphore_mem>>
        %dma_start3A = arith.constant 0 : i32
        %dma_start3A_42 = tpu.memref_slice %arg14[%multiple_of3A, %dma_start3A] : memref<10000x128xf32, #tpu.memory_space<vmem_shared>> -> memref<632x128xf32, #tpu.memory_space<vmem_shared>>
        tpu.enqueue_dma source(%arg4 : memref<632x128xf32, #tpu.memory_space<hbm>>) target(%dma_start3A_42 : memref<632x128xf32, #tpu.memory_space<vmem_shared>>) target_semaphore(%run_scoped3A : memref<!tpu.dma_semaphore, #tpu.memory_space<semaphore_mem>>)
        %dma_wait3A_43 = arith.constant 0 : i32
        %dma_wait3A_44 = tpu.memref_slice %arg14[%multiple_of3A, %dma_wait3A_43] : memref<10000x128xf32, #tpu.memory_space<vmem_shared>> -> memref<632x128xf32, #tpu.memory_space<vmem_shared>>
        tpu.wait_dma2 semaphore(%run_scoped3A : memref<!tpu.dma_semaphore, #tpu.memory_space<semaphore_mem>>) src(%arg4 : memref<632x128xf32, #tpu.memory_space<hbm>>) dst(%dma_wait3A_44 : memref<632x128xf32, #tpu.memory_space<vmem_shared>>)
        tpu.yield
      }) : () -> ()
    } else {
    }
    %eq3A = arith.constant 15 : i32
    %eq3A_7 = arith.cmpi eq, %arg1, %eq3A : i32
    %convert_element_type3A_8 = arith.extui %eq3A_7 : i1 to i32
    %cond3A_9 = arith.constant 0 : i32
    %cond3A_10 = arith.cmpi ne, %convert_element_type3A_8, %cond3A_9 : i32
    scf.if %cond3A_10 {
      "tpu.region"() ({
        %run_scoped3A = tpu.sem_alloc : memref<!tpu.dma_semaphore, #tpu.memory_space<semaphore_mem>>
        %dma_start3A = arith.constant 0 : i32
        %dma_start3A_42 = tpu.memref_slice %arg14[%multiple_of3A, %dma_start3A] : memref<10000x128xf32, #tpu.memory_space<vmem_shared>> -> memref<520x128xf32, #tpu.memory_space<vmem_shared>>
        %dma_start3A_43 = arith.constant 0 : i32
        %dma_start3A_44 = arith.constant 0 : i32
        %dma_start3A_45 = tpu.memref_slice %arg4[%dma_start3A_43, %dma_start3A_44] : memref<632x128xf32, #tpu.memory_space<hbm>> -> memref<520x128xf32, #tpu.memory_space<hbm>>
        tpu.enqueue_dma source(%dma_start3A_45 : memref<520x128xf32, #tpu.memory_space<hbm>>) target(%dma_start3A_42 : memref<520x128xf32, #tpu.memory_space<vmem_shared>>) target_semaphore(%run_scoped3A : memref<!tpu.dma_semaphore, #tpu.memory_space<semaphore_mem>>)
        %dma_wait3A_46 = arith.constant 0 : i32
        %dma_wait3A_47 = tpu.memref_slice %arg14[%multiple_of3A, %dma_wait3A_46] : memref<10000x128xf32, #tpu.memory_space<vmem_shared>> -> memref<520x128xf32, #tpu.memory_space<vmem_shared>>
        %dma_wait3A_48 = arith.constant 0 : i32
        %dma_wait3A_49 = arith.constant 0 : i32
        %dma_wait3A_50 = tpu.memref_slice %arg4[%dma_wait3A_48, %dma_wait3A_49] : memref<632x128xf32, #tpu.memory_space<hbm>> -> memref<520x128xf32, #tpu.memory_space<hbm>>
        tpu.wait_dma2 semaphore(%run_scoped3A : memref<!tpu.dma_semaphore, #tpu.memory_space<semaphore_mem>>) src(%dma_wait3A_50 : memref<520x128xf32, #tpu.memory_space<hbm>>) dst(%dma_wait3A_47 : memref<520x128xf32, #tpu.memory_space<vmem_shared>>)
        tpu.yield
      }) : () -> ()
    } else {
    }
    %barrier3A = arith.constant 0 : index
    tpu.barrier barrier_id(%barrier3A)
    %scan3A = arith.constant 0 : i32
    %scan3A_11 = arith.constant 0 : i32
    %scan3A_12 = arith.constant 125 : i32
    %scan3A_13 = arith.addi %scan3A_11, %scan3A_12 : i32
    %scan3A_14 = arith.constant 1 : i32
    scf.for %scan3A_42 = %scan3A_11 to %scan3A_13 step %scan3A_14  : i32 {
      %mul3A_43 = arith.constant 2 : i32
      %mul3A_44 = arith.muli %scan3A_42, %mul3A_43 : i32
      %add3A_45 = arith.constant 0 : i32
      %add3A_46 = arith.addi %mul3A_44, %add3A_45 : i32
      %gt3A = arith.constant 0 : i32
      %gt3A_47 = arith.cmpi sgt, %scan3A_42, %gt3A : i32
      %convert_element_type3A_48 = arith.extui %gt3A_47 : i1 to i32
      %cond3A_49 = arith.constant 0 : i32
      %cond3A_50 = arith.cmpi ne, %convert_element_type3A_48, %cond3A_49 : i32
      scf.if %cond3A_50 {
        %dma_wait3A_109 = arith.constant 0 : i32
        %dma_wait3A_110 = arith.constant 0 : i32
        %dma_wait3A_111 = tpu.memref_slice %arg7[%dma_wait3A_109, %add3A_46, %dma_wait3A_110] : memref<1x250x40xi32, #tpu.memory_space<vmem>> -> memref<1x1x40xi32, #tpu.memory_space<vmem>>
        %dma_wait3A_112 = tpu.memref_squeeze %dma_wait3A_111 : memref<1x1x40xi32, #tpu.memory_space<vmem>> -> memref<40xi32, #tpu.memory_space<vmem>>
        %dma_wait3A_113 = arith.constant 0 : i32
        %dma_wait3A_114 = arith.constant 0 : i32
        %dma_wait3A_115 = tpu.memref_slice %arg14[%dma_wait3A_113, %dma_wait3A_114] : memref<10000x128xf32, #tpu.memory_space<vmem_shared>> -> memref<10000x128xf32, #tpu.memory_space<vmem_shared>>
        tpu.wait_indirect_dma semaphore(%arg12 : memref<!tpu.dma_semaphore, #tpu.memory_space<semaphore_mem>>) src(%arg8 : memref<40x128xf32, #tpu.memory_space<vmem>>) dst(%dma_wait3A_115 : memref<10000x128xf32, #tpu.memory_space<vmem_shared>>)
      } else {
      }
      %mul3A_51 = arith.constant 40 : i32
      %mul3A_52 = arith.muli %add3A_46, %mul3A_51 : i32
      %add3A_53 = arith.addi %mul3A_2, %mul3A_52 : i32
      %dma_start3A = arith.constant 0 : i32
      %dma_start3A_54 = tpu.memref_slice %arg2[%add3A_53, %dma_start3A] : memref<320000x128xf32, #tpu.memory_space<hbm>> -> memref<40x128xf32, #tpu.memory_space<hbm>>
      %dma_start3A_55 = arith.constant 0 : i32
      %dma_start3A_56 = tpu.memref_slice %arg2[%add3A_53, %dma_start3A_55] : memref<320000x128xf32, #tpu.memory_space<hbm>> -> memref<40x128xf32, #tpu.memory_space<hbm>>
      tpu.enqueue_dma source(%dma_start3A_56 : memref<40x128xf32, #tpu.memory_space<hbm>>) target(%arg8 : memref<40x128xf32, #tpu.memory_space<vmem>>) target_semaphore(%arg10 : memref<!tpu.dma_semaphore, #tpu.memory_space<semaphore_mem>>)
      %mul3A_57 = arith.constant 2 : i32
      %mul3A_58 = arith.muli %scan3A_42, %mul3A_57 : i32
      %add3A_59 = arith.constant 1 : i32
      %add3A_60 = arith.addi %mul3A_58, %add3A_59 : i32
      %gt3A_61 = arith.constant 0 : i32
      %gt3A_62 = arith.cmpi sgt, %scan3A_42, %gt3A_61 : i32
      %convert_element_type3A_63 = arith.extui %gt3A_62 : i1 to i32
      %cond3A_64 = arith.constant 0 : i32
      %cond3A_65 = arith.cmpi ne, %convert_element_type3A_63, %cond3A_64 : i32
      scf.if %cond3A_65 {
        %dma_wait3A_109 = arith.constant 0 : i32
        %dma_wait3A_110 = arith.constant 0 : i32
        %dma_wait3A_111 = tpu.memref_slice %arg7[%dma_wait3A_109, %add3A_60, %dma_wait3A_110] : memref<1x250x40xi32, #tpu.memory_space<vmem>> -> memref<1x1x40xi32, #tpu.memory_space<vmem>>
        %dma_wait3A_112 = tpu.memref_squeeze %dma_wait3A_111 : memref<1x1x40xi32, #tpu.memory_space<vmem>> -> memref<40xi32, #tpu.memory_space<vmem>>
        %dma_wait3A_113 = arith.constant 0 : i32
        %dma_wait3A_114 = arith.constant 0 : i32
        %dma_wait3A_115 = tpu.memref_slice %arg14[%dma_wait3A_113, %dma_wait3A_114] : memref<10000x128xf32, #tpu.memory_space<vmem_shared>> -> memref<10000x128xf32, #tpu.memory_space<vmem_shared>>
        tpu.wait_indirect_dma semaphore(%arg13 : memref<!tpu.dma_semaphore, #tpu.memory_space<semaphore_mem>>) src(%arg9 : memref<40x128xf32, #tpu.memory_space<vmem>>) dst(%dma_wait3A_115 : memref<10000x128xf32, #tpu.memory_space<vmem_shared>>)
      } else {
      }
      %mul3A_66 = arith.constant 40 : i32
      %mul3A_67 = arith.muli %add3A_60, %mul3A_66 : i32
      %add3A_68 = arith.addi %mul3A_2, %mul3A_67 : i32
      %dma_start3A_69 = arith.constant 0 : i32
      %dma_start3A_70 = tpu.memref_slice %arg2[%add3A_68, %dma_start3A_69] : memref<320000x128xf32, #tpu.memory_space<hbm>> -> memref<40x128xf32, #tpu.memory_space<hbm>>
      %dma_start3A_71 = arith.constant 0 : i32
      %dma_start3A_72 = tpu.memref_slice %arg2[%add3A_68, %dma_start3A_71] : memref<320000x128xf32, #tpu.memory_space<hbm>> -> memref<40x128xf32, #tpu.memory_space<hbm>>
      tpu.enqueue_dma source(%dma_start3A_72 : memref<40x128xf32, #tpu.memory_space<hbm>>) target(%arg9 : memref<40x128xf32, #tpu.memory_space<vmem>>) target_semaphore(%arg11 : memref<!tpu.dma_semaphore, #tpu.memory_space<semaphore_mem>>)
      %mul3A_73 = arith.constant 2 : i32
      %mul3A_74 = arith.muli %scan3A_42, %mul3A_73 : i32
      %add3A_75 = arith.constant 0 : i32
      %add3A_76 = arith.addi %mul3A_74, %add3A_75 : i32
      %mul3A_77 = arith.constant 40 : i32
      %mul3A_78 = arith.muli %add3A_76, %mul3A_77 : i32
      %add3A_79 = arith.addi %mul3A_2, %mul3A_78 : i32
      %dma_wait3A_80 = arith.constant 0 : i32
      %dma_wait3A_81 = tpu.memref_slice %arg2[%add3A_79, %dma_wait3A_80] : memref<320000x128xf32, #tpu.memory_space<hbm>> -> memref<40x128xf32, #tpu.memory_space<hbm>>
      %dma_wait3A_82 = arith.constant 0 : i32
      %dma_wait3A_83 = tpu.memref_slice %arg2[%add3A_79, %dma_wait3A_82] : memref<320000x128xf32, #tpu.memory_space<hbm>> -> memref<40x128xf32, #tpu.memory_space<hbm>>
      tpu.wait_dma2 semaphore(%arg10 : memref<!tpu.dma_semaphore, #tpu.memory_space<semaphore_mem>>) src(%dma_wait3A_83 : memref<40x128xf32, #tpu.memory_space<hbm>>) dst(%arg8 : memref<40x128xf32, #tpu.memory_space<vmem>>)
      %dma_start3A_84 = arith.constant 0 : i32
      %dma_start3A_85 = arith.constant 0 : i32
      %dma_start3A_86 = tpu.memref_slice %arg7[%dma_start3A_84, %add3A_76, %dma_start3A_85] : memref<1x250x40xi32, #tpu.memory_space<vmem>> -> memref<1x1x40xi32, #tpu.memory_space<vmem>>
      %dma_start3A_87 = tpu.memref_squeeze %dma_start3A_86 : memref<1x1x40xi32, #tpu.memory_space<vmem>> -> memref<40xi32, #tpu.memory_space<vmem>>
      %dma_start3A_88 = arith.constant 0 : i32
      %dma_start3A_89 = arith.constant 0 : i32
      %dma_start3A_90 = tpu.memref_slice %arg14[%dma_start3A_88, %dma_start3A_89] : memref<10000x128xf32, #tpu.memory_space<vmem_shared>> -> memref<10000x128xf32, #tpu.memory_space<vmem_shared>>
      tpu.enqueue_indirect_dma source(%arg8 : memref<40x128xf32, #tpu.memory_space<vmem>>) target(%dma_start3A_90 : memref<10000x128xf32, #tpu.memory_space<vmem_shared>>) offsets(%dma_start3A_87 : memref<40xi32, #tpu.memory_space<vmem>>) semaphore(%arg12 : memref<!tpu.dma_semaphore, #tpu.memory_space<semaphore_mem>>) {add = true}
      %mul3A_91 = arith.constant 2 : i32
      %mul3A_92 = arith.muli %scan3A_42, %mul3A_91 : i32
      %add3A_93 = arith.constant 1 : i32
      %add3A_94 = arith.addi %mul3A_92, %add3A_93 : i32
      %mul3A_95 = arith.constant 40 : i32
      %mul3A_96 = arith.muli %add3A_94, %mul3A_95 : i32
      %add3A_97 = arith.addi %mul3A_2, %mul3A_96 : i32
      %dma_wait3A_98 = arith.constant 0 : i32
      %dma_wait3A_99 = tpu.memref_slice %arg2[%add3A_97, %dma_wait3A_98] : memref<320000x128xf32, #tpu.memory_space<hbm>> -> memref<40x128xf32, #tpu.memory_space<hbm>>
      %dma_wait3A_100 = arith.constant 0 : i32
      %dma_wait3A_101 = tpu.memref_slice %arg2[%add3A_97, %dma_wait3A_100] : memref<320000x128xf32, #tpu.memory_space<hbm>> -> memref<40x128xf32, #tpu.memory_space<hbm>>
      tpu.wait_dma2 semaphore(%arg11 : memref<!tpu.dma_semaphore, #tpu.memory_space<semaphore_mem>>) src(%dma_wait3A_101 : memref<40x128xf32, #tpu.memory_space<hbm>>) dst(%arg9 : memref<40x128xf32, #tpu.memory_space<vmem>>)
      %dma_start3A_102 = arith.constant 0 : i32
      %dma_start3A_103 = arith.constant 0 : i32
      %dma_start3A_104 = tpu.memref_slice %arg7[%dma_start3A_102, %add3A_94, %dma_start3A_103] : memref<1x250x40xi32, #tpu.memory_space<vmem>> -> memref<1x1x40xi32, #tpu.memory_space<vmem>>
      %dma_start3A_105 = tpu.memref_squeeze %dma_start3A_104 : memref<1x1x40xi32, #tpu.memory_space<vmem>> -> memref<40xi32, #tpu.memory_space<vmem>>
      %dma_start3A_106 = arith.constant 0 : i32
      %dma_start3A_107 = arith.constant 0 : i32
      %dma_start3A_108 = tpu.memref_slice %arg14[%dma_start3A_106, %dma_start3A_107] : memref<10000x128xf32, #tpu.memory_space<vmem_shared>> -> memref<10000x128xf32, #tpu.memory_space<vmem_shared>>
      tpu.enqueue_indirect_dma source(%arg9 : memref<40x128xf32, #tpu.memory_space<vmem>>) target(%dma_start3A_108 : memref<10000x128xf32, #tpu.memory_space<vmem_shared>>) offsets(%dma_start3A_105 : memref<40xi32, #tpu.memory_space<vmem>>) semaphore(%arg13 : memref<!tpu.dma_semaphore, #tpu.memory_space<semaphore_mem>>) {add = true}
    }
    %scan3A_15 = arith.constant 125 : i32
    %dma_wait3A = arith.constant 0 : i32
    %dma_wait3A_16 = arith.constant 0 : i32
    %dma_wait3A_17 = arith.constant 0 : i32
    %dma_wait3A_18 = tpu.memref_slice %arg7[%dma_wait3A, %dma_wait3A_16, %dma_wait3A_17] : memref<1x250x40xi32, #tpu.memory_space<vmem>> -> memref<1x1x40xi32, #tpu.memory_space<vmem>>
    %dma_wait3A_19 = tpu.memref_squeeze %dma_wait3A_18 : memref<1x1x40xi32, #tpu.memory_space<vmem>> -> memref<40xi32, #tpu.memory_space<vmem>>
    %dma_wait3A_20 = arith.constant 0 : i32
    %dma_wait3A_21 = arith.constant 0 : i32
    %dma_wait3A_22 = tpu.memref_slice %arg14[%dma_wait3A_20, %dma_wait3A_21] : memref<10000x128xf32, #tpu.memory_space<vmem_shared>> -> memref<10000x128xf32, #tpu.memory_space<vmem_shared>>
    tpu.wait_indirect_dma semaphore(%arg12 : memref<!tpu.dma_semaphore, #tpu.memory_space<semaphore_mem>>) src(%arg8 : memref<40x128xf32, #tpu.memory_space<vmem>>) dst(%dma_wait3A_22 : memref<10000x128xf32, #tpu.memory_space<vmem_shared>>)
    %dma_wait3A_23 = arith.constant 0 : i32
    %dma_wait3A_24 = arith.constant 0 : i32
    %dma_wait3A_25 = arith.constant 0 : i32
    %dma_wait3A_26 = tpu.memref_slice %arg7[%dma_wait3A_23, %dma_wait3A_24, %dma_wait3A_25] : memref<1x250x40xi32, #tpu.memory_space<vmem>> -> memref<1x1x40xi32, #tpu.memory_space<vmem>>
    %dma_wait3A_27 = tpu.memref_squeeze %dma_wait3A_26 : memref<1x1x40xi32, #tpu.memory_space<vmem>> -> memref<40xi32, #tpu.memory_space<vmem>>
    %dma_wait3A_28 = arith.constant 0 : i32
    %dma_wait3A_29 = arith.constant 0 : i32
    %dma_wait3A_30 = tpu.memref_slice %arg14[%dma_wait3A_28, %dma_wait3A_29] : memref<10000x128xf32, #tpu.memory_space<vmem_shared>> -> memref<10000x128xf32, #tpu.memory_space<vmem_shared>>
    tpu.wait_indirect_dma semaphore(%arg13 : memref<!tpu.dma_semaphore, #tpu.memory_space<semaphore_mem>>) src(%arg9 : memref<40x128xf32, #tpu.memory_space<vmem>>) dst(%dma_wait3A_30 : memref<10000x128xf32, #tpu.memory_space<vmem_shared>>)
    %barrier3A_31 = arith.constant 0 : index
    tpu.barrier barrier_id(%barrier3A_31)
    %eq3A_32 = arith.constant 0 : i32
    %eq3A_33 = arith.cmpi eq, %arg0, %eq3A_32 : i32
    %convert_element_type3A_34 = arith.extui %eq3A_33 : i1 to i32
    %cond3A_35 = arith.constant 0 : i32
    %cond3A_36 = arith.cmpi ne, %convert_element_type3A_34, %cond3A_35 : i32
    scf.if %cond3A_36 {
      %lt3A_42 = arith.constant 15 : i32
      %lt3A_43 = arith.cmpi slt, %arg1, %lt3A_42 : i32
      %convert_element_type3A_44 = arith.extui %lt3A_43 : i1 to i32
      %cond3A_45 = arith.constant 0 : i32
      %cond3A_46 = arith.cmpi ne, %convert_element_type3A_44, %cond3A_45 : i32
      scf.if %cond3A_46 {
        "tpu.region"() ({
          %run_scoped3A = tpu.sem_alloc : memref<!tpu.dma_semaphore, #tpu.memory_space<semaphore_mem>>
          %dma_start3A = arith.constant 0 : i32
          %dma_start3A_52 = tpu.memref_slice %arg5[%multiple_of3A, %dma_start3A] : memref<10000x128xf32, #tpu.memory_space<hbm>> -> memref<632x128xf32, #tpu.memory_space<hbm>>
          %dma_start3A_53 = arith.constant 0 : i32
          %dma_start3A_54 = tpu.memref_slice %arg14[%multiple_of3A, %dma_start3A_53] : memref<10000x128xf32, #tpu.memory_space<vmem_shared>> -> memref<632x128xf32, #tpu.memory_space<vmem_shared>>
          tpu.enqueue_dma source(%dma_start3A_54 : memref<632x128xf32, #tpu.memory_space<vmem_shared>>) target(%dma_start3A_52 : memref<632x128xf32, #tpu.memory_space<hbm>>) target_semaphore(%run_scoped3A : memref<!tpu.dma_semaphore, #tpu.memory_space<semaphore_mem>>)
          %dma_wait3A_55 = arith.constant 0 : i32
          %dma_wait3A_56 = tpu.memref_slice %arg5[%multiple_of3A, %dma_wait3A_55] : memref<10000x128xf32, #tpu.memory_space<hbm>> -> memref<632x128xf32, #tpu.memory_space<hbm>>
          %dma_wait3A_57 = arith.constant 0 : i32
          %dma_wait3A_58 = tpu.memref_slice %arg14[%multiple_of3A, %dma_wait3A_57] : memref<10000x128xf32, #tpu.memory_space<vmem_shared>> -> memref<632x128xf32, #tpu.memory_space<vmem_shared>>
          tpu.wait_dma2 semaphore(%run_scoped3A : memref<!tpu.dma_semaphore, #tpu.memory_space<semaphore_mem>>) src(%dma_wait3A_58 : memref<632x128xf32, #tpu.memory_space<vmem_shared>>) dst(%dma_wait3A_56 : memref<632x128xf32, #tpu.memory_space<hbm>>)
          tpu.yield
        }) : () -> ()
      } else {
      }
      %eq3A_47 = arith.constant 15 : i32
      %eq3A_48 = arith.cmpi eq, %arg1, %eq3A_47 : i32
      %convert_element_type3A_49 = arith.extui %eq3A_48 : i1 to i32
      %cond3A_50 = arith.constant 0 : i32
      %cond3A_51 = arith.cmpi ne, %convert_element_type3A_49, %cond3A_50 : i32
      scf.if %cond3A_51 {
        "tpu.region"() ({
          %run_scoped3A = tpu.sem_alloc : memref<!tpu.dma_semaphore, #tpu.memory_space<semaphore_mem>>
          %dma_start3A = arith.constant 0 : i32
          %dma_start3A_52 = tpu.memref_slice %arg5[%multiple_of3A, %dma_start3A] : memref<10000x128xf32, #tpu.memory_space<hbm>> -> memref<520x128xf32, #tpu.memory_space<hbm>>
          %dma_start3A_53 = arith.constant 0 : i32
          %dma_start3A_54 = tpu.memref_slice %arg14[%multiple_of3A, %dma_start3A_53] : memref<10000x128xf32, #tpu.memory_space<vmem_shared>> -> memref<520x128xf32, #tpu.memory_space<vmem_shared>>
          tpu.enqueue_dma source(%dma_start3A_54 : memref<520x128xf32, #tpu.memory_space<vmem_shared>>) target(%dma_start3A_52 : memref<520x128xf32, #tpu.memory_space<hbm>>) target_semaphore(%run_scoped3A : memref<!tpu.dma_semaphore, #tpu.memory_space<semaphore_mem>>)
          %dma_wait3A_55 = arith.constant 0 : i32
          %dma_wait3A_56 = tpu.memref_slice %arg5[%multiple_of3A, %dma_wait3A_55] : memref<10000x128xf32, #tpu.memory_space<hbm>> -> memref<520x128xf32, #tpu.memory_space<hbm>>
          %dma_wait3A_57 = arith.constant 0 : i32
          %dma_wait3A_58 = tpu.memref_slice %arg14[%multiple_of3A, %dma_wait3A_57] : memref<10000x128xf32, #tpu.memory_space<vmem_shared>> -> memref<520x128xf32, #tpu.memory_space<vmem_shared>>
          tpu.wait_dma2 semaphore(%run_scoped3A : memref<!tpu.dma_semaphore, #tpu.memory_space<semaphore_mem>>) src(%dma_wait3A_58 : memref<520x128xf32, #tpu.memory_space<vmem_shared>>) dst(%dma_wait3A_56 : memref<520x128xf32, #tpu.memory_space<hbm>>)
          tpu.yield
        }) : () -> ()
      } else {
      }
    } else {
    }
    %eq3A_37 = arith.constant 1 : i32
    %eq3A_38 = arith.cmpi eq, %arg0, %eq3A_37 : i32
    %convert_element_type3A_39 = arith.extui %eq3A_38 : i1 to i32
    %cond3A_40 = arith.constant 0 : i32
    %cond3A_41 = arith.cmpi ne, %convert_element_type3A_39, %cond3A_40 : i32
    scf.if %cond3A_41 {
      %lt3A_42 = arith.constant 15 : i32
      %lt3A_43 = arith.cmpi slt, %arg1, %lt3A_42 : i32
      %convert_element_type3A_44 = arith.extui %lt3A_43 : i1 to i32
      %cond3A_45 = arith.constant 0 : i32
      %cond3A_46 = arith.cmpi ne, %convert_element_type3A_44, %cond3A_45 : i32
      scf.if %cond3A_46 {
        "tpu.region"() ({
          %run_scoped3A = tpu.sem_alloc : memref<!tpu.dma_semaphore, #tpu.memory_space<semaphore_mem>>
          %dma_start3A = arith.constant 0 : i32
          %dma_start3A_52 = tpu.memref_slice %arg6[%multiple_of3A, %dma_start3A] : memref<10000x128xf32, #tpu.memory_space<hbm>> -> memref<632x128xf32, #tpu.memory_space<hbm>>
          %dma_start3A_53 = arith.constant 0 : i32
          %dma_start3A_54 = tpu.memref_slice %arg14[%multiple_of3A, %dma_start3A_53] : memref<10000x128xf32, #tpu.memory_space<vmem_shared>> -> memref<632x128xf32, #tpu.memory_space<vmem_shared>>
          tpu.enqueue_dma source(%dma_start3A_54 : memref<632x128xf32, #tpu.memory_space<vmem_shared>>) target(%dma_start3A_52 : memref<632x128xf32, #tpu.memory_space<hbm>>) target_semaphore(%run_scoped3A : memref<!tpu.dma_semaphore, #tpu.memory_space<semaphore_mem>>)
          %dma_wait3A_55 = arith.constant 0 : i32
          %dma_wait3A_56 = tpu.memref_slice %arg6[%multiple_of3A, %dma_wait3A_55] : memref<10000x128xf32, #tpu.memory_space<hbm>> -> memref<632x128xf32, #tpu.memory_space<hbm>>
          %dma_wait3A_57 = arith.constant 0 : i32
          %dma_wait3A_58 = tpu.memref_slice %arg14[%multiple_of3A, %dma_wait3A_57] : memref<10000x128xf32, #tpu.memory_space<vmem_shared>> -> memref<632x128xf32, #tpu.memory_space<vmem_shared>>
          tpu.wait_dma2 semaphore(%run_scoped3A : memref<!tpu.dma_semaphore, #tpu.memory_space<semaphore_mem>>) src(%dma_wait3A_58 : memref<632x128xf32, #tpu.memory_space<vmem_shared>>) dst(%dma_wait3A_56 : memref<632x128xf32, #tpu.memory_space<hbm>>)
          tpu.yield
        }) : () -> ()
      } else {
      }
      %eq3A_47 = arith.constant 15 : i32
      %eq3A_48 = arith.cmpi eq, %arg1, %eq3A_47 : i32
      %convert_element_type3A_49 = arith.extui %eq3A_48 : i1 to i32
      %cond3A_50 = arith.constant 0 : i32
      %cond3A_51 = arith.cmpi ne, %convert_element_type3A_49, %cond3A_50 : i32
      scf.if %cond3A_51 {
        "tpu.region"() ({
          %run_scoped3A = tpu.sem_alloc : memref<!tpu.dma_semaphore, #tpu.memory_space<semaphore_mem>>
          %dma_start3A = arith.constant 0 : i32
          %dma_start3A_52 = tpu.memref_slice %arg6[%multiple_of3A, %dma_start3A] : memref<10000x128xf32, #tpu.memory_space<hbm>> -> memref<520x128xf32, #tpu.memory_space<hbm>>
          %dma_start3A_53 = arith.constant 0 : i32
          %dma_start3A_54 = tpu.memref_slice %arg14[%multiple_of3A, %dma_start3A_53] : memref<10000x128xf32, #tpu.memory_space<vmem_shared>> -> memref<520x128xf32, #tpu.memory_space<vmem_shared>>
          tpu.enqueue_dma source(%dma_start3A_54 : memref<520x128xf32, #tpu.memory_space<vmem_shared>>) target(%dma_start3A_52 : memref<520x128xf32, #tpu.memory_space<hbm>>) target_semaphore(%run_scoped3A : memref<!tpu.dma_semaphore, #tpu.memory_space<semaphore_mem>>)
          %dma_wait3A_55 = arith.constant 0 : i32
          %dma_wait3A_56 = tpu.memref_slice %arg6[%multiple_of3A, %dma_wait3A_55] : memref<10000x128xf32, #tpu.memory_space<hbm>> -> memref<520x128xf32, #tpu.memory_space<hbm>>
          %dma_wait3A_57 = arith.constant 0 : i32
          %dma_wait3A_58 = tpu.memref_slice %arg14[%multiple_of3A, %dma_wait3A_57] : memref<10000x128xf32, #tpu.memory_space<vmem_shared>> -> memref<520x128xf32, #tpu.memory_space<vmem_shared>>
          tpu.wait_dma2 semaphore(%run_scoped3A : memref<!tpu.dma_semaphore, #tpu.memory_space<semaphore_mem>>) src(%dma_wait3A_58 : memref<520x128xf32, #tpu.memory_space<vmem_shared>>) dst(%dma_wait3A_56 : memref<520x128xf32, #tpu.memory_space<hbm>>)
          tpu.yield
        }) : () -> ()
      } else {
      }
    } else {
    }
    return
  }
}

#map = affine_map<(d0, d1) -> (0, 0)>
#map1 = affine_map<(d0, d1) -> (0, 0, 0)>
module attributes {stable_mosaic.version = 14 : i64} {
  func.func @_gather_body(%arg0: i32, %arg1: i32, %arg2: memref<10000x128xi32, #tpu.memory_space<hbm>>, %arg3: memref<32x125x80xi32, #tpu.memory_space<hbm>>, %arg4: memref<320000x128xi32, #tpu.memory_space<hbm>>, %arg5: memref<1x125x80xi32, #tpu.memory_space<vmem>>, %arg6: memref<80x128xi32, #tpu.memory_space<vmem>>, %arg7: memref<80x128xi32, #tpu.memory_space<vmem>>, %arg8: memref<80x128xi32, #tpu.memory_space<vmem>>, %arg9: memref<80x128xi32, #tpu.memory_space<vmem>>, %arg10: memref<80x128xi32, #tpu.memory_space<vmem>>, %arg11: memref<!tpu.dma_semaphore, #tpu.memory_space<semaphore_mem>>, %arg12: memref<!tpu.dma_semaphore, #tpu.memory_space<semaphore_mem>>, %arg13: memref<!tpu.dma_semaphore, #tpu.memory_space<semaphore_mem>>, %arg14: memref<!tpu.dma_semaphore, #tpu.memory_space<semaphore_mem>>, %arg15: memref<!tpu.dma_semaphore, #tpu.memory_space<semaphore_mem>>, %arg16: memref<!tpu.dma_semaphore, #tpu.memory_space<semaphore_mem>>, %arg17: memref<!tpu.dma_semaphore, #tpu.memory_space<semaphore_mem>>, %arg18: memref<!tpu.dma_semaphore, #tpu.memory_space<semaphore_mem>>, %arg19: memref<!tpu.dma_semaphore, #tpu.memory_space<semaphore_mem>>, %arg20: memref<!tpu.dma_semaphore, #tpu.memory_space<semaphore_mem>>) attributes {dimension_semantics = [#tpu.dimension_semantics<core_parallel>, #tpu.dimension_semantics<subcore_parallel>], iteration_bounds = array<i64: 2, 16>, scalar_prefetch = 0 : i64, scratch_operands = 16 : i64, tpu.core_type = #tpu.core_type<sc_vector_subcore>, window_params = [{transform_indices = #map}, {transform_indices = #map1}, {transform_indices = #map}]} {
    %mul3A = arith.constant 16 : i32
    %mul3A_0 = arith.muli %arg0, %mul3A : i32
    %add3A = arith.addi %mul3A_0, %arg1 : i32
    %mul3A_1 = arith.constant 10000 : i32
    %mul3A_2 = arith.muli %add3A, %mul3A_1 : i32
    "tpu.region"() ({
      %run_scoped3A = tpu.sem_alloc : memref<!tpu.dma_semaphore, #tpu.memory_space<semaphore_mem>>
      %dma_start3A = arith.constant 0 : i32
      %dma_start3A_37 = arith.constant 0 : i32
      %dma_start3A_38 = tpu.memref_slice %arg3[%add3A, %dma_start3A, %dma_start3A_37] : memref<32x125x80xi32, #tpu.memory_space<hbm>> -> memref<1x125x80xi32, #tpu.memory_space<hbm>>
      %dma_start3A_39 = arith.constant 0 : i32
      %dma_start3A_40 = arith.constant 0 : i32
      %dma_start3A_41 = tpu.memref_slice %arg3[%add3A, %dma_start3A_39, %dma_start3A_40] : memref<32x125x80xi32, #tpu.memory_space<hbm>> -> memref<1x125x80xi32, #tpu.memory_space<hbm>>
      tpu.enqueue_dma source(%dma_start3A_41 : memref<1x125x80xi32, #tpu.memory_space<hbm>>) target(%arg5 : memref<1x125x80xi32, #tpu.memory_space<vmem>>) target_semaphore(%run_scoped3A : memref<!tpu.dma_semaphore, #tpu.memory_space<semaphore_mem>>)
      %dma_wait3A_42 = arith.constant 0 : i32
      %dma_wait3A_43 = arith.constant 0 : i32
      %dma_wait3A_44 = tpu.memref_slice %arg3[%add3A, %dma_wait3A_42, %dma_wait3A_43] : memref<32x125x80xi32, #tpu.memory_space<hbm>> -> memref<1x125x80xi32, #tpu.memory_space<hbm>>
      %dma_wait3A_45 = arith.constant 0 : i32
      %dma_wait3A_46 = arith.constant 0 : i32
      %dma_wait3A_47 = tpu.memref_slice %arg3[%add3A, %dma_wait3A_45, %dma_wait3A_46] : memref<32x125x80xi32, #tpu.memory_space<hbm>> -> memref<1x125x80xi32, #tpu.memory_space<hbm>>
      tpu.wait_dma2 semaphore(%run_scoped3A : memref<!tpu.dma_semaphore, #tpu.memory_space<semaphore_mem>>) src(%dma_wait3A_47 : memref<1x125x80xi32, #tpu.memory_space<hbm>>) dst(%arg5 : memref<1x125x80xi32, #tpu.memory_space<vmem>>)
      tpu.yield
    }) : () -> ()
    %scan3A = arith.constant 0 : i32
    %scan3A_3 = arith.constant 0 : i32
    %scan3A_4 = arith.constant 25 : i32
    %scan3A_5 = arith.addi %scan3A_3, %scan3A_4 : i32
    %scan3A_6 = arith.constant 1 : i32
    scf.for %scan3A_37 = %scan3A_3 to %scan3A_5 step %scan3A_6  : i32 {
      %mul3A_38 = arith.constant 5 : i32
      %mul3A_39 = arith.muli %scan3A_37, %mul3A_38 : i32
      %add3A_40 = arith.constant 0 : i32
      %add3A_41 = arith.addi %mul3A_39, %add3A_40 : i32
      %gt3A = arith.constant 0 : i32
      %gt3A_42 = arith.cmpi sgt, %scan3A_37, %gt3A : i32
      %convert_element_type3A = arith.extui %gt3A_42 : i1 to i32
      %cond3A = arith.constant 0 : i32
      %cond3A_43 = arith.cmpi ne, %convert_element_type3A, %cond3A : i32
      scf.if %cond3A_43 {
        %sub3A = arith.constant 5 : i32
        %sub3A_204 = arith.subi %add3A_41, %sub3A : i32
        %mul3A_205 = arith.constant 80 : i32
        %mul3A_206 = arith.muli %sub3A_204, %mul3A_205 : i32
        %add3A_207 = arith.addi %mul3A_2, %mul3A_206 : i32
        %dma_wait3A_208 = arith.constant 0 : i32
        %dma_wait3A_209 = tpu.memref_slice %arg4[%add3A_207, %dma_wait3A_208] : memref<320000x128xi32, #tpu.memory_space<hbm>> -> memref<80x128xi32, #tpu.memory_space<hbm>>
        %dma_wait3A_210 = arith.constant 0 : i32
        %dma_wait3A_211 = tpu.memref_slice %arg4[%add3A_207, %dma_wait3A_210] : memref<320000x128xi32, #tpu.memory_space<hbm>> -> memref<80x128xi32, #tpu.memory_space<hbm>>
        tpu.wait_dma2 semaphore(%arg16 : memref<!tpu.dma_semaphore, #tpu.memory_space<semaphore_mem>>) src(%arg6 : memref<80x128xi32, #tpu.memory_space<vmem>>) dst(%dma_wait3A_211 : memref<80x128xi32, #tpu.memory_space<hbm>>)
      } else {
      }
      %dma_start3A = arith.constant 0 : i32
      %dma_start3A_44 = arith.constant 0 : i32
      %dma_start3A_45 = tpu.memref_slice %arg5[%dma_start3A, %add3A_41, %dma_start3A_44] : memref<1x125x80xi32, #tpu.memory_space<vmem>> -> memref<1x1x80xi32, #tpu.memory_space<vmem>>
      %dma_start3A_46 = tpu.memref_squeeze %dma_start3A_45 : memref<1x1x80xi32, #tpu.memory_space<vmem>> -> memref<80xi32, #tpu.memory_space<vmem>>
      %dma_start3A_47 = arith.constant 0 : i32
      %dma_start3A_48 = arith.constant 0 : i32
      %dma_start3A_49 = tpu.memref_slice %arg2[%dma_start3A_47, %dma_start3A_48] : memref<10000x128xi32, #tpu.memory_space<hbm>> -> memref<10000x128xi32, #tpu.memory_space<hbm>>
      tpu.enqueue_indirect_dma source(%dma_start3A_49 : memref<10000x128xi32, #tpu.memory_space<hbm>>) target(%arg6 : memref<80x128xi32, #tpu.memory_space<vmem>>) offsets(%dma_start3A_46 : memref<80xi32, #tpu.memory_space<vmem>>) semaphore(%arg11 : memref<!tpu.dma_semaphore, #tpu.memory_space<semaphore_mem>>)
      %mul3A_50 = arith.constant 5 : i32
      %mul3A_51 = arith.muli %scan3A_37, %mul3A_50 : i32
      %add3A_52 = arith.constant 1 : i32
      %add3A_53 = arith.addi %mul3A_51, %add3A_52 : i32
      %gt3A_54 = arith.constant 0 : i32
      %gt3A_55 = arith.cmpi sgt, %scan3A_37, %gt3A_54 : i32
      %convert_element_type3A_56 = arith.extui %gt3A_55 : i1 to i32
      %cond3A_57 = arith.constant 0 : i32
      %cond3A_58 = arith.cmpi ne, %convert_element_type3A_56, %cond3A_57 : i32
      scf.if %cond3A_58 {
        %sub3A = arith.constant 5 : i32
        %sub3A_204 = arith.subi %add3A_53, %sub3A : i32
        %mul3A_205 = arith.constant 80 : i32
        %mul3A_206 = arith.muli %sub3A_204, %mul3A_205 : i32
        %add3A_207 = arith.addi %mul3A_2, %mul3A_206 : i32
        %dma_wait3A_208 = arith.constant 0 : i32
        %dma_wait3A_209 = tpu.memref_slice %arg4[%add3A_207, %dma_wait3A_208] : memref<320000x128xi32, #tpu.memory_space<hbm>> -> memref<80x128xi32, #tpu.memory_space<hbm>>
        %dma_wait3A_210 = arith.constant 0 : i32
        %dma_wait3A_211 = tpu.memref_slice %arg4[%add3A_207, %dma_wait3A_210] : memref<320000x128xi32, #tpu.memory_space<hbm>> -> memref<80x128xi32, #tpu.memory_space<hbm>>
        tpu.wait_dma2 semaphore(%arg17 : memref<!tpu.dma_semaphore, #tpu.memory_space<semaphore_mem>>) src(%arg7 : memref<80x128xi32, #tpu.memory_space<vmem>>) dst(%dma_wait3A_211 : memref<80x128xi32, #tpu.memory_space<hbm>>)
      } else {
      }
      %dma_start3A_59 = arith.constant 0 : i32
      %dma_start3A_60 = arith.constant 0 : i32
      %dma_start3A_61 = tpu.memref_slice %arg5[%dma_start3A_59, %add3A_53, %dma_start3A_60] : memref<1x125x80xi32, #tpu.memory_space<vmem>> -> memref<1x1x80xi32, #tpu.memory_space<vmem>>
      %dma_start3A_62 = tpu.memref_squeeze %dma_start3A_61 : memref<1x1x80xi32, #tpu.memory_space<vmem>> -> memref<80xi32, #tpu.memory_space<vmem>>
      %dma_start3A_63 = arith.constant 0 : i32
      %dma_start3A_64 = arith.constant 0 : i32
      %dma_start3A_65 = tpu.memref_slice %arg2[%dma_start3A_63, %dma_start3A_64] : memref<10000x128xi32, #tpu.memory_space<hbm>> -> memref<10000x128xi32, #tpu.memory_space<hbm>>
      tpu.enqueue_indirect_dma source(%dma_start3A_65 : memref<10000x128xi32, #tpu.memory_space<hbm>>) target(%arg7 : memref<80x128xi32, #tpu.memory_space<vmem>>) offsets(%dma_start3A_62 : memref<80xi32, #tpu.memory_space<vmem>>) semaphore(%arg12 : memref<!tpu.dma_semaphore, #tpu.memory_space<semaphore_mem>>)
      %mul3A_66 = arith.constant 5 : i32
      %mul3A_67 = arith.muli %scan3A_37, %mul3A_66 : i32
      %add3A_68 = arith.constant 2 : i32
      %add3A_69 = arith.addi %mul3A_67, %add3A_68 : i32
      %gt3A_70 = arith.constant 0 : i32
      %gt3A_71 = arith.cmpi sgt, %scan3A_37, %gt3A_70 : i32
      %convert_element_type3A_72 = arith.extui %gt3A_71 : i1 to i32
      %cond3A_73 = arith.constant 0 : i32
      %cond3A_74 = arith.cmpi ne, %convert_element_type3A_72, %cond3A_73 : i32
      scf.if %cond3A_74 {
        %sub3A = arith.constant 5 : i32
        %sub3A_204 = arith.subi %add3A_69, %sub3A : i32
        %mul3A_205 = arith.constant 80 : i32
        %mul3A_206 = arith.muli %sub3A_204, %mul3A_205 : i32
        %add3A_207 = arith.addi %mul3A_2, %mul3A_206 : i32
        %dma_wait3A_208 = arith.constant 0 : i32
        %dma_wait3A_209 = tpu.memref_slice %arg4[%add3A_207, %dma_wait3A_208] : memref<320000x128xi32, #tpu.memory_space<hbm>> -> memref<80x128xi32, #tpu.memory_space<hbm>>
        %dma_wait3A_210 = arith.constant 0 : i32
        %dma_wait3A_211 = tpu.memref_slice %arg4[%add3A_207, %dma_wait3A_210] : memref<320000x128xi32, #tpu.memory_space<hbm>> -> memref<80x128xi32, #tpu.memory_space<hbm>>
        tpu.wait_dma2 semaphore(%arg18 : memref<!tpu.dma_semaphore, #tpu.memory_space<semaphore_mem>>) src(%arg8 : memref<80x128xi32, #tpu.memory_space<vmem>>) dst(%dma_wait3A_211 : memref<80x128xi32, #tpu.memory_space<hbm>>)
      } else {
      }
      %dma_start3A_75 = arith.constant 0 : i32
      %dma_start3A_76 = arith.constant 0 : i32
      %dma_start3A_77 = tpu.memref_slice %arg5[%dma_start3A_75, %add3A_69, %dma_start3A_76] : memref<1x125x80xi32, #tpu.memory_space<vmem>> -> memref<1x1x80xi32, #tpu.memory_space<vmem>>
      %dma_start3A_78 = tpu.memref_squeeze %dma_start3A_77 : memref<1x1x80xi32, #tpu.memory_space<vmem>> -> memref<80xi32, #tpu.memory_space<vmem>>
      %dma_start3A_79 = arith.constant 0 : i32
      %dma_start3A_80 = arith.constant 0 : i32
      %dma_start3A_81 = tpu.memref_slice %arg2[%dma_start3A_79, %dma_start3A_80] : memref<10000x128xi32, #tpu.memory_space<hbm>> -> memref<10000x128xi32, #tpu.memory_space<hbm>>
      tpu.enqueue_indirect_dma source(%dma_start3A_81 : memref<10000x128xi32, #tpu.memory_space<hbm>>) target(%arg8 : memref<80x128xi32, #tpu.memory_space<vmem>>) offsets(%dma_start3A_78 : memref<80xi32, #tpu.memory_space<vmem>>) semaphore(%arg13 : memref<!tpu.dma_semaphore, #tpu.memory_space<semaphore_mem>>)
      %mul3A_82 = arith.constant 5 : i32
      %mul3A_83 = arith.muli %scan3A_37, %mul3A_82 : i32
      %add3A_84 = arith.constant 3 : i32
      %add3A_85 = arith.addi %mul3A_83, %add3A_84 : i32
      %gt3A_86 = arith.constant 0 : i32
      %gt3A_87 = arith.cmpi sgt, %scan3A_37, %gt3A_86 : i32
      %convert_element_type3A_88 = arith.extui %gt3A_87 : i1 to i32
      %cond3A_89 = arith.constant 0 : i32
      %cond3A_90 = arith.cmpi ne, %convert_element_type3A_88, %cond3A_89 : i32
      scf.if %cond3A_90 {
        %sub3A = arith.constant 5 : i32
        %sub3A_204 = arith.subi %add3A_85, %sub3A : i32
        %mul3A_205 = arith.constant 80 : i32
        %mul3A_206 = arith.muli %sub3A_204, %mul3A_205 : i32
        %add3A_207 = arith.addi %mul3A_2, %mul3A_206 : i32
        %dma_wait3A_208 = arith.constant 0 : i32
        %dma_wait3A_209 = tpu.memref_slice %arg4[%add3A_207, %dma_wait3A_208] : memref<320000x128xi32, #tpu.memory_space<hbm>> -> memref<80x128xi32, #tpu.memory_space<hbm>>
        %dma_wait3A_210 = arith.constant 0 : i32
        %dma_wait3A_211 = tpu.memref_slice %arg4[%add3A_207, %dma_wait3A_210] : memref<320000x128xi32, #tpu.memory_space<hbm>> -> memref<80x128xi32, #tpu.memory_space<hbm>>
        tpu.wait_dma2 semaphore(%arg19 : memref<!tpu.dma_semaphore, #tpu.memory_space<semaphore_mem>>) src(%arg9 : memref<80x128xi32, #tpu.memory_space<vmem>>) dst(%dma_wait3A_211 : memref<80x128xi32, #tpu.memory_space<hbm>>)
      } else {
      }
      %dma_start3A_91 = arith.constant 0 : i32
      %dma_start3A_92 = arith.constant 0 : i32
      %dma_start3A_93 = tpu.memref_slice %arg5[%dma_start3A_91, %add3A_85, %dma_start3A_92] : memref<1x125x80xi32, #tpu.memory_space<vmem>> -> memref<1x1x80xi32, #tpu.memory_space<vmem>>
      %dma_start3A_94 = tpu.memref_squeeze %dma_start3A_93 : memref<1x1x80xi32, #tpu.memory_space<vmem>> -> memref<80xi32, #tpu.memory_space<vmem>>
      %dma_start3A_95 = arith.constant 0 : i32
      %dma_start3A_96 = arith.constant 0 : i32
      %dma_start3A_97 = tpu.memref_slice %arg2[%dma_start3A_95, %dma_start3A_96] : memref<10000x128xi32, #tpu.memory_space<hbm>> -> memref<10000x128xi32, #tpu.memory_space<hbm>>
      tpu.enqueue_indirect_dma source(%dma_start3A_97 : memref<10000x128xi32, #tpu.memory_space<hbm>>) target(%arg9 : memref<80x128xi32, #tpu.memory_space<vmem>>) offsets(%dma_start3A_94 : memref<80xi32, #tpu.memory_space<vmem>>) semaphore(%arg14 : memref<!tpu.dma_semaphore, #tpu.memory_space<semaphore_mem>>)
      %mul3A_98 = arith.constant 5 : i32
      %mul3A_99 = arith.muli %scan3A_37, %mul3A_98 : i32
      %add3A_100 = arith.constant 4 : i32
      %add3A_101 = arith.addi %mul3A_99, %add3A_100 : i32
      %gt3A_102 = arith.constant 0 : i32
      %gt3A_103 = arith.cmpi sgt, %scan3A_37, %gt3A_102 : i32
      %convert_element_type3A_104 = arith.extui %gt3A_103 : i1 to i32
      %cond3A_105 = arith.constant 0 : i32
      %cond3A_106 = arith.cmpi ne, %convert_element_type3A_104, %cond3A_105 : i32
      scf.if %cond3A_106 {
        %sub3A = arith.constant 5 : i32
        %sub3A_204 = arith.subi %add3A_101, %sub3A : i32
        %mul3A_205 = arith.constant 80 : i32
        %mul3A_206 = arith.muli %sub3A_204, %mul3A_205 : i32
        %add3A_207 = arith.addi %mul3A_2, %mul3A_206 : i32
        %dma_wait3A_208 = arith.constant 0 : i32
        %dma_wait3A_209 = tpu.memref_slice %arg4[%add3A_207, %dma_wait3A_208] : memref<320000x128xi32, #tpu.memory_space<hbm>> -> memref<80x128xi32, #tpu.memory_space<hbm>>
        %dma_wait3A_210 = arith.constant 0 : i32
        %dma_wait3A_211 = tpu.memref_slice %arg4[%add3A_207, %dma_wait3A_210] : memref<320000x128xi32, #tpu.memory_space<hbm>> -> memref<80x128xi32, #tpu.memory_space<hbm>>
        tpu.wait_dma2 semaphore(%arg20 : memref<!tpu.dma_semaphore, #tpu.memory_space<semaphore_mem>>) src(%arg10 : memref<80x128xi32, #tpu.memory_space<vmem>>) dst(%dma_wait3A_211 : memref<80x128xi32, #tpu.memory_space<hbm>>)
      } else {
      }
      %dma_start3A_107 = arith.constant 0 : i32
      %dma_start3A_108 = arith.constant 0 : i32
      %dma_start3A_109 = tpu.memref_slice %arg5[%dma_start3A_107, %add3A_101, %dma_start3A_108] : memref<1x125x80xi32, #tpu.memory_space<vmem>> -> memref<1x1x80xi32, #tpu.memory_space<vmem>>
      %dma_start3A_110 = tpu.memref_squeeze %dma_start3A_109 : memref<1x1x80xi32, #tpu.memory_space<vmem>> -> memref<80xi32, #tpu.memory_space<vmem>>
      %dma_start3A_111 = arith.constant 0 : i32
      %dma_start3A_112 = arith.constant 0 : i32
      %dma_start3A_113 = tpu.memref_slice %arg2[%dma_start3A_111, %dma_start3A_112] : memref<10000x128xi32, #tpu.memory_space<hbm>> -> memref<10000x128xi32, #tpu.memory_space<hbm>>
      tpu.enqueue_indirect_dma source(%dma_start3A_113 : memref<10000x128xi32, #tpu.memory_space<hbm>>) target(%arg10 : memref<80x128xi32, #tpu.memory_space<vmem>>) offsets(%dma_start3A_110 : memref<80xi32, #tpu.memory_space<vmem>>) semaphore(%arg15 : memref<!tpu.dma_semaphore, #tpu.memory_space<semaphore_mem>>)
      %mul3A_114 = arith.constant 5 : i32
      %mul3A_115 = arith.muli %scan3A_37, %mul3A_114 : i32
      %add3A_116 = arith.constant 0 : i32
      %add3A_117 = arith.addi %mul3A_115, %add3A_116 : i32
      %mul3A_118 = arith.constant 80 : i32
      %mul3A_119 = arith.muli %add3A_117, %mul3A_118 : i32
      %add3A_120 = arith.addi %mul3A_2, %mul3A_119 : i32
      %dma_wait3A_121 = arith.constant 0 : i32
      %dma_wait3A_122 = arith.constant 0 : i32
      %dma_wait3A_123 = tpu.memref_slice %arg5[%dma_wait3A_121, %add3A_117, %dma_wait3A_122] : memref<1x125x80xi32, #tpu.memory_space<vmem>> -> memref<1x1x80xi32, #tpu.memory_space<vmem>>
      %dma_wait3A_124 = tpu.memref_squeeze %dma_wait3A_123 : memref<1x1x80xi32, #tpu.memory_space<vmem>> -> memref<80xi32, #tpu.memory_space<vmem>>
      %dma_wait3A_125 = arith.constant 0 : i32
      %dma_wait3A_126 = arith.constant 0 : i32
      %dma_wait3A_127 = tpu.memref_slice %arg2[%dma_wait3A_125, %dma_wait3A_126] : memref<10000x128xi32, #tpu.memory_space<hbm>> -> memref<10000x128xi32, #tpu.memory_space<hbm>>
      tpu.wait_indirect_dma semaphore(%arg11 : memref<!tpu.dma_semaphore, #tpu.memory_space<semaphore_mem>>) src(%dma_wait3A_127 : memref<10000x128xi32, #tpu.memory_space<hbm>>) dst(%arg6 : memref<80x128xi32, #tpu.memory_space<vmem>>)
      %dma_start3A_128 = arith.constant 0 : i32
      %dma_start3A_129 = tpu.memref_slice %arg4[%add3A_120, %dma_start3A_128] : memref<320000x128xi32, #tpu.memory_space<hbm>> -> memref<80x128xi32, #tpu.memory_space<hbm>>
      %dma_start3A_130 = arith.constant 0 : i32
      %dma_start3A_131 = tpu.memref_slice %arg4[%add3A_120, %dma_start3A_130] : memref<320000x128xi32, #tpu.memory_space<hbm>> -> memref<80x128xi32, #tpu.memory_space<hbm>>
      tpu.enqueue_dma source(%arg6 : memref<80x128xi32, #tpu.memory_space<vmem>>) target(%dma_start3A_131 : memref<80x128xi32, #tpu.memory_space<hbm>>) target_semaphore(%arg16 : memref<!tpu.dma_semaphore, #tpu.memory_space<semaphore_mem>>)
      %mul3A_132 = arith.constant 5 : i32
      %mul3A_133 = arith.muli %scan3A_37, %mul3A_132 : i32
      %add3A_134 = arith.constant 1 : i32
      %add3A_135 = arith.addi %mul3A_133, %add3A_134 : i32
      %mul3A_136 = arith.constant 80 : i32
      %mul3A_137 = arith.muli %add3A_135, %mul3A_136 : i32
      %add3A_138 = arith.addi %mul3A_2, %mul3A_137 : i32
      %dma_wait3A_139 = arith.constant 0 : i32
      %dma_wait3A_140 = arith.constant 0 : i32
      %dma_wait3A_141 = tpu.memref_slice %arg5[%dma_wait3A_139, %add3A_135, %dma_wait3A_140] : memref<1x125x80xi32, #tpu.memory_space<vmem>> -> memref<1x1x80xi32, #tpu.memory_space<vmem>>
      %dma_wait3A_142 = tpu.memref_squeeze %dma_wait3A_141 : memref<1x1x80xi32, #tpu.memory_space<vmem>> -> memref<80xi32, #tpu.memory_space<vmem>>
      %dma_wait3A_143 = arith.constant 0 : i32
      %dma_wait3A_144 = arith.constant 0 : i32
      %dma_wait3A_145 = tpu.memref_slice %arg2[%dma_wait3A_143, %dma_wait3A_144] : memref<10000x128xi32, #tpu.memory_space<hbm>> -> memref<10000x128xi32, #tpu.memory_space<hbm>>
      tpu.wait_indirect_dma semaphore(%arg12 : memref<!tpu.dma_semaphore, #tpu.memory_space<semaphore_mem>>) src(%dma_wait3A_145 : memref<10000x128xi32, #tpu.memory_space<hbm>>) dst(%arg7 : memref<80x128xi32, #tpu.memory_space<vmem>>)
      %dma_start3A_146 = arith.constant 0 : i32
      %dma_start3A_147 = tpu.memref_slice %arg4[%add3A_138, %dma_start3A_146] : memref<320000x128xi32, #tpu.memory_space<hbm>> -> memref<80x128xi32, #tpu.memory_space<hbm>>
      %dma_start3A_148 = arith.constant 0 : i32
      %dma_start3A_149 = tpu.memref_slice %arg4[%add3A_138, %dma_start3A_148] : memref<320000x128xi32, #tpu.memory_space<hbm>> -> memref<80x128xi32, #tpu.memory_space<hbm>>
      tpu.enqueue_dma source(%arg7 : memref<80x128xi32, #tpu.memory_space<vmem>>) target(%dma_start3A_149 : memref<80x128xi32, #tpu.memory_space<hbm>>) target_semaphore(%arg17 : memref<!tpu.dma_semaphore, #tpu.memory_space<semaphore_mem>>)
      %mul3A_150 = arith.constant 5 : i32
      %mul3A_151 = arith.muli %scan3A_37, %mul3A_150 : i32
      %add3A_152 = arith.constant 2 : i32
      %add3A_153 = arith.addi %mul3A_151, %add3A_152 : i32
      %mul3A_154 = arith.constant 80 : i32
      %mul3A_155 = arith.muli %add3A_153, %mul3A_154 : i32
      %add3A_156 = arith.addi %mul3A_2, %mul3A_155 : i32
      %dma_wait3A_157 = arith.constant 0 : i32
      %dma_wait3A_158 = arith.constant 0 : i32
      %dma_wait3A_159 = tpu.memref_slice %arg5[%dma_wait3A_157, %add3A_153, %dma_wait3A_158] : memref<1x125x80xi32, #tpu.memory_space<vmem>> -> memref<1x1x80xi32, #tpu.memory_space<vmem>>
      %dma_wait3A_160 = tpu.memref_squeeze %dma_wait3A_159 : memref<1x1x80xi32, #tpu.memory_space<vmem>> -> memref<80xi32, #tpu.memory_space<vmem>>
      %dma_wait3A_161 = arith.constant 0 : i32
      %dma_wait3A_162 = arith.constant 0 : i32
      %dma_wait3A_163 = tpu.memref_slice %arg2[%dma_wait3A_161, %dma_wait3A_162] : memref<10000x128xi32, #tpu.memory_space<hbm>> -> memref<10000x128xi32, #tpu.memory_space<hbm>>
      tpu.wait_indirect_dma semaphore(%arg13 : memref<!tpu.dma_semaphore, #tpu.memory_space<semaphore_mem>>) src(%dma_wait3A_163 : memref<10000x128xi32, #tpu.memory_space<hbm>>) dst(%arg8 : memref<80x128xi32, #tpu.memory_space<vmem>>)
      %dma_start3A_164 = arith.constant 0 : i32
      %dma_start3A_165 = tpu.memref_slice %arg4[%add3A_156, %dma_start3A_164] : memref<320000x128xi32, #tpu.memory_space<hbm>> -> memref<80x128xi32, #tpu.memory_space<hbm>>
      %dma_start3A_166 = arith.constant 0 : i32
      %dma_start3A_167 = tpu.memref_slice %arg4[%add3A_156, %dma_start3A_166] : memref<320000x128xi32, #tpu.memory_space<hbm>> -> memref<80x128xi32, #tpu.memory_space<hbm>>
      tpu.enqueue_dma source(%arg8 : memref<80x128xi32, #tpu.memory_space<vmem>>) target(%dma_start3A_167 : memref<80x128xi32, #tpu.memory_space<hbm>>) target_semaphore(%arg18 : memref<!tpu.dma_semaphore, #tpu.memory_space<semaphore_mem>>)
      %mul3A_168 = arith.constant 5 : i32
      %mul3A_169 = arith.muli %scan3A_37, %mul3A_168 : i32
      %add3A_170 = arith.constant 3 : i32
      %add3A_171 = arith.addi %mul3A_169, %add3A_170 : i32
      %mul3A_172 = arith.constant 80 : i32
      %mul3A_173 = arith.muli %add3A_171, %mul3A_172 : i32
      %add3A_174 = arith.addi %mul3A_2, %mul3A_173 : i32
      %dma_wait3A_175 = arith.constant 0 : i32
      %dma_wait3A_176 = arith.constant 0 : i32
      %dma_wait3A_177 = tpu.memref_slice %arg5[%dma_wait3A_175, %add3A_171, %dma_wait3A_176] : memref<1x125x80xi32, #tpu.memory_space<vmem>> -> memref<1x1x80xi32, #tpu.memory_space<vmem>>
      %dma_wait3A_178 = tpu.memref_squeeze %dma_wait3A_177 : memref<1x1x80xi32, #tpu.memory_space<vmem>> -> memref<80xi32, #tpu.memory_space<vmem>>
      %dma_wait3A_179 = arith.constant 0 : i32
      %dma_wait3A_180 = arith.constant 0 : i32
      %dma_wait3A_181 = tpu.memref_slice %arg2[%dma_wait3A_179, %dma_wait3A_180] : memref<10000x128xi32, #tpu.memory_space<hbm>> -> memref<10000x128xi32, #tpu.memory_space<hbm>>
      tpu.wait_indirect_dma semaphore(%arg14 : memref<!tpu.dma_semaphore, #tpu.memory_space<semaphore_mem>>) src(%dma_wait3A_181 : memref<10000x128xi32, #tpu.memory_space<hbm>>) dst(%arg9 : memref<80x128xi32, #tpu.memory_space<vmem>>)
      %dma_start3A_182 = arith.constant 0 : i32
      %dma_start3A_183 = tpu.memref_slice %arg4[%add3A_174, %dma_start3A_182] : memref<320000x128xi32, #tpu.memory_space<hbm>> -> memref<80x128xi32, #tpu.memory_space<hbm>>
      %dma_start3A_184 = arith.constant 0 : i32
      %dma_start3A_185 = tpu.memref_slice %arg4[%add3A_174, %dma_start3A_184] : memref<320000x128xi32, #tpu.memory_space<hbm>> -> memref<80x128xi32, #tpu.memory_space<hbm>>
      tpu.enqueue_dma source(%arg9 : memref<80x128xi32, #tpu.memory_space<vmem>>) target(%dma_start3A_185 : memref<80x128xi32, #tpu.memory_space<hbm>>) target_semaphore(%arg19 : memref<!tpu.dma_semaphore, #tpu.memory_space<semaphore_mem>>)
      %mul3A_186 = arith.constant 5 : i32
      %mul3A_187 = arith.muli %scan3A_37, %mul3A_186 : i32
      %add3A_188 = arith.constant 4 : i32
      %add3A_189 = arith.addi %mul3A_187, %add3A_188 : i32
      %mul3A_190 = arith.constant 80 : i32
      %mul3A_191 = arith.muli %add3A_189, %mul3A_190 : i32
      %add3A_192 = arith.addi %mul3A_2, %mul3A_191 : i32
      %dma_wait3A_193 = arith.constant 0 : i32
      %dma_wait3A_194 = arith.constant 0 : i32
      %dma_wait3A_195 = tpu.memref_slice %arg5[%dma_wait3A_193, %add3A_189, %dma_wait3A_194] : memref<1x125x80xi32, #tpu.memory_space<vmem>> -> memref<1x1x80xi32, #tpu.memory_space<vmem>>
      %dma_wait3A_196 = tpu.memref_squeeze %dma_wait3A_195 : memref<1x1x80xi32, #tpu.memory_space<vmem>> -> memref<80xi32, #tpu.memory_space<vmem>>
      %dma_wait3A_197 = arith.constant 0 : i32
      %dma_wait3A_198 = arith.constant 0 : i32
      %dma_wait3A_199 = tpu.memref_slice %arg2[%dma_wait3A_197, %dma_wait3A_198] : memref<10000x128xi32, #tpu.memory_space<hbm>> -> memref<10000x128xi32, #tpu.memory_space<hbm>>
      tpu.wait_indirect_dma semaphore(%arg15 : memref<!tpu.dma_semaphore, #tpu.memory_space<semaphore_mem>>) src(%dma_wait3A_199 : memref<10000x128xi32, #tpu.memory_space<hbm>>) dst(%arg10 : memref<80x128xi32, #tpu.memory_space<vmem>>)
      %dma_start3A_200 = arith.constant 0 : i32
      %dma_start3A_201 = tpu.memref_slice %arg4[%add3A_192, %dma_start3A_200] : memref<320000x128xi32, #tpu.memory_space<hbm>> -> memref<80x128xi32, #tpu.memory_space<hbm>>
      %dma_start3A_202 = arith.constant 0 : i32
      %dma_start3A_203 = tpu.memref_slice %arg4[%add3A_192, %dma_start3A_202] : memref<320000x128xi32, #tpu.memory_space<hbm>> -> memref<80x128xi32, #tpu.memory_space<hbm>>
      tpu.enqueue_dma source(%arg10 : memref<80x128xi32, #tpu.memory_space<vmem>>) target(%dma_start3A_203 : memref<80x128xi32, #tpu.memory_space<hbm>>) target_semaphore(%arg20 : memref<!tpu.dma_semaphore, #tpu.memory_space<semaphore_mem>>)
    }
    %scan3A_7 = arith.constant 25 : i32
    %add3A_8 = arith.constant 9600 : i32
    %add3A_9 = arith.addi %mul3A_2, %add3A_8 : i32
    %dma_wait3A = arith.constant 0 : i32
    %dma_wait3A_10 = tpu.memref_slice %arg4[%add3A_9, %dma_wait3A] : memref<320000x128xi32, #tpu.memory_space<hbm>> -> memref<80x128xi32, #tpu.memory_space<hbm>>
    %dma_wait3A_11 = arith.constant 0 : i32
    %dma_wait3A_12 = tpu.memref_slice %arg4[%add3A_9, %dma_wait3A_11] : memref<320000x128xi32, #tpu.memory_space<hbm>> -> memref<80x128xi32, #tpu.memory_space<hbm>>
    tpu.wait_dma2 semaphore(%arg16 : memref<!tpu.dma_semaphore, #tpu.memory_space<semaphore_mem>>) src(%arg6 : memref<80x128xi32, #tpu.memory_space<vmem>>) dst(%dma_wait3A_12 : memref<80x128xi32, #tpu.memory_space<hbm>>)
    %add3A_13 = arith.constant 9680 : i32
    %add3A_14 = arith.addi %mul3A_2, %add3A_13 : i32
    %dma_wait3A_15 = arith.constant 0 : i32
    %dma_wait3A_16 = tpu.memref_slice %arg4[%add3A_14, %dma_wait3A_15] : memref<320000x128xi32, #tpu.memory_space<hbm>> -> memref<80x128xi32, #tpu.memory_space<hbm>>
    %dma_wait3A_17 = arith.constant 0 : i32
    %dma_wait3A_18 = tpu.memref_slice %arg4[%add3A_14, %dma_wait3A_17] : memref<320000x128xi32, #tpu.memory_space<hbm>> -> memref<80x128xi32, #tpu.memory_space<hbm>>
    tpu.wait_dma2 semaphore(%arg17 : memref<!tpu.dma_semaphore, #tpu.memory_space<semaphore_mem>>) src(%arg7 : memref<80x128xi32, #tpu.memory_space<vmem>>) dst(%dma_wait3A_18 : memref<80x128xi32, #tpu.memory_space<hbm>>)
    %add3A_19 = arith.constant 9760 : i32
    %add3A_20 = arith.addi %mul3A_2, %add3A_19 : i32
    %dma_wait3A_21 = arith.constant 0 : i32
    %dma_wait3A_22 = tpu.memref_slice %arg4[%add3A_20, %dma_wait3A_21] : memref<320000x128xi32, #tpu.memory_space<hbm>> -> memref<80x128xi32, #tpu.memory_space<hbm>>
    %dma_wait3A_23 = arith.constant 0 : i32
    %dma_wait3A_24 = tpu.memref_slice %arg4[%add3A_20, %dma_wait3A_23] : memref<320000x128xi32, #tpu.memory_space<hbm>> -> memref<80x128xi32, #tpu.memory_space<hbm>>
    tpu.wait_dma2 semaphore(%arg18 : memref<!tpu.dma_semaphore, #tpu.memory_space<semaphore_mem>>) src(%arg8 : memref<80x128xi32, #tpu.memory_space<vmem>>) dst(%dma_wait3A_24 : memref<80x128xi32, #tpu.memory_space<hbm>>)
    %add3A_25 = arith.constant 9840 : i32
    %add3A_26 = arith.addi %mul3A_2, %add3A_25 : i32
    %dma_wait3A_27 = arith.constant 0 : i32
    %dma_wait3A_28 = tpu.memref_slice %arg4[%add3A_26, %dma_wait3A_27] : memref<320000x128xi32, #tpu.memory_space<hbm>> -> memref<80x128xi32, #tpu.memory_space<hbm>>
    %dma_wait3A_29 = arith.constant 0 : i32
    %dma_wait3A_30 = tpu.memref_slice %arg4[%add3A_26, %dma_wait3A_29] : memref<320000x128xi32, #tpu.memory_space<hbm>> -> memref<80x128xi32, #tpu.memory_space<hbm>>
    tpu.wait_dma2 semaphore(%arg19 : memref<!tpu.dma_semaphore, #tpu.memory_space<semaphore_mem>>) src(%arg9 : memref<80x128xi32, #tpu.memory_space<vmem>>) dst(%dma_wait3A_30 : memref<80x128xi32, #tpu.memory_space<hbm>>)
    %add3A_31 = arith.constant 9920 : i32
    %add3A_32 = arith.addi %mul3A_2, %add3A_31 : i32
    %dma_wait3A_33 = arith.constant 0 : i32
    %dma_wait3A_34 = tpu.memref_slice %arg4[%add3A_32, %dma_wait3A_33] : memref<320000x128xi32, #tpu.memory_space<hbm>> -> memref<80x128xi32, #tpu.memory_space<hbm>>
    %dma_wait3A_35 = arith.constant 0 : i32
    %dma_wait3A_36 = tpu.memref_slice %arg4[%add3A_32, %dma_wait3A_35] : memref<320000x128xi32, #tpu.memory_space<hbm>> -> memref<80x128xi32, #tpu.memory_space<hbm>>
    tpu.wait_dma2 semaphore(%arg20 : memref<!tpu.dma_semaphore, #tpu.memory_space<semaphore_mem>>) src(%arg10 : memref<80x128xi32, #tpu.memory_space<vmem>>) dst(%dma_wait3A_36 : memref<80x128xi32, #tpu.memory_space<hbm>>)
    return
  }
}

#map = affine_map<(d0, d1) -> (0, 0)>
#map1 = affine_map<(d0, d1) -> (0, 0, 0)>
module attributes {stable_mosaic.version = 14 : i64} {
  func.func @_scatter_body(%arg0: i32, %arg1: i32, %arg2: memref<320000x128xf32, #tpu.memory_space<hbm>>, %arg3: memref<32x250x40xi32, #tpu.memory_space<hbm>>, %arg4: memref<632x128xf32, #tpu.memory_space<hbm>>, %arg5: memref<10000x128xf32, #tpu.memory_space<hbm>>, %arg6: memref<10000x128xf32, #tpu.memory_space<hbm>>, %arg7: memref<1x250x40xi32, #tpu.memory_space<vmem>>, %arg8: memref<40x128xf32, #tpu.memory_space<vmem>>, %arg9: memref<40x128xf32, #tpu.memory_space<vmem>>, %arg10: memref<!tpu.dma_semaphore, #tpu.memory_space<semaphore_mem>>, %arg11: memref<!tpu.dma_semaphore, #tpu.memory_space<semaphore_mem>>, %arg12: memref<!tpu.dma_semaphore, #tpu.memory_space<semaphore_mem>>, %arg13: memref<!tpu.dma_semaphore, #tpu.memory_space<semaphore_mem>>, %arg14: memref<10000x128xf32, #tpu.memory_space<vmem_shared>>) attributes {dimension_semantics = [#tpu.dimension_semantics<core_parallel>, #tpu.dimension_semantics<subcore_parallel>], iteration_bounds = array<i64: 2, 16>, scalar_prefetch = 0 : i64, scratch_operands = 8 : i64, tpu.core_type = #tpu.core_type<sc_vector_subcore>, window_params = [{transform_indices = #map}, {transform_indices = #map1}, {transform_indices = #map}, {transform_indices = #map}, {transform_indices = #map}]} {
    %mul3A = arith.constant 16 : i32
    %mul3A_0 = arith.muli %arg0, %mul3A : i32
    %add3A = arith.addi %mul3A_0, %arg1 : i32
    %mul3A_1 = arith.constant 10000 : i32
    %mul3A_2 = arith.muli %add3A, %mul3A_1 : i32
    "tpu.region"() ({
      %run_scoped3A = tpu.sem_alloc : memref<!tpu.dma_semaphore, #tpu.memory_space<semaphore_mem>>
      %dma_start3A = arith.constant 0 : i32
      %dma_start3A_42 = arith.constant 0 : i32
      %dma_start3A_43 = tpu.memref_slice %arg3[%add3A, %dma_start3A, %dma_start3A_42] : memref<32x250x40xi32, #tpu.memory_space<hbm>> -> memref<1x250x40xi32, #tpu.memory_space<hbm>>
      %dma_start3A_44 = arith.constant 0 : i32
      %dma_start3A_45 = arith.constant 0 : i32
      %dma_start3A_46 = tpu.memref_slice %arg3[%add3A, %dma_start3A_44, %dma_start3A_45] : memref<32x250x40xi32, #tpu.memory_space<hbm>> -> memref<1x250x40xi32, #tpu.memory_space<hbm>>
      tpu.enqueue_dma source(%dma_start3A_46 : memref<1x250x40xi32, #tpu.memory_space<hbm>>) target(%arg7 : memref<1x250x40xi32, #tpu.memory_space<vmem>>) target_semaphore(%run_scoped3A : memref<!tpu.dma_semaphore, #tpu.memory_space<semaphore_mem>>)
      %dma_wait3A_47 = arith.constant 0 : i32
      %dma_wait3A_48 = arith.constant 0 : i32
      %dma_wait3A_49 = tpu.memref_slice %arg3[%add3A, %dma_wait3A_47, %dma_wait3A_48] : memref<32x250x40xi32, #tpu.memory_space<hbm>> -> memref<1x250x40xi32, #tpu.memory_space<hbm>>
      %dma_wait3A_50 = arith.constant 0 : i32
      %dma_wait3A_51 = arith.constant 0 : i32
      %dma_wait3A_52 = tpu.memref_slice %arg3[%add3A, %dma_wait3A_50, %dma_wait3A_51] : memref<32x250x40xi32, #tpu.memory_space<hbm>> -> memref<1x250x40xi32, #tpu.memory_space<hbm>>
      tpu.wait_dma2 semaphore(%run_scoped3A : memref<!tpu.dma_semaphore, #tpu.memory_space<semaphore_mem>>) src(%dma_wait3A_52 : memref<1x250x40xi32, #tpu.memory_space<hbm>>) dst(%arg7 : memref<1x250x40xi32, #tpu.memory_space<vmem>>)
      tpu.yield
    }) : () -> ()
    %mul3A_3 = arith.constant 632 : i32
    %mul3A_4 = arith.muli %arg1, %mul3A_3 : i32
    %multiple_of3A = tpu.assume_multiple %mul3A_4, 8 : i32
    %lt3A = arith.constant 15 : i32
    %lt3A_5 = arith.cmpi slt, %arg1, %lt3A : i32
    %convert_element_type3A = arith.extui %lt3A_5 : i1 to i32
    %cond3A = arith.constant 0 : i32
    %cond3A_6 = arith.cmpi ne, %convert_element_type3A, %cond3A : i32
    scf.if %cond3A_6 {
      "tpu.region"() ({
        %run_scoped3A = tpu.sem_alloc : memref<!tpu.dma_semaphore, #tpu.memory_space<semaphore_mem>>
        %dma_start3A = arith.constant 0 : i32
        %dma_start3A_42 = tpu.memref_slice %arg14[%multiple_of3A, %dma_start3A] : memref<10000x128xf32, #tpu.memory_space<vmem_shared>> -> memref<632x128xf32, #tpu.memory_space<vmem_shared>>
        tpu.enqueue_dma source(%arg4 : memref<632x128xf32, #tpu.memory_space<hbm>>) target(%dma_start3A_42 : memref<632x128xf32, #tpu.memory_space<vmem_shared>>) target_semaphore(%run_scoped3A : memref<!tpu.dma_semaphore, #tpu.memory_space<semaphore_mem>>)
        %dma_wait3A_43 = arith.constant 0 : i32
        %dma_wait3A_44 = tpu.memref_slice %arg14[%multiple_of3A, %dma_wait3A_43] : memref<10000x128xf32, #tpu.memory_space<vmem_shared>> -> memref<632x128xf32, #tpu.memory_space<vmem_shared>>
        tpu.wait_dma2 semaphore(%run_scoped3A : memref<!tpu.dma_semaphore, #tpu.memory_space<semaphore_mem>>) src(%arg4 : memref<632x128xf32, #tpu.memory_space<hbm>>) dst(%dma_wait3A_44 : memref<632x128xf32, #tpu.memory_space<vmem_shared>>)
        tpu.yield
      }) : () -> ()
    } else {
    }
    %eq3A = arith.constant 15 : i32
    %eq3A_7 = arith.cmpi eq, %arg1, %eq3A : i32
    %convert_element_type3A_8 = arith.extui %eq3A_7 : i1 to i32
    %cond3A_9 = arith.constant 0 : i32
    %cond3A_10 = arith.cmpi ne, %convert_element_type3A_8, %cond3A_9 : i32
    scf.if %cond3A_10 {
      "tpu.region"() ({
        %run_scoped3A = tpu.sem_alloc : memref<!tpu.dma_semaphore, #tpu.memory_space<semaphore_mem>>
        %dma_start3A = arith.constant 0 : i32
        %dma_start3A_42 = tpu.memref_slice %arg14[%multiple_of3A, %dma_start3A] : memref<10000x128xf32, #tpu.memory_space<vmem_shared>> -> memref<520x128xf32, #tpu.memory_space<vmem_shared>>
        %dma_start3A_43 = arith.constant 0 : i32
        %dma_start3A_44 = arith.constant 0 : i32
        %dma_start3A_45 = tpu.memref_slice %arg4[%dma_start3A_43, %dma_start3A_44] : memref<632x128xf32, #tpu.memory_space<hbm>> -> memref<520x128xf32, #tpu.memory_space<hbm>>
        tpu.enqueue_dma source(%dma_start3A_45 : memref<520x128xf32, #tpu.memory_space<hbm>>) target(%dma_start3A_42 : memref<520x128xf32, #tpu.memory_space<vmem_shared>>) target_semaphore(%run_scoped3A : memref<!tpu.dma_semaphore, #tpu.memory_space<semaphore_mem>>)
        %dma_wait3A_46 = arith.constant 0 : i32
        %dma_wait3A_47 = tpu.memref_slice %arg14[%multiple_of3A, %dma_wait3A_46] : memref<10000x128xf32, #tpu.memory_space<vmem_shared>> -> memref<520x128xf32, #tpu.memory_space<vmem_shared>>
        %dma_wait3A_48 = arith.constant 0 : i32
        %dma_wait3A_49 = arith.constant 0 : i32
        %dma_wait3A_50 = tpu.memref_slice %arg4[%dma_wait3A_48, %dma_wait3A_49] : memref<632x128xf32, #tpu.memory_space<hbm>> -> memref<520x128xf32, #tpu.memory_space<hbm>>
        tpu.wait_dma2 semaphore(%run_scoped3A : memref<!tpu.dma_semaphore, #tpu.memory_space<semaphore_mem>>) src(%dma_wait3A_50 : memref<520x128xf32, #tpu.memory_space<hbm>>) dst(%dma_wait3A_47 : memref<520x128xf32, #tpu.memory_space<vmem_shared>>)
        tpu.yield
      }) : () -> ()
    } else {
    }
    %barrier3A = arith.constant 0 : index
    tpu.barrier barrier_id(%barrier3A)
    %scan3A = arith.constant 0 : i32
    %scan3A_11 = arith.constant 0 : i32
    %scan3A_12 = arith.constant 125 : i32
    %scan3A_13 = arith.addi %scan3A_11, %scan3A_12 : i32
    %scan3A_14 = arith.constant 1 : i32
    scf.for %scan3A_42 = %scan3A_11 to %scan3A_13 step %scan3A_14  : i32 {
      %mul3A_43 = arith.constant 2 : i32
      %mul3A_44 = arith.muli %scan3A_42, %mul3A_43 : i32
      %add3A_45 = arith.constant 0 : i32
      %add3A_46 = arith.addi %mul3A_44, %add3A_45 : i32
      %gt3A = arith.constant 0 : i32
      %gt3A_47 = arith.cmpi sgt, %scan3A_42, %gt3A : i32
      %convert_element_type3A_48 = arith.extui %gt3A_47 : i1 to i32
      %cond3A_49 = arith.constant 0 : i32
      %cond3A_50 = arith.cmpi ne, %convert_element_type3A_48, %cond3A_49 : i32
      scf.if %cond3A_50 {
        %dma_wait3A_109 = arith.constant 0 : i32
        %dma_wait3A_110 = arith.constant 0 : i32
        %dma_wait3A_111 = tpu.memref_slice %arg7[%dma_wait3A_109, %add3A_46, %dma_wait3A_110] : memref<1x250x40xi32, #tpu.memory_space<vmem>> -> memref<1x1x40xi32, #tpu.memory_space<vmem>>
        %dma_wait3A_112 = tpu.memref_squeeze %dma_wait3A_111 : memref<1x1x40xi32, #tpu.memory_space<vmem>> -> memref<40xi32, #tpu.memory_space<vmem>>
        %dma_wait3A_113 = arith.constant 0 : i32
        %dma_wait3A_114 = arith.constant 0 : i32
        %dma_wait3A_115 = tpu.memref_slice %arg14[%dma_wait3A_113, %dma_wait3A_114] : memref<10000x128xf32, #tpu.memory_space<vmem_shared>> -> memref<10000x128xf32, #tpu.memory_space<vmem_shared>>
        tpu.wait_indirect_dma semaphore(%arg12 : memref<!tpu.dma_semaphore, #tpu.memory_space<semaphore_mem>>) src(%arg8 : memref<40x128xf32, #tpu.memory_space<vmem>>) dst(%dma_wait3A_115 : memref<10000x128xf32, #tpu.memory_space<vmem_shared>>)
      } else {
      }
      %mul3A_51 = arith.constant 40 : i32
      %mul3A_52 = arith.muli %add3A_46, %mul3A_51 : i32
      %add3A_53 = arith.addi %mul3A_2, %mul3A_52 : i32
      %dma_start3A = arith.constant 0 : i32
      %dma_start3A_54 = tpu.memref_slice %arg2[%add3A_53, %dma_start3A] : memref<320000x128xf32, #tpu.memory_space<hbm>> -> memref<40x128xf32, #tpu.memory_space<hbm>>
      %dma_start3A_55 = arith.constant 0 : i32
      %dma_start3A_56 = tpu.memref_slice %arg2[%add3A_53, %dma_start3A_55] : memref<320000x128xf32, #tpu.memory_space<hbm>> -> memref<40x128xf32, #tpu.memory_space<hbm>>
      tpu.enqueue_dma source(%dma_start3A_56 : memref<40x128xf32, #tpu.memory_space<hbm>>) target(%arg8 : memref<40x128xf32, #tpu.memory_space<vmem>>) target_semaphore(%arg10 : memref<!tpu.dma_semaphore, #tpu.memory_space<semaphore_mem>>)
      %mul3A_57 = arith.constant 2 : i32
      %mul3A_58 = arith.muli %scan3A_42, %mul3A_57 : i32
      %add3A_59 = arith.constant 1 : i32
      %add3A_60 = arith.addi %mul3A_58, %add3A_59 : i32
      %gt3A_61 = arith.constant 0 : i32
      %gt3A_62 = arith.cmpi sgt, %scan3A_42, %gt3A_61 : i32
      %convert_element_type3A_63 = arith.extui %gt3A_62 : i1 to i32
      %cond3A_64 = arith.constant 0 : i32
      %cond3A_65 = arith.cmpi ne, %convert_element_type3A_63, %cond3A_64 : i32
      scf.if %cond3A_65 {
        %dma_wait3A_109 = arith.constant 0 : i32
        %dma_wait3A_110 = arith.constant 0 : i32
        %dma_wait3A_111 = tpu.memref_slice %arg7[%dma_wait3A_109, %add3A_60, %dma_wait3A_110] : memref<1x250x40xi32, #tpu.memory_space<vmem>> -> memref<1x1x40xi32, #tpu.memory_space<vmem>>
        %dma_wait3A_112 = tpu.memref_squeeze %dma_wait3A_111 : memref<1x1x40xi32, #tpu.memory_space<vmem>> -> memref<40xi32, #tpu.memory_space<vmem>>
        %dma_wait3A_113 = arith.constant 0 : i32
        %dma_wait3A_114 = arith.constant 0 : i32
        %dma_wait3A_115 = tpu.memref_slice %arg14[%dma_wait3A_113, %dma_wait3A_114] : memref<10000x128xf32, #tpu.memory_space<vmem_shared>> -> memref<10000x128xf32, #tpu.memory_space<vmem_shared>>
        tpu.wait_indirect_dma semaphore(%arg13 : memref<!tpu.dma_semaphore, #tpu.memory_space<semaphore_mem>>) src(%arg9 : memref<40x128xf32, #tpu.memory_space<vmem>>) dst(%dma_wait3A_115 : memref<10000x128xf32, #tpu.memory_space<vmem_shared>>)
      } else {
      }
      %mul3A_66 = arith.constant 40 : i32
      %mul3A_67 = arith.muli %add3A_60, %mul3A_66 : i32
      %add3A_68 = arith.addi %mul3A_2, %mul3A_67 : i32
      %dma_start3A_69 = arith.constant 0 : i32
      %dma_start3A_70 = tpu.memref_slice %arg2[%add3A_68, %dma_start3A_69] : memref<320000x128xf32, #tpu.memory_space<hbm>> -> memref<40x128xf32, #tpu.memory_space<hbm>>
      %dma_start3A_71 = arith.constant 0 : i32
      %dma_start3A_72 = tpu.memref_slice %arg2[%add3A_68, %dma_start3A_71] : memref<320000x128xf32, #tpu.memory_space<hbm>> -> memref<40x128xf32, #tpu.memory_space<hbm>>
      tpu.enqueue_dma source(%dma_start3A_72 : memref<40x128xf32, #tpu.memory_space<hbm>>) target(%arg9 : memref<40x128xf32, #tpu.memory_space<vmem>>) target_semaphore(%arg11 : memref<!tpu.dma_semaphore, #tpu.memory_space<semaphore_mem>>)
      %mul3A_73 = arith.constant 2 : i32
      %mul3A_74 = arith.muli %scan3A_42, %mul3A_73 : i32
      %add3A_75 = arith.constant 0 : i32
      %add3A_76 = arith.addi %mul3A_74, %add3A_75 : i32
      %mul3A_77 = arith.constant 40 : i32
      %mul3A_78 = arith.muli %add3A_76, %mul3A_77 : i32
      %add3A_79 = arith.addi %mul3A_2, %mul3A_78 : i32
      %dma_wait3A_80 = arith.constant 0 : i32
      %dma_wait3A_81 = tpu.memref_slice %arg2[%add3A_79, %dma_wait3A_80] : memref<320000x128xf32, #tpu.memory_space<hbm>> -> memref<40x128xf32, #tpu.memory_space<hbm>>
      %dma_wait3A_82 = arith.constant 0 : i32
      %dma_wait3A_83 = tpu.memref_slice %arg2[%add3A_79, %dma_wait3A_82] : memref<320000x128xf32, #tpu.memory_space<hbm>> -> memref<40x128xf32, #tpu.memory_space<hbm>>
      tpu.wait_dma2 semaphore(%arg10 : memref<!tpu.dma_semaphore, #tpu.memory_space<semaphore_mem>>) src(%dma_wait3A_83 : memref<40x128xf32, #tpu.memory_space<hbm>>) dst(%arg8 : memref<40x128xf32, #tpu.memory_space<vmem>>)
      %dma_start3A_84 = arith.constant 0 : i32
      %dma_start3A_85 = arith.constant 0 : i32
      %dma_start3A_86 = tpu.memref_slice %arg7[%dma_start3A_84, %add3A_76, %dma_start3A_85] : memref<1x250x40xi32, #tpu.memory_space<vmem>> -> memref<1x1x40xi32, #tpu.memory_space<vmem>>
      %dma_start3A_87 = tpu.memref_squeeze %dma_start3A_86 : memref<1x1x40xi32, #tpu.memory_space<vmem>> -> memref<40xi32, #tpu.memory_space<vmem>>
      %dma_start3A_88 = arith.constant 0 : i32
      %dma_start3A_89 = arith.constant 0 : i32
      %dma_start3A_90 = tpu.memref_slice %arg14[%dma_start3A_88, %dma_start3A_89] : memref<10000x128xf32, #tpu.memory_space<vmem_shared>> -> memref<10000x128xf32, #tpu.memory_space<vmem_shared>>
      tpu.enqueue_indirect_dma source(%arg8 : memref<40x128xf32, #tpu.memory_space<vmem>>) target(%dma_start3A_90 : memref<10000x128xf32, #tpu.memory_space<vmem_shared>>) offsets(%dma_start3A_87 : memref<40xi32, #tpu.memory_space<vmem>>) semaphore(%arg12 : memref<!tpu.dma_semaphore, #tpu.memory_space<semaphore_mem>>) {add = true}
      %mul3A_91 = arith.constant 2 : i32
      %mul3A_92 = arith.muli %scan3A_42, %mul3A_91 : i32
      %add3A_93 = arith.constant 1 : i32
      %add3A_94 = arith.addi %mul3A_92, %add3A_93 : i32
      %mul3A_95 = arith.constant 40 : i32
      %mul3A_96 = arith.muli %add3A_94, %mul3A_95 : i32
      %add3A_97 = arith.addi %mul3A_2, %mul3A_96 : i32
      %dma_wait3A_98 = arith.constant 0 : i32
      %dma_wait3A_99 = tpu.memref_slice %arg2[%add3A_97, %dma_wait3A_98] : memref<320000x128xf32, #tpu.memory_space<hbm>> -> memref<40x128xf32, #tpu.memory_space<hbm>>
      %dma_wait3A_100 = arith.constant 0 : i32
      %dma_wait3A_101 = tpu.memref_slice %arg2[%add3A_97, %dma_wait3A_100] : memref<320000x128xf32, #tpu.memory_space<hbm>> -> memref<40x128xf32, #tpu.memory_space<hbm>>
      tpu.wait_dma2 semaphore(%arg11 : memref<!tpu.dma_semaphore, #tpu.memory_space<semaphore_mem>>) src(%dma_wait3A_101 : memref<40x128xf32, #tpu.memory_space<hbm>>) dst(%arg9 : memref<40x128xf32, #tpu.memory_space<vmem>>)
      %dma_start3A_102 = arith.constant 0 : i32
      %dma_start3A_103 = arith.constant 0 : i32
      %dma_start3A_104 = tpu.memref_slice %arg7[%dma_start3A_102, %add3A_94, %dma_start3A_103] : memref<1x250x40xi32, #tpu.memory_space<vmem>> -> memref<1x1x40xi32, #tpu.memory_space<vmem>>
      %dma_start3A_105 = tpu.memref_squeeze %dma_start3A_104 : memref<1x1x40xi32, #tpu.memory_space<vmem>> -> memref<40xi32, #tpu.memory_space<vmem>>
      %dma_start3A_106 = arith.constant 0 : i32
      %dma_start3A_107 = arith.constant 0 : i32
      %dma_start3A_108 = tpu.memref_slice %arg14[%dma_start3A_106, %dma_start3A_107] : memref<10000x128xf32, #tpu.memory_space<vmem_shared>> -> memref<10000x128xf32, #tpu.memory_space<vmem_shared>>
      tpu.enqueue_indirect_dma source(%arg9 : memref<40x128xf32, #tpu.memory_space<vmem>>) target(%dma_start3A_108 : memref<10000x128xf32, #tpu.memory_space<vmem_shared>>) offsets(%dma_start3A_105 : memref<40xi32, #tpu.memory_space<vmem>>) semaphore(%arg13 : memref<!tpu.dma_semaphore, #tpu.memory_space<semaphore_mem>>) {add = true}
    }
    %scan3A_15 = arith.constant 125 : i32
    %dma_wait3A = arith.constant 0 : i32
    %dma_wait3A_16 = arith.constant 0 : i32
    %dma_wait3A_17 = arith.constant 0 : i32
    %dma_wait3A_18 = tpu.memref_slice %arg7[%dma_wait3A, %dma_wait3A_16, %dma_wait3A_17] : memref<1x250x40xi32, #tpu.memory_space<vmem>> -> memref<1x1x40xi32, #tpu.memory_space<vmem>>
    %dma_wait3A_19 = tpu.memref_squeeze %dma_wait3A_18 : memref<1x1x40xi32, #tpu.memory_space<vmem>> -> memref<40xi32, #tpu.memory_space<vmem>>
    %dma_wait3A_20 = arith.constant 0 : i32
    %dma_wait3A_21 = arith.constant 0 : i32
    %dma_wait3A_22 = tpu.memref_slice %arg14[%dma_wait3A_20, %dma_wait3A_21] : memref<10000x128xf32, #tpu.memory_space<vmem_shared>> -> memref<10000x128xf32, #tpu.memory_space<vmem_shared>>
    tpu.wait_indirect_dma semaphore(%arg12 : memref<!tpu.dma_semaphore, #tpu.memory_space<semaphore_mem>>) src(%arg8 : memref<40x128xf32, #tpu.memory_space<vmem>>) dst(%dma_wait3A_22 : memref<10000x128xf32, #tpu.memory_space<vmem_shared>>)
    %dma_wait3A_23 = arith.constant 0 : i32
    %dma_wait3A_24 = arith.constant 0 : i32
    %dma_wait3A_25 = arith.constant 0 : i32
    %dma_wait3A_26 = tpu.memref_slice %arg7[%dma_wait3A_23, %dma_wait3A_24, %dma_wait3A_25] : memref<1x250x40xi32, #tpu.memory_space<vmem>> -> memref<1x1x40xi32, #tpu.memory_space<vmem>>
    %dma_wait3A_27 = tpu.memref_squeeze %dma_wait3A_26 : memref<1x1x40xi32, #tpu.memory_space<vmem>> -> memref<40xi32, #tpu.memory_space<vmem>>
    %dma_wait3A_28 = arith.constant 0 : i32
    %dma_wait3A_29 = arith.constant 0 : i32
    %dma_wait3A_30 = tpu.memref_slice %arg14[%dma_wait3A_28, %dma_wait3A_29] : memref<10000x128xf32, #tpu.memory_space<vmem_shared>> -> memref<10000x128xf32, #tpu.memory_space<vmem_shared>>
    tpu.wait_indirect_dma semaphore(%arg13 : memref<!tpu.dma_semaphore, #tpu.memory_space<semaphore_mem>>) src(%arg9 : memref<40x128xf32, #tpu.memory_space<vmem>>) dst(%dma_wait3A_30 : memref<10000x128xf32, #tpu.memory_space<vmem_shared>>)
    %barrier3A_31 = arith.constant 0 : index
    tpu.barrier barrier_id(%barrier3A_31)
    %eq3A_32 = arith.constant 0 : i32
    %eq3A_33 = arith.cmpi eq, %arg0, %eq3A_32 : i32
    %convert_element_type3A_34 = arith.extui %eq3A_33 : i1 to i32
    %cond3A_35 = arith.constant 0 : i32
    %cond3A_36 = arith.cmpi ne, %convert_element_type3A_34, %cond3A_35 : i32
    scf.if %cond3A_36 {
      %lt3A_42 = arith.constant 15 : i32
      %lt3A_43 = arith.cmpi slt, %arg1, %lt3A_42 : i32
      %convert_element_type3A_44 = arith.extui %lt3A_43 : i1 to i32
      %cond3A_45 = arith.constant 0 : i32
      %cond3A_46 = arith.cmpi ne, %convert_element_type3A_44, %cond3A_45 : i32
      scf.if %cond3A_46 {
        "tpu.region"() ({
          %run_scoped3A = tpu.sem_alloc : memref<!tpu.dma_semaphore, #tpu.memory_space<semaphore_mem>>
          %dma_start3A = arith.constant 0 : i32
          %dma_start3A_52 = tpu.memref_slice %arg5[%multiple_of3A, %dma_start3A] : memref<10000x128xf32, #tpu.memory_space<hbm>> -> memref<632x128xf32, #tpu.memory_space<hbm>>
          %dma_start3A_53 = arith.constant 0 : i32
          %dma_start3A_54 = tpu.memref_slice %arg14[%multiple_of3A, %dma_start3A_53] : memref<10000x128xf32, #tpu.memory_space<vmem_shared>> -> memref<632x128xf32, #tpu.memory_space<vmem_shared>>
          tpu.enqueue_dma source(%dma_start3A_54 : memref<632x128xf32, #tpu.memory_space<vmem_shared>>) target(%dma_start3A_52 : memref<632x128xf32, #tpu.memory_space<hbm>>) target_semaphore(%run_scoped3A : memref<!tpu.dma_semaphore, #tpu.memory_space<semaphore_mem>>)
          %dma_wait3A_55 = arith.constant 0 : i32
          %dma_wait3A_56 = tpu.memref_slice %arg5[%multiple_of3A, %dma_wait3A_55] : memref<10000x128xf32, #tpu.memory_space<hbm>> -> memref<632x128xf32, #tpu.memory_space<hbm>>
          %dma_wait3A_57 = arith.constant 0 : i32
          %dma_wait3A_58 = tpu.memref_slice %arg14[%multiple_of3A, %dma_wait3A_57] : memref<10000x128xf32, #tpu.memory_space<vmem_shared>> -> memref<632x128xf32, #tpu.memory_space<vmem_shared>>
          tpu.wait_dma2 semaphore(%run_scoped3A : memref<!tpu.dma_semaphore, #tpu.memory_space<semaphore_mem>>) src(%dma_wait3A_58 : memref<632x128xf32, #tpu.memory_space<vmem_shared>>) dst(%dma_wait3A_56 : memref<632x128xf32, #tpu.memory_space<hbm>>)
          tpu.yield
        }) : () -> ()
      } else {
      }
      %eq3A_47 = arith.constant 15 : i32
      %eq3A_48 = arith.cmpi eq, %arg1, %eq3A_47 : i32
      %convert_element_type3A_49 = arith.extui %eq3A_48 : i1 to i32
      %cond3A_50 = arith.constant 0 : i32
      %cond3A_51 = arith.cmpi ne, %convert_element_type3A_49, %cond3A_50 : i32
      scf.if %cond3A_51 {
        "tpu.region"() ({
          %run_scoped3A = tpu.sem_alloc : memref<!tpu.dma_semaphore, #tpu.memory_space<semaphore_mem>>
          %dma_start3A = arith.constant 0 : i32
          %dma_start3A_52 = tpu.memref_slice %arg5[%multiple_of3A, %dma_start3A] : memref<10000x128xf32, #tpu.memory_space<hbm>> -> memref<520x128xf32, #tpu.memory_space<hbm>>
          %dma_start3A_53 = arith.constant 0 : i32
          %dma_start3A_54 = tpu.memref_slice %arg14[%multiple_of3A, %dma_start3A_53] : memref<10000x128xf32, #tpu.memory_space<vmem_shared>> -> memref<520x128xf32, #tpu.memory_space<vmem_shared>>
          tpu.enqueue_dma source(%dma_start3A_54 : memref<520x128xf32, #tpu.memory_space<vmem_shared>>) target(%dma_start3A_52 : memref<520x128xf32, #tpu.memory_space<hbm>>) target_semaphore(%run_scoped3A : memref<!tpu.dma_semaphore, #tpu.memory_space<semaphore_mem>>)
          %dma_wait3A_55 = arith.constant 0 : i32
          %dma_wait3A_56 = tpu.memref_slice %arg5[%multiple_of3A, %dma_wait3A_55] : memref<10000x128xf32, #tpu.memory_space<hbm>> -> memref<520x128xf32, #tpu.memory_space<hbm>>
          %dma_wait3A_57 = arith.constant 0 : i32
          %dma_wait3A_58 = tpu.memref_slice %arg14[%multiple_of3A, %dma_wait3A_57] : memref<10000x128xf32, #tpu.memory_space<vmem_shared>> -> memref<520x128xf32, #tpu.memory_space<vmem_shared>>
          tpu.wait_dma2 semaphore(%run_scoped3A : memref<!tpu.dma_semaphore, #tpu.memory_space<semaphore_mem>>) src(%dma_wait3A_58 : memref<520x128xf32, #tpu.memory_space<vmem_shared>>) dst(%dma_wait3A_56 : memref<520x128xf32, #tpu.memory_space<hbm>>)
          tpu.yield
        }) : () -> ()
      } else {
      }
    } else {
    }
    %eq3A_37 = arith.constant 1 : i32
    %eq3A_38 = arith.cmpi eq, %arg0, %eq3A_37 : i32
    %convert_element_type3A_39 = arith.extui %eq3A_38 : i1 to i32
    %cond3A_40 = arith.constant 0 : i32
    %cond3A_41 = arith.cmpi ne, %convert_element_type3A_39, %cond3A_40 : i32
    scf.if %cond3A_41 {
      %lt3A_42 = arith.constant 15 : i32
      %lt3A_43 = arith.cmpi slt, %arg1, %lt3A_42 : i32
      %convert_element_type3A_44 = arith.extui %lt3A_43 : i1 to i32
      %cond3A_45 = arith.constant 0 : i32
      %cond3A_46 = arith.cmpi ne, %convert_element_type3A_44, %cond3A_45 : i32
      scf.if %cond3A_46 {
        "tpu.region"() ({
          %run_scoped3A = tpu.sem_alloc : memref<!tpu.dma_semaphore, #tpu.memory_space<semaphore_mem>>
          %dma_start3A = arith.constant 0 : i32
          %dma_start3A_52 = tpu.memref_slice %arg6[%multiple_of3A, %dma_start3A] : memref<10000x128xf32, #tpu.memory_space<hbm>> -> memref<632x128xf32, #tpu.memory_space<hbm>>
          %dma_start3A_53 = arith.constant 0 : i32
          %dma_start3A_54 = tpu.memref_slice %arg14[%multiple_of3A, %dma_start3A_53] : memref<10000x128xf32, #tpu.memory_space<vmem_shared>> -> memref<632x128xf32, #tpu.memory_space<vmem_shared>>
          tpu.enqueue_dma source(%dma_start3A_54 : memref<632x128xf32, #tpu.memory_space<vmem_shared>>) target(%dma_start3A_52 : memref<632x128xf32, #tpu.memory_space<hbm>>) target_semaphore(%run_scoped3A : memref<!tpu.dma_semaphore, #tpu.memory_space<semaphore_mem>>)
          %dma_wait3A_55 = arith.constant 0 : i32
          %dma_wait3A_56 = tpu.memref_slice %arg6[%multiple_of3A, %dma_wait3A_55] : memref<10000x128xf32, #tpu.memory_space<hbm>> -> memref<632x128xf32, #tpu.memory_space<hbm>>
          %dma_wait3A_57 = arith.constant 0 : i32
          %dma_wait3A_58 = tpu.memref_slice %arg14[%multiple_of3A, %dma_wait3A_57] : memref<10000x128xf32, #tpu.memory_space<vmem_shared>> -> memref<632x128xf32, #tpu.memory_space<vmem_shared>>
          tpu.wait_dma2 semaphore(%run_scoped3A : memref<!tpu.dma_semaphore, #tpu.memory_space<semaphore_mem>>) src(%dma_wait3A_58 : memref<632x128xf32, #tpu.memory_space<vmem_shared>>) dst(%dma_wait3A_56 : memref<632x128xf32, #tpu.memory_space<hbm>>)
          tpu.yield
        }) : () -> ()
      } else {
      }
      %eq3A_47 = arith.constant 15 : i32
      %eq3A_48 = arith.cmpi eq, %arg1, %eq3A_47 : i32
      %convert_element_type3A_49 = arith.extui %eq3A_48 : i1 to i32
      %cond3A_50 = arith.constant 0 : i32
      %cond3A_51 = arith.cmpi ne, %convert_element_type3A_49, %cond3A_50 : i32
      scf.if %cond3A_51 {
        "tpu.region"() ({
          %run_scoped3A = tpu.sem_alloc : memref<!tpu.dma_semaphore, #tpu.memory_space<semaphore_mem>>
          %dma_start3A = arith.constant 0 : i32
          %dma_start3A_52 = tpu.memref_slice %arg6[%multiple_of3A, %dma_start3A] : memref<10000x128xf32, #tpu.memory_space<hbm>> -> memref<520x128xf32, #tpu.memory_space<hbm>>
          %dma_start3A_53 = arith.constant 0 : i32
          %dma_start3A_54 = tpu.memref_slice %arg14[%multiple_of3A, %dma_start3A_53] : memref<10000x128xf32, #tpu.memory_space<vmem_shared>> -> memref<520x128xf32, #tpu.memory_space<vmem_shared>>
          tpu.enqueue_dma source(%dma_start3A_54 : memref<520x128xf32, #tpu.memory_space<vmem_shared>>) target(%dma_start3A_52 : memref<520x128xf32, #tpu.memory_space<hbm>>) target_semaphore(%run_scoped3A : memref<!tpu.dma_semaphore, #tpu.memory_space<semaphore_mem>>)
          %dma_wait3A_55 = arith.constant 0 : i32
          %dma_wait3A_56 = tpu.memref_slice %arg6[%multiple_of3A, %dma_wait3A_55] : memref<10000x128xf32, #tpu.memory_space<hbm>> -> memref<520x128xf32, #tpu.memory_space<hbm>>
          %dma_wait3A_57 = arith.constant 0 : i32
          %dma_wait3A_58 = tpu.memref_slice %arg14[%multiple_of3A, %dma_wait3A_57] : memref<10000x128xf32, #tpu.memory_space<vmem_shared>> -> memref<520x128xf32, #tpu.memory_space<vmem_shared>>
          tpu.wait_dma2 semaphore(%run_scoped3A : memref<!tpu.dma_semaphore, #tpu.memory_space<semaphore_mem>>) src(%dma_wait3A_58 : memref<520x128xf32, #tpu.memory_space<vmem_shared>>) dst(%dma_wait3A_56 : memref<520x128xf32, #tpu.memory_space<hbm>>)
          tpu.yield
        }) : () -> ()
      } else {
      }
    } else {
    }
    return
  }
}

#map = affine_map<(d0, d1) -> (0, 0)>
#map1 = affine_map<(d0, d1) -> (0, 0, 0)>
module attributes {stable_mosaic.version = 14 : i64} {
  func.func @_gather_body(%arg0: i32, %arg1: i32, %arg2: memref<10000x128xi32, #tpu.memory_space<hbm>>, %arg3: memref<32x125x80xi32, #tpu.memory_space<hbm>>, %arg4: memref<320000x128xi32, #tpu.memory_space<hbm>>, %arg5: memref<1x125x80xi32, #tpu.memory_space<vmem>>, %arg6: memref<80x128xi32, #tpu.memory_space<vmem>>, %arg7: memref<80x128xi32, #tpu.memory_space<vmem>>, %arg8: memref<80x128xi32, #tpu.memory_space<vmem>>, %arg9: memref<80x128xi32, #tpu.memory_space<vmem>>, %arg10: memref<80x128xi32, #tpu.memory_space<vmem>>, %arg11: memref<!tpu.dma_semaphore, #tpu.memory_space<semaphore_mem>>, %arg12: memref<!tpu.dma_semaphore, #tpu.memory_space<semaphore_mem>>, %arg13: memref<!tpu.dma_semaphore, #tpu.memory_space<semaphore_mem>>, %arg14: memref<!tpu.dma_semaphore, #tpu.memory_space<semaphore_mem>>, %arg15: memref<!tpu.dma_semaphore, #tpu.memory_space<semaphore_mem>>, %arg16: memref<!tpu.dma_semaphore, #tpu.memory_space<semaphore_mem>>, %arg17: memref<!tpu.dma_semaphore, #tpu.memory_space<semaphore_mem>>, %arg18: memref<!tpu.dma_semaphore, #tpu.memory_space<semaphore_mem>>, %arg19: memref<!tpu.dma_semaphore, #tpu.memory_space<semaphore_mem>>, %arg20: memref<!tpu.dma_semaphore, #tpu.memory_space<semaphore_mem>>) attributes {dimension_semantics = [#tpu.dimension_semantics<core_parallel>, #tpu.dimension_semantics<subcore_parallel>], iteration_bounds = array<i64: 2, 16>, scalar_prefetch = 0 : i64, scratch_operands = 16 : i64, tpu.core_type = #tpu.core_type<sc_vector_subcore>, window_params = [{transform_indices = #map}, {transform_indices = #map1}, {transform_indices = #map}]} {
    %mul3A = arith.constant 16 : i32
    %mul3A_0 = arith.muli %arg0, %mul3A : i32
    %add3A = arith.addi %mul3A_0, %arg1 : i32
    %mul3A_1 = arith.constant 10000 : i32
    %mul3A_2 = arith.muli %add3A, %mul3A_1 : i32
    "tpu.region"() ({
      %run_scoped3A = tpu.sem_alloc : memref<!tpu.dma_semaphore, #tpu.memory_space<semaphore_mem>>
      %dma_start3A = arith.constant 0 : i32
      %dma_start3A_37 = arith.constant 0 : i32
      %dma_start3A_38 = tpu.memref_slice %arg3[%add3A, %dma_start3A, %dma_start3A_37] : memref<32x125x80xi32, #tpu.memory_space<hbm>> -> memref<1x125x80xi32, #tpu.memory_space<hbm>>
      %dma_start3A_39 = arith.constant 0 : i32
      %dma_start3A_40 = arith.constant 0 : i32
      %dma_start3A_41 = tpu.memref_slice %arg3[%add3A, %dma_start3A_39, %dma_start3A_40] : memref<32x125x80xi32, #tpu.memory_space<hbm>> -> memref<1x125x80xi32, #tpu.memory_space<hbm>>
      tpu.enqueue_dma source(%dma_start3A_41 : memref<1x125x80xi32, #tpu.memory_space<hbm>>) target(%arg5 : memref<1x125x80xi32, #tpu.memory_space<vmem>>) target_semaphore(%run_scoped3A : memref<!tpu.dma_semaphore, #tpu.memory_space<semaphore_mem>>)
      %dma_wait3A_42 = arith.constant 0 : i32
      %dma_wait3A_43 = arith.constant 0 : i32
      %dma_wait3A_44 = tpu.memref_slice %arg3[%add3A, %dma_wait3A_42, %dma_wait3A_43] : memref<32x125x80xi32, #tpu.memory_space<hbm>> -> memref<1x125x80xi32, #tpu.memory_space<hbm>>
      %dma_wait3A_45 = arith.constant 0 : i32
      %dma_wait3A_46 = arith.constant 0 : i32
      %dma_wait3A_47 = tpu.memref_slice %arg3[%add3A, %dma_wait3A_45, %dma_wait3A_46] : memref<32x125x80xi32, #tpu.memory_space<hbm>> -> memref<1x125x80xi32, #tpu.memory_space<hbm>>
      tpu.wait_dma2 semaphore(%run_scoped3A : memref<!tpu.dma_semaphore, #tpu.memory_space<semaphore_mem>>) src(%dma_wait3A_47 : memref<1x125x80xi32, #tpu.memory_space<hbm>>) dst(%arg5 : memref<1x125x80xi32, #tpu.memory_space<vmem>>)
      tpu.yield
    }) : () -> ()
    %scan3A = arith.constant 0 : i32
    %scan3A_3 = arith.constant 0 : i32
    %scan3A_4 = arith.constant 25 : i32
    %scan3A_5 = arith.addi %scan3A_3, %scan3A_4 : i32
    %scan3A_6 = arith.constant 1 : i32
    scf.for %scan3A_37 = %scan3A_3 to %scan3A_5 step %scan3A_6  : i32 {
      %mul3A_38 = arith.constant 5 : i32
      %mul3A_39 = arith.muli %scan3A_37, %mul3A_38 : i32
      %add3A_40 = arith.constant 0 : i32
      %add3A_41 = arith.addi %mul3A_39, %add3A_40 : i32
      %gt3A = arith.constant 0 : i32
      %gt3A_42 = arith.cmpi sgt, %scan3A_37, %gt3A : i32
      %convert_element_type3A = arith.extui %gt3A_42 : i1 to i32
      %cond3A = arith.constant 0 : i32
      %cond3A_43 = arith.cmpi ne, %convert_element_type3A, %cond3A : i32
      scf.if %cond3A_43 {
        %sub3A = arith.constant 5 : i32
        %sub3A_204 = arith.subi %add3A_41, %sub3A : i32
        %mul3A_205 = arith.constant 80 : i32
        %mul3A_206 = arith.muli %sub3A_204, %mul3A_205 : i32
        %add3A_207 = arith.addi %mul3A_2, %mul3A_206 : i32
        %dma_wait3A_208 = arith.constant 0 : i32
        %dma_wait3A_209 = tpu.memref_slice %arg4[%add3A_207, %dma_wait3A_208] : memref<320000x128xi32, #tpu.memory_space<hbm>> -> memref<80x128xi32, #tpu.memory_space<hbm>>
        %dma_wait3A_210 = arith.constant 0 : i32
        %dma_wait3A_211 = tpu.memref_slice %arg4[%add3A_207, %dma_wait3A_210] : memref<320000x128xi32, #tpu.memory_space<hbm>> -> memref<80x128xi32, #tpu.memory_space<hbm>>
        tpu.wait_dma2 semaphore(%arg16 : memref<!tpu.dma_semaphore, #tpu.memory_space<semaphore_mem>>) src(%arg6 : memref<80x128xi32, #tpu.memory_space<vmem>>) dst(%dma_wait3A_211 : memref<80x128xi32, #tpu.memory_space<hbm>>)
      } else {
      }
      %dma_start3A = arith.constant 0 : i32
      %dma_start3A_44 = arith.constant 0 : i32
      %dma_start3A_45 = tpu.memref_slice %arg5[%dma_start3A, %add3A_41, %dma_start3A_44] : memref<1x125x80xi32, #tpu.memory_space<vmem>> -> memref<1x1x80xi32, #tpu.memory_space<vmem>>
      %dma_start3A_46 = tpu.memref_squeeze %dma_start3A_45 : memref<1x1x80xi32, #tpu.memory_space<vmem>> -> memref<80xi32, #tpu.memory_space<vmem>>
      %dma_start3A_47 = arith.constant 0 : i32
      %dma_start3A_48 = arith.constant 0 : i32
      %dma_start3A_49 = tpu.memref_slice %arg2[%dma_start3A_47, %dma_start3A_48] : memref<10000x128xi32, #tpu.memory_space<hbm>> -> memref<10000x128xi32, #tpu.memory_space<hbm>>
      tpu.enqueue_indirect_dma source(%dma_start3A_49 : memref<10000x128xi32, #tpu.memory_space<hbm>>) target(%arg6 : memref<80x128xi32, #tpu.memory_space<vmem>>) offsets(%dma_start3A_46 : memref<80xi32, #tpu.memory_space<vmem>>) semaphore(%arg11 : memref<!tpu.dma_semaphore, #tpu.memory_space<semaphore_mem>>)
      %mul3A_50 = arith.constant 5 : i32
      %mul3A_51 = arith.muli %scan3A_37, %mul3A_50 : i32
      %add3A_52 = arith.constant 1 : i32
      %add3A_53 = arith.addi %mul3A_51, %add3A_52 : i32
      %gt3A_54 = arith.constant 0 : i32
      %gt3A_55 = arith.cmpi sgt, %scan3A_37, %gt3A_54 : i32
      %convert_element_type3A_56 = arith.extui %gt3A_55 : i1 to i32
      %cond3A_57 = arith.constant 0 : i32
      %cond3A_58 = arith.cmpi ne, %convert_element_type3A_56, %cond3A_57 : i32
      scf.if %cond3A_58 {
        %sub3A = arith.constant 5 : i32
        %sub3A_204 = arith.subi %add3A_53, %sub3A : i32
        %mul3A_205 = arith.constant 80 : i32
        %mul3A_206 = arith.muli %sub3A_204, %mul3A_205 : i32
        %add3A_207 = arith.addi %mul3A_2, %mul3A_206 : i32
        %dma_wait3A_208 = arith.constant 0 : i32
        %dma_wait3A_209 = tpu.memref_slice %arg4[%add3A_207, %dma_wait3A_208] : memref<320000x128xi32, #tpu.memory_space<hbm>> -> memref<80x128xi32, #tpu.memory_space<hbm>>
        %dma_wait3A_210 = arith.constant 0 : i32
        %dma_wait3A_211 = tpu.memref_slice %arg4[%add3A_207, %dma_wait3A_210] : memref<320000x128xi32, #tpu.memory_space<hbm>> -> memref<80x128xi32, #tpu.memory_space<hbm>>
        tpu.wait_dma2 semaphore(%arg17 : memref<!tpu.dma_semaphore, #tpu.memory_space<semaphore_mem>>) src(%arg7 : memref<80x128xi32, #tpu.memory_space<vmem>>) dst(%dma_wait3A_211 : memref<80x128xi32, #tpu.memory_space<hbm>>)
      } else {
      }
      %dma_start3A_59 = arith.constant 0 : i32
      %dma_start3A_60 = arith.constant 0 : i32
      %dma_start3A_61 = tpu.memref_slice %arg5[%dma_start3A_59, %add3A_53, %dma_start3A_60] : memref<1x125x80xi32, #tpu.memory_space<vmem>> -> memref<1x1x80xi32, #tpu.memory_space<vmem>>
      %dma_start3A_62 = tpu.memref_squeeze %dma_start3A_61 : memref<1x1x80xi32, #tpu.memory_space<vmem>> -> memref<80xi32, #tpu.memory_space<vmem>>
      %dma_start3A_63 = arith.constant 0 : i32
      %dma_start3A_64 = arith.constant 0 : i32
      %dma_start3A_65 = tpu.memref_slice %arg2[%dma_start3A_63, %dma_start3A_64] : memref<10000x128xi32, #tpu.memory_space<hbm>> -> memref<10000x128xi32, #tpu.memory_space<hbm>>
      tpu.enqueue_indirect_dma source(%dma_start3A_65 : memref<10000x128xi32, #tpu.memory_space<hbm>>) target(%arg7 : memref<80x128xi32, #tpu.memory_space<vmem>>) offsets(%dma_start3A_62 : memref<80xi32, #tpu.memory_space<vmem>>) semaphore(%arg12 : memref<!tpu.dma_semaphore, #tpu.memory_space<semaphore_mem>>)
      %mul3A_66 = arith.constant 5 : i32
      %mul3A_67 = arith.muli %scan3A_37, %mul3A_66 : i32
      %add3A_68 = arith.constant 2 : i32
      %add3A_69 = arith.addi %mul3A_67, %add3A_68 : i32
      %gt3A_70 = arith.constant 0 : i32
      %gt3A_71 = arith.cmpi sgt, %scan3A_37, %gt3A_70 : i32
      %convert_element_type3A_72 = arith.extui %gt3A_71 : i1 to i32
      %cond3A_73 = arith.constant 0 : i32
      %cond3A_74 = arith.cmpi ne, %convert_element_type3A_72, %cond3A_73 : i32
      scf.if %cond3A_74 {
        %sub3A = arith.constant 5 : i32
        %sub3A_204 = arith.subi %add3A_69, %sub3A : i32
        %mul3A_205 = arith.constant 80 : i32
        %mul3A_206 = arith.muli %sub3A_204, %mul3A_205 : i32
        %add3A_207 = arith.addi %mul3A_2, %mul3A_206 : i32
        %dma_wait3A_208 = arith.constant 0 : i32
        %dma_wait3A_209 = tpu.memref_slice %arg4[%add3A_207, %dma_wait3A_208] : memref<320000x128xi32, #tpu.memory_space<hbm>> -> memref<80x128xi32, #tpu.memory_space<hbm>>
        %dma_wait3A_210 = arith.constant 0 : i32
        %dma_wait3A_211 = tpu.memref_slice %arg4[%add3A_207, %dma_wait3A_210] : memref<320000x128xi32, #tpu.memory_space<hbm>> -> memref<80x128xi32, #tpu.memory_space<hbm>>
        tpu.wait_dma2 semaphore(%arg18 : memref<!tpu.dma_semaphore, #tpu.memory_space<semaphore_mem>>) src(%arg8 : memref<80x128xi32, #tpu.memory_space<vmem>>) dst(%dma_wait3A_211 : memref<80x128xi32, #tpu.memory_space<hbm>>)
      } else {
      }
      %dma_start3A_75 = arith.constant 0 : i32
      %dma_start3A_76 = arith.constant 0 : i32
      %dma_start3A_77 = tpu.memref_slice %arg5[%dma_start3A_75, %add3A_69, %dma_start3A_76] : memref<1x125x80xi32, #tpu.memory_space<vmem>> -> memref<1x1x80xi32, #tpu.memory_space<vmem>>
      %dma_start3A_78 = tpu.memref_squeeze %dma_start3A_77 : memref<1x1x80xi32, #tpu.memory_space<vmem>> -> memref<80xi32, #tpu.memory_space<vmem>>
      %dma_start3A_79 = arith.constant 0 : i32
      %dma_start3A_80 = arith.constant 0 : i32
      %dma_start3A_81 = tpu.memref_slice %arg2[%dma_start3A_79, %dma_start3A_80] : memref<10000x128xi32, #tpu.memory_space<hbm>> -> memref<10000x128xi32, #tpu.memory_space<hbm>>
      tpu.enqueue_indirect_dma source(%dma_start3A_81 : memref<10000x128xi32, #tpu.memory_space<hbm>>) target(%arg8 : memref<80x128xi32, #tpu.memory_space<vmem>>) offsets(%dma_start3A_78 : memref<80xi32, #tpu.memory_space<vmem>>) semaphore(%arg13 : memref<!tpu.dma_semaphore, #tpu.memory_space<semaphore_mem>>)
      %mul3A_82 = arith.constant 5 : i32
      %mul3A_83 = arith.muli %scan3A_37, %mul3A_82 : i32
      %add3A_84 = arith.constant 3 : i32
      %add3A_85 = arith.addi %mul3A_83, %add3A_84 : i32
      %gt3A_86 = arith.constant 0 : i32
      %gt3A_87 = arith.cmpi sgt, %scan3A_37, %gt3A_86 : i32
      %convert_element_type3A_88 = arith.extui %gt3A_87 : i1 to i32
      %cond3A_89 = arith.constant 0 : i32
      %cond3A_90 = arith.cmpi ne, %convert_element_type3A_88, %cond3A_89 : i32
      scf.if %cond3A_90 {
        %sub3A = arith.constant 5 : i32
        %sub3A_204 = arith.subi %add3A_85, %sub3A : i32
        %mul3A_205 = arith.constant 80 : i32
        %mul3A_206 = arith.muli %sub3A_204, %mul3A_205 : i32
        %add3A_207 = arith.addi %mul3A_2, %mul3A_206 : i32
        %dma_wait3A_208 = arith.constant 0 : i32
        %dma_wait3A_209 = tpu.memref_slice %arg4[%add3A_207, %dma_wait3A_208] : memref<320000x128xi32, #tpu.memory_space<hbm>> -> memref<80x128xi32, #tpu.memory_space<hbm>>
        %dma_wait3A_210 = arith.constant 0 : i32
        %dma_wait3A_211 = tpu.memref_slice %arg4[%add3A_207, %dma_wait3A_210] : memref<320000x128xi32, #tpu.memory_space<hbm>> -> memref<80x128xi32, #tpu.memory_space<hbm>>
        tpu.wait_dma2 semaphore(%arg19 : memref<!tpu.dma_semaphore, #tpu.memory_space<semaphore_mem>>) src(%arg9 : memref<80x128xi32, #tpu.memory_space<vmem>>) dst(%dma_wait3A_211 : memref<80x128xi32, #tpu.memory_space<hbm>>)
      } else {
      }
      %dma_start3A_91 = arith.constant 0 : i32
      %dma_start3A_92 = arith.constant 0 : i32
      %dma_start3A_93 = tpu.memref_slice %arg5[%dma_start3A_91, %add3A_85, %dma_start3A_92] : memref<1x125x80xi32, #tpu.memory_space<vmem>> -> memref<1x1x80xi32, #tpu.memory_space<vmem>>
      %dma_start3A_94 = tpu.memref_squeeze %dma_start3A_93 : memref<1x1x80xi32, #tpu.memory_space<vmem>> -> memref<80xi32, #tpu.memory_space<vmem>>
      %dma_start3A_95 = arith.constant 0 : i32
      %dma_start3A_96 = arith.constant 0 : i32
      %dma_start3A_97 = tpu.memref_slice %arg2[%dma_start3A_95, %dma_start3A_96] : memref<10000x128xi32, #tpu.memory_space<hbm>> -> memref<10000x128xi32, #tpu.memory_space<hbm>>
      tpu.enqueue_indirect_dma source(%dma_start3A_97 : memref<10000x128xi32, #tpu.memory_space<hbm>>) target(%arg9 : memref<80x128xi32, #tpu.memory_space<vmem>>) offsets(%dma_start3A_94 : memref<80xi32, #tpu.memory_space<vmem>>) semaphore(%arg14 : memref<!tpu.dma_semaphore, #tpu.memory_space<semaphore_mem>>)
      %mul3A_98 = arith.constant 5 : i32
      %mul3A_99 = arith.muli %scan3A_37, %mul3A_98 : i32
      %add3A_100 = arith.constant 4 : i32
      %add3A_101 = arith.addi %mul3A_99, %add3A_100 : i32
      %gt3A_102 = arith.constant 0 : i32
      %gt3A_103 = arith.cmpi sgt, %scan3A_37, %gt3A_102 : i32
      %convert_element_type3A_104 = arith.extui %gt3A_103 : i1 to i32
      %cond3A_105 = arith.constant 0 : i32
      %cond3A_106 = arith.cmpi ne, %convert_element_type3A_104, %cond3A_105 : i32
      scf.if %cond3A_106 {
        %sub3A = arith.constant 5 : i32
        %sub3A_204 = arith.subi %add3A_101, %sub3A : i32
        %mul3A_205 = arith.constant 80 : i32
        %mul3A_206 = arith.muli %sub3A_204, %mul3A_205 : i32
        %add3A_207 = arith.addi %mul3A_2, %mul3A_206 : i32
        %dma_wait3A_208 = arith.constant 0 : i32
        %dma_wait3A_209 = tpu.memref_slice %arg4[%add3A_207, %dma_wait3A_208] : memref<320000x128xi32, #tpu.memory_space<hbm>> -> memref<80x128xi32, #tpu.memory_space<hbm>>
        %dma_wait3A_210 = arith.constant 0 : i32
        %dma_wait3A_211 = tpu.memref_slice %arg4[%add3A_207, %dma_wait3A_210] : memref<320000x128xi32, #tpu.memory_space<hbm>> -> memref<80x128xi32, #tpu.memory_space<hbm>>
        tpu.wait_dma2 semaphore(%arg20 : memref<!tpu.dma_semaphore, #tpu.memory_space<semaphore_mem>>) src(%arg10 : memref<80x128xi32, #tpu.memory_space<vmem>>) dst(%dma_wait3A_211 : memref<80x128xi32, #tpu.memory_space<hbm>>)
      } else {
      }
      %dma_start3A_107 = arith.constant 0 : i32
      %dma_start3A_108 = arith.constant 0 : i32
      %dma_start3A_109 = tpu.memref_slice %arg5[%dma_start3A_107, %add3A_101, %dma_start3A_108] : memref<1x125x80xi32, #tpu.memory_space<vmem>> -> memref<1x1x80xi32, #tpu.memory_space<vmem>>
      %dma_start3A_110 = tpu.memref_squeeze %dma_start3A_109 : memref<1x1x80xi32, #tpu.memory_space<vmem>> -> memref<80xi32, #tpu.memory_space<vmem>>
      %dma_start3A_111 = arith.constant 0 : i32
      %dma_start3A_112 = arith.constant 0 : i32
      %dma_start3A_113 = tpu.memref_slice %arg2[%dma_start3A_111, %dma_start3A_112] : memref<10000x128xi32, #tpu.memory_space<hbm>> -> memref<10000x128xi32, #tpu.memory_space<hbm>>
      tpu.enqueue_indirect_dma source(%dma_start3A_113 : memref<10000x128xi32, #tpu.memory_space<hbm>>) target(%arg10 : memref<80x128xi32, #tpu.memory_space<vmem>>) offsets(%dma_start3A_110 : memref<80xi32, #tpu.memory_space<vmem>>) semaphore(%arg15 : memref<!tpu.dma_semaphore, #tpu.memory_space<semaphore_mem>>)
      %mul3A_114 = arith.constant 5 : i32
      %mul3A_115 = arith.muli %scan3A_37, %mul3A_114 : i32
      %add3A_116 = arith.constant 0 : i32
      %add3A_117 = arith.addi %mul3A_115, %add3A_116 : i32
      %mul3A_118 = arith.constant 80 : i32
      %mul3A_119 = arith.muli %add3A_117, %mul3A_118 : i32
      %add3A_120 = arith.addi %mul3A_2, %mul3A_119 : i32
      %dma_wait3A_121 = arith.constant 0 : i32
      %dma_wait3A_122 = arith.constant 0 : i32
      %dma_wait3A_123 = tpu.memref_slice %arg5[%dma_wait3A_121, %add3A_117, %dma_wait3A_122] : memref<1x125x80xi32, #tpu.memory_space<vmem>> -> memref<1x1x80xi32, #tpu.memory_space<vmem>>
      %dma_wait3A_124 = tpu.memref_squeeze %dma_wait3A_123 : memref<1x1x80xi32, #tpu.memory_space<vmem>> -> memref<80xi32, #tpu.memory_space<vmem>>
      %dma_wait3A_125 = arith.constant 0 : i32
      %dma_wait3A_126 = arith.constant 0 : i32
      %dma_wait3A_127 = tpu.memref_slice %arg2[%dma_wait3A_125, %dma_wait3A_126] : memref<10000x128xi32, #tpu.memory_space<hbm>> -> memref<10000x128xi32, #tpu.memory_space<hbm>>
      tpu.wait_indirect_dma semaphore(%arg11 : memref<!tpu.dma_semaphore, #tpu.memory_space<semaphore_mem>>) src(%dma_wait3A_127 : memref<10000x128xi32, #tpu.memory_space<hbm>>) dst(%arg6 : memref<80x128xi32, #tpu.memory_space<vmem>>)
      %dma_start3A_128 = arith.constant 0 : i32
      %dma_start3A_129 = tpu.memref_slice %arg4[%add3A_120, %dma_start3A_128] : memref<320000x128xi32, #tpu.memory_space<hbm>> -> memref<80x128xi32, #tpu.memory_space<hbm>>
      %dma_start3A_130 = arith.constant 0 : i32
      %dma_start3A_131 = tpu.memref_slice %arg4[%add3A_120, %dma_start3A_130] : memref<320000x128xi32, #tpu.memory_space<hbm>> -> memref<80x128xi32, #tpu.memory_space<hbm>>
      tpu.enqueue_dma source(%arg6 : memref<80x128xi32, #tpu.memory_space<vmem>>) target(%dma_start3A_131 : memref<80x128xi32, #tpu.memory_space<hbm>>) target_semaphore(%arg16 : memref<!tpu.dma_semaphore, #tpu.memory_space<semaphore_mem>>)
      %mul3A_132 = arith.constant 5 : i32
      %mul3A_133 = arith.muli %scan3A_37, %mul3A_132 : i32
      %add3A_134 = arith.constant 1 : i32
      %add3A_135 = arith.addi %mul3A_133, %add3A_134 : i32
      %mul3A_136 = arith.constant 80 : i32
      %mul3A_137 = arith.muli %add3A_135, %mul3A_136 : i32
      %add3A_138 = arith.addi %mul3A_2, %mul3A_137 : i32
      %dma_wait3A_139 = arith.constant 0 : i32
      %dma_wait3A_140 = arith.constant 0 : i32
      %dma_wait3A_141 = tpu.memref_slice %arg5[%dma_wait3A_139, %add3A_135, %dma_wait3A_140] : memref<1x125x80xi32, #tpu.memory_space<vmem>> -> memref<1x1x80xi32, #tpu.memory_space<vmem>>
      %dma_wait3A_142 = tpu.memref_squeeze %dma_wait3A_141 : memref<1x1x80xi32, #tpu.memory_space<vmem>> -> memref<80xi32, #tpu.memory_space<vmem>>
      %dma_wait3A_143 = arith.constant 0 : i32
      %dma_wait3A_144 = arith.constant 0 : i32
      %dma_wait3A_145 = tpu.memref_slice %arg2[%dma_wait3A_143, %dma_wait3A_144] : memref<10000x128xi32, #tpu.memory_space<hbm>> -> memref<10000x128xi32, #tpu.memory_space<hbm>>
      tpu.wait_indirect_dma semaphore(%arg12 : memref<!tpu.dma_semaphore, #tpu.memory_space<semaphore_mem>>) src(%dma_wait3A_145 : memref<10000x128xi32, #tpu.memory_space<hbm>>) dst(%arg7 : memref<80x128xi32, #tpu.memory_space<vmem>>)
      %dma_start3A_146 = arith.constant 0 : i32
      %dma_start3A_147 = tpu.memref_slice %arg4[%add3A_138, %dma_start3A_146] : memref<320000x128xi32, #tpu.memory_space<hbm>> -> memref<80x128xi32, #tpu.memory_space<hbm>>
      %dma_start3A_148 = arith.constant 0 : i32
      %dma_start3A_149 = tpu.memref_slice %arg4[%add3A_138, %dma_start3A_148] : memref<320000x128xi32, #tpu.memory_space<hbm>> -> memref<80x128xi32, #tpu.memory_space<hbm>>
      tpu.enqueue_dma source(%arg7 : memref<80x128xi32, #tpu.memory_space<vmem>>) target(%dma_start3A_149 : memref<80x128xi32, #tpu.memory_space<hbm>>) target_semaphore(%arg17 : memref<!tpu.dma_semaphore, #tpu.memory_space<semaphore_mem>>)
      %mul3A_150 = arith.constant 5 : i32
      %mul3A_151 = arith.muli %scan3A_37, %mul3A_150 : i32
      %add3A_152 = arith.constant 2 : i32
      %add3A_153 = arith.addi %mul3A_151, %add3A_152 : i32
      %mul3A_154 = arith.constant 80 : i32
      %mul3A_155 = arith.muli %add3A_153, %mul3A_154 : i32
      %add3A_156 = arith.addi %mul3A_2, %mul3A_155 : i32
      %dma_wait3A_157 = arith.constant 0 : i32
      %dma_wait3A_158 = arith.constant 0 : i32
      %dma_wait3A_159 = tpu.memref_slice %arg5[%dma_wait3A_157, %add3A_153, %dma_wait3A_158] : memref<1x125x80xi32, #tpu.memory_space<vmem>> -> memref<1x1x80xi32, #tpu.memory_space<vmem>>
      %dma_wait3A_160 = tpu.memref_squeeze %dma_wait3A_159 : memref<1x1x80xi32, #tpu.memory_space<vmem>> -> memref<80xi32, #tpu.memory_space<vmem>>
      %dma_wait3A_161 = arith.constant 0 : i32
      %dma_wait3A_162 = arith.constant 0 : i32
      %dma_wait3A_163 = tpu.memref_slice %arg2[%dma_wait3A_161, %dma_wait3A_162] : memref<10000x128xi32, #tpu.memory_space<hbm>> -> memref<10000x128xi32, #tpu.memory_space<hbm>>
      tpu.wait_indirect_dma semaphore(%arg13 : memref<!tpu.dma_semaphore, #tpu.memory_space<semaphore_mem>>) src(%dma_wait3A_163 : memref<10000x128xi32, #tpu.memory_space<hbm>>) dst(%arg8 : memref<80x128xi32, #tpu.memory_space<vmem>>)
      %dma_start3A_164 = arith.constant 0 : i32
      %dma_start3A_165 = tpu.memref_slice %arg4[%add3A_156, %dma_start3A_164] : memref<320000x128xi32, #tpu.memory_space<hbm>> -> memref<80x128xi32, #tpu.memory_space<hbm>>
      %dma_start3A_166 = arith.constant 0 : i32
      %dma_start3A_167 = tpu.memref_slice %arg4[%add3A_156, %dma_start3A_166] : memref<320000x128xi32, #tpu.memory_space<hbm>> -> memref<80x128xi32, #tpu.memory_space<hbm>>
      tpu.enqueue_dma source(%arg8 : memref<80x128xi32, #tpu.memory_space<vmem>>) target(%dma_start3A_167 : memref<80x128xi32, #tpu.memory_space<hbm>>) target_semaphore(%arg18 : memref<!tpu.dma_semaphore, #tpu.memory_space<semaphore_mem>>)
      %mul3A_168 = arith.constant 5 : i32
      %mul3A_169 = arith.muli %scan3A_37, %mul3A_168 : i32
      %add3A_170 = arith.constant 3 : i32
      %add3A_171 = arith.addi %mul3A_169, %add3A_170 : i32
      %mul3A_172 = arith.constant 80 : i32
      %mul3A_173 = arith.muli %add3A_171, %mul3A_172 : i32
      %add3A_174 = arith.addi %mul3A_2, %mul3A_173 : i32
      %dma_wait3A_175 = arith.constant 0 : i32
      %dma_wait3A_176 = arith.constant 0 : i32
      %dma_wait3A_177 = tpu.memref_slice %arg5[%dma_wait3A_175, %add3A_171, %dma_wait3A_176] : memref<1x125x80xi32, #tpu.memory_space<vmem>> -> memref<1x1x80xi32, #tpu.memory_space<vmem>>
      %dma_wait3A_178 = tpu.memref_squeeze %dma_wait3A_177 : memref<1x1x80xi32, #tpu.memory_space<vmem>> -> memref<80xi32, #tpu.memory_space<vmem>>
      %dma_wait3A_179 = arith.constant 0 : i32
      %dma_wait3A_180 = arith.constant 0 : i32
      %dma_wait3A_181 = tpu.memref_slice %arg2[%dma_wait3A_179, %dma_wait3A_180] : memref<10000x128xi32, #tpu.memory_space<hbm>> -> memref<10000x128xi32, #tpu.memory_space<hbm>>
      tpu.wait_indirect_dma semaphore(%arg14 : memref<!tpu.dma_semaphore, #tpu.memory_space<semaphore_mem>>) src(%dma_wait3A_181 : memref<10000x128xi32, #tpu.memory_space<hbm>>) dst(%arg9 : memref<80x128xi32, #tpu.memory_space<vmem>>)
      %dma_start3A_182 = arith.constant 0 : i32
      %dma_start3A_183 = tpu.memref_slice %arg4[%add3A_174, %dma_start3A_182] : memref<320000x128xi32, #tpu.memory_space<hbm>> -> memref<80x128xi32, #tpu.memory_space<hbm>>
      %dma_start3A_184 = arith.constant 0 : i32
      %dma_start3A_185 = tpu.memref_slice %arg4[%add3A_174, %dma_start3A_184] : memref<320000x128xi32, #tpu.memory_space<hbm>> -> memref<80x128xi32, #tpu.memory_space<hbm>>
      tpu.enqueue_dma source(%arg9 : memref<80x128xi32, #tpu.memory_space<vmem>>) target(%dma_start3A_185 : memref<80x128xi32, #tpu.memory_space<hbm>>) target_semaphore(%arg19 : memref<!tpu.dma_semaphore, #tpu.memory_space<semaphore_mem>>)
      %mul3A_186 = arith.constant 5 : i32
      %mul3A_187 = arith.muli %scan3A_37, %mul3A_186 : i32
      %add3A_188 = arith.constant 4 : i32
      %add3A_189 = arith.addi %mul3A_187, %add3A_188 : i32
      %mul3A_190 = arith.constant 80 : i32
      %mul3A_191 = arith.muli %add3A_189, %mul3A_190 : i32
      %add3A_192 = arith.addi %mul3A_2, %mul3A_191 : i32
      %dma_wait3A_193 = arith.constant 0 : i32
      %dma_wait3A_194 = arith.constant 0 : i32
      %dma_wait3A_195 = tpu.memref_slice %arg5[%dma_wait3A_193, %add3A_189, %dma_wait3A_194] : memref<1x125x80xi32, #tpu.memory_space<vmem>> -> memref<1x1x80xi32, #tpu.memory_space<vmem>>
      %dma_wait3A_196 = tpu.memref_squeeze %dma_wait3A_195 : memref<1x1x80xi32, #tpu.memory_space<vmem>> -> memref<80xi32, #tpu.memory_space<vmem>>
      %dma_wait3A_197 = arith.constant 0 : i32
      %dma_wait3A_198 = arith.constant 0 : i32
      %dma_wait3A_199 = tpu.memref_slice %arg2[%dma_wait3A_197, %dma_wait3A_198] : memref<10000x128xi32, #tpu.memory_space<hbm>> -> memref<10000x128xi32, #tpu.memory_space<hbm>>
      tpu.wait_indirect_dma semaphore(%arg15 : memref<!tpu.dma_semaphore, #tpu.memory_space<semaphore_mem>>) src(%dma_wait3A_199 : memref<10000x128xi32, #tpu.memory_space<hbm>>) dst(%arg10 : memref<80x128xi32, #tpu.memory_space<vmem>>)
      %dma_start3A_200 = arith.constant 0 : i32
      %dma_start3A_201 = tpu.memref_slice %arg4[%add3A_192, %dma_start3A_200] : memref<320000x128xi32, #tpu.memory_space<hbm>> -> memref<80x128xi32, #tpu.memory_space<hbm>>
      %dma_start3A_202 = arith.constant 0 : i32
      %dma_start3A_203 = tpu.memref_slice %arg4[%add3A_192, %dma_start3A_202] : memref<320000x128xi32, #tpu.memory_space<hbm>> -> memref<80x128xi32, #tpu.memory_space<hbm>>
      tpu.enqueue_dma source(%arg10 : memref<80x128xi32, #tpu.memory_space<vmem>>) target(%dma_start3A_203 : memref<80x128xi32, #tpu.memory_space<hbm>>) target_semaphore(%arg20 : memref<!tpu.dma_semaphore, #tpu.memory_space<semaphore_mem>>)
    }
    %scan3A_7 = arith.constant 25 : i32
    %add3A_8 = arith.constant 9600 : i32
    %add3A_9 = arith.addi %mul3A_2, %add3A_8 : i32
    %dma_wait3A = arith.constant 0 : i32
    %dma_wait3A_10 = tpu.memref_slice %arg4[%add3A_9, %dma_wait3A] : memref<320000x128xi32, #tpu.memory_space<hbm>> -> memref<80x128xi32, #tpu.memory_space<hbm>>
    %dma_wait3A_11 = arith.constant 0 : i32
    %dma_wait3A_12 = tpu.memref_slice %arg4[%add3A_9, %dma_wait3A_11] : memref<320000x128xi32, #tpu.memory_space<hbm>> -> memref<80x128xi32, #tpu.memory_space<hbm>>
    tpu.wait_dma2 semaphore(%arg16 : memref<!tpu.dma_semaphore, #tpu.memory_space<semaphore_mem>>) src(%arg6 : memref<80x128xi32, #tpu.memory_space<vmem>>) dst(%dma_wait3A_12 : memref<80x128xi32, #tpu.memory_space<hbm>>)
    %add3A_13 = arith.constant 9680 : i32
    %add3A_14 = arith.addi %mul3A_2, %add3A_13 : i32
    %dma_wait3A_15 = arith.constant 0 : i32
    %dma_wait3A_16 = tpu.memref_slice %arg4[%add3A_14, %dma_wait3A_15] : memref<320000x128xi32, #tpu.memory_space<hbm>> -> memref<80x128xi32, #tpu.memory_space<hbm>>
    %dma_wait3A_17 = arith.constant 0 : i32
    %dma_wait3A_18 = tpu.memref_slice %arg4[%add3A_14, %dma_wait3A_17] : memref<320000x128xi32, #tpu.memory_space<hbm>> -> memref<80x128xi32, #tpu.memory_space<hbm>>
    tpu.wait_dma2 semaphore(%arg17 : memref<!tpu.dma_semaphore, #tpu.memory_space<semaphore_mem>>) src(%arg7 : memref<80x128xi32, #tpu.memory_space<vmem>>) dst(%dma_wait3A_18 : memref<80x128xi32, #tpu.memory_space<hbm>>)
    %add3A_19 = arith.constant 9760 : i32
    %add3A_20 = arith.addi %mul3A_2, %add3A_19 : i32
    %dma_wait3A_21 = arith.constant 0 : i32
    %dma_wait3A_22 = tpu.memref_slice %arg4[%add3A_20, %dma_wait3A_21] : memref<320000x128xi32, #tpu.memory_space<hbm>> -> memref<80x128xi32, #tpu.memory_space<hbm>>
    %dma_wait3A_23 = arith.constant 0 : i32
    %dma_wait3A_24 = tpu.memref_slice %arg4[%add3A_20, %dma_wait3A_23] : memref<320000x128xi32, #tpu.memory_space<hbm>> -> memref<80x128xi32, #tpu.memory_space<hbm>>
    tpu.wait_dma2 semaphore(%arg18 : memref<!tpu.dma_semaphore, #tpu.memory_space<semaphore_mem>>) src(%arg8 : memref<80x128xi32, #tpu.memory_space<vmem>>) dst(%dma_wait3A_24 : memref<80x128xi32, #tpu.memory_space<hbm>>)
    %add3A_25 = arith.constant 9840 : i32
    %add3A_26 = arith.addi %mul3A_2, %add3A_25 : i32
    %dma_wait3A_27 = arith.constant 0 : i32
    %dma_wait3A_28 = tpu.memref_slice %arg4[%add3A_26, %dma_wait3A_27] : memref<320000x128xi32, #tpu.memory_space<hbm>> -> memref<80x128xi32, #tpu.memory_space<hbm>>
    %dma_wait3A_29 = arith.constant 0 : i32
    %dma_wait3A_30 = tpu.memref_slice %arg4[%add3A_26, %dma_wait3A_29] : memref<320000x128xi32, #tpu.memory_space<hbm>> -> memref<80x128xi32, #tpu.memory_space<hbm>>
    tpu.wait_dma2 semaphore(%arg19 : memref<!tpu.dma_semaphore, #tpu.memory_space<semaphore_mem>>) src(%arg9 : memref<80x128xi32, #tpu.memory_space<vmem>>) dst(%dma_wait3A_30 : memref<80x128xi32, #tpu.memory_space<hbm>>)
    %add3A_31 = arith.constant 9920 : i32
    %add3A_32 = arith.addi %mul3A_2, %add3A_31 : i32
    %dma_wait3A_33 = arith.constant 0 : i32
    %dma_wait3A_34 = tpu.memref_slice %arg4[%add3A_32, %dma_wait3A_33] : memref<320000x128xi32, #tpu.memory_space<hbm>> -> memref<80x128xi32, #tpu.memory_space<hbm>>
    %dma_wait3A_35 = arith.constant 0 : i32
    %dma_wait3A_36 = tpu.memref_slice %arg4[%add3A_32, %dma_wait3A_35] : memref<320000x128xi32, #tpu.memory_space<hbm>> -> memref<80x128xi32, #tpu.memory_space<hbm>>
    tpu.wait_dma2 semaphore(%arg20 : memref<!tpu.dma_semaphore, #tpu.memory_space<semaphore_mem>>) src(%arg10 : memref<80x128xi32, #tpu.memory_space<vmem>>) dst(%dma_wait3A_36 : memref<80x128xi32, #tpu.memory_space<hbm>>)
    return
  }
}

module attributes {stable_mosaic.version = 14 : i64} {
  func.func @_node_proj_body(%arg0: i32, %arg1: memref<2000x128xf32, #tpu.memory_space<vmem>>, %arg2: memref<128x128xf32, #tpu.memory_space<vmem>>, %arg3: memref<1x128xf32, #tpu.memory_space<vmem>>, %arg4: memref<128x128xf32, #tpu.memory_space<vmem>>, %arg5: memref<1x128xf32, #tpu.memory_space<vmem>>, %arg6: memref<128x128xf32, #tpu.memory_space<vmem>>, %arg7: memref<1x128xf32, #tpu.memory_space<vmem>>, %arg8: memref<2000x128xf32, #tpu.memory_space<vmem>>, %arg9: memref<2000x128xi32, #tpu.memory_space<vmem>>) attributes {dimension_semantics = [#tpu.dimension_semantics<arbitrary>], iteration_bounds = array<i64: 5>, scalar_prefetch = 0 : i64, scratch_operands = 0 : i64, tpu.core_type = #tpu.core_type<tc>, window_params = [{transform_indices = @transform_0, window_bounds = array<i64: 2000, 128>}, {pipeline_mode = #tpu.pipeline_mode<synchronous>, transform_indices = @transform_1, window_bounds = array<i64: 128, 128>}, {pipeline_mode = #tpu.pipeline_mode<synchronous>, transform_indices = @transform_2, window_bounds = array<i64: 1, 128>}, {pipeline_mode = #tpu.pipeline_mode<synchronous>, transform_indices = @transform_3, window_bounds = array<i64: 128, 128>}, {pipeline_mode = #tpu.pipeline_mode<synchronous>, transform_indices = @transform_4, window_bounds = array<i64: 1, 128>}, {pipeline_mode = #tpu.pipeline_mode<synchronous>, transform_indices = @transform_5, window_bounds = array<i64: 128, 128>}, {pipeline_mode = #tpu.pipeline_mode<synchronous>, transform_indices = @transform_6, window_bounds = array<i64: 1, 128>}, {transform_indices = @transform_7, window_bounds = array<i64: 2000, 128>}, {transform_indices = @transform_8, window_bounds = array<i64: 2000, 128>}]} {
    %get3A = arith.constant 0 : index
    %get3A_0 = arith.constant 0 : index
    %get3A_1 = vector.load %arg1[%get3A, %get3A_0] : memref<2000x128xf32, #tpu.memory_space<vmem>>, vector<2000x128xf32>
    %get3A_2 = arith.constant 0 : index
    %get3A_3 = arith.constant 0 : index
    %get3A_4 = vector.load %arg2[%get3A_2, %get3A_3] : memref<128x128xf32, #tpu.memory_space<vmem>>, vector<128x128xf32>
    %dot_general3A = arith.constant dense<0.000000e+00> : vector<2000x128xf32>
    %dot_general3A_5 = tpu.matmul %get3A_1, %get3A_4, %dot_general3A {dimension_numbers = #tpu.dot_dimension_numbers<[1], [0], [0], [1], [0, 0, 1, 1], [], []>, transpose_lhs_hint = false} : vector<2000x128xf32>, vector<128x128xf32>, vector<2000x128xf32> -> vector<2000x128xf32>
    %get3A_6 = arith.constant 0 : index
    %get3A_7 = arith.constant 0 : index
    %get3A_8 = vector.load %arg3[%get3A_6, %get3A_7] : memref<1x128xf32, #tpu.memory_space<vmem>>, vector<1x128xf32>
    %add3A = vector.broadcast %get3A_8 : vector<1x128xf32> to vector<2000x128xf32>
    %add3A_9 = arith.addf %dot_general3A_5, %add3A : vector<2000x128xf32>
    %max3A = arith.constant 0.000000e+00 : f32
    %max3A_10 = vector.broadcast %max3A : f32 to vector<2000x128xf32>
    %max3A_11 = arith.maximumf %add3A_9, %max3A_10 : vector<2000x128xf32>
    %swap3A = arith.constant 0 : index
    %swap3A_12 = arith.constant 0 : index
    %swap3A_13 = vector.load %arg8[%swap3A, %swap3A_12] : memref<2000x128xf32, #tpu.memory_space<vmem>>, vector<2000x128xf32>
    tpu.vector_store %arg8[%swap3A, %swap3A_12], %max3A_11 {strides = array<i32>} : memref<2000x128xf32, #tpu.memory_space<vmem>>, vector<2000x128xf32>,
    %get3A_14 = arith.constant 0 : index
    %get3A_15 = arith.constant 0 : index
    %get3A_16 = vector.load %arg4[%get3A_14, %get3A_15] : memref<128x128xf32, #tpu.memory_space<vmem>>, vector<128x128xf32>
    %dot_general3A_17 = arith.constant dense<0.000000e+00> : vector<2000x128xf32>
    %dot_general3A_18 = tpu.matmul %get3A_1, %get3A_16, %dot_general3A_17 {dimension_numbers = #tpu.dot_dimension_numbers<[1], [0], [0], [1], [0, 0, 1, 1], [], []>, transpose_lhs_hint = false} : vector<2000x128xf32>, vector<128x128xf32>, vector<2000x128xf32> -> vector<2000x128xf32>
    %get3A_19 = arith.constant 0 : index
    %get3A_20 = arith.constant 0 : index
    %get3A_21 = vector.load %arg5[%get3A_19, %get3A_20] : memref<1x128xf32, #tpu.memory_space<vmem>>, vector<1x128xf32>
    %add3A_22 = vector.broadcast %get3A_21 : vector<1x128xf32> to vector<2000x128xf32>
    %add3A_23 = arith.addf %dot_general3A_18, %add3A_22 : vector<2000x128xf32>
    %get3A_24 = arith.constant 0 : index
    %get3A_25 = arith.constant 0 : index
    %get3A_26 = vector.load %arg6[%get3A_24, %get3A_25] : memref<128x128xf32, #tpu.memory_space<vmem>>, vector<128x128xf32>
    %dot_general3A_27 = arith.constant dense<0.000000e+00> : vector<2000x128xf32>
    %dot_general3A_28 = tpu.matmul %get3A_1, %get3A_26, %dot_general3A_27 {dimension_numbers = #tpu.dot_dimension_numbers<[1], [0], [0], [1], [0, 0, 1, 1], [], []>, transpose_lhs_hint = false} : vector<2000x128xf32>, vector<128x128xf32>, vector<2000x128xf32> -> vector<2000x128xf32>
    %get3A_29 = arith.constant 0 : index
    %get3A_30 = arith.constant 0 : index
    %get3A_31 = vector.load %arg7[%get3A_29, %get3A_30] : memref<1x128xf32, #tpu.memory_space<vmem>>, vector<1x128xf32>
    %add3A_32 = vector.broadcast %get3A_31 : vector<1x128xf32> to vector<2000x128xf32>
    %add3A_33 = arith.addf %dot_general3A_28, %add3A_32 : vector<2000x128xf32>
    %convert_element_type3A = arith.truncf %add3A_23 : vector<2000x128xf32> to vector<2000x128xbf16>
    %bitcast_convert_type3A = tpu.bitcast %convert_element_type3A : vector<2000x128xbf16> -> vector<2000x128xi16>
    %convert_element_type3A_34 = arith.extui %bitcast_convert_type3A : vector<2000x128xi16> to vector<2000x128xi32>
    %convert_element_type3A_35 = arith.truncf %add3A_33 : vector<2000x128xf32> to vector<2000x128xbf16>
    %bitcast_convert_type3A_36 = tpu.bitcast %convert_element_type3A_35 : vector<2000x128xbf16> -> vector<2000x128xi16>
    %convert_element_type3A_37 = arith.extui %bitcast_convert_type3A_36 : vector<2000x128xi16> to vector<2000x128xi32>
    %shift_left3A = arith.constant 16 : i32
    %shift_left3A_38 = vector.broadcast %shift_left3A : i32 to vector<2000x128xi32>
    %shift_left3A_39 = arith.shli %convert_element_type3A_37, %shift_left3A_38 : vector<2000x128xi32>
    %or3A = arith.ori %convert_element_type3A_34, %shift_left3A_39 : vector<2000x128xi32>
    %bitcast_convert_type3A_40 = tpu.bitcast %or3A : vector<2000x128xi32> -> vector<2000x128xi32>
    %swap3A_41 = arith.constant 0 : index
    %swap3A_42 = arith.constant 0 : index
    %swap3A_43 = vector.load %arg9[%swap3A_41, %swap3A_42] : memref<2000x128xi32, #tpu.memory_space<vmem>>, vector<2000x128xi32>
    tpu.vector_store %arg9[%swap3A_41, %swap3A_42], %bitcast_convert_type3A_40 {strides = array<i32>} : memref<2000x128xi32, #tpu.memory_space<vmem>>, vector<2000x128xi32>,
    return
  }
  func.func @transform_0(%arg0: i32) -> (i32, i32) {
    %c0_i32 = arith.constant 0 : i32
    %c0_i32_0 = arith.constant 0 : i32
    return %arg0, %c0_i32 : i32, i32
  }
  func.func @transform_1(%arg0: i32) -> (i32, i32) {
    %c0_i32 = arith.constant 0 : i32
    %c0_i32_0 = arith.constant 0 : i32
    %c0_i32_1 = arith.constant 0 : i32
    return %c0_i32, %c0_i32_0 : i32, i32
  }
  func.func @transform_2(%arg0: i32) -> (i32, i32) {
    %c0_i32 = arith.constant 0 : i32
    %c0_i32_0 = arith.constant 0 : i32
    %c0_i32_1 = arith.constant 0 : i32
    return %c0_i32, %c0_i32_0 : i32, i32
  }
  func.func @transform_3(%arg0: i32) -> (i32, i32) {
    %c0_i32 = arith.constant 0 : i32
    %c0_i32_0 = arith.constant 0 : i32
    %c0_i32_1 = arith.constant 0 : i32
    return %c0_i32, %c0_i32_0 : i32, i32
  }
  func.func @transform_4(%arg0: i32) -> (i32, i32) {
    %c0_i32 = arith.constant 0 : i32
    %c0_i32_0 = arith.constant 0 : i32
    %c0_i32_1 = arith.constant 0 : i32
    return %c0_i32, %c0_i32_0 : i32, i32
  }
  func.func @transform_5(%arg0: i32) -> (i32, i32) {
    %c0_i32 = arith.constant 0 : i32
    %c0_i32_0 = arith.constant 0 : i32
    %c0_i32_1 = arith.constant 0 : i32
    return %c0_i32, %c0_i32_0 : i32, i32
  }
  func.func @transform_6(%arg0: i32) -> (i32, i32) {
    %c0_i32 = arith.constant 0 : i32
    %c0_i32_0 = arith.constant 0 : i32
    %c0_i32_1 = arith.constant 0 : i32
    return %c0_i32, %c0_i32_0 : i32, i32
  }
  func.func @transform_7(%arg0: i32) -> (i32, i32) {
    %c0_i32 = arith.constant 0 : i32
    %c0_i32_0 = arith.constant 0 : i32
    return %arg0, %c0_i32 : i32, i32
  }
  func.func @transform_8(%arg0: i32) -> (i32, i32) {
    %c0_i32 = arith.constant 0 : i32
    %c0_i32_0 = arith.constant 0 : i32
    return %arg0, %c0_i32 : i32, i32
  }
}

module attributes {stable_mosaic.version = 14 : i64} {
  func.func @_msg_body(%arg0: i32, %arg1: memref<2000x16xf32, #tpu.memory_space<vmem>>, %arg2: memref<16x128xf32, #tpu.memory_space<vmem>>, %arg3: memref<1x128xf32, #tpu.memory_space<vmem>>, %arg4: memref<2000x128xf32, #tpu.memory_space<vmem>>) attributes {dimension_semantics = [#tpu.dimension_semantics<arbitrary>], iteration_bounds = array<i64: 160>, scalar_prefetch = 0 : i64, scratch_operands = 0 : i64, tpu.core_type = #tpu.core_type<tc>, window_params = [{transform_indices = @transform_0, window_bounds = array<i64: 2000, 16>}, {pipeline_mode = #tpu.pipeline_mode<synchronous>, transform_indices = @transform_1, window_bounds = array<i64: 16, 128>}, {pipeline_mode = #tpu.pipeline_mode<synchronous>, transform_indices = @transform_2, window_bounds = array<i64: 1, 128>}, {transform_indices = @transform_3, window_bounds = array<i64: 2000, 128>}]} {
    %get3A = arith.constant 0 : index
    %get3A_0 = arith.constant 0 : index
    %get3A_1 = vector.load %arg1[%get3A, %get3A_0] : memref<2000x16xf32, #tpu.memory_space<vmem>>, vector<2000x16xf32>
    %get3A_2 = arith.constant 0 : index
    %get3A_3 = arith.constant 0 : index
    %get3A_4 = vector.load %arg2[%get3A_2, %get3A_3] : memref<16x128xf32, #tpu.memory_space<vmem>>, vector<16x128xf32>
    %dot_general3A = arith.constant dense<0.000000e+00> : vector<2000x128xf32>
    %dot_general3A_5 = tpu.matmul %get3A_1, %get3A_4, %dot_general3A {dimension_numbers = #tpu.dot_dimension_numbers<[1], [0], [0], [1], [0, 0, 1, 1], [], []>, transpose_lhs_hint = false} : vector<2000x16xf32>, vector<16x128xf32>, vector<2000x128xf32> -> vector<2000x128xf32>
    %get3A_6 = arith.constant 0 : index
    %get3A_7 = arith.constant 0 : index
    %get3A_8 = vector.load %arg3[%get3A_6, %get3A_7] : memref<1x128xf32, #tpu.memory_space<vmem>>, vector<1x128xf32>
    %add3A = vector.broadcast %get3A_8 : vector<1x128xf32> to vector<2000x128xf32>
    %add3A_9 = arith.addf %dot_general3A_5, %add3A : vector<2000x128xf32>
    %max3A = arith.constant 0.000000e+00 : f32
    %max3A_10 = vector.broadcast %max3A : f32 to vector<2000x128xf32>
    %max3A_11 = arith.maximumf %add3A_9, %max3A_10 : vector<2000x128xf32>
    %swap3A = arith.constant 0 : index
    %swap3A_12 = arith.constant 0 : index
    %swap3A_13 = vector.load %arg4[%swap3A, %swap3A_12] : memref<2000x128xf32, #tpu.memory_space<vmem>>, vector<2000x128xf32>
    tpu.vector_store %arg4[%swap3A, %swap3A_12], %max3A_11 {strides = array<i32>} : memref<2000x128xf32, #tpu.memory_space<vmem>>, vector<2000x128xf32>,
    return
  }
  func.func @transform_0(%arg0: i32) -> (i32, i32) {
    %c0_i32 = arith.constant 0 : i32
    %c0_i32_0 = arith.constant 0 : i32
    return %arg0, %c0_i32 : i32, i32
  }
  func.func @transform_1(%arg0: i32) -> (i32, i32) {
    %c0_i32 = arith.constant 0 : i32
    %c0_i32_0 = arith.constant 0 : i32
    %c0_i32_1 = arith.constant 0 : i32
    return %c0_i32, %c0_i32_0 : i32, i32
  }
  func.func @transform_2(%arg0: i32) -> (i32, i32) {
    %c0_i32 = arith.constant 0 : i32
    %c0_i32_0 = arith.constant 0 : i32
    %c0_i32_1 = arith.constant 0 : i32
    return %c0_i32, %c0_i32_0 : i32, i32
  }
  func.func @transform_3(%arg0: i32) -> (i32, i32) {
    %c0_i32 = arith.constant 0 : i32
    %c0_i32_0 = arith.constant 0 : i32
    return %arg0, %c0_i32 : i32, i32
  }
}

module attributes {stable_mosaic.version = 14 : i64} {
  func.func @_ue_body(%arg0: i32, %arg1: memref<2000x16xf32, #tpu.memory_space<vmem>>, %arg2: memref<2000x128xi32, #tpu.memory_space<vmem>>, %arg3: memref<2000x128xi32, #tpu.memory_space<vmem>>, %arg4: memref<16x128xf32, #tpu.memory_space<vmem>>, %arg5: memref<1x128xf32, #tpu.memory_space<vmem>>, %arg6: memref<384x128xf32, #tpu.memory_space<vmem>>, %arg7: memref<1x128xf32, #tpu.memory_space<vmem>>, %arg8: memref<2000x128xf32, #tpu.memory_space<vmem>>) attributes {dimension_semantics = [#tpu.dimension_semantics<arbitrary>], iteration_bounds = array<i64: 160>, scalar_prefetch = 0 : i64, scratch_operands = 0 : i64, tpu.core_type = #tpu.core_type<tc>, window_params = [{transform_indices = @transform_0, window_bounds = array<i64: 2000, 16>}, {transform_indices = @transform_1, window_bounds = array<i64: 2000, 128>}, {transform_indices = @transform_2, window_bounds = array<i64: 2000, 128>}, {pipeline_mode = #tpu.pipeline_mode<synchronous>, transform_indices = @transform_3, window_bounds = array<i64: 16, 128>}, {pipeline_mode = #tpu.pipeline_mode<synchronous>, transform_indices = @transform_4, window_bounds = array<i64: 1, 128>}, {pipeline_mode = #tpu.pipeline_mode<synchronous>, transform_indices = @transform_5, window_bounds = array<i64: 384, 128>}, {pipeline_mode = #tpu.pipeline_mode<synchronous>, transform_indices = @transform_6, window_bounds = array<i64: 1, 128>}, {transform_indices = @transform_7, window_bounds = array<i64: 2000, 128>}]} {
    %get3A = arith.constant 0 : index
    %get3A_0 = arith.constant 0 : index
    %get3A_1 = vector.load %arg1[%get3A, %get3A_0] : memref<2000x16xf32, #tpu.memory_space<vmem>>, vector<2000x16xf32>
    %get3A_2 = arith.constant 0 : index
    %get3A_3 = arith.constant 0 : index
    %get3A_4 = vector.load %arg2[%get3A_2, %get3A_3] : memref<2000x128xi32, #tpu.memory_space<vmem>>, vector<2000x128xi32>
    %shift_left3A = arith.constant 16 : i32
    %shift_left3A_5 = vector.broadcast %shift_left3A : i32 to vector<2000x128xi32>
    %shift_left3A_6 = arith.shli %get3A_4, %shift_left3A_5 : vector<2000x128xi32>
    %bitcast_convert_type3A = tpu.bitcast %shift_left3A_6 : vector<2000x128xi32> -> vector<2000x128xf32>
    %and3A = arith.constant -65536 : i32
    %and3A_7 = vector.broadcast %and3A : i32 to vector<2000x128xi32>
    %and3A_8 = arith.andi %get3A_4, %and3A_7 : vector<2000x128xi32>
    %bitcast_convert_type3A_9 = tpu.bitcast %and3A_8 : vector<2000x128xi32> -> vector<2000x128xf32>
    %get3A_10 = arith.constant 0 : index
    %get3A_11 = arith.constant 0 : index
    %get3A_12 = vector.load %arg3[%get3A_10, %get3A_11] : memref<2000x128xi32, #tpu.memory_space<vmem>>, vector<2000x128xi32>
    %shift_left3A_13 = arith.constant 16 : i32
    %shift_left3A_14 = vector.broadcast %shift_left3A_13 : i32 to vector<2000x128xi32>
    %shift_left3A_15 = arith.shli %get3A_12, %shift_left3A_14 : vector<2000x128xi32>
    %bitcast_convert_type3A_16 = tpu.bitcast %shift_left3A_15 : vector<2000x128xi32> -> vector<2000x128xf32>
    %and3A_17 = arith.constant -65536 : i32
    %and3A_18 = vector.broadcast %and3A_17 : i32 to vector<2000x128xi32>
    %and3A_19 = arith.andi %get3A_12, %and3A_18 : vector<2000x128xi32>
    %bitcast_convert_type3A_20 = tpu.bitcast %and3A_19 : vector<2000x128xi32> -> vector<2000x128xf32>
    %add3A = arith.addf %bitcast_convert_type3A, %bitcast_convert_type3A_20 : vector<2000x128xf32>
    %max3A = arith.constant 0.000000e+00 : f32
    %max3A_21 = vector.broadcast %max3A : f32 to vector<2000x128xf32>
    %max3A_22 = arith.maximumf %add3A, %max3A_21 : vector<2000x128xf32>
    %add3A_23 = arith.addf %bitcast_convert_type3A_16, %bitcast_convert_type3A_9 : vector<2000x128xf32>
    %max3A_24 = arith.constant 0.000000e+00 : f32
    %max3A_25 = vector.broadcast %max3A_24 : f32 to vector<2000x128xf32>
    %max3A_26 = arith.maximumf %add3A_23, %max3A_25 : vector<2000x128xf32>
    %get3A_27 = arith.constant 0 : index
    %get3A_28 = arith.constant 0 : index
    %get3A_29 = vector.load %arg4[%get3A_27, %get3A_28] : memref<16x128xf32, #tpu.memory_space<vmem>>, vector<16x128xf32>
    %dot_general3A = arith.constant dense<0.000000e+00> : vector<2000x128xf32>
    %dot_general3A_30 = tpu.matmul %get3A_1, %get3A_29, %dot_general3A {dimension_numbers = #tpu.dot_dimension_numbers<[1], [0], [0], [1], [0, 0, 1, 1], [], []>, transpose_lhs_hint = false} : vector<2000x16xf32>, vector<16x128xf32>, vector<2000x128xf32> -> vector<2000x128xf32>
    %get3A_31 = arith.constant 0 : index
    %get3A_32 = arith.constant 0 : index
    %get3A_33 = vector.load %arg5[%get3A_31, %get3A_32] : memref<1x128xf32, #tpu.memory_space<vmem>>, vector<1x128xf32>
    %add3A_34 = vector.broadcast %get3A_33 : vector<1x128xf32> to vector<2000x128xf32>
    %add3A_35 = arith.addf %dot_general3A_30, %add3A_34 : vector<2000x128xf32>
    %max3A_36 = arith.constant 0.000000e+00 : f32
    %max3A_37 = vector.broadcast %max3A_36 : f32 to vector<2000x128xf32>
    %max3A_38 = arith.maximumf %add3A_35, %max3A_37 : vector<2000x128xf32>
    %get3A_39 = arith.constant 0 : index
    %get3A_40 = arith.constant 0 : index
    %get3A_41 = vector.load %arg6[%get3A_39, %get3A_40] : memref<384x128xf32, #tpu.memory_space<vmem>>, vector<128x128xf32>
    %dot_general3A_42 = arith.constant dense<0.000000e+00> : vector<2000x128xf32>
    %dot_general3A_43 = tpu.matmul %max3A_22, %get3A_41, %dot_general3A_42 {dimension_numbers = #tpu.dot_dimension_numbers<[1], [0], [0], [1], [0, 0, 1, 1], [], []>, transpose_lhs_hint = false} : vector<2000x128xf32>, vector<128x128xf32>, vector<2000x128xf32> -> vector<2000x128xf32>
    %get3A_44 = arith.constant 128 : index
    %get3A_45 = arith.constant 0 : index
    %get3A_46 = vector.load %arg6[%get3A_44, %get3A_45] : memref<384x128xf32, #tpu.memory_space<vmem>>, vector<128x128xf32>
    %dot_general3A_47 = arith.constant dense<0.000000e+00> : vector<2000x128xf32>
    %dot_general3A_48 = tpu.matmul %max3A_26, %get3A_46, %dot_general3A_47 {dimension_numbers = #tpu.dot_dimension_numbers<[1], [0], [0], [1], [0, 0, 1, 1], [], []>, transpose_lhs_hint = false} : vector<2000x128xf32>, vector<128x128xf32>, vector<2000x128xf32> -> vector<2000x128xf32>
    %add3A_49 = arith.addf %dot_general3A_43, %dot_general3A_48 : vector<2000x128xf32>
    %get3A_50 = arith.constant 256 : index
    %get3A_51 = arith.constant 0 : index
    %get3A_52 = vector.load %arg6[%get3A_50, %get3A_51] : memref<384x128xf32, #tpu.memory_space<vmem>>, vector<128x128xf32>
    %dot_general3A_53 = arith.constant dense<0.000000e+00> : vector<2000x128xf32>
    %dot_general3A_54 = tpu.matmul %max3A_38, %get3A_52, %dot_general3A_53 {dimension_numbers = #tpu.dot_dimension_numbers<[1], [0], [0], [1], [0, 0, 1, 1], [], []>, transpose_lhs_hint = false} : vector<2000x128xf32>, vector<128x128xf32>, vector<2000x128xf32> -> vector<2000x128xf32>
    %add3A_55 = arith.addf %add3A_49, %dot_general3A_54 : vector<2000x128xf32>
    %get3A_56 = arith.constant 0 : index
    %get3A_57 = arith.constant 0 : index
    %get3A_58 = vector.load %arg7[%get3A_56, %get3A_57] : memref<1x128xf32, #tpu.memory_space<vmem>>, vector<1x128xf32>
    %add3A_59 = vector.broadcast %get3A_58 : vector<1x128xf32> to vector<2000x128xf32>
    %add3A_60 = arith.addf %add3A_55, %add3A_59 : vector<2000x128xf32>
    %max3A_61 = arith.constant 0.000000e+00 : f32
    %max3A_62 = vector.broadcast %max3A_61 : f32 to vector<2000x128xf32>
    %max3A_63 = arith.maximumf %add3A_60, %max3A_62 : vector<2000x128xf32>
    %swap3A = arith.constant 0 : index
    %swap3A_64 = arith.constant 0 : index
    %swap3A_65 = vector.load %arg8[%swap3A, %swap3A_64] : memref<2000x128xf32, #tpu.memory_space<vmem>>, vector<2000x128xf32>
    tpu.vector_store %arg8[%swap3A, %swap3A_64], %max3A_63 {strides = array<i32>} : memref<2000x128xf32, #tpu.memory_space<vmem>>, vector<2000x128xf32>,
    return
  }
  func.func @transform_0(%arg0: i32) -> (i32, i32) {
    %c0_i32 = arith.constant 0 : i32
    %c0_i32_0 = arith.constant 0 : i32
    return %arg0, %c0_i32 : i32, i32
  }
  func.func @transform_1(%arg0: i32) -> (i32, i32) {
    %c0_i32 = arith.constant 0 : i32
    %c0_i32_0 = arith.constant 0 : i32
    return %arg0, %c0_i32 : i32, i32
  }
  func.func @transform_2(%arg0: i32) -> (i32, i32) {
    %c0_i32 = arith.constant 0 : i32
    %c0_i32_0 = arith.constant 0 : i32
    return %arg0, %c0_i32 : i32, i32
  }
  func.func @transform_3(%arg0: i32) -> (i32, i32) {
    %c0_i32 = arith.constant 0 : i32
    %c0_i32_0 = arith.constant 0 : i32
    %c0_i32_1 = arith.constant 0 : i32
    return %c0_i32, %c0_i32_0 : i32, i32
  }
  func.func @transform_4(%arg0: i32) -> (i32, i32) {
    %c0_i32 = arith.constant 0 : i32
    %c0_i32_0 = arith.constant 0 : i32
    %c0_i32_1 = arith.constant 0 : i32
    return %c0_i32, %c0_i32_0 : i32, i32
  }
  func.func @transform_5(%arg0: i32) -> (i32, i32) {
    %c0_i32 = arith.constant 0 : i32
    %c0_i32_0 = arith.constant 0 : i32
    %c0_i32_1 = arith.constant 0 : i32
    return %c0_i32, %c0_i32_0 : i32, i32
  }
  func.func @transform_6(%arg0: i32) -> (i32, i32) {
    %c0_i32 = arith.constant 0 : i32
    %c0_i32_0 = arith.constant 0 : i32
    %c0_i32_1 = arith.constant 0 : i32
    return %c0_i32, %c0_i32_0 : i32, i32
  }
  func.func @transform_7(%arg0: i32) -> (i32, i32) {
    %c0_i32 = arith.constant 0 : i32
    %c0_i32_0 = arith.constant 0 : i32
    return %arg0, %c0_i32 : i32, i32
  }
}

module attributes {stable_mosaic.version = 14 : i64} {
  func.func @_msg_body(%arg0: i32, %arg1: memref<2000x128xf32, #tpu.memory_space<vmem>>, %arg2: memref<128x128xf32, #tpu.memory_space<vmem>>, %arg3: memref<1x128xf32, #tpu.memory_space<vmem>>, %arg4: memref<2000x128xf32, #tpu.memory_space<vmem>>) attributes {dimension_semantics = [#tpu.dimension_semantics<arbitrary>], iteration_bounds = array<i64: 160>, scalar_prefetch = 0 : i64, scratch_operands = 0 : i64, tpu.core_type = #tpu.core_type<tc>, window_params = [{transform_indices = @transform_0, window_bounds = array<i64: 2000, 128>}, {pipeline_mode = #tpu.pipeline_mode<synchronous>, transform_indices = @transform_1, window_bounds = array<i64: 128, 128>}, {pipeline_mode = #tpu.pipeline_mode<synchronous>, transform_indices = @transform_2, window_bounds = array<i64: 1, 128>}, {transform_indices = @transform_3, window_bounds = array<i64: 2000, 128>}]} {
    %get3A = arith.constant 0 : index
    %get3A_0 = arith.constant 0 : index
    %get3A_1 = vector.load %arg1[%get3A, %get3A_0] : memref<2000x128xf32, #tpu.memory_space<vmem>>, vector<2000x128xf32>
    %get3A_2 = arith.constant 0 : index
    %get3A_3 = arith.constant 0 : index
    %get3A_4 = vector.load %arg2[%get3A_2, %get3A_3] : memref<128x128xf32, #tpu.memory_space<vmem>>, vector<128x128xf32>
    %dot_general3A = arith.constant dense<0.000000e+00> : vector<2000x128xf32>
    %dot_general3A_5 = tpu.matmul %get3A_1, %get3A_4, %dot_general3A {dimension_numbers = #tpu.dot_dimension_numbers<[1], [0], [0], [1], [0, 0, 1, 1], [], []>, transpose_lhs_hint = false} : vector<2000x128xf32>, vector<128x128xf32>, vector<2000x128xf32> -> vector<2000x128xf32>
    %get3A_6 = arith.constant 0 : index
    %get3A_7 = arith.constant 0 : index
    %get3A_8 = vector.load %arg3[%get3A_6, %get3A_7] : memref<1x128xf32, #tpu.memory_space<vmem>>, vector<1x128xf32>
    %add3A = vector.broadcast %get3A_8 : vector<1x128xf32> to vector<2000x128xf32>
    %add3A_9 = arith.addf %dot_general3A_5, %add3A : vector<2000x128xf32>
    %max3A = arith.constant 0.000000e+00 : f32
    %max3A_10 = vector.broadcast %max3A : f32 to vector<2000x128xf32>
    %max3A_11 = arith.maximumf %add3A_9, %max3A_10 : vector<2000x128xf32>
    %swap3A = arith.constant 0 : index
    %swap3A_12 = arith.constant 0 : index
    %swap3A_13 = vector.load %arg4[%swap3A, %swap3A_12] : memref<2000x128xf32, #tpu.memory_space<vmem>>, vector<2000x128xf32>
    tpu.vector_store %arg4[%swap3A, %swap3A_12], %max3A_11 {strides = array<i32>} : memref<2000x128xf32, #tpu.memory_space<vmem>>, vector<2000x128xf32>,
    return
  }
  func.func @transform_0(%arg0: i32) -> (i32, i32) {
    %c0_i32 = arith.constant 0 : i32
    %c0_i32_0 = arith.constant 0 : i32
    return %arg0, %c0_i32 : i32, i32
  }
  func.func @transform_1(%arg0: i32) -> (i32, i32) {
    %c0_i32 = arith.constant 0 : i32
    %c0_i32_0 = arith.constant 0 : i32
    %c0_i32_1 = arith.constant 0 : i32
    return %c0_i32, %c0_i32_0 : i32, i32
  }
  func.func @transform_2(%arg0: i32) -> (i32, i32) {
    %c0_i32 = arith.constant 0 : i32
    %c0_i32_0 = arith.constant 0 : i32
    %c0_i32_1 = arith.constant 0 : i32
    return %c0_i32, %c0_i32_0 : i32, i32
  }
  func.func @transform_3(%arg0: i32) -> (i32, i32) {
    %c0_i32 = arith.constant 0 : i32
    %c0_i32_0 = arith.constant 0 : i32
    return %arg0, %c0_i32 : i32, i32
  }
}

module attributes {stable_mosaic.version = 14 : i64} {
  func.func @_node_upd_body(%arg0: i32, %arg1: memref<2000x128xf32, #tpu.memory_space<vmem>>, %arg2: memref<2000x128xf32, #tpu.memory_space<vmem>>, %arg3: memref<2000x128xf32, #tpu.memory_space<vmem>>, %arg4: memref<256x128xf32, #tpu.memory_space<vmem>>, %arg5: memref<1x128xf32, #tpu.memory_space<vmem>>, %arg6: memref<2000x128xf32, #tpu.memory_space<vmem>>) attributes {dimension_semantics = [#tpu.dimension_semantics<arbitrary>], iteration_bounds = array<i64: 5>, scalar_prefetch = 0 : i64, scratch_operands = 0 : i64, tpu.core_type = #tpu.core_type<tc>, window_params = [{transform_indices = @transform_0, window_bounds = array<i64: 2000, 128>}, {transform_indices = @transform_1, window_bounds = array<i64: 2000, 128>}, {transform_indices = @transform_2, window_bounds = array<i64: 2000, 128>}, {pipeline_mode = #tpu.pipeline_mode<synchronous>, transform_indices = @transform_3, window_bounds = array<i64: 256, 128>}, {pipeline_mode = #tpu.pipeline_mode<synchronous>, transform_indices = @transform_4, window_bounds = array<i64: 1, 128>}, {transform_indices = @transform_5, window_bounds = array<i64: 2000, 128>}]} {
    %get3A = arith.constant 0 : index
    %get3A_0 = arith.constant 0 : index
    %get3A_1 = vector.load %arg2[%get3A, %get3A_0] : memref<2000x128xf32, #tpu.memory_space<vmem>>, vector<2000x128xf32>
    %get3A_2 = arith.constant 0 : index
    %get3A_3 = arith.constant 0 : index
    %get3A_4 = vector.load %arg3[%get3A_2, %get3A_3] : memref<2000x128xf32, #tpu.memory_space<vmem>>, vector<2000x128xf32>
    %add3A = arith.addf %get3A_1, %get3A_4 : vector<2000x128xf32>
    %get3A_5 = arith.constant 0 : index
    %get3A_6 = arith.constant 0 : index
    %get3A_7 = vector.load %arg1[%get3A_5, %get3A_6] : memref<2000x128xf32, #tpu.memory_space<vmem>>, vector<2000x128xf32>
    %get3A_8 = arith.constant 0 : index
    %get3A_9 = arith.constant 0 : index
    %get3A_10 = vector.load %arg4[%get3A_8, %get3A_9] : memref<256x128xf32, #tpu.memory_space<vmem>>, vector<128x128xf32>
    %dot_general3A = arith.constant dense<0.000000e+00> : vector<2000x128xf32>
    %dot_general3A_11 = tpu.matmul %get3A_7, %get3A_10, %dot_general3A {dimension_numbers = #tpu.dot_dimension_numbers<[1], [0], [0], [1], [0, 0, 1, 1], [], []>, transpose_lhs_hint = false} : vector<2000x128xf32>, vector<128x128xf32>, vector<2000x128xf32> -> vector<2000x128xf32>
    %get3A_12 = arith.constant 128 : index
    %get3A_13 = arith.constant 0 : index
    %get3A_14 = vector.load %arg4[%get3A_12, %get3A_13] : memref<256x128xf32, #tpu.memory_space<vmem>>, vector<128x128xf32>
    %dot_general3A_15 = arith.constant dense<0.000000e+00> : vector<2000x128xf32>
    %dot_general3A_16 = tpu.matmul %add3A, %get3A_14, %dot_general3A_15 {dimension_numbers = #tpu.dot_dimension_numbers<[1], [0], [0], [1], [0, 0, 1, 1], [], []>, transpose_lhs_hint = false} : vector<2000x128xf32>, vector<128x128xf32>, vector<2000x128xf32> -> vector<2000x128xf32>
    %add3A_17 = arith.addf %dot_general3A_11, %dot_general3A_16 : vector<2000x128xf32>
    %get3A_18 = arith.constant 0 : index
    %get3A_19 = arith.constant 0 : index
    %get3A_20 = vector.load %arg5[%get3A_18, %get3A_19] : memref<1x128xf32, #tpu.memory_space<vmem>>, vector<1x128xf32>
    %add3A_21 = vector.broadcast %get3A_20 : vector<1x128xf32> to vector<2000x128xf32>
    %add3A_22 = arith.addf %add3A_17, %add3A_21 : vector<2000x128xf32>
    %max3A = arith.constant 0.000000e+00 : f32
    %max3A_23 = vector.broadcast %max3A : f32 to vector<2000x128xf32>
    %max3A_24 = arith.maximumf %add3A_22, %max3A_23 : vector<2000x128xf32>
    %swap3A = arith.constant 0 : index
    %swap3A_25 = arith.constant 0 : index
    %swap3A_26 = vector.load %arg6[%swap3A, %swap3A_25] : memref<2000x128xf32, #tpu.memory_space<vmem>>, vector<2000x128xf32>
    tpu.vector_store %arg6[%swap3A, %swap3A_25], %max3A_24 {strides = array<i32>} : memref<2000x128xf32, #tpu.memory_space<vmem>>, vector<2000x128xf32>,
    return
  }
  func.func @transform_0(%arg0: i32) -> (i32, i32) {
    %c0_i32 = arith.constant 0 : i32
    %c0_i32_0 = arith.constant 0 : i32
    return %arg0, %c0_i32 : i32, i32
  }
  func.func @transform_1(%arg0: i32) -> (i32, i32) {
    %c0_i32 = arith.constant 0 : i32
    %c0_i32_0 = arith.constant 0 : i32
    return %arg0, %c0_i32 : i32, i32
  }
  func.func @transform_2(%arg0: i32) -> (i32, i32) {
    %c0_i32 = arith.constant 0 : i32
    %c0_i32_0 = arith.constant 0 : i32
    return %arg0, %c0_i32 : i32, i32
  }
  func.func @transform_3(%arg0: i32) -> (i32, i32) {
    %c0_i32 = arith.constant 0 : i32
    %c0_i32_0 = arith.constant 0 : i32
    %c0_i32_1 = arith.constant 0 : i32
    return %c0_i32, %c0_i32_0 : i32, i32
  }
  func.func @transform_4(%arg0: i32) -> (i32, i32) {
    %c0_i32 = arith.constant 0 : i32
    %c0_i32_0 = arith.constant 0 : i32
    %c0_i32_1 = arith.constant 0 : i32
    return %c0_i32, %c0_i32_0 : i32, i32
  }
  func.func @transform_5(%arg0: i32) -> (i32, i32) {
    %c0_i32 = arith.constant 0 : i32
    %c0_i32_0 = arith.constant 0 : i32
    return %arg0, %c0_i32 : i32, i32
  }
}

module attributes {stable_mosaic.version = 14 : i64} {
  func.func @_node_proj_nn_body(%arg0: i32, %arg1: memref<2000x128xf32, #tpu.memory_space<vmem>>, %arg2: memref<128x128xf32, #tpu.memory_space<vmem>>, %arg3: memref<1x128xf32, #tpu.memory_space<vmem>>, %arg4: memref<2000x128xf32, #tpu.memory_space<vmem>>) attributes {dimension_semantics = [#tpu.dimension_semantics<arbitrary>], iteration_bounds = array<i64: 5>, scalar_prefetch = 0 : i64, scratch_operands = 0 : i64, tpu.core_type = #tpu.core_type<tc>, window_params = [{transform_indices = @transform_0, window_bounds = array<i64: 2000, 128>}, {pipeline_mode = #tpu.pipeline_mode<synchronous>, transform_indices = @transform_1, window_bounds = array<i64: 128, 128>}, {pipeline_mode = #tpu.pipeline_mode<synchronous>, transform_indices = @transform_2, window_bounds = array<i64: 1, 128>}, {transform_indices = @transform_3, window_bounds = array<i64: 2000, 128>}]} {
    %get3A = arith.constant 0 : index
    %get3A_0 = arith.constant 0 : index
    %get3A_1 = vector.load %arg1[%get3A, %get3A_0] : memref<2000x128xf32, #tpu.memory_space<vmem>>, vector<2000x128xf32>
    %get3A_2 = arith.constant 0 : index
    %get3A_3 = arith.constant 0 : index
    %get3A_4 = vector.load %arg2[%get3A_2, %get3A_3] : memref<128x128xf32, #tpu.memory_space<vmem>>, vector<128x128xf32>
    %dot_general3A = arith.constant dense<0.000000e+00> : vector<2000x128xf32>
    %dot_general3A_5 = tpu.matmul %get3A_1, %get3A_4, %dot_general3A {dimension_numbers = #tpu.dot_dimension_numbers<[1], [0], [0], [1], [0, 0, 1, 1], [], []>, transpose_lhs_hint = false} : vector<2000x128xf32>, vector<128x128xf32>, vector<2000x128xf32> -> vector<2000x128xf32>
    %get3A_6 = arith.constant 0 : index
    %get3A_7 = arith.constant 0 : index
    %get3A_8 = vector.load %arg3[%get3A_6, %get3A_7] : memref<1x128xf32, #tpu.memory_space<vmem>>, vector<1x128xf32>
    %add3A = vector.broadcast %get3A_8 : vector<1x128xf32> to vector<2000x128xf32>
    %add3A_9 = arith.addf %dot_general3A_5, %add3A : vector<2000x128xf32>
    %max3A = arith.constant 0.000000e+00 : f32
    %max3A_10 = vector.broadcast %max3A : f32 to vector<2000x128xf32>
    %max3A_11 = arith.maximumf %add3A_9, %max3A_10 : vector<2000x128xf32>
    %swap3A = arith.constant 0 : index
    %swap3A_12 = arith.constant 0 : index
    %swap3A_13 = vector.load %arg4[%swap3A, %swap3A_12] : memref<2000x128xf32, #tpu.memory_space<vmem>>, vector<2000x128xf32>
    tpu.vector_store %arg4[%swap3A, %swap3A_12], %max3A_11 {strides = array<i32>} : memref<2000x128xf32, #tpu.memory_space<vmem>>, vector<2000x128xf32>,
    return
  }
  func.func @transform_0(%arg0: i32) -> (i32, i32) {
    %c0_i32 = arith.constant 0 : i32
    %c0_i32_0 = arith.constant 0 : i32
    return %arg0, %c0_i32 : i32, i32
  }
  func.func @transform_1(%arg0: i32) -> (i32, i32) {
    %c0_i32 = arith.constant 0 : i32
    %c0_i32_0 = arith.constant 0 : i32
    %c0_i32_1 = arith.constant 0 : i32
    return %c0_i32, %c0_i32_0 : i32, i32
  }
  func.func @transform_2(%arg0: i32) -> (i32, i32) {
    %c0_i32 = arith.constant 0 : i32
    %c0_i32_0 = arith.constant 0 : i32
    %c0_i32_1 = arith.constant 0 : i32
    return %c0_i32, %c0_i32_0 : i32, i32
  }
  func.func @transform_3(%arg0: i32) -> (i32, i32) {
    %c0_i32 = arith.constant 0 : i32
    %c0_i32_0 = arith.constant 0 : i32
    return %arg0, %c0_i32 : i32, i32
  }
}

module attributes {stable_mosaic.version = 14 : i64} {
  func.func @_readout_body(%arg0: i32, %arg1: memref<1000x128xf32, #tpu.memory_space<vmem>>, %arg2: memref<1x1x1000xi32, #tpu.memory_space<vmem>>, %arg3: memref<128x1xf32, #tpu.memory_space<vmem>>, %arg4: memref<1x1xf32, #tpu.memory_space<vmem>>, %arg5: memref<256x64xf32, #tpu.memory_space<vmem>>, %arg6: memref<1x64xf32, #tpu.memory_space<vmem>>, %arg7: memref<64x1xf32, #tpu.memory_space<vmem>>, %arg8: memref<1x1xf32, #tpu.memory_space<vmem>>, %arg9: memref<64x1xf32, #tpu.memory_space<vmem>>, %arg10: memref<64x128xf32, #tpu.memory_space<vmem>>, %arg11: memref<64x128xf32, #tpu.memory_space<vmem>>) attributes {dimension_semantics = [#tpu.dimension_semantics<arbitrary>], iteration_bounds = array<i64: 10>, scalar_prefetch = 0 : i64, scratch_operands = 2 : i64, tpu.core_type = #tpu.core_type<tc>, window_params = [{transform_indices = @transform_0, window_bounds = array<i64: 1000, 128>}, {transform_indices = @transform_1, window_bounds = array<i64: 1, 1, 1000>}, {pipeline_mode = #tpu.pipeline_mode<synchronous>, transform_indices = @transform_2, window_bounds = array<i64: 128, 1>}, {pipeline_mode = #tpu.pipeline_mode<synchronous>, transform_indices = @transform_3, window_bounds = array<i64: 1, 1>}, {pipeline_mode = #tpu.pipeline_mode<synchronous>, transform_indices = @transform_4, window_bounds = array<i64: 256, 64>}, {pipeline_mode = #tpu.pipeline_mode<synchronous>, transform_indices = @transform_5, window_bounds = array<i64: 1, 64>}, {pipeline_mode = #tpu.pipeline_mode<synchronous>, transform_indices = @transform_6, window_bounds = array<i64: 64, 1>}, {pipeline_mode = #tpu.pipeline_mode<synchronous>, transform_indices = @transform_7, window_bounds = array<i64: 1, 1>}, {pipeline_mode = #tpu.pipeline_mode<synchronous>, transform_indices = @transform_8, window_bounds = array<i64: 64, 1>}]} {
    %eq3A = arith.constant 0 : i32
    %eq3A_0 = arith.cmpi eq, %arg0, %eq3A : i32
    %convert_element_type3A = arith.extui %eq3A_0 : i1 to i32
    %cond3A = arith.constant 0 : i32
    %cond3A_1 = arith.cmpi ne, %convert_element_type3A, %cond3A : i32
    scf.if %cond3A_1 {
      %broadcast_in_dim3A_559 = arith.constant 0.000000e+00 : f32
      %broadcast_in_dim3A_560 = vector.broadcast %broadcast_in_dim3A_559 : f32 to vector<64x128xf32>
      %swap3A_561 = arith.constant 0 : index
      %swap3A_562 = arith.constant 0 : index
      %swap3A_563 = vector.load %arg10[%swap3A_561, %swap3A_562] : memref<64x128xf32, #tpu.memory_space<vmem>>, vector<64x128xf32>
      tpu.vector_store %arg10[%swap3A_561, %swap3A_562], %broadcast_in_dim3A_560 {strides = array<i32>} : memref<64x128xf32, #tpu.memory_space<vmem>>, vector<64x128xf32>,
      %broadcast_in_dim3A_564 = arith.constant 0xFF800000 : f32
      %broadcast_in_dim3A_565 = vector.broadcast %broadcast_in_dim3A_564 : f32 to vector<64x128xf32>
      %swap3A_566 = arith.constant 0 : index
      %swap3A_567 = arith.constant 0 : index
      %swap3A_568 = vector.load %arg11[%swap3A_566, %swap3A_567] : memref<64x128xf32, #tpu.memory_space<vmem>>, vector<64x128xf32>
      tpu.vector_store %arg11[%swap3A_566, %swap3A_567], %broadcast_in_dim3A_565 {strides = array<i32>} : memref<64x128xf32, #tpu.memory_space<vmem>>, vector<64x128xf32>,
    } else {
    }
    %get3A = arith.constant 0 : index
    %get3A_2 = arith.constant 0 : index
    %get3A_3 = vector.load %arg1[%get3A, %get3A_2] : memref<1000x128xf32, #tpu.memory_space<vmem>>, vector<1000x128xf32>
    %get3A_4 = arith.constant 0 : index
    %get3A_5 = arith.constant 0 : index
    %get3A_6 = arith.constant 0 : index
    %get3A_7 = vector.load %arg2[%get3A_4, %get3A_5, %get3A_6] : memref<1x1x1000xi32, #tpu.memory_space<vmem>>, vector<1x1x1000xi32>
    %get3A_8 = vector.shape_cast %get3A_7 : vector<1x1x1000xi32> to vector<1000xi32>
    %get3A_9 = arith.constant 0 : index
    %get3A_10 = arith.constant 0 : index
    %get3A_11 = vector.load %arg3[%get3A_9, %get3A_10] : memref<128x1xf32, #tpu.memory_space<vmem>>, vector<128x1xf32>
    %dot_general3A = arith.constant dense<0.000000e+00> : vector<1000x1xf32>
    %dot_general3A_12 = tpu.matmul %get3A_3, %get3A_11, %dot_general3A {dimension_numbers = #tpu.dot_dimension_numbers<[1], [0], [0], [1], [0, 0, 1, 1], [], []>, transpose_lhs_hint = false} : vector<1000x128xf32>, vector<128x1xf32>, vector<1000x1xf32> -> vector<1000x1xf32>
    %get3A_13 = arith.constant 0 : index
    %get3A_14 = arith.constant 0 : index
    %get3A_15 = vector.load %arg4[%get3A_13, %get3A_14] : memref<1x1xf32, #tpu.memory_space<vmem>>, vector<1x1xf32>
    %add3A = vector.broadcast %get3A_15 : vector<1x1xf32> to vector<1000x1xf32>
    %add3A_16 = arith.addf %dot_general3A_12, %add3A : vector<1000x1xf32>
    %logistic3A = arith.negf %add3A_16 : vector<1000x1xf32>
    %logistic3A_17 = math.exp %logistic3A : vector<1000x1xf32>
    %logistic3A_18 = arith.constant 1.000000e+00 : f32
    %logistic3A_19 = vector.broadcast %logistic3A_18 : f32 to vector<1000x1xf32>
    %logistic3A_20 = arith.addf %logistic3A_19, %logistic3A_17 : vector<1000x1xf32>
    %logistic3A_21 = arith.divf %logistic3A_19, %logistic3A_20 : vector<1000x1xf32>
    %mul3A = vector.broadcast %logistic3A_21 : vector<1000x1xf32> to vector<1000x128xf32>
    %mul3A_22 = arith.mulf %mul3A, %get3A_3 : vector<1000x128xf32>
    %iota3A = tpu.iota {dimensions = array<i32: 0>} : vector<64x1000xi32>
    %broadcast_in_dim3A = vector.shape_cast %get3A_8 : vector<1000xi32> to vector<1x1000xi32>
    %eq3A_23 = vector.broadcast %broadcast_in_dim3A : vector<1x1000xi32> to vector<64x1000xi32>
    %eq3A_24 = arith.cmpi eq, %iota3A, %eq3A_23 : vector<64x1000xi32>
    %convert_element_type3A_25 = arith.extui %eq3A_24 : vector<64x1000xi1> to vector<64x1000xi32>
    %convert_element_type3A_26 = arith.sitofp %convert_element_type3A_25 : vector<64x1000xi32> to vector<64x1000xf32>
    %get3A_27 = arith.constant 0 : index
    %get3A_28 = arith.constant 0 : index
    %get3A_29 = vector.load %arg10[%get3A_27, %get3A_28] : memref<64x128xf32, #tpu.memory_space<vmem>>, vector<64x128xf32>
    %dot_general3A_30 = arith.constant dense<0.000000e+00> : vector<64x128xf32>
    %dot_general3A_31 = tpu.matmul %convert_element_type3A_26, %mul3A_22, %dot_general3A_30 {dimension_numbers = #tpu.dot_dimension_numbers<[1], [0], [0], [1], [0, 0, 1, 1], [], []>, transpose_lhs_hint = false} : vector<64x1000xf32>, vector<1000x128xf32>, vector<64x128xf32> -> vector<64x128xf32>
    %add3A_32 = arith.addf %get3A_29, %dot_general3A_31 : vector<64x128xf32>
    %swap3A = arith.constant 0 : index
    %swap3A_33 = arith.constant 0 : index
    %swap3A_34 = vector.load %arg10[%swap3A, %swap3A_33] : memref<64x128xf32, #tpu.memory_space<vmem>>, vector<64x128xf32>
    tpu.vector_store %arg10[%swap3A, %swap3A_33], %add3A_32 {strides = array<i32>} : memref<64x128xf32, #tpu.memory_space<vmem>>, vector<64x128xf32>,
    %get3A_35 = arith.constant 0 : index
    %get3A_36 = arith.constant 0 : index
    %get3A_37 = arith.constant 0 : index
    %get3A_38 = vector.load %arg2[%get3A_35, %get3A_36, %get3A_37] : memref<1x1x1000xi32, #tpu.memory_space<vmem>>, vector<1x1x1xi32>
    %get3A_39 = vector.extract %get3A_38[0, 0, 0] : i32 from vector<1x1x1xi32>
    %get3A_40 = arith.constant 0 : index
    %get3A_41 = arith.constant 0 : index
    %get3A_42 = arith.constant 999 : index
    %get3A_43 = vector.load %arg2[%get3A_40, %get3A_41, %get3A_42] : memref<1x1x1000xi32, #tpu.memory_space<vmem>>, vector<1x1x1xi32>
    %get3A_44 = vector.extract %get3A_43[0, 0, 0] : i32 from vector<1x1x1xi32>
    %le3A = arith.constant 0 : i32
    %le3A_45 = arith.cmpi sle, %get3A_39, %le3A : i32
    %ge3A = arith.constant 0 : i32
    %ge3A_46 = arith.cmpi sge, %get3A_44, %ge3A : i32
    %and3A = arith.andi %le3A_45, %ge3A_46 : i1
    %convert_element_type3A_47 = arith.extui %and3A : i1 to i32
    %cond3A_48 = arith.constant 0 : i32
    %cond3A_49 = arith.cmpi ne, %convert_element_type3A_47, %cond3A_48 : i32
    scf.if %cond3A_49 {
      %eq3A_559 = arith.constant 0 : i32
      %eq3A_560 = vector.broadcast %eq3A_559 : i32 to vector<1000xi32>
      %eq3A_561 = arith.cmpi eq, %get3A_8, %eq3A_560 : vector<1000xi32>
      %jit3A = arith.constant 0.000000e+00 : f32
      %jit3A_562 = arith.constant 0xFF800000 : f32
      %broadcast_in_dim3A_563 = vector.broadcast %jit3A : f32 to vector<1000xf32>
      %broadcast_in_dim3A_564 = vector.broadcast %jit3A_562 : f32 to vector<1000xf32>
      %select_n3A = arith.select %eq3A_561, %broadcast_in_dim3A_563, %broadcast_in_dim3A_564 : vector<1000xi1>, vector<1000xf32>
      %broadcast_in_dim3A_565 = vector.shape_cast %select_n3A : vector<1000xf32> to vector<1000x1xf32>
      %add3A_566 = vector.broadcast %broadcast_in_dim3A_565 : vector<1000x1xf32> to vector<1000x128xf32>
      %add3A_567 = arith.addf %get3A_3, %add3A_566 : vector<1000x128xf32>
      %reduce_max3A = arith.constant dense<0xFF800000> : vector<128xf32>
      %reduce_max3A_568 = vector.multi_reduction <maximumf>, %add3A_567, %reduce_max3A [0] : vector<1000x128xf32> to vector<128xf32>
      %broadcast_in_dim3A_569 = vector.shape_cast %reduce_max3A_568 : vector<128xf32> to vector<1x128xf32>
      %get3A_570 = arith.constant 0 : index
      %get3A_571 = arith.constant 0 : index
      %get3A_572 = vector.load %arg11[%get3A_570, %get3A_571] : memref<64x128xf32, #tpu.memory_space<vmem>>, vector<1x128xf32>
      %max3A = arith.maximumf %get3A_572, %broadcast_in_dim3A_569 : vector<1x128xf32>
      %swap3A_573 = arith.constant 0 : index
      %swap3A_574 = arith.constant 0 : index
      %swap3A_575 = vector.load %arg11[%swap3A_573, %swap3A_574] : memref<64x128xf32, #tpu.memory_space<vmem>>, vector<1x128xf32>
      tpu.vector_store %arg11[%swap3A_573, %swap3A_574], %max3A {strides = array<i32>} : memref<64x128xf32, #tpu.memory_space<vmem>>, vector<1x128xf32>,
    } else {
    }
    %le3A_50 = arith.constant 1 : i32
    %le3A_51 = arith.cmpi sle, %get3A_39, %le3A_50 : i32
    %ge3A_52 = arith.constant 1 : i32
    %ge3A_53 = arith.cmpi sge, %get3A_44, %ge3A_52 : i32
    %and3A_54 = arith.andi %le3A_51, %ge3A_53 : i1
    %convert_element_type3A_55 = arith.extui %and3A_54 : i1 to i32
    %cond3A_56 = arith.constant 0 : i32
    %cond3A_57 = arith.cmpi ne, %convert_element_type3A_55, %cond3A_56 : i32
    scf.if %cond3A_57 {
      %eq3A_559 = arith.constant 1 : i32
      %eq3A_560 = vector.broadcast %eq3A_559 : i32 to vector<1000xi32>
      %eq3A_561 = arith.cmpi eq, %get3A_8, %eq3A_560 : vector<1000xi32>
      %jit3A = arith.constant 0.000000e+00 : f32
      %jit3A_562 = arith.constant 0xFF800000 : f32
      %broadcast_in_dim3A_563 = vector.broadcast %jit3A : f32 to vector<1000xf32>
      %broadcast_in_dim3A_564 = vector.broadcast %jit3A_562 : f32 to vector<1000xf32>
      %select_n3A = arith.select %eq3A_561, %broadcast_in_dim3A_563, %broadcast_in_dim3A_564 : vector<1000xi1>, vector<1000xf32>
      %broadcast_in_dim3A_565 = vector.shape_cast %select_n3A : vector<1000xf32> to vector<1000x1xf32>
      %add3A_566 = vector.broadcast %broadcast_in_dim3A_565 : vector<1000x1xf32> to vector<1000x128xf32>
      %add3A_567 = arith.addf %get3A_3, %add3A_566 : vector<1000x128xf32>
      %reduce_max3A = arith.constant dense<0xFF800000> : vector<128xf32>
      %reduce_max3A_568 = vector.multi_reduction <maximumf>, %add3A_567, %reduce_max3A [0] : vector<1000x128xf32> to vector<128xf32>
      %broadcast_in_dim3A_569 = vector.shape_cast %reduce_max3A_568 : vector<128xf32> to vector<1x128xf32>
      %get3A_570 = arith.constant 1 : index
      %get3A_571 = arith.constant 0 : index
      %get3A_572 = vector.load %arg11[%get3A_570, %get3A_571] : memref<64x128xf32, #tpu.memory_space<vmem>>, vector<1x128xf32>
      %max3A = arith.maximumf %get3A_572, %broadcast_in_dim3A_569 : vector<1x128xf32>
      %swap3A_573 = arith.constant 1 : index
      %swap3A_574 = arith.constant 0 : index
      %swap3A_575 = vector.load %arg11[%swap3A_573, %swap3A_574] : memref<64x128xf32, #tpu.memory_space<vmem>>, vector<1x128xf32>
      tpu.vector_store %arg11[%swap3A_573, %swap3A_574], %max3A {strides = array<i32>} : memref<64x128xf32, #tpu.memory_space<vmem>>, vector<1x128xf32>,
    } else {
    }
    %le3A_58 = arith.constant 2 : i32
    %le3A_59 = arith.cmpi sle, %get3A_39, %le3A_58 : i32
    %ge3A_60 = arith.constant 2 : i32
    %ge3A_61 = arith.cmpi sge, %get3A_44, %ge3A_60 : i32
    %and3A_62 = arith.andi %le3A_59, %ge3A_61 : i1
    %convert_element_type3A_63 = arith.extui %and3A_62 : i1 to i32
    %cond3A_64 = arith.constant 0 : i32
    %cond3A_65 = arith.cmpi ne, %convert_element_type3A_63, %cond3A_64 : i32
    scf.if %cond3A_65 {
      %eq3A_559 = arith.constant 2 : i32
      %eq3A_560 = vector.broadcast %eq3A_559 : i32 to vector<1000xi32>
      %eq3A_561 = arith.cmpi eq, %get3A_8, %eq3A_560 : vector<1000xi32>
      %jit3A = arith.constant 0.000000e+00 : f32
      %jit3A_562 = arith.constant 0xFF800000 : f32
      %broadcast_in_dim3A_563 = vector.broadcast %jit3A : f32 to vector<1000xf32>
      %broadcast_in_dim3A_564 = vector.broadcast %jit3A_562 : f32 to vector<1000xf32>
      %select_n3A = arith.select %eq3A_561, %broadcast_in_dim3A_563, %broadcast_in_dim3A_564 : vector<1000xi1>, vector<1000xf32>
      %broadcast_in_dim3A_565 = vector.shape_cast %select_n3A : vector<1000xf32> to vector<1000x1xf32>
      %add3A_566 = vector.broadcast %broadcast_in_dim3A_565 : vector<1000x1xf32> to vector<1000x128xf32>
      %add3A_567 = arith.addf %get3A_3, %add3A_566 : vector<1000x128xf32>
      %reduce_max3A = arith.constant dense<0xFF800000> : vector<128xf32>
      %reduce_max3A_568 = vector.multi_reduction <maximumf>, %add3A_567, %reduce_max3A [0] : vector<1000x128xf32> to vector<128xf32>
      %broadcast_in_dim3A_569 = vector.shape_cast %reduce_max3A_568 : vector<128xf32> to vector<1x128xf32>
      %get3A_570 = arith.constant 2 : index
      %get3A_571 = arith.constant 0 : index
      %get3A_572 = vector.load %arg11[%get3A_570, %get3A_571] : memref<64x128xf32, #tpu.memory_space<vmem>>, vector<1x128xf32>
      %max3A = arith.maximumf %get3A_572, %broadcast_in_dim3A_569 : vector<1x128xf32>
      %swap3A_573 = arith.constant 2 : index
      %swap3A_574 = arith.constant 0 : index
      %swap3A_575 = vector.load %arg11[%swap3A_573, %swap3A_574] : memref<64x128xf32, #tpu.memory_space<vmem>>, vector<1x128xf32>
      tpu.vector_store %arg11[%swap3A_573, %swap3A_574], %max3A {strides = array<i32>} : memref<64x128xf32, #tpu.memory_space<vmem>>, vector<1x128xf32>,
    } else {
    }
    %le3A_66 = arith.constant 3 : i32
    %le3A_67 = arith.cmpi sle, %get3A_39, %le3A_66 : i32
    %ge3A_68 = arith.constant 3 : i32
    %ge3A_69 = arith.cmpi sge, %get3A_44, %ge3A_68 : i32
    %and3A_70 = arith.andi %le3A_67, %ge3A_69 : i1
    %convert_element_type3A_71 = arith.extui %and3A_70 : i1 to i32
    %cond3A_72 = arith.constant 0 : i32
    %cond3A_73 = arith.cmpi ne, %convert_element_type3A_71, %cond3A_72 : i32
    scf.if %cond3A_73 {
      %eq3A_559 = arith.constant 3 : i32
      %eq3A_560 = vector.broadcast %eq3A_559 : i32 to vector<1000xi32>
      %eq3A_561 = arith.cmpi eq, %get3A_8, %eq3A_560 : vector<1000xi32>
      %jit3A = arith.constant 0.000000e+00 : f32
      %jit3A_562 = arith.constant 0xFF800000 : f32
      %broadcast_in_dim3A_563 = vector.broadcast %jit3A : f32 to vector<1000xf32>
      %broadcast_in_dim3A_564 = vector.broadcast %jit3A_562 : f32 to vector<1000xf32>
      %select_n3A = arith.select %eq3A_561, %broadcast_in_dim3A_563, %broadcast_in_dim3A_564 : vector<1000xi1>, vector<1000xf32>
      %broadcast_in_dim3A_565 = vector.shape_cast %select_n3A : vector<1000xf32> to vector<1000x1xf32>
      %add3A_566 = vector.broadcast %broadcast_in_dim3A_565 : vector<1000x1xf32> to vector<1000x128xf32>
      %add3A_567 = arith.addf %get3A_3, %add3A_566 : vector<1000x128xf32>
      %reduce_max3A = arith.constant dense<0xFF800000> : vector<128xf32>
      %reduce_max3A_568 = vector.multi_reduction <maximumf>, %add3A_567, %reduce_max3A [0] : vector<1000x128xf32> to vector<128xf32>
      %broadcast_in_dim3A_569 = vector.shape_cast %reduce_max3A_568 : vector<128xf32> to vector<1x128xf32>
      %get3A_570 = arith.constant 3 : index
      %get3A_571 = arith.constant 0 : index
      %get3A_572 = vector.load %arg11[%get3A_570, %get3A_571] : memref<64x128xf32, #tpu.memory_space<vmem>>, vector<1x128xf32>
      %max3A = arith.maximumf %get3A_572, %broadcast_in_dim3A_569 : vector<1x128xf32>
      %swap3A_573 = arith.constant 3 : index
      %swap3A_574 = arith.constant 0 : index
      %swap3A_575 = vector.load %arg11[%swap3A_573, %swap3A_574] : memref<64x128xf32, #tpu.memory_space<vmem>>, vector<1x128xf32>
      tpu.vector_store %arg11[%swap3A_573, %swap3A_574], %max3A {strides = array<i32>} : memref<64x128xf32, #tpu.memory_space<vmem>>, vector<1x128xf32>,
    } else {
    }
    %le3A_74 = arith.constant 4 : i32
    %le3A_75 = arith.cmpi sle, %get3A_39, %le3A_74 : i32
    %ge3A_76 = arith.constant 4 : i32
    %ge3A_77 = arith.cmpi sge, %get3A_44, %ge3A_76 : i32
    %and3A_78 = arith.andi %le3A_75, %ge3A_77 : i1
    %convert_element_type3A_79 = arith.extui %and3A_78 : i1 to i32
    %cond3A_80 = arith.constant 0 : i32
    %cond3A_81 = arith.cmpi ne, %convert_element_type3A_79, %cond3A_80 : i32
    scf.if %cond3A_81 {
      %eq3A_559 = arith.constant 4 : i32
      %eq3A_560 = vector.broadcast %eq3A_559 : i32 to vector<1000xi32>
      %eq3A_561 = arith.cmpi eq, %get3A_8, %eq3A_560 : vector<1000xi32>
      %jit3A = arith.constant 0.000000e+00 : f32
      %jit3A_562 = arith.constant 0xFF800000 : f32
      %broadcast_in_dim3A_563 = vector.broadcast %jit3A : f32 to vector<1000xf32>
      %broadcast_in_dim3A_564 = vector.broadcast %jit3A_562 : f32 to vector<1000xf32>
      %select_n3A = arith.select %eq3A_561, %broadcast_in_dim3A_563, %broadcast_in_dim3A_564 : vector<1000xi1>, vector<1000xf32>
      %broadcast_in_dim3A_565 = vector.shape_cast %select_n3A : vector<1000xf32> to vector<1000x1xf32>
      %add3A_566 = vector.broadcast %broadcast_in_dim3A_565 : vector<1000x1xf32> to vector<1000x128xf32>
      %add3A_567 = arith.addf %get3A_3, %add3A_566 : vector<1000x128xf32>
      %reduce_max3A = arith.constant dense<0xFF800000> : vector<128xf32>
      %reduce_max3A_568 = vector.multi_reduction <maximumf>, %add3A_567, %reduce_max3A [0] : vector<1000x128xf32> to vector<128xf32>
      %broadcast_in_dim3A_569 = vector.shape_cast %reduce_max3A_568 : vector<128xf32> to vector<1x128xf32>
      %get3A_570 = arith.constant 4 : index
      %get3A_571 = arith.constant 0 : index
      %get3A_572 = vector.load %arg11[%get3A_570, %get3A_571] : memref<64x128xf32, #tpu.memory_space<vmem>>, vector<1x128xf32>
      %max3A = arith.maximumf %get3A_572, %broadcast_in_dim3A_569 : vector<1x128xf32>
      %swap3A_573 = arith.constant 4 : index
      %swap3A_574 = arith.constant 0 : index
      %swap3A_575 = vector.load %arg11[%swap3A_573, %swap3A_574] : memref<64x128xf32, #tpu.memory_space<vmem>>, vector<1x128xf32>
      tpu.vector_store %arg11[%swap3A_573, %swap3A_574], %max3A {strides = array<i32>} : memref<64x128xf32, #tpu.memory_space<vmem>>, vector<1x128xf32>,
    } else {
    }
    %le3A_82 = arith.constant 5 : i32
    %le3A_83 = arith.cmpi sle, %get3A_39, %le3A_82 : i32
    %ge3A_84 = arith.constant 5 : i32
    %ge3A_85 = arith.cmpi sge, %get3A_44, %ge3A_84 : i32
    %and3A_86 = arith.andi %le3A_83, %ge3A_85 : i1
    %convert_element_type3A_87 = arith.extui %and3A_86 : i1 to i32
    %cond3A_88 = arith.constant 0 : i32
    %cond3A_89 = arith.cmpi ne, %convert_element_type3A_87, %cond3A_88 : i32
    scf.if %cond3A_89 {
      %eq3A_559 = arith.constant 5 : i32
      %eq3A_560 = vector.broadcast %eq3A_559 : i32 to vector<1000xi32>
      %eq3A_561 = arith.cmpi eq, %get3A_8, %eq3A_560 : vector<1000xi32>
      %jit3A = arith.constant 0.000000e+00 : f32
      %jit3A_562 = arith.constant 0xFF800000 : f32
      %broadcast_in_dim3A_563 = vector.broadcast %jit3A : f32 to vector<1000xf32>
      %broadcast_in_dim3A_564 = vector.broadcast %jit3A_562 : f32 to vector<1000xf32>
      %select_n3A = arith.select %eq3A_561, %broadcast_in_dim3A_563, %broadcast_in_dim3A_564 : vector<1000xi1>, vector<1000xf32>
      %broadcast_in_dim3A_565 = vector.shape_cast %select_n3A : vector<1000xf32> to vector<1000x1xf32>
      %add3A_566 = vector.broadcast %broadcast_in_dim3A_565 : vector<1000x1xf32> to vector<1000x128xf32>
      %add3A_567 = arith.addf %get3A_3, %add3A_566 : vector<1000x128xf32>
      %reduce_max3A = arith.constant dense<0xFF800000> : vector<128xf32>
      %reduce_max3A_568 = vector.multi_reduction <maximumf>, %add3A_567, %reduce_max3A [0] : vector<1000x128xf32> to vector<128xf32>
      %broadcast_in_dim3A_569 = vector.shape_cast %reduce_max3A_568 : vector<128xf32> to vector<1x128xf32>
      %get3A_570 = arith.constant 5 : index
      %get3A_571 = arith.constant 0 : index
      %get3A_572 = vector.load %arg11[%get3A_570, %get3A_571] : memref<64x128xf32, #tpu.memory_space<vmem>>, vector<1x128xf32>
      %max3A = arith.maximumf %get3A_572, %broadcast_in_dim3A_569 : vector<1x128xf32>
      %swap3A_573 = arith.constant 5 : index
      %swap3A_574 = arith.constant 0 : index
      %swap3A_575 = vector.load %arg11[%swap3A_573, %swap3A_574] : memref<64x128xf32, #tpu.memory_space<vmem>>, vector<1x128xf32>
      tpu.vector_store %arg11[%swap3A_573, %swap3A_574], %max3A {strides = array<i32>} : memref<64x128xf32, #tpu.memory_space<vmem>>, vector<1x128xf32>,
    } else {
    }
    %le3A_90 = arith.constant 6 : i32
    %le3A_91 = arith.cmpi sle, %get3A_39, %le3A_90 : i32
    %ge3A_92 = arith.constant 6 : i32
    %ge3A_93 = arith.cmpi sge, %get3A_44, %ge3A_92 : i32
    %and3A_94 = arith.andi %le3A_91, %ge3A_93 : i1
    %convert_element_type3A_95 = arith.extui %and3A_94 : i1 to i32
    %cond3A_96 = arith.constant 0 : i32
    %cond3A_97 = arith.cmpi ne, %convert_element_type3A_95, %cond3A_96 : i32
    scf.if %cond3A_97 {
      %eq3A_559 = arith.constant 6 : i32
      %eq3A_560 = vector.broadcast %eq3A_559 : i32 to vector<1000xi32>
      %eq3A_561 = arith.cmpi eq, %get3A_8, %eq3A_560 : vector<1000xi32>
      %jit3A = arith.constant 0.000000e+00 : f32
      %jit3A_562 = arith.constant 0xFF800000 : f32
      %broadcast_in_dim3A_563 = vector.broadcast %jit3A : f32 to vector<1000xf32>
      %broadcast_in_dim3A_564 = vector.broadcast %jit3A_562 : f32 to vector<1000xf32>
      %select_n3A = arith.select %eq3A_561, %broadcast_in_dim3A_563, %broadcast_in_dim3A_564 : vector<1000xi1>, vector<1000xf32>
      %broadcast_in_dim3A_565 = vector.shape_cast %select_n3A : vector<1000xf32> to vector<1000x1xf32>
      %add3A_566 = vector.broadcast %broadcast_in_dim3A_565 : vector<1000x1xf32> to vector<1000x128xf32>
      %add3A_567 = arith.addf %get3A_3, %add3A_566 : vector<1000x128xf32>
      %reduce_max3A = arith.constant dense<0xFF800000> : vector<128xf32>
      %reduce_max3A_568 = vector.multi_reduction <maximumf>, %add3A_567, %reduce_max3A [0] : vector<1000x128xf32> to vector<128xf32>
      %broadcast_in_dim3A_569 = vector.shape_cast %reduce_max3A_568 : vector<128xf32> to vector<1x128xf32>
      %get3A_570 = arith.constant 6 : index
      %get3A_571 = arith.constant 0 : index
      %get3A_572 = vector.load %arg11[%get3A_570, %get3A_571] : memref<64x128xf32, #tpu.memory_space<vmem>>, vector<1x128xf32>
      %max3A = arith.maximumf %get3A_572, %broadcast_in_dim3A_569 : vector<1x128xf32>
      %swap3A_573 = arith.constant 6 : index
      %swap3A_574 = arith.constant 0 : index
      %swap3A_575 = vector.load %arg11[%swap3A_573, %swap3A_574] : memref<64x128xf32, #tpu.memory_space<vmem>>, vector<1x128xf32>
      tpu.vector_store %arg11[%swap3A_573, %swap3A_574], %max3A {strides = array<i32>} : memref<64x128xf32, #tpu.memory_space<vmem>>, vector<1x128xf32>,
    } else {
    }
    %le3A_98 = arith.constant 7 : i32
    %le3A_99 = arith.cmpi sle, %get3A_39, %le3A_98 : i32
    %ge3A_100 = arith.constant 7 : i32
    %ge3A_101 = arith.cmpi sge, %get3A_44, %ge3A_100 : i32
    %and3A_102 = arith.andi %le3A_99, %ge3A_101 : i1
    %convert_element_type3A_103 = arith.extui %and3A_102 : i1 to i32
    %cond3A_104 = arith.constant 0 : i32
    %cond3A_105 = arith.cmpi ne, %convert_element_type3A_103, %cond3A_104 : i32
    scf.if %cond3A_105 {
      %eq3A_559 = arith.constant 7 : i32
      %eq3A_560 = vector.broadcast %eq3A_559 : i32 to vector<1000xi32>
      %eq3A_561 = arith.cmpi eq, %get3A_8, %eq3A_560 : vector<1000xi32>
      %jit3A = arith.constant 0.000000e+00 : f32
      %jit3A_562 = arith.constant 0xFF800000 : f32
      %broadcast_in_dim3A_563 = vector.broadcast %jit3A : f32 to vector<1000xf32>
      %broadcast_in_dim3A_564 = vector.broadcast %jit3A_562 : f32 to vector<1000xf32>
      %select_n3A = arith.select %eq3A_561, %broadcast_in_dim3A_563, %broadcast_in_dim3A_564 : vector<1000xi1>, vector<1000xf32>
      %broadcast_in_dim3A_565 = vector.shape_cast %select_n3A : vector<1000xf32> to vector<1000x1xf32>
      %add3A_566 = vector.broadcast %broadcast_in_dim3A_565 : vector<1000x1xf32> to vector<1000x128xf32>
      %add3A_567 = arith.addf %get3A_3, %add3A_566 : vector<1000x128xf32>
      %reduce_max3A = arith.constant dense<0xFF800000> : vector<128xf32>
      %reduce_max3A_568 = vector.multi_reduction <maximumf>, %add3A_567, %reduce_max3A [0] : vector<1000x128xf32> to vector<128xf32>
      %broadcast_in_dim3A_569 = vector.shape_cast %reduce_max3A_568 : vector<128xf32> to vector<1x128xf32>
      %get3A_570 = arith.constant 7 : index
      %get3A_571 = arith.constant 0 : index
      %get3A_572 = vector.load %arg11[%get3A_570, %get3A_571] : memref<64x128xf32, #tpu.memory_space<vmem>>, vector<1x128xf32>
      %max3A = arith.maximumf %get3A_572, %broadcast_in_dim3A_569 : vector<1x128xf32>
      %swap3A_573 = arith.constant 7 : index
      %swap3A_574 = arith.constant 0 : index
      %swap3A_575 = vector.load %arg11[%swap3A_573, %swap3A_574] : memref<64x128xf32, #tpu.memory_space<vmem>>, vector<1x128xf32>
      tpu.vector_store %arg11[%swap3A_573, %swap3A_574], %max3A {strides = array<i32>} : memref<64x128xf32, #tpu.memory_space<vmem>>, vector<1x128xf32>,
    } else {
    }
    %le3A_106 = arith.constant 8 : i32
    %le3A_107 = arith.cmpi sle, %get3A_39, %le3A_106 : i32
    %ge3A_108 = arith.constant 8 : i32
    %ge3A_109 = arith.cmpi sge, %get3A_44, %ge3A_108 : i32
    %and3A_110 = arith.andi %le3A_107, %ge3A_109 : i1
    %convert_element_type3A_111 = arith.extui %and3A_110 : i1 to i32
    %cond3A_112 = arith.constant 0 : i32
    %cond3A_113 = arith.cmpi ne, %convert_element_type3A_111, %cond3A_112 : i32
    scf.if %cond3A_113 {
      %eq3A_559 = arith.constant 8 : i32
      %eq3A_560 = vector.broadcast %eq3A_559 : i32 to vector<1000xi32>
      %eq3A_561 = arith.cmpi eq, %get3A_8, %eq3A_560 : vector<1000xi32>
      %jit3A = arith.constant 0.000000e+00 : f32
      %jit3A_562 = arith.constant 0xFF800000 : f32
      %broadcast_in_dim3A_563 = vector.broadcast %jit3A : f32 to vector<1000xf32>
      %broadcast_in_dim3A_564 = vector.broadcast %jit3A_562 : f32 to vector<1000xf32>
      %select_n3A = arith.select %eq3A_561, %broadcast_in_dim3A_563, %broadcast_in_dim3A_564 : vector<1000xi1>, vector<1000xf32>
      %broadcast_in_dim3A_565 = vector.shape_cast %select_n3A : vector<1000xf32> to vector<1000x1xf32>
      %add3A_566 = vector.broadcast %broadcast_in_dim3A_565 : vector<1000x1xf32> to vector<1000x128xf32>
      %add3A_567 = arith.addf %get3A_3, %add3A_566 : vector<1000x128xf32>
      %reduce_max3A = arith.constant dense<0xFF800000> : vector<128xf32>
      %reduce_max3A_568 = vector.multi_reduction <maximumf>, %add3A_567, %reduce_max3A [0] : vector<1000x128xf32> to vector<128xf32>
      %broadcast_in_dim3A_569 = vector.shape_cast %reduce_max3A_568 : vector<128xf32> to vector<1x128xf32>
      %get3A_570 = arith.constant 8 : index
      %get3A_571 = arith.constant 0 : index
      %get3A_572 = vector.load %arg11[%get3A_570, %get3A_571] : memref<64x128xf32, #tpu.memory_space<vmem>>, vector<1x128xf32>
      %max3A = arith.maximumf %get3A_572, %broadcast_in_dim3A_569 : vector<1x128xf32>
      %swap3A_573 = arith.constant 8 : index
      %swap3A_574 = arith.constant 0 : index
      %swap3A_575 = vector.load %arg11[%swap3A_573, %swap3A_574] : memref<64x128xf32, #tpu.memory_space<vmem>>, vector<1x128xf32>
      tpu.vector_store %arg11[%swap3A_573, %swap3A_574], %max3A {strides = array<i32>} : memref<64x128xf32, #tpu.memory_space<vmem>>, vector<1x128xf32>,
    } else {
    }
    %le3A_114 = arith.constant 9 : i32
    %le3A_115 = arith.cmpi sle, %get3A_39, %le3A_114 : i32
    %ge3A_116 = arith.constant 9 : i32
    %ge3A_117 = arith.cmpi sge, %get3A_44, %ge3A_116 : i32
    %and3A_118 = arith.andi %le3A_115, %ge3A_117 : i1
    %convert_element_type3A_119 = arith.extui %and3A_118 : i1 to i32
    %cond3A_120 = arith.constant 0 : i32
    %cond3A_121 = arith.cmpi ne, %convert_element_type3A_119, %cond3A_120 : i32
    scf.if %cond3A_121 {
      %eq3A_559 = arith.constant 9 : i32
      %eq3A_560 = vector.broadcast %eq3A_559 : i32 to vector<1000xi32>
      %eq3A_561 = arith.cmpi eq, %get3A_8, %eq3A_560 : vector<1000xi32>
      %jit3A = arith.constant 0.000000e+00 : f32
      %jit3A_562 = arith.constant 0xFF800000 : f32
      %broadcast_in_dim3A_563 = vector.broadcast %jit3A : f32 to vector<1000xf32>
      %broadcast_in_dim3A_564 = vector.broadcast %jit3A_562 : f32 to vector<1000xf32>
      %select_n3A = arith.select %eq3A_561, %broadcast_in_dim3A_563, %broadcast_in_dim3A_564 : vector<1000xi1>, vector<1000xf32>
      %broadcast_in_dim3A_565 = vector.shape_cast %select_n3A : vector<1000xf32> to vector<1000x1xf32>
      %add3A_566 = vector.broadcast %broadcast_in_dim3A_565 : vector<1000x1xf32> to vector<1000x128xf32>
      %add3A_567 = arith.addf %get3A_3, %add3A_566 : vector<1000x128xf32>
      %reduce_max3A = arith.constant dense<0xFF800000> : vector<128xf32>
      %reduce_max3A_568 = vector.multi_reduction <maximumf>, %add3A_567, %reduce_max3A [0] : vector<1000x128xf32> to vector<128xf32>
      %broadcast_in_dim3A_569 = vector.shape_cast %reduce_max3A_568 : vector<128xf32> to vector<1x128xf32>
      %get3A_570 = arith.constant 9 : index
      %get3A_571 = arith.constant 0 : index
      %get3A_572 = vector.load %arg11[%get3A_570, %get3A_571] : memref<64x128xf32, #tpu.memory_space<vmem>>, vector<1x128xf32>
      %max3A = arith.maximumf %get3A_572, %broadcast_in_dim3A_569 : vector<1x128xf32>
      %swap3A_573 = arith.constant 9 : index
      %swap3A_574 = arith.constant 0 : index
      %swap3A_575 = vector.load %arg11[%swap3A_573, %swap3A_574] : memref<64x128xf32, #tpu.memory_space<vmem>>, vector<1x128xf32>
      tpu.vector_store %arg11[%swap3A_573, %swap3A_574], %max3A {strides = array<i32>} : memref<64x128xf32, #tpu.memory_space<vmem>>, vector<1x128xf32>,
    } else {
    }
    %le3A_122 = arith.constant 10 : i32
    %le3A_123 = arith.cmpi sle, %get3A_39, %le3A_122 : i32
    %ge3A_124 = arith.constant 10 : i32
    %ge3A_125 = arith.cmpi sge, %get3A_44, %ge3A_124 : i32
    %and3A_126 = arith.andi %le3A_123, %ge3A_125 : i1
    %convert_element_type3A_127 = arith.extui %and3A_126 : i1 to i32
    %cond3A_128 = arith.constant 0 : i32
    %cond3A_129 = arith.cmpi ne, %convert_element_type3A_127, %cond3A_128 : i32
    scf.if %cond3A_129 {
      %eq3A_559 = arith.constant 10 : i32
      %eq3A_560 = vector.broadcast %eq3A_559 : i32 to vector<1000xi32>
      %eq3A_561 = arith.cmpi eq, %get3A_8, %eq3A_560 : vector<1000xi32>
      %jit3A = arith.constant 0.000000e+00 : f32
      %jit3A_562 = arith.constant 0xFF800000 : f32
      %broadcast_in_dim3A_563 = vector.broadcast %jit3A : f32 to vector<1000xf32>
      %broadcast_in_dim3A_564 = vector.broadcast %jit3A_562 : f32 to vector<1000xf32>
      %select_n3A = arith.select %eq3A_561, %broadcast_in_dim3A_563, %broadcast_in_dim3A_564 : vector<1000xi1>, vector<1000xf32>
      %broadcast_in_dim3A_565 = vector.shape_cast %select_n3A : vector<1000xf32> to vector<1000x1xf32>
      %add3A_566 = vector.broadcast %broadcast_in_dim3A_565 : vector<1000x1xf32> to vector<1000x128xf32>
      %add3A_567 = arith.addf %get3A_3, %add3A_566 : vector<1000x128xf32>
      %reduce_max3A = arith.constant dense<0xFF800000> : vector<128xf32>
      %reduce_max3A_568 = vector.multi_reduction <maximumf>, %add3A_567, %reduce_max3A [0] : vector<1000x128xf32> to vector<128xf32>
      %broadcast_in_dim3A_569 = vector.shape_cast %reduce_max3A_568 : vector<128xf32> to vector<1x128xf32>
      %get3A_570 = arith.constant 10 : index
      %get3A_571 = arith.constant 0 : index
      %get3A_572 = vector.load %arg11[%get3A_570, %get3A_571] : memref<64x128xf32, #tpu.memory_space<vmem>>, vector<1x128xf32>
      %max3A = arith.maximumf %get3A_572, %broadcast_in_dim3A_569 : vector<1x128xf32>
      %swap3A_573 = arith.constant 10 : index
      %swap3A_574 = arith.constant 0 : index
      %swap3A_575 = vector.load %arg11[%swap3A_573, %swap3A_574] : memref<64x128xf32, #tpu.memory_space<vmem>>, vector<1x128xf32>
      tpu.vector_store %arg11[%swap3A_573, %swap3A_574], %max3A {strides = array<i32>} : memref<64x128xf32, #tpu.memory_space<vmem>>, vector<1x128xf32>,
    } else {
    }
    %le3A_130 = arith.constant 11 : i32
    %le3A_131 = arith.cmpi sle, %get3A_39, %le3A_130 : i32
    %ge3A_132 = arith.constant 11 : i32
    %ge3A_133 = arith.cmpi sge, %get3A_44, %ge3A_132 : i32
    %and3A_134 = arith.andi %le3A_131, %ge3A_133 : i1
    %convert_element_type3A_135 = arith.extui %and3A_134 : i1 to i32
    %cond3A_136 = arith.constant 0 : i32
    %cond3A_137 = arith.cmpi ne, %convert_element_type3A_135, %cond3A_136 : i32
    scf.if %cond3A_137 {
      %eq3A_559 = arith.constant 11 : i32
      %eq3A_560 = vector.broadcast %eq3A_559 : i32 to vector<1000xi32>
      %eq3A_561 = arith.cmpi eq, %get3A_8, %eq3A_560 : vector<1000xi32>
      %jit3A = arith.constant 0.000000e+00 : f32
      %jit3A_562 = arith.constant 0xFF800000 : f32
      %broadcast_in_dim3A_563 = vector.broadcast %jit3A : f32 to vector<1000xf32>
      %broadcast_in_dim3A_564 = vector.broadcast %jit3A_562 : f32 to vector<1000xf32>
      %select_n3A = arith.select %eq3A_561, %broadcast_in_dim3A_563, %broadcast_in_dim3A_564 : vector<1000xi1>, vector<1000xf32>
      %broadcast_in_dim3A_565 = vector.shape_cast %select_n3A : vector<1000xf32> to vector<1000x1xf32>
      %add3A_566 = vector.broadcast %broadcast_in_dim3A_565 : vector<1000x1xf32> to vector<1000x128xf32>
      %add3A_567 = arith.addf %get3A_3, %add3A_566 : vector<1000x128xf32>
      %reduce_max3A = arith.constant dense<0xFF800000> : vector<128xf32>
      %reduce_max3A_568 = vector.multi_reduction <maximumf>, %add3A_567, %reduce_max3A [0] : vector<1000x128xf32> to vector<128xf32>
      %broadcast_in_dim3A_569 = vector.shape_cast %reduce_max3A_568 : vector<128xf32> to vector<1x128xf32>
      %get3A_570 = arith.constant 11 : index
      %get3A_571 = arith.constant 0 : index
      %get3A_572 = vector.load %arg11[%get3A_570, %get3A_571] : memref<64x128xf32, #tpu.memory_space<vmem>>, vector<1x128xf32>
      %max3A = arith.maximumf %get3A_572, %broadcast_in_dim3A_569 : vector<1x128xf32>
      %swap3A_573 = arith.constant 11 : index
      %swap3A_574 = arith.constant 0 : index
      %swap3A_575 = vector.load %arg11[%swap3A_573, %swap3A_574] : memref<64x128xf32, #tpu.memory_space<vmem>>, vector<1x128xf32>
      tpu.vector_store %arg11[%swap3A_573, %swap3A_574], %max3A {strides = array<i32>} : memref<64x128xf32, #tpu.memory_space<vmem>>, vector<1x128xf32>,
    } else {
    }
    %le3A_138 = arith.constant 12 : i32
    %le3A_139 = arith.cmpi sle, %get3A_39, %le3A_138 : i32
    %ge3A_140 = arith.constant 12 : i32
    %ge3A_141 = arith.cmpi sge, %get3A_44, %ge3A_140 : i32
    %and3A_142 = arith.andi %le3A_139, %ge3A_141 : i1
    %convert_element_type3A_143 = arith.extui %and3A_142 : i1 to i32
    %cond3A_144 = arith.constant 0 : i32
    %cond3A_145 = arith.cmpi ne, %convert_element_type3A_143, %cond3A_144 : i32
    scf.if %cond3A_145 {
      %eq3A_559 = arith.constant 12 : i32
      %eq3A_560 = vector.broadcast %eq3A_559 : i32 to vector<1000xi32>
      %eq3A_561 = arith.cmpi eq, %get3A_8, %eq3A_560 : vector<1000xi32>
      %jit3A = arith.constant 0.000000e+00 : f32
      %jit3A_562 = arith.constant 0xFF800000 : f32
      %broadcast_in_dim3A_563 = vector.broadcast %jit3A : f32 to vector<1000xf32>
      %broadcast_in_dim3A_564 = vector.broadcast %jit3A_562 : f32 to vector<1000xf32>
      %select_n3A = arith.select %eq3A_561, %broadcast_in_dim3A_563, %broadcast_in_dim3A_564 : vector<1000xi1>, vector<1000xf32>
      %broadcast_in_dim3A_565 = vector.shape_cast %select_n3A : vector<1000xf32> to vector<1000x1xf32>
      %add3A_566 = vector.broadcast %broadcast_in_dim3A_565 : vector<1000x1xf32> to vector<1000x128xf32>
      %add3A_567 = arith.addf %get3A_3, %add3A_566 : vector<1000x128xf32>
      %reduce_max3A = arith.constant dense<0xFF800000> : vector<128xf32>
      %reduce_max3A_568 = vector.multi_reduction <maximumf>, %add3A_567, %reduce_max3A [0] : vector<1000x128xf32> to vector<128xf32>
      %broadcast_in_dim3A_569 = vector.shape_cast %reduce_max3A_568 : vector<128xf32> to vector<1x128xf32>
      %get3A_570 = arith.constant 12 : index
      %get3A_571 = arith.constant 0 : index
      %get3A_572 = vector.load %arg11[%get3A_570, %get3A_571] : memref<64x128xf32, #tpu.memory_space<vmem>>, vector<1x128xf32>
      %max3A = arith.maximumf %get3A_572, %broadcast_in_dim3A_569 : vector<1x128xf32>
      %swap3A_573 = arith.constant 12 : index
      %swap3A_574 = arith.constant 0 : index
      %swap3A_575 = vector.load %arg11[%swap3A_573, %swap3A_574] : memref<64x128xf32, #tpu.memory_space<vmem>>, vector<1x128xf32>
      tpu.vector_store %arg11[%swap3A_573, %swap3A_574], %max3A {strides = array<i32>} : memref<64x128xf32, #tpu.memory_space<vmem>>, vector<1x128xf32>,
    } else {
    }
    %le3A_146 = arith.constant 13 : i32
    %le3A_147 = arith.cmpi sle, %get3A_39, %le3A_146 : i32
    %ge3A_148 = arith.constant 13 : i32
    %ge3A_149 = arith.cmpi sge, %get3A_44, %ge3A_148 : i32
    %and3A_150 = arith.andi %le3A_147, %ge3A_149 : i1
    %convert_element_type3A_151 = arith.extui %and3A_150 : i1 to i32
    %cond3A_152 = arith.constant 0 : i32
    %cond3A_153 = arith.cmpi ne, %convert_element_type3A_151, %cond3A_152 : i32
    scf.if %cond3A_153 {
      %eq3A_559 = arith.constant 13 : i32
      %eq3A_560 = vector.broadcast %eq3A_559 : i32 to vector<1000xi32>
      %eq3A_561 = arith.cmpi eq, %get3A_8, %eq3A_560 : vector<1000xi32>
      %jit3A = arith.constant 0.000000e+00 : f32
      %jit3A_562 = arith.constant 0xFF800000 : f32
      %broadcast_in_dim3A_563 = vector.broadcast %jit3A : f32 to vector<1000xf32>
      %broadcast_in_dim3A_564 = vector.broadcast %jit3A_562 : f32 to vector<1000xf32>
      %select_n3A = arith.select %eq3A_561, %broadcast_in_dim3A_563, %broadcast_in_dim3A_564 : vector<1000xi1>, vector<1000xf32>
      %broadcast_in_dim3A_565 = vector.shape_cast %select_n3A : vector<1000xf32> to vector<1000x1xf32>
      %add3A_566 = vector.broadcast %broadcast_in_dim3A_565 : vector<1000x1xf32> to vector<1000x128xf32>
      %add3A_567 = arith.addf %get3A_3, %add3A_566 : vector<1000x128xf32>
      %reduce_max3A = arith.constant dense<0xFF800000> : vector<128xf32>
      %reduce_max3A_568 = vector.multi_reduction <maximumf>, %add3A_567, %reduce_max3A [0] : vector<1000x128xf32> to vector<128xf32>
      %broadcast_in_dim3A_569 = vector.shape_cast %reduce_max3A_568 : vector<128xf32> to vector<1x128xf32>
      %get3A_570 = arith.constant 13 : index
      %get3A_571 = arith.constant 0 : index
      %get3A_572 = vector.load %arg11[%get3A_570, %get3A_571] : memref<64x128xf32, #tpu.memory_space<vmem>>, vector<1x128xf32>
      %max3A = arith.maximumf %get3A_572, %broadcast_in_dim3A_569 : vector<1x128xf32>
      %swap3A_573 = arith.constant 13 : index
      %swap3A_574 = arith.constant 0 : index
      %swap3A_575 = vector.load %arg11[%swap3A_573, %swap3A_574] : memref<64x128xf32, #tpu.memory_space<vmem>>, vector<1x128xf32>
      tpu.vector_store %arg11[%swap3A_573, %swap3A_574], %max3A {strides = array<i32>} : memref<64x128xf32, #tpu.memory_space<vmem>>, vector<1x128xf32>,
    } else {
    }
    %le3A_154 = arith.constant 14 : i32
    %le3A_155 = arith.cmpi sle, %get3A_39, %le3A_154 : i32
    %ge3A_156 = arith.constant 14 : i32
    %ge3A_157 = arith.cmpi sge, %get3A_44, %ge3A_156 : i32
    %and3A_158 = arith.andi %le3A_155, %ge3A_157 : i1
    %convert_element_type3A_159 = arith.extui %and3A_158 : i1 to i32
    %cond3A_160 = arith.constant 0 : i32
    %cond3A_161 = arith.cmpi ne, %convert_element_type3A_159, %cond3A_160 : i32
    scf.if %cond3A_161 {
      %eq3A_559 = arith.constant 14 : i32
      %eq3A_560 = vector.broadcast %eq3A_559 : i32 to vector<1000xi32>
      %eq3A_561 = arith.cmpi eq, %get3A_8, %eq3A_560 : vector<1000xi32>
      %jit3A = arith.constant 0.000000e+00 : f32
      %jit3A_562 = arith.constant 0xFF800000 : f32
      %broadcast_in_dim3A_563 = vector.broadcast %jit3A : f32 to vector<1000xf32>
      %broadcast_in_dim3A_564 = vector.broadcast %jit3A_562 : f32 to vector<1000xf32>
      %select_n3A = arith.select %eq3A_561, %broadcast_in_dim3A_563, %broadcast_in_dim3A_564 : vector<1000xi1>, vector<1000xf32>
      %broadcast_in_dim3A_565 = vector.shape_cast %select_n3A : vector<1000xf32> to vector<1000x1xf32>
      %add3A_566 = vector.broadcast %broadcast_in_dim3A_565 : vector<1000x1xf32> to vector<1000x128xf32>
      %add3A_567 = arith.addf %get3A_3, %add3A_566 : vector<1000x128xf32>
      %reduce_max3A = arith.constant dense<0xFF800000> : vector<128xf32>
      %reduce_max3A_568 = vector.multi_reduction <maximumf>, %add3A_567, %reduce_max3A [0] : vector<1000x128xf32> to vector<128xf32>
      %broadcast_in_dim3A_569 = vector.shape_cast %reduce_max3A_568 : vector<128xf32> to vector<1x128xf32>
      %get3A_570 = arith.constant 14 : index
      %get3A_571 = arith.constant 0 : index
      %get3A_572 = vector.load %arg11[%get3A_570, %get3A_571] : memref<64x128xf32, #tpu.memory_space<vmem>>, vector<1x128xf32>
      %max3A = arith.maximumf %get3A_572, %broadcast_in_dim3A_569 : vector<1x128xf32>
      %swap3A_573 = arith.constant 14 : index
      %swap3A_574 = arith.constant 0 : index
      %swap3A_575 = vector.load %arg11[%swap3A_573, %swap3A_574] : memref<64x128xf32, #tpu.memory_space<vmem>>, vector<1x128xf32>
      tpu.vector_store %arg11[%swap3A_573, %swap3A_574], %max3A {strides = array<i32>} : memref<64x128xf32, #tpu.memory_space<vmem>>, vector<1x128xf32>,
    } else {
    }
    %le3A_162 = arith.constant 15 : i32
    %le3A_163 = arith.cmpi sle, %get3A_39, %le3A_162 : i32
    %ge3A_164 = arith.constant 15 : i32
    %ge3A_165 = arith.cmpi sge, %get3A_44, %ge3A_164 : i32
    %and3A_166 = arith.andi %le3A_163, %ge3A_165 : i1
    %convert_element_type3A_167 = arith.extui %and3A_166 : i1 to i32
    %cond3A_168 = arith.constant 0 : i32
    %cond3A_169 = arith.cmpi ne, %convert_element_type3A_167, %cond3A_168 : i32
    scf.if %cond3A_169 {
      %eq3A_559 = arith.constant 15 : i32
      %eq3A_560 = vector.broadcast %eq3A_559 : i32 to vector<1000xi32>
      %eq3A_561 = arith.cmpi eq, %get3A_8, %eq3A_560 : vector<1000xi32>
      %jit3A = arith.constant 0.000000e+00 : f32
      %jit3A_562 = arith.constant 0xFF800000 : f32
      %broadcast_in_dim3A_563 = vector.broadcast %jit3A : f32 to vector<1000xf32>
      %broadcast_in_dim3A_564 = vector.broadcast %jit3A_562 : f32 to vector<1000xf32>
      %select_n3A = arith.select %eq3A_561, %broadcast_in_dim3A_563, %broadcast_in_dim3A_564 : vector<1000xi1>, vector<1000xf32>
      %broadcast_in_dim3A_565 = vector.shape_cast %select_n3A : vector<1000xf32> to vector<1000x1xf32>
      %add3A_566 = vector.broadcast %broadcast_in_dim3A_565 : vector<1000x1xf32> to vector<1000x128xf32>
      %add3A_567 = arith.addf %get3A_3, %add3A_566 : vector<1000x128xf32>
      %reduce_max3A = arith.constant dense<0xFF800000> : vector<128xf32>
      %reduce_max3A_568 = vector.multi_reduction <maximumf>, %add3A_567, %reduce_max3A [0] : vector<1000x128xf32> to vector<128xf32>
      %broadcast_in_dim3A_569 = vector.shape_cast %reduce_max3A_568 : vector<128xf32> to vector<1x128xf32>
      %get3A_570 = arith.constant 15 : index
      %get3A_571 = arith.constant 0 : index
      %get3A_572 = vector.load %arg11[%get3A_570, %get3A_571] : memref<64x128xf32, #tpu.memory_space<vmem>>, vector<1x128xf32>
      %max3A = arith.maximumf %get3A_572, %broadcast_in_dim3A_569 : vector<1x128xf32>
      %swap3A_573 = arith.constant 15 : index
      %swap3A_574 = arith.constant 0 : index
      %swap3A_575 = vector.load %arg11[%swap3A_573, %swap3A_574] : memref<64x128xf32, #tpu.memory_space<vmem>>, vector<1x128xf32>
      tpu.vector_store %arg11[%swap3A_573, %swap3A_574], %max3A {strides = array<i32>} : memref<64x128xf32, #tpu.memory_space<vmem>>, vector<1x128xf32>,
    } else {
    }
    %le3A_170 = arith.constant 16 : i32
    %le3A_171 = arith.cmpi sle, %get3A_39, %le3A_170 : i32
    %ge3A_172 = arith.constant 16 : i32
    %ge3A_173 = arith.cmpi sge, %get3A_44, %ge3A_172 : i32
    %and3A_174 = arith.andi %le3A_171, %ge3A_173 : i1
    %convert_element_type3A_175 = arith.extui %and3A_174 : i1 to i32
    %cond3A_176 = arith.constant 0 : i32
    %cond3A_177 = arith.cmpi ne, %convert_element_type3A_175, %cond3A_176 : i32
    scf.if %cond3A_177 {
      %eq3A_559 = arith.constant 16 : i32
      %eq3A_560 = vector.broadcast %eq3A_559 : i32 to vector<1000xi32>
      %eq3A_561 = arith.cmpi eq, %get3A_8, %eq3A_560 : vector<1000xi32>
      %jit3A = arith.constant 0.000000e+00 : f32
      %jit3A_562 = arith.constant 0xFF800000 : f32
      %broadcast_in_dim3A_563 = vector.broadcast %jit3A : f32 to vector<1000xf32>
      %broadcast_in_dim3A_564 = vector.broadcast %jit3A_562 : f32 to vector<1000xf32>
      %select_n3A = arith.select %eq3A_561, %broadcast_in_dim3A_563, %broadcast_in_dim3A_564 : vector<1000xi1>, vector<1000xf32>
      %broadcast_in_dim3A_565 = vector.shape_cast %select_n3A : vector<1000xf32> to vector<1000x1xf32>
      %add3A_566 = vector.broadcast %broadcast_in_dim3A_565 : vector<1000x1xf32> to vector<1000x128xf32>
      %add3A_567 = arith.addf %get3A_3, %add3A_566 : vector<1000x128xf32>
      %reduce_max3A = arith.constant dense<0xFF800000> : vector<128xf32>
      %reduce_max3A_568 = vector.multi_reduction <maximumf>, %add3A_567, %reduce_max3A [0] : vector<1000x128xf32> to vector<128xf32>
      %broadcast_in_dim3A_569 = vector.shape_cast %reduce_max3A_568 : vector<128xf32> to vector<1x128xf32>
      %get3A_570 = arith.constant 16 : index
      %get3A_571 = arith.constant 0 : index
      %get3A_572 = vector.load %arg11[%get3A_570, %get3A_571] : memref<64x128xf32, #tpu.memory_space<vmem>>, vector<1x128xf32>
      %max3A = arith.maximumf %get3A_572, %broadcast_in_dim3A_569 : vector<1x128xf32>
      %swap3A_573 = arith.constant 16 : index
      %swap3A_574 = arith.constant 0 : index
      %swap3A_575 = vector.load %arg11[%swap3A_573, %swap3A_574] : memref<64x128xf32, #tpu.memory_space<vmem>>, vector<1x128xf32>
      tpu.vector_store %arg11[%swap3A_573, %swap3A_574], %max3A {strides = array<i32>} : memref<64x128xf32, #tpu.memory_space<vmem>>, vector<1x128xf32>,
    } else {
    }
    %le3A_178 = arith.constant 17 : i32
    %le3A_179 = arith.cmpi sle, %get3A_39, %le3A_178 : i32
    %ge3A_180 = arith.constant 17 : i32
    %ge3A_181 = arith.cmpi sge, %get3A_44, %ge3A_180 : i32
    %and3A_182 = arith.andi %le3A_179, %ge3A_181 : i1
    %convert_element_type3A_183 = arith.extui %and3A_182 : i1 to i32
    %cond3A_184 = arith.constant 0 : i32
    %cond3A_185 = arith.cmpi ne, %convert_element_type3A_183, %cond3A_184 : i32
    scf.if %cond3A_185 {
      %eq3A_559 = arith.constant 17 : i32
      %eq3A_560 = vector.broadcast %eq3A_559 : i32 to vector<1000xi32>
      %eq3A_561 = arith.cmpi eq, %get3A_8, %eq3A_560 : vector<1000xi32>
      %jit3A = arith.constant 0.000000e+00 : f32
      %jit3A_562 = arith.constant 0xFF800000 : f32
      %broadcast_in_dim3A_563 = vector.broadcast %jit3A : f32 to vector<1000xf32>
      %broadcast_in_dim3A_564 = vector.broadcast %jit3A_562 : f32 to vector<1000xf32>
      %select_n3A = arith.select %eq3A_561, %broadcast_in_dim3A_563, %broadcast_in_dim3A_564 : vector<1000xi1>, vector<1000xf32>
      %broadcast_in_dim3A_565 = vector.shape_cast %select_n3A : vector<1000xf32> to vector<1000x1xf32>
      %add3A_566 = vector.broadcast %broadcast_in_dim3A_565 : vector<1000x1xf32> to vector<1000x128xf32>
      %add3A_567 = arith.addf %get3A_3, %add3A_566 : vector<1000x128xf32>
      %reduce_max3A = arith.constant dense<0xFF800000> : vector<128xf32>
      %reduce_max3A_568 = vector.multi_reduction <maximumf>, %add3A_567, %reduce_max3A [0] : vector<1000x128xf32> to vector<128xf32>
      %broadcast_in_dim3A_569 = vector.shape_cast %reduce_max3A_568 : vector<128xf32> to vector<1x128xf32>
      %get3A_570 = arith.constant 17 : index
      %get3A_571 = arith.constant 0 : index
      %get3A_572 = vector.load %arg11[%get3A_570, %get3A_571] : memref<64x128xf32, #tpu.memory_space<vmem>>, vector<1x128xf32>
      %max3A = arith.maximumf %get3A_572, %broadcast_in_dim3A_569 : vector<1x128xf32>
      %swap3A_573 = arith.constant 17 : index
      %swap3A_574 = arith.constant 0 : index
      %swap3A_575 = vector.load %arg11[%swap3A_573, %swap3A_574] : memref<64x128xf32, #tpu.memory_space<vmem>>, vector<1x128xf32>
      tpu.vector_store %arg11[%swap3A_573, %swap3A_574], %max3A {strides = array<i32>} : memref<64x128xf32, #tpu.memory_space<vmem>>, vector<1x128xf32>,
    } else {
    }
    %le3A_186 = arith.constant 18 : i32
    %le3A_187 = arith.cmpi sle, %get3A_39, %le3A_186 : i32
    %ge3A_188 = arith.constant 18 : i32
    %ge3A_189 = arith.cmpi sge, %get3A_44, %ge3A_188 : i32
    %and3A_190 = arith.andi %le3A_187, %ge3A_189 : i1
    %convert_element_type3A_191 = arith.extui %and3A_190 : i1 to i32
    %cond3A_192 = arith.constant 0 : i32
    %cond3A_193 = arith.cmpi ne, %convert_element_type3A_191, %cond3A_192 : i32
    scf.if %cond3A_193 {
      %eq3A_559 = arith.constant 18 : i32
      %eq3A_560 = vector.broadcast %eq3A_559 : i32 to vector<1000xi32>
      %eq3A_561 = arith.cmpi eq, %get3A_8, %eq3A_560 : vector<1000xi32>
      %jit3A = arith.constant 0.000000e+00 : f32
      %jit3A_562 = arith.constant 0xFF800000 : f32
      %broadcast_in_dim3A_563 = vector.broadcast %jit3A : f32 to vector<1000xf32>
      %broadcast_in_dim3A_564 = vector.broadcast %jit3A_562 : f32 to vector<1000xf32>
      %select_n3A = arith.select %eq3A_561, %broadcast_in_dim3A_563, %broadcast_in_dim3A_564 : vector<1000xi1>, vector<1000xf32>
      %broadcast_in_dim3A_565 = vector.shape_cast %select_n3A : vector<1000xf32> to vector<1000x1xf32>
      %add3A_566 = vector.broadcast %broadcast_in_dim3A_565 : vector<1000x1xf32> to vector<1000x128xf32>
      %add3A_567 = arith.addf %get3A_3, %add3A_566 : vector<1000x128xf32>
      %reduce_max3A = arith.constant dense<0xFF800000> : vector<128xf32>
      %reduce_max3A_568 = vector.multi_reduction <maximumf>, %add3A_567, %reduce_max3A [0] : vector<1000x128xf32> to vector<128xf32>
      %broadcast_in_dim3A_569 = vector.shape_cast %reduce_max3A_568 : vector<128xf32> to vector<1x128xf32>
      %get3A_570 = arith.constant 18 : index
      %get3A_571 = arith.constant 0 : index
      %get3A_572 = vector.load %arg11[%get3A_570, %get3A_571] : memref<64x128xf32, #tpu.memory_space<vmem>>, vector<1x128xf32>
      %max3A = arith.maximumf %get3A_572, %broadcast_in_dim3A_569 : vector<1x128xf32>
      %swap3A_573 = arith.constant 18 : index
      %swap3A_574 = arith.constant 0 : index
      %swap3A_575 = vector.load %arg11[%swap3A_573, %swap3A_574] : memref<64x128xf32, #tpu.memory_space<vmem>>, vector<1x128xf32>
      tpu.vector_store %arg11[%swap3A_573, %swap3A_574], %max3A {strides = array<i32>} : memref<64x128xf32, #tpu.memory_space<vmem>>, vector<1x128xf32>,
    } else {
    }
    %le3A_194 = arith.constant 19 : i32
    %le3A_195 = arith.cmpi sle, %get3A_39, %le3A_194 : i32
    %ge3A_196 = arith.constant 19 : i32
    %ge3A_197 = arith.cmpi sge, %get3A_44, %ge3A_196 : i32
    %and3A_198 = arith.andi %le3A_195, %ge3A_197 : i1
    %convert_element_type3A_199 = arith.extui %and3A_198 : i1 to i32
    %cond3A_200 = arith.constant 0 : i32
    %cond3A_201 = arith.cmpi ne, %convert_element_type3A_199, %cond3A_200 : i32
    scf.if %cond3A_201 {
      %eq3A_559 = arith.constant 19 : i32
      %eq3A_560 = vector.broadcast %eq3A_559 : i32 to vector<1000xi32>
      %eq3A_561 = arith.cmpi eq, %get3A_8, %eq3A_560 : vector<1000xi32>
      %jit3A = arith.constant 0.000000e+00 : f32
      %jit3A_562 = arith.constant 0xFF800000 : f32
      %broadcast_in_dim3A_563 = vector.broadcast %jit3A : f32 to vector<1000xf32>
      %broadcast_in_dim3A_564 = vector.broadcast %jit3A_562 : f32 to vector<1000xf32>
      %select_n3A = arith.select %eq3A_561, %broadcast_in_dim3A_563, %broadcast_in_dim3A_564 : vector<1000xi1>, vector<1000xf32>
      %broadcast_in_dim3A_565 = vector.shape_cast %select_n3A : vector<1000xf32> to vector<1000x1xf32>
      %add3A_566 = vector.broadcast %broadcast_in_dim3A_565 : vector<1000x1xf32> to vector<1000x128xf32>
      %add3A_567 = arith.addf %get3A_3, %add3A_566 : vector<1000x128xf32>
      %reduce_max3A = arith.constant dense<0xFF800000> : vector<128xf32>
      %reduce_max3A_568 = vector.multi_reduction <maximumf>, %add3A_567, %reduce_max3A [0] : vector<1000x128xf32> to vector<128xf32>
      %broadcast_in_dim3A_569 = vector.shape_cast %reduce_max3A_568 : vector<128xf32> to vector<1x128xf32>
      %get3A_570 = arith.constant 19 : index
      %get3A_571 = arith.constant 0 : index
      %get3A_572 = vector.load %arg11[%get3A_570, %get3A_571] : memref<64x128xf32, #tpu.memory_space<vmem>>, vector<1x128xf32>
      %max3A = arith.maximumf %get3A_572, %broadcast_in_dim3A_569 : vector<1x128xf32>
      %swap3A_573 = arith.constant 19 : index
      %swap3A_574 = arith.constant 0 : index
      %swap3A_575 = vector.load %arg11[%swap3A_573, %swap3A_574] : memref<64x128xf32, #tpu.memory_space<vmem>>, vector<1x128xf32>
      tpu.vector_store %arg11[%swap3A_573, %swap3A_574], %max3A {strides = array<i32>} : memref<64x128xf32, #tpu.memory_space<vmem>>, vector<1x128xf32>,
    } else {
    }
    %le3A_202 = arith.constant 20 : i32
    %le3A_203 = arith.cmpi sle, %get3A_39, %le3A_202 : i32
    %ge3A_204 = arith.constant 20 : i32
    %ge3A_205 = arith.cmpi sge, %get3A_44, %ge3A_204 : i32
    %and3A_206 = arith.andi %le3A_203, %ge3A_205 : i1
    %convert_element_type3A_207 = arith.extui %and3A_206 : i1 to i32
    %cond3A_208 = arith.constant 0 : i32
    %cond3A_209 = arith.cmpi ne, %convert_element_type3A_207, %cond3A_208 : i32
    scf.if %cond3A_209 {
      %eq3A_559 = arith.constant 20 : i32
      %eq3A_560 = vector.broadcast %eq3A_559 : i32 to vector<1000xi32>
      %eq3A_561 = arith.cmpi eq, %get3A_8, %eq3A_560 : vector<1000xi32>
      %jit3A = arith.constant 0.000000e+00 : f32
      %jit3A_562 = arith.constant 0xFF800000 : f32
      %broadcast_in_dim3A_563 = vector.broadcast %jit3A : f32 to vector<1000xf32>
      %broadcast_in_dim3A_564 = vector.broadcast %jit3A_562 : f32 to vector<1000xf32>
      %select_n3A = arith.select %eq3A_561, %broadcast_in_dim3A_563, %broadcast_in_dim3A_564 : vector<1000xi1>, vector<1000xf32>
      %broadcast_in_dim3A_565 = vector.shape_cast %select_n3A : vector<1000xf32> to vector<1000x1xf32>
      %add3A_566 = vector.broadcast %broadcast_in_dim3A_565 : vector<1000x1xf32> to vector<1000x128xf32>
      %add3A_567 = arith.addf %get3A_3, %add3A_566 : vector<1000x128xf32>
      %reduce_max3A = arith.constant dense<0xFF800000> : vector<128xf32>
      %reduce_max3A_568 = vector.multi_reduction <maximumf>, %add3A_567, %reduce_max3A [0] : vector<1000x128xf32> to vector<128xf32>
      %broadcast_in_dim3A_569 = vector.shape_cast %reduce_max3A_568 : vector<128xf32> to vector<1x128xf32>
      %get3A_570 = arith.constant 20 : index
      %get3A_571 = arith.constant 0 : index
      %get3A_572 = vector.load %arg11[%get3A_570, %get3A_571] : memref<64x128xf32, #tpu.memory_space<vmem>>, vector<1x128xf32>
      %max3A = arith.maximumf %get3A_572, %broadcast_in_dim3A_569 : vector<1x128xf32>
      %swap3A_573 = arith.constant 20 : index
      %swap3A_574 = arith.constant 0 : index
      %swap3A_575 = vector.load %arg11[%swap3A_573, %swap3A_574] : memref<64x128xf32, #tpu.memory_space<vmem>>, vector<1x128xf32>
      tpu.vector_store %arg11[%swap3A_573, %swap3A_574], %max3A {strides = array<i32>} : memref<64x128xf32, #tpu.memory_space<vmem>>, vector<1x128xf32>,
    } else {
    }
    %le3A_210 = arith.constant 21 : i32
    %le3A_211 = arith.cmpi sle, %get3A_39, %le3A_210 : i32
    %ge3A_212 = arith.constant 21 : i32
    %ge3A_213 = arith.cmpi sge, %get3A_44, %ge3A_212 : i32
    %and3A_214 = arith.andi %le3A_211, %ge3A_213 : i1
    %convert_element_type3A_215 = arith.extui %and3A_214 : i1 to i32
    %cond3A_216 = arith.constant 0 : i32
    %cond3A_217 = arith.cmpi ne, %convert_element_type3A_215, %cond3A_216 : i32
    scf.if %cond3A_217 {
      %eq3A_559 = arith.constant 21 : i32
      %eq3A_560 = vector.broadcast %eq3A_559 : i32 to vector<1000xi32>
      %eq3A_561 = arith.cmpi eq, %get3A_8, %eq3A_560 : vector<1000xi32>
      %jit3A = arith.constant 0.000000e+00 : f32
      %jit3A_562 = arith.constant 0xFF800000 : f32
      %broadcast_in_dim3A_563 = vector.broadcast %jit3A : f32 to vector<1000xf32>
      %broadcast_in_dim3A_564 = vector.broadcast %jit3A_562 : f32 to vector<1000xf32>
      %select_n3A = arith.select %eq3A_561, %broadcast_in_dim3A_563, %broadcast_in_dim3A_564 : vector<1000xi1>, vector<1000xf32>
      %broadcast_in_dim3A_565 = vector.shape_cast %select_n3A : vector<1000xf32> to vector<1000x1xf32>
      %add3A_566 = vector.broadcast %broadcast_in_dim3A_565 : vector<1000x1xf32> to vector<1000x128xf32>
      %add3A_567 = arith.addf %get3A_3, %add3A_566 : vector<1000x128xf32>
      %reduce_max3A = arith.constant dense<0xFF800000> : vector<128xf32>
      %reduce_max3A_568 = vector.multi_reduction <maximumf>, %add3A_567, %reduce_max3A [0] : vector<1000x128xf32> to vector<128xf32>
      %broadcast_in_dim3A_569 = vector.shape_cast %reduce_max3A_568 : vector<128xf32> to vector<1x128xf32>
      %get3A_570 = arith.constant 21 : index
      %get3A_571 = arith.constant 0 : index
      %get3A_572 = vector.load %arg11[%get3A_570, %get3A_571] : memref<64x128xf32, #tpu.memory_space<vmem>>, vector<1x128xf32>
      %max3A = arith.maximumf %get3A_572, %broadcast_in_dim3A_569 : vector<1x128xf32>
      %swap3A_573 = arith.constant 21 : index
      %swap3A_574 = arith.constant 0 : index
      %swap3A_575 = vector.load %arg11[%swap3A_573, %swap3A_574] : memref<64x128xf32, #tpu.memory_space<vmem>>, vector<1x128xf32>
      tpu.vector_store %arg11[%swap3A_573, %swap3A_574], %max3A {strides = array<i32>} : memref<64x128xf32, #tpu.memory_space<vmem>>, vector<1x128xf32>,
    } else {
    }
    %le3A_218 = arith.constant 22 : i32
    %le3A_219 = arith.cmpi sle, %get3A_39, %le3A_218 : i32
    %ge3A_220 = arith.constant 22 : i32
    %ge3A_221 = arith.cmpi sge, %get3A_44, %ge3A_220 : i32
    %and3A_222 = arith.andi %le3A_219, %ge3A_221 : i1
    %convert_element_type3A_223 = arith.extui %and3A_222 : i1 to i32
    %cond3A_224 = arith.constant 0 : i32
    %cond3A_225 = arith.cmpi ne, %convert_element_type3A_223, %cond3A_224 : i32
    scf.if %cond3A_225 {
      %eq3A_559 = arith.constant 22 : i32
      %eq3A_560 = vector.broadcast %eq3A_559 : i32 to vector<1000xi32>
      %eq3A_561 = arith.cmpi eq, %get3A_8, %eq3A_560 : vector<1000xi32>
      %jit3A = arith.constant 0.000000e+00 : f32
      %jit3A_562 = arith.constant 0xFF800000 : f32
      %broadcast_in_dim3A_563 = vector.broadcast %jit3A : f32 to vector<1000xf32>
      %broadcast_in_dim3A_564 = vector.broadcast %jit3A_562 : f32 to vector<1000xf32>
      %select_n3A = arith.select %eq3A_561, %broadcast_in_dim3A_563, %broadcast_in_dim3A_564 : vector<1000xi1>, vector<1000xf32>
      %broadcast_in_dim3A_565 = vector.shape_cast %select_n3A : vector<1000xf32> to vector<1000x1xf32>
      %add3A_566 = vector.broadcast %broadcast_in_dim3A_565 : vector<1000x1xf32> to vector<1000x128xf32>
      %add3A_567 = arith.addf %get3A_3, %add3A_566 : vector<1000x128xf32>
      %reduce_max3A = arith.constant dense<0xFF800000> : vector<128xf32>
      %reduce_max3A_568 = vector.multi_reduction <maximumf>, %add3A_567, %reduce_max3A [0] : vector<1000x128xf32> to vector<128xf32>
      %broadcast_in_dim3A_569 = vector.shape_cast %reduce_max3A_568 : vector<128xf32> to vector<1x128xf32>
      %get3A_570 = arith.constant 22 : index
      %get3A_571 = arith.constant 0 : index
      %get3A_572 = vector.load %arg11[%get3A_570, %get3A_571] : memref<64x128xf32, #tpu.memory_space<vmem>>, vector<1x128xf32>
      %max3A = arith.maximumf %get3A_572, %broadcast_in_dim3A_569 : vector<1x128xf32>
      %swap3A_573 = arith.constant 22 : index
      %swap3A_574 = arith.constant 0 : index
      %swap3A_575 = vector.load %arg11[%swap3A_573, %swap3A_574] : memref<64x128xf32, #tpu.memory_space<vmem>>, vector<1x128xf32>
      tpu.vector_store %arg11[%swap3A_573, %swap3A_574], %max3A {strides = array<i32>} : memref<64x128xf32, #tpu.memory_space<vmem>>, vector<1x128xf32>,
    } else {
    }
    %le3A_226 = arith.constant 23 : i32
    %le3A_227 = arith.cmpi sle, %get3A_39, %le3A_226 : i32
    %ge3A_228 = arith.constant 23 : i32
    %ge3A_229 = arith.cmpi sge, %get3A_44, %ge3A_228 : i32
    %and3A_230 = arith.andi %le3A_227, %ge3A_229 : i1
    %convert_element_type3A_231 = arith.extui %and3A_230 : i1 to i32
    %cond3A_232 = arith.constant 0 : i32
    %cond3A_233 = arith.cmpi ne, %convert_element_type3A_231, %cond3A_232 : i32
    scf.if %cond3A_233 {
      %eq3A_559 = arith.constant 23 : i32
      %eq3A_560 = vector.broadcast %eq3A_559 : i32 to vector<1000xi32>
      %eq3A_561 = arith.cmpi eq, %get3A_8, %eq3A_560 : vector<1000xi32>
      %jit3A = arith.constant 0.000000e+00 : f32
      %jit3A_562 = arith.constant 0xFF800000 : f32
      %broadcast_in_dim3A_563 = vector.broadcast %jit3A : f32 to vector<1000xf32>
      %broadcast_in_dim3A_564 = vector.broadcast %jit3A_562 : f32 to vector<1000xf32>
      %select_n3A = arith.select %eq3A_561, %broadcast_in_dim3A_563, %broadcast_in_dim3A_564 : vector<1000xi1>, vector<1000xf32>
      %broadcast_in_dim3A_565 = vector.shape_cast %select_n3A : vector<1000xf32> to vector<1000x1xf32>
      %add3A_566 = vector.broadcast %broadcast_in_dim3A_565 : vector<1000x1xf32> to vector<1000x128xf32>
      %add3A_567 = arith.addf %get3A_3, %add3A_566 : vector<1000x128xf32>
      %reduce_max3A = arith.constant dense<0xFF800000> : vector<128xf32>
      %reduce_max3A_568 = vector.multi_reduction <maximumf>, %add3A_567, %reduce_max3A [0] : vector<1000x128xf32> to vector<128xf32>
      %broadcast_in_dim3A_569 = vector.shape_cast %reduce_max3A_568 : vector<128xf32> to vector<1x128xf32>
      %get3A_570 = arith.constant 23 : index
      %get3A_571 = arith.constant 0 : index
      %get3A_572 = vector.load %arg11[%get3A_570, %get3A_571] : memref<64x128xf32, #tpu.memory_space<vmem>>, vector<1x128xf32>
      %max3A = arith.maximumf %get3A_572, %broadcast_in_dim3A_569 : vector<1x128xf32>
      %swap3A_573 = arith.constant 23 : index
      %swap3A_574 = arith.constant 0 : index
      %swap3A_575 = vector.load %arg11[%swap3A_573, %swap3A_574] : memref<64x128xf32, #tpu.memory_space<vmem>>, vector<1x128xf32>
      tpu.vector_store %arg11[%swap3A_573, %swap3A_574], %max3A {strides = array<i32>} : memref<64x128xf32, #tpu.memory_space<vmem>>, vector<1x128xf32>,
    } else {
    }
    %le3A_234 = arith.constant 24 : i32
    %le3A_235 = arith.cmpi sle, %get3A_39, %le3A_234 : i32
    %ge3A_236 = arith.constant 24 : i32
    %ge3A_237 = arith.cmpi sge, %get3A_44, %ge3A_236 : i32
    %and3A_238 = arith.andi %le3A_235, %ge3A_237 : i1
    %convert_element_type3A_239 = arith.extui %and3A_238 : i1 to i32
    %cond3A_240 = arith.constant 0 : i32
    %cond3A_241 = arith.cmpi ne, %convert_element_type3A_239, %cond3A_240 : i32
    scf.if %cond3A_241 {
      %eq3A_559 = arith.constant 24 : i32
      %eq3A_560 = vector.broadcast %eq3A_559 : i32 to vector<1000xi32>
      %eq3A_561 = arith.cmpi eq, %get3A_8, %eq3A_560 : vector<1000xi32>
      %jit3A = arith.constant 0.000000e+00 : f32
      %jit3A_562 = arith.constant 0xFF800000 : f32
      %broadcast_in_dim3A_563 = vector.broadcast %jit3A : f32 to vector<1000xf32>
      %broadcast_in_dim3A_564 = vector.broadcast %jit3A_562 : f32 to vector<1000xf32>
      %select_n3A = arith.select %eq3A_561, %broadcast_in_dim3A_563, %broadcast_in_dim3A_564 : vector<1000xi1>, vector<1000xf32>
      %broadcast_in_dim3A_565 = vector.shape_cast %select_n3A : vector<1000xf32> to vector<1000x1xf32>
      %add3A_566 = vector.broadcast %broadcast_in_dim3A_565 : vector<1000x1xf32> to vector<1000x128xf32>
      %add3A_567 = arith.addf %get3A_3, %add3A_566 : vector<1000x128xf32>
      %reduce_max3A = arith.constant dense<0xFF800000> : vector<128xf32>
      %reduce_max3A_568 = vector.multi_reduction <maximumf>, %add3A_567, %reduce_max3A [0] : vector<1000x128xf32> to vector<128xf32>
      %broadcast_in_dim3A_569 = vector.shape_cast %reduce_max3A_568 : vector<128xf32> to vector<1x128xf32>
      %get3A_570 = arith.constant 24 : index
      %get3A_571 = arith.constant 0 : index
      %get3A_572 = vector.load %arg11[%get3A_570, %get3A_571] : memref<64x128xf32, #tpu.memory_space<vmem>>, vector<1x128xf32>
      %max3A = arith.maximumf %get3A_572, %broadcast_in_dim3A_569 : vector<1x128xf32>
      %swap3A_573 = arith.constant 24 : index
      %swap3A_574 = arith.constant 0 : index
      %swap3A_575 = vector.load %arg11[%swap3A_573, %swap3A_574] : memref<64x128xf32, #tpu.memory_space<vmem>>, vector<1x128xf32>
      tpu.vector_store %arg11[%swap3A_573, %swap3A_574], %max3A {strides = array<i32>} : memref<64x128xf32, #tpu.memory_space<vmem>>, vector<1x128xf32>,
    } else {
    }
    %le3A_242 = arith.constant 25 : i32
    %le3A_243 = arith.cmpi sle, %get3A_39, %le3A_242 : i32
    %ge3A_244 = arith.constant 25 : i32
    %ge3A_245 = arith.cmpi sge, %get3A_44, %ge3A_244 : i32
    %and3A_246 = arith.andi %le3A_243, %ge3A_245 : i1
    %convert_element_type3A_247 = arith.extui %and3A_246 : i1 to i32
    %cond3A_248 = arith.constant 0 : i32
    %cond3A_249 = arith.cmpi ne, %convert_element_type3A_247, %cond3A_248 : i32
    scf.if %cond3A_249 {
      %eq3A_559 = arith.constant 25 : i32
      %eq3A_560 = vector.broadcast %eq3A_559 : i32 to vector<1000xi32>
      %eq3A_561 = arith.cmpi eq, %get3A_8, %eq3A_560 : vector<1000xi32>
      %jit3A = arith.constant 0.000000e+00 : f32
      %jit3A_562 = arith.constant 0xFF800000 : f32
      %broadcast_in_dim3A_563 = vector.broadcast %jit3A : f32 to vector<1000xf32>
      %broadcast_in_dim3A_564 = vector.broadcast %jit3A_562 : f32 to vector<1000xf32>
      %select_n3A = arith.select %eq3A_561, %broadcast_in_dim3A_563, %broadcast_in_dim3A_564 : vector<1000xi1>, vector<1000xf32>
      %broadcast_in_dim3A_565 = vector.shape_cast %select_n3A : vector<1000xf32> to vector<1000x1xf32>
      %add3A_566 = vector.broadcast %broadcast_in_dim3A_565 : vector<1000x1xf32> to vector<1000x128xf32>
      %add3A_567 = arith.addf %get3A_3, %add3A_566 : vector<1000x128xf32>
      %reduce_max3A = arith.constant dense<0xFF800000> : vector<128xf32>
      %reduce_max3A_568 = vector.multi_reduction <maximumf>, %add3A_567, %reduce_max3A [0] : vector<1000x128xf32> to vector<128xf32>
      %broadcast_in_dim3A_569 = vector.shape_cast %reduce_max3A_568 : vector<128xf32> to vector<1x128xf32>
      %get3A_570 = arith.constant 25 : index
      %get3A_571 = arith.constant 0 : index
      %get3A_572 = vector.load %arg11[%get3A_570, %get3A_571] : memref<64x128xf32, #tpu.memory_space<vmem>>, vector<1x128xf32>
      %max3A = arith.maximumf %get3A_572, %broadcast_in_dim3A_569 : vector<1x128xf32>
      %swap3A_573 = arith.constant 25 : index
      %swap3A_574 = arith.constant 0 : index
      %swap3A_575 = vector.load %arg11[%swap3A_573, %swap3A_574] : memref<64x128xf32, #tpu.memory_space<vmem>>, vector<1x128xf32>
      tpu.vector_store %arg11[%swap3A_573, %swap3A_574], %max3A {strides = array<i32>} : memref<64x128xf32, #tpu.memory_space<vmem>>, vector<1x128xf32>,
    } else {
    }
    %le3A_250 = arith.constant 26 : i32
    %le3A_251 = arith.cmpi sle, %get3A_39, %le3A_250 : i32
    %ge3A_252 = arith.constant 26 : i32
    %ge3A_253 = arith.cmpi sge, %get3A_44, %ge3A_252 : i32
    %and3A_254 = arith.andi %le3A_251, %ge3A_253 : i1
    %convert_element_type3A_255 = arith.extui %and3A_254 : i1 to i32
    %cond3A_256 = arith.constant 0 : i32
    %cond3A_257 = arith.cmpi ne, %convert_element_type3A_255, %cond3A_256 : i32
    scf.if %cond3A_257 {
      %eq3A_559 = arith.constant 26 : i32
      %eq3A_560 = vector.broadcast %eq3A_559 : i32 to vector<1000xi32>
      %eq3A_561 = arith.cmpi eq, %get3A_8, %eq3A_560 : vector<1000xi32>
      %jit3A = arith.constant 0.000000e+00 : f32
      %jit3A_562 = arith.constant 0xFF800000 : f32
      %broadcast_in_dim3A_563 = vector.broadcast %jit3A : f32 to vector<1000xf32>
      %broadcast_in_dim3A_564 = vector.broadcast %jit3A_562 : f32 to vector<1000xf32>
      %select_n3A = arith.select %eq3A_561, %broadcast_in_dim3A_563, %broadcast_in_dim3A_564 : vector<1000xi1>, vector<1000xf32>
      %broadcast_in_dim3A_565 = vector.shape_cast %select_n3A : vector<1000xf32> to vector<1000x1xf32>
      %add3A_566 = vector.broadcast %broadcast_in_dim3A_565 : vector<1000x1xf32> to vector<1000x128xf32>
      %add3A_567 = arith.addf %get3A_3, %add3A_566 : vector<1000x128xf32>
      %reduce_max3A = arith.constant dense<0xFF800000> : vector<128xf32>
      %reduce_max3A_568 = vector.multi_reduction <maximumf>, %add3A_567, %reduce_max3A [0] : vector<1000x128xf32> to vector<128xf32>
      %broadcast_in_dim3A_569 = vector.shape_cast %reduce_max3A_568 : vector<128xf32> to vector<1x128xf32>
      %get3A_570 = arith.constant 26 : index
      %get3A_571 = arith.constant 0 : index
      %get3A_572 = vector.load %arg11[%get3A_570, %get3A_571] : memref<64x128xf32, #tpu.memory_space<vmem>>, vector<1x128xf32>
      %max3A = arith.maximumf %get3A_572, %broadcast_in_dim3A_569 : vector<1x128xf32>
      %swap3A_573 = arith.constant 26 : index
      %swap3A_574 = arith.constant 0 : index
      %swap3A_575 = vector.load %arg11[%swap3A_573, %swap3A_574] : memref<64x128xf32, #tpu.memory_space<vmem>>, vector<1x128xf32>
      tpu.vector_store %arg11[%swap3A_573, %swap3A_574], %max3A {strides = array<i32>} : memref<64x128xf32, #tpu.memory_space<vmem>>, vector<1x128xf32>,
    } else {
    }
    %le3A_258 = arith.constant 27 : i32
    %le3A_259 = arith.cmpi sle, %get3A_39, %le3A_258 : i32
    %ge3A_260 = arith.constant 27 : i32
    %ge3A_261 = arith.cmpi sge, %get3A_44, %ge3A_260 : i32
    %and3A_262 = arith.andi %le3A_259, %ge3A_261 : i1
    %convert_element_type3A_263 = arith.extui %and3A_262 : i1 to i32
    %cond3A_264 = arith.constant 0 : i32
    %cond3A_265 = arith.cmpi ne, %convert_element_type3A_263, %cond3A_264 : i32
    scf.if %cond3A_265 {
      %eq3A_559 = arith.constant 27 : i32
      %eq3A_560 = vector.broadcast %eq3A_559 : i32 to vector<1000xi32>
      %eq3A_561 = arith.cmpi eq, %get3A_8, %eq3A_560 : vector<1000xi32>
      %jit3A = arith.constant 0.000000e+00 : f32
      %jit3A_562 = arith.constant 0xFF800000 : f32
      %broadcast_in_dim3A_563 = vector.broadcast %jit3A : f32 to vector<1000xf32>
      %broadcast_in_dim3A_564 = vector.broadcast %jit3A_562 : f32 to vector<1000xf32>
      %select_n3A = arith.select %eq3A_561, %broadcast_in_dim3A_563, %broadcast_in_dim3A_564 : vector<1000xi1>, vector<1000xf32>
      %broadcast_in_dim3A_565 = vector.shape_cast %select_n3A : vector<1000xf32> to vector<1000x1xf32>
      %add3A_566 = vector.broadcast %broadcast_in_dim3A_565 : vector<1000x1xf32> to vector<1000x128xf32>
      %add3A_567 = arith.addf %get3A_3, %add3A_566 : vector<1000x128xf32>
      %reduce_max3A = arith.constant dense<0xFF800000> : vector<128xf32>
      %reduce_max3A_568 = vector.multi_reduction <maximumf>, %add3A_567, %reduce_max3A [0] : vector<1000x128xf32> to vector<128xf32>
      %broadcast_in_dim3A_569 = vector.shape_cast %reduce_max3A_568 : vector<128xf32> to vector<1x128xf32>
      %get3A_570 = arith.constant 27 : index
      %get3A_571 = arith.constant 0 : index
      %get3A_572 = vector.load %arg11[%get3A_570, %get3A_571] : memref<64x128xf32, #tpu.memory_space<vmem>>, vector<1x128xf32>
      %max3A = arith.maximumf %get3A_572, %broadcast_in_dim3A_569 : vector<1x128xf32>
      %swap3A_573 = arith.constant 27 : index
      %swap3A_574 = arith.constant 0 : index
      %swap3A_575 = vector.load %arg11[%swap3A_573, %swap3A_574] : memref<64x128xf32, #tpu.memory_space<vmem>>, vector<1x128xf32>
      tpu.vector_store %arg11[%swap3A_573, %swap3A_574], %max3A {strides = array<i32>} : memref<64x128xf32, #tpu.memory_space<vmem>>, vector<1x128xf32>,
    } else {
    }
    %le3A_266 = arith.constant 28 : i32
    %le3A_267 = arith.cmpi sle, %get3A_39, %le3A_266 : i32
    %ge3A_268 = arith.constant 28 : i32
    %ge3A_269 = arith.cmpi sge, %get3A_44, %ge3A_268 : i32
    %and3A_270 = arith.andi %le3A_267, %ge3A_269 : i1
    %convert_element_type3A_271 = arith.extui %and3A_270 : i1 to i32
    %cond3A_272 = arith.constant 0 : i32
    %cond3A_273 = arith.cmpi ne, %convert_element_type3A_271, %cond3A_272 : i32
    scf.if %cond3A_273 {
      %eq3A_559 = arith.constant 28 : i32
      %eq3A_560 = vector.broadcast %eq3A_559 : i32 to vector<1000xi32>
      %eq3A_561 = arith.cmpi eq, %get3A_8, %eq3A_560 : vector<1000xi32>
      %jit3A = arith.constant 0.000000e+00 : f32
      %jit3A_562 = arith.constant 0xFF800000 : f32
      %broadcast_in_dim3A_563 = vector.broadcast %jit3A : f32 to vector<1000xf32>
      %broadcast_in_dim3A_564 = vector.broadcast %jit3A_562 : f32 to vector<1000xf32>
      %select_n3A = arith.select %eq3A_561, %broadcast_in_dim3A_563, %broadcast_in_dim3A_564 : vector<1000xi1>, vector<1000xf32>
      %broadcast_in_dim3A_565 = vector.shape_cast %select_n3A : vector<1000xf32> to vector<1000x1xf32>
      %add3A_566 = vector.broadcast %broadcast_in_dim3A_565 : vector<1000x1xf32> to vector<1000x128xf32>
      %add3A_567 = arith.addf %get3A_3, %add3A_566 : vector<1000x128xf32>
      %reduce_max3A = arith.constant dense<0xFF800000> : vector<128xf32>
      %reduce_max3A_568 = vector.multi_reduction <maximumf>, %add3A_567, %reduce_max3A [0] : vector<1000x128xf32> to vector<128xf32>
      %broadcast_in_dim3A_569 = vector.shape_cast %reduce_max3A_568 : vector<128xf32> to vector<1x128xf32>
      %get3A_570 = arith.constant 28 : index
      %get3A_571 = arith.constant 0 : index
      %get3A_572 = vector.load %arg11[%get3A_570, %get3A_571] : memref<64x128xf32, #tpu.memory_space<vmem>>, vector<1x128xf32>
      %max3A = arith.maximumf %get3A_572, %broadcast_in_dim3A_569 : vector<1x128xf32>
      %swap3A_573 = arith.constant 28 : index
      %swap3A_574 = arith.constant 0 : index
      %swap3A_575 = vector.load %arg11[%swap3A_573, %swap3A_574] : memref<64x128xf32, #tpu.memory_space<vmem>>, vector<1x128xf32>
      tpu.vector_store %arg11[%swap3A_573, %swap3A_574], %max3A {strides = array<i32>} : memref<64x128xf32, #tpu.memory_space<vmem>>, vector<1x128xf32>,
    } else {
    }
    %le3A_274 = arith.constant 29 : i32
    %le3A_275 = arith.cmpi sle, %get3A_39, %le3A_274 : i32
    %ge3A_276 = arith.constant 29 : i32
    %ge3A_277 = arith.cmpi sge, %get3A_44, %ge3A_276 : i32
    %and3A_278 = arith.andi %le3A_275, %ge3A_277 : i1
    %convert_element_type3A_279 = arith.extui %and3A_278 : i1 to i32
    %cond3A_280 = arith.constant 0 : i32
    %cond3A_281 = arith.cmpi ne, %convert_element_type3A_279, %cond3A_280 : i32
    scf.if %cond3A_281 {
      %eq3A_559 = arith.constant 29 : i32
      %eq3A_560 = vector.broadcast %eq3A_559 : i32 to vector<1000xi32>
      %eq3A_561 = arith.cmpi eq, %get3A_8, %eq3A_560 : vector<1000xi32>
      %jit3A = arith.constant 0.000000e+00 : f32
      %jit3A_562 = arith.constant 0xFF800000 : f32
      %broadcast_in_dim3A_563 = vector.broadcast %jit3A : f32 to vector<1000xf32>
      %broadcast_in_dim3A_564 = vector.broadcast %jit3A_562 : f32 to vector<1000xf32>
      %select_n3A = arith.select %eq3A_561, %broadcast_in_dim3A_563, %broadcast_in_dim3A_564 : vector<1000xi1>, vector<1000xf32>
      %broadcast_in_dim3A_565 = vector.shape_cast %select_n3A : vector<1000xf32> to vector<1000x1xf32>
      %add3A_566 = vector.broadcast %broadcast_in_dim3A_565 : vector<1000x1xf32> to vector<1000x128xf32>
      %add3A_567 = arith.addf %get3A_3, %add3A_566 : vector<1000x128xf32>
      %reduce_max3A = arith.constant dense<0xFF800000> : vector<128xf32>
      %reduce_max3A_568 = vector.multi_reduction <maximumf>, %add3A_567, %reduce_max3A [0] : vector<1000x128xf32> to vector<128xf32>
      %broadcast_in_dim3A_569 = vector.shape_cast %reduce_max3A_568 : vector<128xf32> to vector<1x128xf32>
      %get3A_570 = arith.constant 29 : index
      %get3A_571 = arith.constant 0 : index
      %get3A_572 = vector.load %arg11[%get3A_570, %get3A_571] : memref<64x128xf32, #tpu.memory_space<vmem>>, vector<1x128xf32>
      %max3A = arith.maximumf %get3A_572, %broadcast_in_dim3A_569 : vector<1x128xf32>
      %swap3A_573 = arith.constant 29 : index
      %swap3A_574 = arith.constant 0 : index
      %swap3A_575 = vector.load %arg11[%swap3A_573, %swap3A_574] : memref<64x128xf32, #tpu.memory_space<vmem>>, vector<1x128xf32>
      tpu.vector_store %arg11[%swap3A_573, %swap3A_574], %max3A {strides = array<i32>} : memref<64x128xf32, #tpu.memory_space<vmem>>, vector<1x128xf32>,
    } else {
    }
    %le3A_282 = arith.constant 30 : i32
    %le3A_283 = arith.cmpi sle, %get3A_39, %le3A_282 : i32
    %ge3A_284 = arith.constant 30 : i32
    %ge3A_285 = arith.cmpi sge, %get3A_44, %ge3A_284 : i32
    %and3A_286 = arith.andi %le3A_283, %ge3A_285 : i1
    %convert_element_type3A_287 = arith.extui %and3A_286 : i1 to i32
    %cond3A_288 = arith.constant 0 : i32
    %cond3A_289 = arith.cmpi ne, %convert_element_type3A_287, %cond3A_288 : i32
    scf.if %cond3A_289 {
      %eq3A_559 = arith.constant 30 : i32
      %eq3A_560 = vector.broadcast %eq3A_559 : i32 to vector<1000xi32>
      %eq3A_561 = arith.cmpi eq, %get3A_8, %eq3A_560 : vector<1000xi32>
      %jit3A = arith.constant 0.000000e+00 : f32
      %jit3A_562 = arith.constant 0xFF800000 : f32
      %broadcast_in_dim3A_563 = vector.broadcast %jit3A : f32 to vector<1000xf32>
      %broadcast_in_dim3A_564 = vector.broadcast %jit3A_562 : f32 to vector<1000xf32>
      %select_n3A = arith.select %eq3A_561, %broadcast_in_dim3A_563, %broadcast_in_dim3A_564 : vector<1000xi1>, vector<1000xf32>
      %broadcast_in_dim3A_565 = vector.shape_cast %select_n3A : vector<1000xf32> to vector<1000x1xf32>
      %add3A_566 = vector.broadcast %broadcast_in_dim3A_565 : vector<1000x1xf32> to vector<1000x128xf32>
      %add3A_567 = arith.addf %get3A_3, %add3A_566 : vector<1000x128xf32>
      %reduce_max3A = arith.constant dense<0xFF800000> : vector<128xf32>
      %reduce_max3A_568 = vector.multi_reduction <maximumf>, %add3A_567, %reduce_max3A [0] : vector<1000x128xf32> to vector<128xf32>
      %broadcast_in_dim3A_569 = vector.shape_cast %reduce_max3A_568 : vector<128xf32> to vector<1x128xf32>
      %get3A_570 = arith.constant 30 : index
      %get3A_571 = arith.constant 0 : index
      %get3A_572 = vector.load %arg11[%get3A_570, %get3A_571] : memref<64x128xf32, #tpu.memory_space<vmem>>, vector<1x128xf32>
      %max3A = arith.maximumf %get3A_572, %broadcast_in_dim3A_569 : vector<1x128xf32>
      %swap3A_573 = arith.constant 30 : index
      %swap3A_574 = arith.constant 0 : index
      %swap3A_575 = vector.load %arg11[%swap3A_573, %swap3A_574] : memref<64x128xf32, #tpu.memory_space<vmem>>, vector<1x128xf32>
      tpu.vector_store %arg11[%swap3A_573, %swap3A_574], %max3A {strides = array<i32>} : memref<64x128xf32, #tpu.memory_space<vmem>>, vector<1x128xf32>,
    } else {
    }
    %le3A_290 = arith.constant 31 : i32
    %le3A_291 = arith.cmpi sle, %get3A_39, %le3A_290 : i32
    %ge3A_292 = arith.constant 31 : i32
    %ge3A_293 = arith.cmpi sge, %get3A_44, %ge3A_292 : i32
    %and3A_294 = arith.andi %le3A_291, %ge3A_293 : i1
    %convert_element_type3A_295 = arith.extui %and3A_294 : i1 to i32
    %cond3A_296 = arith.constant 0 : i32
    %cond3A_297 = arith.cmpi ne, %convert_element_type3A_295, %cond3A_296 : i32
    scf.if %cond3A_297 {
      %eq3A_559 = arith.constant 31 : i32
      %eq3A_560 = vector.broadcast %eq3A_559 : i32 to vector<1000xi32>
      %eq3A_561 = arith.cmpi eq, %get3A_8, %eq3A_560 : vector<1000xi32>
      %jit3A = arith.constant 0.000000e+00 : f32
      %jit3A_562 = arith.constant 0xFF800000 : f32
      %broadcast_in_dim3A_563 = vector.broadcast %jit3A : f32 to vector<1000xf32>
      %broadcast_in_dim3A_564 = vector.broadcast %jit3A_562 : f32 to vector<1000xf32>
      %select_n3A = arith.select %eq3A_561, %broadcast_in_dim3A_563, %broadcast_in_dim3A_564 : vector<1000xi1>, vector<1000xf32>
      %broadcast_in_dim3A_565 = vector.shape_cast %select_n3A : vector<1000xf32> to vector<1000x1xf32>
      %add3A_566 = vector.broadcast %broadcast_in_dim3A_565 : vector<1000x1xf32> to vector<1000x128xf32>
      %add3A_567 = arith.addf %get3A_3, %add3A_566 : vector<1000x128xf32>
      %reduce_max3A = arith.constant dense<0xFF800000> : vector<128xf32>
      %reduce_max3A_568 = vector.multi_reduction <maximumf>, %add3A_567, %reduce_max3A [0] : vector<1000x128xf32> to vector<128xf32>
      %broadcast_in_dim3A_569 = vector.shape_cast %reduce_max3A_568 : vector<128xf32> to vector<1x128xf32>
      %get3A_570 = arith.constant 31 : index
      %get3A_571 = arith.constant 0 : index
      %get3A_572 = vector.load %arg11[%get3A_570, %get3A_571] : memref<64x128xf32, #tpu.memory_space<vmem>>, vector<1x128xf32>
      %max3A = arith.maximumf %get3A_572, %broadcast_in_dim3A_569 : vector<1x128xf32>
      %swap3A_573 = arith.constant 31 : index
      %swap3A_574 = arith.constant 0 : index
      %swap3A_575 = vector.load %arg11[%swap3A_573, %swap3A_574] : memref<64x128xf32, #tpu.memory_space<vmem>>, vector<1x128xf32>
      tpu.vector_store %arg11[%swap3A_573, %swap3A_574], %max3A {strides = array<i32>} : memref<64x128xf32, #tpu.memory_space<vmem>>, vector<1x128xf32>,
    } else {
    }
    %le3A_298 = arith.constant 32 : i32
    %le3A_299 = arith.cmpi sle, %get3A_39, %le3A_298 : i32
    %ge3A_300 = arith.constant 32 : i32
    %ge3A_301 = arith.cmpi sge, %get3A_44, %ge3A_300 : i32
    %and3A_302 = arith.andi %le3A_299, %ge3A_301 : i1
    %convert_element_type3A_303 = arith.extui %and3A_302 : i1 to i32
    %cond3A_304 = arith.constant 0 : i32
    %cond3A_305 = arith.cmpi ne, %convert_element_type3A_303, %cond3A_304 : i32
    scf.if %cond3A_305 {
      %eq3A_559 = arith.constant 32 : i32
      %eq3A_560 = vector.broadcast %eq3A_559 : i32 to vector<1000xi32>
      %eq3A_561 = arith.cmpi eq, %get3A_8, %eq3A_560 : vector<1000xi32>
      %jit3A = arith.constant 0.000000e+00 : f32
      %jit3A_562 = arith.constant 0xFF800000 : f32
      %broadcast_in_dim3A_563 = vector.broadcast %jit3A : f32 to vector<1000xf32>
      %broadcast_in_dim3A_564 = vector.broadcast %jit3A_562 : f32 to vector<1000xf32>
      %select_n3A = arith.select %eq3A_561, %broadcast_in_dim3A_563, %broadcast_in_dim3A_564 : vector<1000xi1>, vector<1000xf32>
      %broadcast_in_dim3A_565 = vector.shape_cast %select_n3A : vector<1000xf32> to vector<1000x1xf32>
      %add3A_566 = vector.broadcast %broadcast_in_dim3A_565 : vector<1000x1xf32> to vector<1000x128xf32>
      %add3A_567 = arith.addf %get3A_3, %add3A_566 : vector<1000x128xf32>
      %reduce_max3A = arith.constant dense<0xFF800000> : vector<128xf32>
      %reduce_max3A_568 = vector.multi_reduction <maximumf>, %add3A_567, %reduce_max3A [0] : vector<1000x128xf32> to vector<128xf32>
      %broadcast_in_dim3A_569 = vector.shape_cast %reduce_max3A_568 : vector<128xf32> to vector<1x128xf32>
      %get3A_570 = arith.constant 32 : index
      %get3A_571 = arith.constant 0 : index
      %get3A_572 = vector.load %arg11[%get3A_570, %get3A_571] : memref<64x128xf32, #tpu.memory_space<vmem>>, vector<1x128xf32>
      %max3A = arith.maximumf %get3A_572, %broadcast_in_dim3A_569 : vector<1x128xf32>
      %swap3A_573 = arith.constant 32 : index
      %swap3A_574 = arith.constant 0 : index
      %swap3A_575 = vector.load %arg11[%swap3A_573, %swap3A_574] : memref<64x128xf32, #tpu.memory_space<vmem>>, vector<1x128xf32>
      tpu.vector_store %arg11[%swap3A_573, %swap3A_574], %max3A {strides = array<i32>} : memref<64x128xf32, #tpu.memory_space<vmem>>, vector<1x128xf32>,
    } else {
    }
    %le3A_306 = arith.constant 33 : i32
    %le3A_307 = arith.cmpi sle, %get3A_39, %le3A_306 : i32
    %ge3A_308 = arith.constant 33 : i32
    %ge3A_309 = arith.cmpi sge, %get3A_44, %ge3A_308 : i32
    %and3A_310 = arith.andi %le3A_307, %ge3A_309 : i1
    %convert_element_type3A_311 = arith.extui %and3A_310 : i1 to i32
    %cond3A_312 = arith.constant 0 : i32
    %cond3A_313 = arith.cmpi ne, %convert_element_type3A_311, %cond3A_312 : i32
    scf.if %cond3A_313 {
      %eq3A_559 = arith.constant 33 : i32
      %eq3A_560 = vector.broadcast %eq3A_559 : i32 to vector<1000xi32>
      %eq3A_561 = arith.cmpi eq, %get3A_8, %eq3A_560 : vector<1000xi32>
      %jit3A = arith.constant 0.000000e+00 : f32
      %jit3A_562 = arith.constant 0xFF800000 : f32
      %broadcast_in_dim3A_563 = vector.broadcast %jit3A : f32 to vector<1000xf32>
      %broadcast_in_dim3A_564 = vector.broadcast %jit3A_562 : f32 to vector<1000xf32>
      %select_n3A = arith.select %eq3A_561, %broadcast_in_dim3A_563, %broadcast_in_dim3A_564 : vector<1000xi1>, vector<1000xf32>
      %broadcast_in_dim3A_565 = vector.shape_cast %select_n3A : vector<1000xf32> to vector<1000x1xf32>
      %add3A_566 = vector.broadcast %broadcast_in_dim3A_565 : vector<1000x1xf32> to vector<1000x128xf32>
      %add3A_567 = arith.addf %get3A_3, %add3A_566 : vector<1000x128xf32>
      %reduce_max3A = arith.constant dense<0xFF800000> : vector<128xf32>
      %reduce_max3A_568 = vector.multi_reduction <maximumf>, %add3A_567, %reduce_max3A [0] : vector<1000x128xf32> to vector<128xf32>
      %broadcast_in_dim3A_569 = vector.shape_cast %reduce_max3A_568 : vector<128xf32> to vector<1x128xf32>
      %get3A_570 = arith.constant 33 : index
      %get3A_571 = arith.constant 0 : index
      %get3A_572 = vector.load %arg11[%get3A_570, %get3A_571] : memref<64x128xf32, #tpu.memory_space<vmem>>, vector<1x128xf32>
      %max3A = arith.maximumf %get3A_572, %broadcast_in_dim3A_569 : vector<1x128xf32>
      %swap3A_573 = arith.constant 33 : index
      %swap3A_574 = arith.constant 0 : index
      %swap3A_575 = vector.load %arg11[%swap3A_573, %swap3A_574] : memref<64x128xf32, #tpu.memory_space<vmem>>, vector<1x128xf32>
      tpu.vector_store %arg11[%swap3A_573, %swap3A_574], %max3A {strides = array<i32>} : memref<64x128xf32, #tpu.memory_space<vmem>>, vector<1x128xf32>,
    } else {
    }
    %le3A_314 = arith.constant 34 : i32
    %le3A_315 = arith.cmpi sle, %get3A_39, %le3A_314 : i32
    %ge3A_316 = arith.constant 34 : i32
    %ge3A_317 = arith.cmpi sge, %get3A_44, %ge3A_316 : i32
    %and3A_318 = arith.andi %le3A_315, %ge3A_317 : i1
    %convert_element_type3A_319 = arith.extui %and3A_318 : i1 to i32
    %cond3A_320 = arith.constant 0 : i32
    %cond3A_321 = arith.cmpi ne, %convert_element_type3A_319, %cond3A_320 : i32
    scf.if %cond3A_321 {
      %eq3A_559 = arith.constant 34 : i32
      %eq3A_560 = vector.broadcast %eq3A_559 : i32 to vector<1000xi32>
      %eq3A_561 = arith.cmpi eq, %get3A_8, %eq3A_560 : vector<1000xi32>
      %jit3A = arith.constant 0.000000e+00 : f32
      %jit3A_562 = arith.constant 0xFF800000 : f32
      %broadcast_in_dim3A_563 = vector.broadcast %jit3A : f32 to vector<1000xf32>
      %broadcast_in_dim3A_564 = vector.broadcast %jit3A_562 : f32 to vector<1000xf32>
      %select_n3A = arith.select %eq3A_561, %broadcast_in_dim3A_563, %broadcast_in_dim3A_564 : vector<1000xi1>, vector<1000xf32>
      %broadcast_in_dim3A_565 = vector.shape_cast %select_n3A : vector<1000xf32> to vector<1000x1xf32>
      %add3A_566 = vector.broadcast %broadcast_in_dim3A_565 : vector<1000x1xf32> to vector<1000x128xf32>
      %add3A_567 = arith.addf %get3A_3, %add3A_566 : vector<1000x128xf32>
      %reduce_max3A = arith.constant dense<0xFF800000> : vector<128xf32>
      %reduce_max3A_568 = vector.multi_reduction <maximumf>, %add3A_567, %reduce_max3A [0] : vector<1000x128xf32> to vector<128xf32>
      %broadcast_in_dim3A_569 = vector.shape_cast %reduce_max3A_568 : vector<128xf32> to vector<1x128xf32>
      %get3A_570 = arith.constant 34 : index
      %get3A_571 = arith.constant 0 : index
      %get3A_572 = vector.load %arg11[%get3A_570, %get3A_571] : memref<64x128xf32, #tpu.memory_space<vmem>>, vector<1x128xf32>
      %max3A = arith.maximumf %get3A_572, %broadcast_in_dim3A_569 : vector<1x128xf32>
      %swap3A_573 = arith.constant 34 : index
      %swap3A_574 = arith.constant 0 : index
      %swap3A_575 = vector.load %arg11[%swap3A_573, %swap3A_574] : memref<64x128xf32, #tpu.memory_space<vmem>>, vector<1x128xf32>
      tpu.vector_store %arg11[%swap3A_573, %swap3A_574], %max3A {strides = array<i32>} : memref<64x128xf32, #tpu.memory_space<vmem>>, vector<1x128xf32>,
    } else {
    }
    %le3A_322 = arith.constant 35 : i32
    %le3A_323 = arith.cmpi sle, %get3A_39, %le3A_322 : i32
    %ge3A_324 = arith.constant 35 : i32
    %ge3A_325 = arith.cmpi sge, %get3A_44, %ge3A_324 : i32
    %and3A_326 = arith.andi %le3A_323, %ge3A_325 : i1
    %convert_element_type3A_327 = arith.extui %and3A_326 : i1 to i32
    %cond3A_328 = arith.constant 0 : i32
    %cond3A_329 = arith.cmpi ne, %convert_element_type3A_327, %cond3A_328 : i32
    scf.if %cond3A_329 {
      %eq3A_559 = arith.constant 35 : i32
      %eq3A_560 = vector.broadcast %eq3A_559 : i32 to vector<1000xi32>
      %eq3A_561 = arith.cmpi eq, %get3A_8, %eq3A_560 : vector<1000xi32>
      %jit3A = arith.constant 0.000000e+00 : f32
      %jit3A_562 = arith.constant 0xFF800000 : f32
      %broadcast_in_dim3A_563 = vector.broadcast %jit3A : f32 to vector<1000xf32>
      %broadcast_in_dim3A_564 = vector.broadcast %jit3A_562 : f32 to vector<1000xf32>
      %select_n3A = arith.select %eq3A_561, %broadcast_in_dim3A_563, %broadcast_in_dim3A_564 : vector<1000xi1>, vector<1000xf32>
      %broadcast_in_dim3A_565 = vector.shape_cast %select_n3A : vector<1000xf32> to vector<1000x1xf32>
      %add3A_566 = vector.broadcast %broadcast_in_dim3A_565 : vector<1000x1xf32> to vector<1000x128xf32>
      %add3A_567 = arith.addf %get3A_3, %add3A_566 : vector<1000x128xf32>
      %reduce_max3A = arith.constant dense<0xFF800000> : vector<128xf32>
      %reduce_max3A_568 = vector.multi_reduction <maximumf>, %add3A_567, %reduce_max3A [0] : vector<1000x128xf32> to vector<128xf32>
      %broadcast_in_dim3A_569 = vector.shape_cast %reduce_max3A_568 : vector<128xf32> to vector<1x128xf32>
      %get3A_570 = arith.constant 35 : index
      %get3A_571 = arith.constant 0 : index
      %get3A_572 = vector.load %arg11[%get3A_570, %get3A_571] : memref<64x128xf32, #tpu.memory_space<vmem>>, vector<1x128xf32>
      %max3A = arith.maximumf %get3A_572, %broadcast_in_dim3A_569 : vector<1x128xf32>
      %swap3A_573 = arith.constant 35 : index
      %swap3A_574 = arith.constant 0 : index
      %swap3A_575 = vector.load %arg11[%swap3A_573, %swap3A_574] : memref<64x128xf32, #tpu.memory_space<vmem>>, vector<1x128xf32>
      tpu.vector_store %arg11[%swap3A_573, %swap3A_574], %max3A {strides = array<i32>} : memref<64x128xf32, #tpu.memory_space<vmem>>, vector<1x128xf32>,
    } else {
    }
    %le3A_330 = arith.constant 36 : i32
    %le3A_331 = arith.cmpi sle, %get3A_39, %le3A_330 : i32
    %ge3A_332 = arith.constant 36 : i32
    %ge3A_333 = arith.cmpi sge, %get3A_44, %ge3A_332 : i32
    %and3A_334 = arith.andi %le3A_331, %ge3A_333 : i1
    %convert_element_type3A_335 = arith.extui %and3A_334 : i1 to i32
    %cond3A_336 = arith.constant 0 : i32
    %cond3A_337 = arith.cmpi ne, %convert_element_type3A_335, %cond3A_336 : i32
    scf.if %cond3A_337 {
      %eq3A_559 = arith.constant 36 : i32
      %eq3A_560 = vector.broadcast %eq3A_559 : i32 to vector<1000xi32>
      %eq3A_561 = arith.cmpi eq, %get3A_8, %eq3A_560 : vector<1000xi32>
      %jit3A = arith.constant 0.000000e+00 : f32
      %jit3A_562 = arith.constant 0xFF800000 : f32
      %broadcast_in_dim3A_563 = vector.broadcast %jit3A : f32 to vector<1000xf32>
      %broadcast_in_dim3A_564 = vector.broadcast %jit3A_562 : f32 to vector<1000xf32>
      %select_n3A = arith.select %eq3A_561, %broadcast_in_dim3A_563, %broadcast_in_dim3A_564 : vector<1000xi1>, vector<1000xf32>
      %broadcast_in_dim3A_565 = vector.shape_cast %select_n3A : vector<1000xf32> to vector<1000x1xf32>
      %add3A_566 = vector.broadcast %broadcast_in_dim3A_565 : vector<1000x1xf32> to vector<1000x128xf32>
      %add3A_567 = arith.addf %get3A_3, %add3A_566 : vector<1000x128xf32>
      %reduce_max3A = arith.constant dense<0xFF800000> : vector<128xf32>
      %reduce_max3A_568 = vector.multi_reduction <maximumf>, %add3A_567, %reduce_max3A [0] : vector<1000x128xf32> to vector<128xf32>
      %broadcast_in_dim3A_569 = vector.shape_cast %reduce_max3A_568 : vector<128xf32> to vector<1x128xf32>
      %get3A_570 = arith.constant 36 : index
      %get3A_571 = arith.constant 0 : index
      %get3A_572 = vector.load %arg11[%get3A_570, %get3A_571] : memref<64x128xf32, #tpu.memory_space<vmem>>, vector<1x128xf32>
      %max3A = arith.maximumf %get3A_572, %broadcast_in_dim3A_569 : vector<1x128xf32>
      %swap3A_573 = arith.constant 36 : index
      %swap3A_574 = arith.constant 0 : index
      %swap3A_575 = vector.load %arg11[%swap3A_573, %swap3A_574] : memref<64x128xf32, #tpu.memory_space<vmem>>, vector<1x128xf32>
      tpu.vector_store %arg11[%swap3A_573, %swap3A_574], %max3A {strides = array<i32>} : memref<64x128xf32, #tpu.memory_space<vmem>>, vector<1x128xf32>,
    } else {
    }
    %le3A_338 = arith.constant 37 : i32
    %le3A_339 = arith.cmpi sle, %get3A_39, %le3A_338 : i32
    %ge3A_340 = arith.constant 37 : i32
    %ge3A_341 = arith.cmpi sge, %get3A_44, %ge3A_340 : i32
    %and3A_342 = arith.andi %le3A_339, %ge3A_341 : i1
    %convert_element_type3A_343 = arith.extui %and3A_342 : i1 to i32
    %cond3A_344 = arith.constant 0 : i32
    %cond3A_345 = arith.cmpi ne, %convert_element_type3A_343, %cond3A_344 : i32
    scf.if %cond3A_345 {
      %eq3A_559 = arith.constant 37 : i32
      %eq3A_560 = vector.broadcast %eq3A_559 : i32 to vector<1000xi32>
      %eq3A_561 = arith.cmpi eq, %get3A_8, %eq3A_560 : vector<1000xi32>
      %jit3A = arith.constant 0.000000e+00 : f32
      %jit3A_562 = arith.constant 0xFF800000 : f32
      %broadcast_in_dim3A_563 = vector.broadcast %jit3A : f32 to vector<1000xf32>
      %broadcast_in_dim3A_564 = vector.broadcast %jit3A_562 : f32 to vector<1000xf32>
      %select_n3A = arith.select %eq3A_561, %broadcast_in_dim3A_563, %broadcast_in_dim3A_564 : vector<1000xi1>, vector<1000xf32>
      %broadcast_in_dim3A_565 = vector.shape_cast %select_n3A : vector<1000xf32> to vector<1000x1xf32>
      %add3A_566 = vector.broadcast %broadcast_in_dim3A_565 : vector<1000x1xf32> to vector<1000x128xf32>
      %add3A_567 = arith.addf %get3A_3, %add3A_566 : vector<1000x128xf32>
      %reduce_max3A = arith.constant dense<0xFF800000> : vector<128xf32>
      %reduce_max3A_568 = vector.multi_reduction <maximumf>, %add3A_567, %reduce_max3A [0] : vector<1000x128xf32> to vector<128xf32>
      %broadcast_in_dim3A_569 = vector.shape_cast %reduce_max3A_568 : vector<128xf32> to vector<1x128xf32>
      %get3A_570 = arith.constant 37 : index
      %get3A_571 = arith.constant 0 : index
      %get3A_572 = vector.load %arg11[%get3A_570, %get3A_571] : memref<64x128xf32, #tpu.memory_space<vmem>>, vector<1x128xf32>
      %max3A = arith.maximumf %get3A_572, %broadcast_in_dim3A_569 : vector<1x128xf32>
      %swap3A_573 = arith.constant 37 : index
      %swap3A_574 = arith.constant 0 : index
      %swap3A_575 = vector.load %arg11[%swap3A_573, %swap3A_574] : memref<64x128xf32, #tpu.memory_space<vmem>>, vector<1x128xf32>
      tpu.vector_store %arg11[%swap3A_573, %swap3A_574], %max3A {strides = array<i32>} : memref<64x128xf32, #tpu.memory_space<vmem>>, vector<1x128xf32>,
    } else {
    }
    %le3A_346 = arith.constant 38 : i32
    %le3A_347 = arith.cmpi sle, %get3A_39, %le3A_346 : i32
    %ge3A_348 = arith.constant 38 : i32
    %ge3A_349 = arith.cmpi sge, %get3A_44, %ge3A_348 : i32
    %and3A_350 = arith.andi %le3A_347, %ge3A_349 : i1
    %convert_element_type3A_351 = arith.extui %and3A_350 : i1 to i32
    %cond3A_352 = arith.constant 0 : i32
    %cond3A_353 = arith.cmpi ne, %convert_element_type3A_351, %cond3A_352 : i32
    scf.if %cond3A_353 {
      %eq3A_559 = arith.constant 38 : i32
      %eq3A_560 = vector.broadcast %eq3A_559 : i32 to vector<1000xi32>
      %eq3A_561 = arith.cmpi eq, %get3A_8, %eq3A_560 : vector<1000xi32>
      %jit3A = arith.constant 0.000000e+00 : f32
      %jit3A_562 = arith.constant 0xFF800000 : f32
      %broadcast_in_dim3A_563 = vector.broadcast %jit3A : f32 to vector<1000xf32>
      %broadcast_in_dim3A_564 = vector.broadcast %jit3A_562 : f32 to vector<1000xf32>
      %select_n3A = arith.select %eq3A_561, %broadcast_in_dim3A_563, %broadcast_in_dim3A_564 : vector<1000xi1>, vector<1000xf32>
      %broadcast_in_dim3A_565 = vector.shape_cast %select_n3A : vector<1000xf32> to vector<1000x1xf32>
      %add3A_566 = vector.broadcast %broadcast_in_dim3A_565 : vector<1000x1xf32> to vector<1000x128xf32>
      %add3A_567 = arith.addf %get3A_3, %add3A_566 : vector<1000x128xf32>
      %reduce_max3A = arith.constant dense<0xFF800000> : vector<128xf32>
      %reduce_max3A_568 = vector.multi_reduction <maximumf>, %add3A_567, %reduce_max3A [0] : vector<1000x128xf32> to vector<128xf32>
      %broadcast_in_dim3A_569 = vector.shape_cast %reduce_max3A_568 : vector<128xf32> to vector<1x128xf32>
      %get3A_570 = arith.constant 38 : index
      %get3A_571 = arith.constant 0 : index
      %get3A_572 = vector.load %arg11[%get3A_570, %get3A_571] : memref<64x128xf32, #tpu.memory_space<vmem>>, vector<1x128xf32>
      %max3A = arith.maximumf %get3A_572, %broadcast_in_dim3A_569 : vector<1x128xf32>
      %swap3A_573 = arith.constant 38 : index
      %swap3A_574 = arith.constant 0 : index
      %swap3A_575 = vector.load %arg11[%swap3A_573, %swap3A_574] : memref<64x128xf32, #tpu.memory_space<vmem>>, vector<1x128xf32>
      tpu.vector_store %arg11[%swap3A_573, %swap3A_574], %max3A {strides = array<i32>} : memref<64x128xf32, #tpu.memory_space<vmem>>, vector<1x128xf32>,
    } else {
    }
    %le3A_354 = arith.constant 39 : i32
    %le3A_355 = arith.cmpi sle, %get3A_39, %le3A_354 : i32
    %ge3A_356 = arith.constant 39 : i32
    %ge3A_357 = arith.cmpi sge, %get3A_44, %ge3A_356 : i32
    %and3A_358 = arith.andi %le3A_355, %ge3A_357 : i1
    %convert_element_type3A_359 = arith.extui %and3A_358 : i1 to i32
    %cond3A_360 = arith.constant 0 : i32
    %cond3A_361 = arith.cmpi ne, %convert_element_type3A_359, %cond3A_360 : i32
    scf.if %cond3A_361 {
      %eq3A_559 = arith.constant 39 : i32
      %eq3A_560 = vector.broadcast %eq3A_559 : i32 to vector<1000xi32>
      %eq3A_561 = arith.cmpi eq, %get3A_8, %eq3A_560 : vector<1000xi32>
      %jit3A = arith.constant 0.000000e+00 : f32
      %jit3A_562 = arith.constant 0xFF800000 : f32
      %broadcast_in_dim3A_563 = vector.broadcast %jit3A : f32 to vector<1000xf32>
      %broadcast_in_dim3A_564 = vector.broadcast %jit3A_562 : f32 to vector<1000xf32>
      %select_n3A = arith.select %eq3A_561, %broadcast_in_dim3A_563, %broadcast_in_dim3A_564 : vector<1000xi1>, vector<1000xf32>
      %broadcast_in_dim3A_565 = vector.shape_cast %select_n3A : vector<1000xf32> to vector<1000x1xf32>
      %add3A_566 = vector.broadcast %broadcast_in_dim3A_565 : vector<1000x1xf32> to vector<1000x128xf32>
      %add3A_567 = arith.addf %get3A_3, %add3A_566 : vector<1000x128xf32>
      %reduce_max3A = arith.constant dense<0xFF800000> : vector<128xf32>
      %reduce_max3A_568 = vector.multi_reduction <maximumf>, %add3A_567, %reduce_max3A [0] : vector<1000x128xf32> to vector<128xf32>
      %broadcast_in_dim3A_569 = vector.shape_cast %reduce_max3A_568 : vector<128xf32> to vector<1x128xf32>
      %get3A_570 = arith.constant 39 : index
      %get3A_571 = arith.constant 0 : index
      %get3A_572 = vector.load %arg11[%get3A_570, %get3A_571] : memref<64x128xf32, #tpu.memory_space<vmem>>, vector<1x128xf32>
      %max3A = arith.maximumf %get3A_572, %broadcast_in_dim3A_569 : vector<1x128xf32>
      %swap3A_573 = arith.constant 39 : index
      %swap3A_574 = arith.constant 0 : index
      %swap3A_575 = vector.load %arg11[%swap3A_573, %swap3A_574] : memref<64x128xf32, #tpu.memory_space<vmem>>, vector<1x128xf32>
      tpu.vector_store %arg11[%swap3A_573, %swap3A_574], %max3A {strides = array<i32>} : memref<64x128xf32, #tpu.memory_space<vmem>>, vector<1x128xf32>,
    } else {
    }
    %le3A_362 = arith.constant 40 : i32
    %le3A_363 = arith.cmpi sle, %get3A_39, %le3A_362 : i32
    %ge3A_364 = arith.constant 40 : i32
    %ge3A_365 = arith.cmpi sge, %get3A_44, %ge3A_364 : i32
    %and3A_366 = arith.andi %le3A_363, %ge3A_365 : i1
    %convert_element_type3A_367 = arith.extui %and3A_366 : i1 to i32
    %cond3A_368 = arith.constant 0 : i32
    %cond3A_369 = arith.cmpi ne, %convert_element_type3A_367, %cond3A_368 : i32
    scf.if %cond3A_369 {
      %eq3A_559 = arith.constant 40 : i32
      %eq3A_560 = vector.broadcast %eq3A_559 : i32 to vector<1000xi32>
      %eq3A_561 = arith.cmpi eq, %get3A_8, %eq3A_560 : vector<1000xi32>
      %jit3A = arith.constant 0.000000e+00 : f32
      %jit3A_562 = arith.constant 0xFF800000 : f32
      %broadcast_in_dim3A_563 = vector.broadcast %jit3A : f32 to vector<1000xf32>
      %broadcast_in_dim3A_564 = vector.broadcast %jit3A_562 : f32 to vector<1000xf32>
      %select_n3A = arith.select %eq3A_561, %broadcast_in_dim3A_563, %broadcast_in_dim3A_564 : vector<1000xi1>, vector<1000xf32>
      %broadcast_in_dim3A_565 = vector.shape_cast %select_n3A : vector<1000xf32> to vector<1000x1xf32>
      %add3A_566 = vector.broadcast %broadcast_in_dim3A_565 : vector<1000x1xf32> to vector<1000x128xf32>
      %add3A_567 = arith.addf %get3A_3, %add3A_566 : vector<1000x128xf32>
      %reduce_max3A = arith.constant dense<0xFF800000> : vector<128xf32>
      %reduce_max3A_568 = vector.multi_reduction <maximumf>, %add3A_567, %reduce_max3A [0] : vector<1000x128xf32> to vector<128xf32>
      %broadcast_in_dim3A_569 = vector.shape_cast %reduce_max3A_568 : vector<128xf32> to vector<1x128xf32>
      %get3A_570 = arith.constant 40 : index
      %get3A_571 = arith.constant 0 : index
      %get3A_572 = vector.load %arg11[%get3A_570, %get3A_571] : memref<64x128xf32, #tpu.memory_space<vmem>>, vector<1x128xf32>
      %max3A = arith.maximumf %get3A_572, %broadcast_in_dim3A_569 : vector<1x128xf32>
      %swap3A_573 = arith.constant 40 : index
      %swap3A_574 = arith.constant 0 : index
      %swap3A_575 = vector.load %arg11[%swap3A_573, %swap3A_574] : memref<64x128xf32, #tpu.memory_space<vmem>>, vector<1x128xf32>
      tpu.vector_store %arg11[%swap3A_573, %swap3A_574], %max3A {strides = array<i32>} : memref<64x128xf32, #tpu.memory_space<vmem>>, vector<1x128xf32>,
    } else {
    }
    %le3A_370 = arith.constant 41 : i32
    %le3A_371 = arith.cmpi sle, %get3A_39, %le3A_370 : i32
    %ge3A_372 = arith.constant 41 : i32
    %ge3A_373 = arith.cmpi sge, %get3A_44, %ge3A_372 : i32
    %and3A_374 = arith.andi %le3A_371, %ge3A_373 : i1
    %convert_element_type3A_375 = arith.extui %and3A_374 : i1 to i32
    %cond3A_376 = arith.constant 0 : i32
    %cond3A_377 = arith.cmpi ne, %convert_element_type3A_375, %cond3A_376 : i32
    scf.if %cond3A_377 {
      %eq3A_559 = arith.constant 41 : i32
      %eq3A_560 = vector.broadcast %eq3A_559 : i32 to vector<1000xi32>
      %eq3A_561 = arith.cmpi eq, %get3A_8, %eq3A_560 : vector<1000xi32>
      %jit3A = arith.constant 0.000000e+00 : f32
      %jit3A_562 = arith.constant 0xFF800000 : f32
      %broadcast_in_dim3A_563 = vector.broadcast %jit3A : f32 to vector<1000xf32>
      %broadcast_in_dim3A_564 = vector.broadcast %jit3A_562 : f32 to vector<1000xf32>
      %select_n3A = arith.select %eq3A_561, %broadcast_in_dim3A_563, %broadcast_in_dim3A_564 : vector<1000xi1>, vector<1000xf32>
      %broadcast_in_dim3A_565 = vector.shape_cast %select_n3A : vector<1000xf32> to vector<1000x1xf32>
      %add3A_566 = vector.broadcast %broadcast_in_dim3A_565 : vector<1000x1xf32> to vector<1000x128xf32>
      %add3A_567 = arith.addf %get3A_3, %add3A_566 : vector<1000x128xf32>
      %reduce_max3A = arith.constant dense<0xFF800000> : vector<128xf32>
      %reduce_max3A_568 = vector.multi_reduction <maximumf>, %add3A_567, %reduce_max3A [0] : vector<1000x128xf32> to vector<128xf32>
      %broadcast_in_dim3A_569 = vector.shape_cast %reduce_max3A_568 : vector<128xf32> to vector<1x128xf32>
      %get3A_570 = arith.constant 41 : index
      %get3A_571 = arith.constant 0 : index
      %get3A_572 = vector.load %arg11[%get3A_570, %get3A_571] : memref<64x128xf32, #tpu.memory_space<vmem>>, vector<1x128xf32>
      %max3A = arith.maximumf %get3A_572, %broadcast_in_dim3A_569 : vector<1x128xf32>
      %swap3A_573 = arith.constant 41 : index
      %swap3A_574 = arith.constant 0 : index
      %swap3A_575 = vector.load %arg11[%swap3A_573, %swap3A_574] : memref<64x128xf32, #tpu.memory_space<vmem>>, vector<1x128xf32>
      tpu.vector_store %arg11[%swap3A_573, %swap3A_574], %max3A {strides = array<i32>} : memref<64x128xf32, #tpu.memory_space<vmem>>, vector<1x128xf32>,
    } else {
    }
    %le3A_378 = arith.constant 42 : i32
    %le3A_379 = arith.cmpi sle, %get3A_39, %le3A_378 : i32
    %ge3A_380 = arith.constant 42 : i32
    %ge3A_381 = arith.cmpi sge, %get3A_44, %ge3A_380 : i32
    %and3A_382 = arith.andi %le3A_379, %ge3A_381 : i1
    %convert_element_type3A_383 = arith.extui %and3A_382 : i1 to i32
    %cond3A_384 = arith.constant 0 : i32
    %cond3A_385 = arith.cmpi ne, %convert_element_type3A_383, %cond3A_384 : i32
    scf.if %cond3A_385 {
      %eq3A_559 = arith.constant 42 : i32
      %eq3A_560 = vector.broadcast %eq3A_559 : i32 to vector<1000xi32>
      %eq3A_561 = arith.cmpi eq, %get3A_8, %eq3A_560 : vector<1000xi32>
      %jit3A = arith.constant 0.000000e+00 : f32
      %jit3A_562 = arith.constant 0xFF800000 : f32
      %broadcast_in_dim3A_563 = vector.broadcast %jit3A : f32 to vector<1000xf32>
      %broadcast_in_dim3A_564 = vector.broadcast %jit3A_562 : f32 to vector<1000xf32>
      %select_n3A = arith.select %eq3A_561, %broadcast_in_dim3A_563, %broadcast_in_dim3A_564 : vector<1000xi1>, vector<1000xf32>
      %broadcast_in_dim3A_565 = vector.shape_cast %select_n3A : vector<1000xf32> to vector<1000x1xf32>
      %add3A_566 = vector.broadcast %broadcast_in_dim3A_565 : vector<1000x1xf32> to vector<1000x128xf32>
      %add3A_567 = arith.addf %get3A_3, %add3A_566 : vector<1000x128xf32>
      %reduce_max3A = arith.constant dense<0xFF800000> : vector<128xf32>
      %reduce_max3A_568 = vector.multi_reduction <maximumf>, %add3A_567, %reduce_max3A [0] : vector<1000x128xf32> to vector<128xf32>
      %broadcast_in_dim3A_569 = vector.shape_cast %reduce_max3A_568 : vector<128xf32> to vector<1x128xf32>
      %get3A_570 = arith.constant 42 : index
      %get3A_571 = arith.constant 0 : index
      %get3A_572 = vector.load %arg11[%get3A_570, %get3A_571] : memref<64x128xf32, #tpu.memory_space<vmem>>, vector<1x128xf32>
      %max3A = arith.maximumf %get3A_572, %broadcast_in_dim3A_569 : vector<1x128xf32>
      %swap3A_573 = arith.constant 42 : index
      %swap3A_574 = arith.constant 0 : index
      %swap3A_575 = vector.load %arg11[%swap3A_573, %swap3A_574] : memref<64x128xf32, #tpu.memory_space<vmem>>, vector<1x128xf32>
      tpu.vector_store %arg11[%swap3A_573, %swap3A_574], %max3A {strides = array<i32>} : memref<64x128xf32, #tpu.memory_space<vmem>>, vector<1x128xf32>,
    } else {
    }
    %le3A_386 = arith.constant 43 : i32
    %le3A_387 = arith.cmpi sle, %get3A_39, %le3A_386 : i32
    %ge3A_388 = arith.constant 43 : i32
    %ge3A_389 = arith.cmpi sge, %get3A_44, %ge3A_388 : i32
    %and3A_390 = arith.andi %le3A_387, %ge3A_389 : i1
    %convert_element_type3A_391 = arith.extui %and3A_390 : i1 to i32
    %cond3A_392 = arith.constant 0 : i32
    %cond3A_393 = arith.cmpi ne, %convert_element_type3A_391, %cond3A_392 : i32
    scf.if %cond3A_393 {
      %eq3A_559 = arith.constant 43 : i32
      %eq3A_560 = vector.broadcast %eq3A_559 : i32 to vector<1000xi32>
      %eq3A_561 = arith.cmpi eq, %get3A_8, %eq3A_560 : vector<1000xi32>
      %jit3A = arith.constant 0.000000e+00 : f32
      %jit3A_562 = arith.constant 0xFF800000 : f32
      %broadcast_in_dim3A_563 = vector.broadcast %jit3A : f32 to vector<1000xf32>
      %broadcast_in_dim3A_564 = vector.broadcast %jit3A_562 : f32 to vector<1000xf32>
      %select_n3A = arith.select %eq3A_561, %broadcast_in_dim3A_563, %broadcast_in_dim3A_564 : vector<1000xi1>, vector<1000xf32>
      %broadcast_in_dim3A_565 = vector.shape_cast %select_n3A : vector<1000xf32> to vector<1000x1xf32>
      %add3A_566 = vector.broadcast %broadcast_in_dim3A_565 : vector<1000x1xf32> to vector<1000x128xf32>
      %add3A_567 = arith.addf %get3A_3, %add3A_566 : vector<1000x128xf32>
      %reduce_max3A = arith.constant dense<0xFF800000> : vector<128xf32>
      %reduce_max3A_568 = vector.multi_reduction <maximumf>, %add3A_567, %reduce_max3A [0] : vector<1000x128xf32> to vector<128xf32>
      %broadcast_in_dim3A_569 = vector.shape_cast %reduce_max3A_568 : vector<128xf32> to vector<1x128xf32>
      %get3A_570 = arith.constant 43 : index
      %get3A_571 = arith.constant 0 : index
      %get3A_572 = vector.load %arg11[%get3A_570, %get3A_571] : memref<64x128xf32, #tpu.memory_space<vmem>>, vector<1x128xf32>
      %max3A = arith.maximumf %get3A_572, %broadcast_in_dim3A_569 : vector<1x128xf32>
      %swap3A_573 = arith.constant 43 : index
      %swap3A_574 = arith.constant 0 : index
      %swap3A_575 = vector.load %arg11[%swap3A_573, %swap3A_574] : memref<64x128xf32, #tpu.memory_space<vmem>>, vector<1x128xf32>
      tpu.vector_store %arg11[%swap3A_573, %swap3A_574], %max3A {strides = array<i32>} : memref<64x128xf32, #tpu.memory_space<vmem>>, vector<1x128xf32>,
    } else {
    }
    %le3A_394 = arith.constant 44 : i32
    %le3A_395 = arith.cmpi sle, %get3A_39, %le3A_394 : i32
    %ge3A_396 = arith.constant 44 : i32
    %ge3A_397 = arith.cmpi sge, %get3A_44, %ge3A_396 : i32
    %and3A_398 = arith.andi %le3A_395, %ge3A_397 : i1
    %convert_element_type3A_399 = arith.extui %and3A_398 : i1 to i32
    %cond3A_400 = arith.constant 0 : i32
    %cond3A_401 = arith.cmpi ne, %convert_element_type3A_399, %cond3A_400 : i32
    scf.if %cond3A_401 {
      %eq3A_559 = arith.constant 44 : i32
      %eq3A_560 = vector.broadcast %eq3A_559 : i32 to vector<1000xi32>
      %eq3A_561 = arith.cmpi eq, %get3A_8, %eq3A_560 : vector<1000xi32>
      %jit3A = arith.constant 0.000000e+00 : f32
      %jit3A_562 = arith.constant 0xFF800000 : f32
      %broadcast_in_dim3A_563 = vector.broadcast %jit3A : f32 to vector<1000xf32>
      %broadcast_in_dim3A_564 = vector.broadcast %jit3A_562 : f32 to vector<1000xf32>
      %select_n3A = arith.select %eq3A_561, %broadcast_in_dim3A_563, %broadcast_in_dim3A_564 : vector<1000xi1>, vector<1000xf32>
      %broadcast_in_dim3A_565 = vector.shape_cast %select_n3A : vector<1000xf32> to vector<1000x1xf32>
      %add3A_566 = vector.broadcast %broadcast_in_dim3A_565 : vector<1000x1xf32> to vector<1000x128xf32>
      %add3A_567 = arith.addf %get3A_3, %add3A_566 : vector<1000x128xf32>
      %reduce_max3A = arith.constant dense<0xFF800000> : vector<128xf32>
      %reduce_max3A_568 = vector.multi_reduction <maximumf>, %add3A_567, %reduce_max3A [0] : vector<1000x128xf32> to vector<128xf32>
      %broadcast_in_dim3A_569 = vector.shape_cast %reduce_max3A_568 : vector<128xf32> to vector<1x128xf32>
      %get3A_570 = arith.constant 44 : index
      %get3A_571 = arith.constant 0 : index
      %get3A_572 = vector.load %arg11[%get3A_570, %get3A_571] : memref<64x128xf32, #tpu.memory_space<vmem>>, vector<1x128xf32>
      %max3A = arith.maximumf %get3A_572, %broadcast_in_dim3A_569 : vector<1x128xf32>
      %swap3A_573 = arith.constant 44 : index
      %swap3A_574 = arith.constant 0 : index
      %swap3A_575 = vector.load %arg11[%swap3A_573, %swap3A_574] : memref<64x128xf32, #tpu.memory_space<vmem>>, vector<1x128xf32>
      tpu.vector_store %arg11[%swap3A_573, %swap3A_574], %max3A {strides = array<i32>} : memref<64x128xf32, #tpu.memory_space<vmem>>, vector<1x128xf32>,
    } else {
    }
    %le3A_402 = arith.constant 45 : i32
    %le3A_403 = arith.cmpi sle, %get3A_39, %le3A_402 : i32
    %ge3A_404 = arith.constant 45 : i32
    %ge3A_405 = arith.cmpi sge, %get3A_44, %ge3A_404 : i32
    %and3A_406 = arith.andi %le3A_403, %ge3A_405 : i1
    %convert_element_type3A_407 = arith.extui %and3A_406 : i1 to i32
    %cond3A_408 = arith.constant 0 : i32
    %cond3A_409 = arith.cmpi ne, %convert_element_type3A_407, %cond3A_408 : i32
    scf.if %cond3A_409 {
      %eq3A_559 = arith.constant 45 : i32
      %eq3A_560 = vector.broadcast %eq3A_559 : i32 to vector<1000xi32>
      %eq3A_561 = arith.cmpi eq, %get3A_8, %eq3A_560 : vector<1000xi32>
      %jit3A = arith.constant 0.000000e+00 : f32
      %jit3A_562 = arith.constant 0xFF800000 : f32
      %broadcast_in_dim3A_563 = vector.broadcast %jit3A : f32 to vector<1000xf32>
      %broadcast_in_dim3A_564 = vector.broadcast %jit3A_562 : f32 to vector<1000xf32>
      %select_n3A = arith.select %eq3A_561, %broadcast_in_dim3A_563, %broadcast_in_dim3A_564 : vector<1000xi1>, vector<1000xf32>
      %broadcast_in_dim3A_565 = vector.shape_cast %select_n3A : vector<1000xf32> to vector<1000x1xf32>
      %add3A_566 = vector.broadcast %broadcast_in_dim3A_565 : vector<1000x1xf32> to vector<1000x128xf32>
      %add3A_567 = arith.addf %get3A_3, %add3A_566 : vector<1000x128xf32>
      %reduce_max3A = arith.constant dense<0xFF800000> : vector<128xf32>
      %reduce_max3A_568 = vector.multi_reduction <maximumf>, %add3A_567, %reduce_max3A [0] : vector<1000x128xf32> to vector<128xf32>
      %broadcast_in_dim3A_569 = vector.shape_cast %reduce_max3A_568 : vector<128xf32> to vector<1x128xf32>
      %get3A_570 = arith.constant 45 : index
      %get3A_571 = arith.constant 0 : index
      %get3A_572 = vector.load %arg11[%get3A_570, %get3A_571] : memref<64x128xf32, #tpu.memory_space<vmem>>, vector<1x128xf32>
      %max3A = arith.maximumf %get3A_572, %broadcast_in_dim3A_569 : vector<1x128xf32>
      %swap3A_573 = arith.constant 45 : index
      %swap3A_574 = arith.constant 0 : index
      %swap3A_575 = vector.load %arg11[%swap3A_573, %swap3A_574] : memref<64x128xf32, #tpu.memory_space<vmem>>, vector<1x128xf32>
      tpu.vector_store %arg11[%swap3A_573, %swap3A_574], %max3A {strides = array<i32>} : memref<64x128xf32, #tpu.memory_space<vmem>>, vector<1x128xf32>,
    } else {
    }
    %le3A_410 = arith.constant 46 : i32
    %le3A_411 = arith.cmpi sle, %get3A_39, %le3A_410 : i32
    %ge3A_412 = arith.constant 46 : i32
    %ge3A_413 = arith.cmpi sge, %get3A_44, %ge3A_412 : i32
    %and3A_414 = arith.andi %le3A_411, %ge3A_413 : i1
    %convert_element_type3A_415 = arith.extui %and3A_414 : i1 to i32
    %cond3A_416 = arith.constant 0 : i32
    %cond3A_417 = arith.cmpi ne, %convert_element_type3A_415, %cond3A_416 : i32
    scf.if %cond3A_417 {
      %eq3A_559 = arith.constant 46 : i32
      %eq3A_560 = vector.broadcast %eq3A_559 : i32 to vector<1000xi32>
      %eq3A_561 = arith.cmpi eq, %get3A_8, %eq3A_560 : vector<1000xi32>
      %jit3A = arith.constant 0.000000e+00 : f32
      %jit3A_562 = arith.constant 0xFF800000 : f32
      %broadcast_in_dim3A_563 = vector.broadcast %jit3A : f32 to vector<1000xf32>
      %broadcast_in_dim3A_564 = vector.broadcast %jit3A_562 : f32 to vector<1000xf32>
      %select_n3A = arith.select %eq3A_561, %broadcast_in_dim3A_563, %broadcast_in_dim3A_564 : vector<1000xi1>, vector<1000xf32>
      %broadcast_in_dim3A_565 = vector.shape_cast %select_n3A : vector<1000xf32> to vector<1000x1xf32>
      %add3A_566 = vector.broadcast %broadcast_in_dim3A_565 : vector<1000x1xf32> to vector<1000x128xf32>
      %add3A_567 = arith.addf %get3A_3, %add3A_566 : vector<1000x128xf32>
      %reduce_max3A = arith.constant dense<0xFF800000> : vector<128xf32>
      %reduce_max3A_568 = vector.multi_reduction <maximumf>, %add3A_567, %reduce_max3A [0] : vector<1000x128xf32> to vector<128xf32>
      %broadcast_in_dim3A_569 = vector.shape_cast %reduce_max3A_568 : vector<128xf32> to vector<1x128xf32>
      %get3A_570 = arith.constant 46 : index
      %get3A_571 = arith.constant 0 : index
      %get3A_572 = vector.load %arg11[%get3A_570, %get3A_571] : memref<64x128xf32, #tpu.memory_space<vmem>>, vector<1x128xf32>
      %max3A = arith.maximumf %get3A_572, %broadcast_in_dim3A_569 : vector<1x128xf32>
      %swap3A_573 = arith.constant 46 : index
      %swap3A_574 = arith.constant 0 : index
      %swap3A_575 = vector.load %arg11[%swap3A_573, %swap3A_574] : memref<64x128xf32, #tpu.memory_space<vmem>>, vector<1x128xf32>
      tpu.vector_store %arg11[%swap3A_573, %swap3A_574], %max3A {strides = array<i32>} : memref<64x128xf32, #tpu.memory_space<vmem>>, vector<1x128xf32>,
    } else {
    }
    %le3A_418 = arith.constant 47 : i32
    %le3A_419 = arith.cmpi sle, %get3A_39, %le3A_418 : i32
    %ge3A_420 = arith.constant 47 : i32
    %ge3A_421 = arith.cmpi sge, %get3A_44, %ge3A_420 : i32
    %and3A_422 = arith.andi %le3A_419, %ge3A_421 : i1
    %convert_element_type3A_423 = arith.extui %and3A_422 : i1 to i32
    %cond3A_424 = arith.constant 0 : i32
    %cond3A_425 = arith.cmpi ne, %convert_element_type3A_423, %cond3A_424 : i32
    scf.if %cond3A_425 {
      %eq3A_559 = arith.constant 47 : i32
      %eq3A_560 = vector.broadcast %eq3A_559 : i32 to vector<1000xi32>
      %eq3A_561 = arith.cmpi eq, %get3A_8, %eq3A_560 : vector<1000xi32>
      %jit3A = arith.constant 0.000000e+00 : f32
      %jit3A_562 = arith.constant 0xFF800000 : f32
      %broadcast_in_dim3A_563 = vector.broadcast %jit3A : f32 to vector<1000xf32>
      %broadcast_in_dim3A_564 = vector.broadcast %jit3A_562 : f32 to vector<1000xf32>
      %select_n3A = arith.select %eq3A_561, %broadcast_in_dim3A_563, %broadcast_in_dim3A_564 : vector<1000xi1>, vector<1000xf32>
      %broadcast_in_dim3A_565 = vector.shape_cast %select_n3A : vector<1000xf32> to vector<1000x1xf32>
      %add3A_566 = vector.broadcast %broadcast_in_dim3A_565 : vector<1000x1xf32> to vector<1000x128xf32>
      %add3A_567 = arith.addf %get3A_3, %add3A_566 : vector<1000x128xf32>
      %reduce_max3A = arith.constant dense<0xFF800000> : vector<128xf32>
      %reduce_max3A_568 = vector.multi_reduction <maximumf>, %add3A_567, %reduce_max3A [0] : vector<1000x128xf32> to vector<128xf32>
      %broadcast_in_dim3A_569 = vector.shape_cast %reduce_max3A_568 : vector<128xf32> to vector<1x128xf32>
      %get3A_570 = arith.constant 47 : index
      %get3A_571 = arith.constant 0 : index
      %get3A_572 = vector.load %arg11[%get3A_570, %get3A_571] : memref<64x128xf32, #tpu.memory_space<vmem>>, vector<1x128xf32>
      %max3A = arith.maximumf %get3A_572, %broadcast_in_dim3A_569 : vector<1x128xf32>
      %swap3A_573 = arith.constant 47 : index
      %swap3A_574 = arith.constant 0 : index
      %swap3A_575 = vector.load %arg11[%swap3A_573, %swap3A_574] : memref<64x128xf32, #tpu.memory_space<vmem>>, vector<1x128xf32>
      tpu.vector_store %arg11[%swap3A_573, %swap3A_574], %max3A {strides = array<i32>} : memref<64x128xf32, #tpu.memory_space<vmem>>, vector<1x128xf32>,
    } else {
    }
    %le3A_426 = arith.constant 48 : i32
    %le3A_427 = arith.cmpi sle, %get3A_39, %le3A_426 : i32
    %ge3A_428 = arith.constant 48 : i32
    %ge3A_429 = arith.cmpi sge, %get3A_44, %ge3A_428 : i32
    %and3A_430 = arith.andi %le3A_427, %ge3A_429 : i1
    %convert_element_type3A_431 = arith.extui %and3A_430 : i1 to i32
    %cond3A_432 = arith.constant 0 : i32
    %cond3A_433 = arith.cmpi ne, %convert_element_type3A_431, %cond3A_432 : i32
    scf.if %cond3A_433 {
      %eq3A_559 = arith.constant 48 : i32
      %eq3A_560 = vector.broadcast %eq3A_559 : i32 to vector<1000xi32>
      %eq3A_561 = arith.cmpi eq, %get3A_8, %eq3A_560 : vector<1000xi32>
      %jit3A = arith.constant 0.000000e+00 : f32
      %jit3A_562 = arith.constant 0xFF800000 : f32
      %broadcast_in_dim3A_563 = vector.broadcast %jit3A : f32 to vector<1000xf32>
      %broadcast_in_dim3A_564 = vector.broadcast %jit3A_562 : f32 to vector<1000xf32>
      %select_n3A = arith.select %eq3A_561, %broadcast_in_dim3A_563, %broadcast_in_dim3A_564 : vector<1000xi1>, vector<1000xf32>
      %broadcast_in_dim3A_565 = vector.shape_cast %select_n3A : vector<1000xf32> to vector<1000x1xf32>
      %add3A_566 = vector.broadcast %broadcast_in_dim3A_565 : vector<1000x1xf32> to vector<1000x128xf32>
      %add3A_567 = arith.addf %get3A_3, %add3A_566 : vector<1000x128xf32>
      %reduce_max3A = arith.constant dense<0xFF800000> : vector<128xf32>
      %reduce_max3A_568 = vector.multi_reduction <maximumf>, %add3A_567, %reduce_max3A [0] : vector<1000x128xf32> to vector<128xf32>
      %broadcast_in_dim3A_569 = vector.shape_cast %reduce_max3A_568 : vector<128xf32> to vector<1x128xf32>
      %get3A_570 = arith.constant 48 : index
      %get3A_571 = arith.constant 0 : index
      %get3A_572 = vector.load %arg11[%get3A_570, %get3A_571] : memref<64x128xf32, #tpu.memory_space<vmem>>, vector<1x128xf32>
      %max3A = arith.maximumf %get3A_572, %broadcast_in_dim3A_569 : vector<1x128xf32>
      %swap3A_573 = arith.constant 48 : index
      %swap3A_574 = arith.constant 0 : index
      %swap3A_575 = vector.load %arg11[%swap3A_573, %swap3A_574] : memref<64x128xf32, #tpu.memory_space<vmem>>, vector<1x128xf32>
      tpu.vector_store %arg11[%swap3A_573, %swap3A_574], %max3A {strides = array<i32>} : memref<64x128xf32, #tpu.memory_space<vmem>>, vector<1x128xf32>,
    } else {
    }
    %le3A_434 = arith.constant 49 : i32
    %le3A_435 = arith.cmpi sle, %get3A_39, %le3A_434 : i32
    %ge3A_436 = arith.constant 49 : i32
    %ge3A_437 = arith.cmpi sge, %get3A_44, %ge3A_436 : i32
    %and3A_438 = arith.andi %le3A_435, %ge3A_437 : i1
    %convert_element_type3A_439 = arith.extui %and3A_438 : i1 to i32
    %cond3A_440 = arith.constant 0 : i32
    %cond3A_441 = arith.cmpi ne, %convert_element_type3A_439, %cond3A_440 : i32
    scf.if %cond3A_441 {
      %eq3A_559 = arith.constant 49 : i32
      %eq3A_560 = vector.broadcast %eq3A_559 : i32 to vector<1000xi32>
      %eq3A_561 = arith.cmpi eq, %get3A_8, %eq3A_560 : vector<1000xi32>
      %jit3A = arith.constant 0.000000e+00 : f32
      %jit3A_562 = arith.constant 0xFF800000 : f32
      %broadcast_in_dim3A_563 = vector.broadcast %jit3A : f32 to vector<1000xf32>
      %broadcast_in_dim3A_564 = vector.broadcast %jit3A_562 : f32 to vector<1000xf32>
      %select_n3A = arith.select %eq3A_561, %broadcast_in_dim3A_563, %broadcast_in_dim3A_564 : vector<1000xi1>, vector<1000xf32>
      %broadcast_in_dim3A_565 = vector.shape_cast %select_n3A : vector<1000xf32> to vector<1000x1xf32>
      %add3A_566 = vector.broadcast %broadcast_in_dim3A_565 : vector<1000x1xf32> to vector<1000x128xf32>
      %add3A_567 = arith.addf %get3A_3, %add3A_566 : vector<1000x128xf32>
      %reduce_max3A = arith.constant dense<0xFF800000> : vector<128xf32>
      %reduce_max3A_568 = vector.multi_reduction <maximumf>, %add3A_567, %reduce_max3A [0] : vector<1000x128xf32> to vector<128xf32>
      %broadcast_in_dim3A_569 = vector.shape_cast %reduce_max3A_568 : vector<128xf32> to vector<1x128xf32>
      %get3A_570 = arith.constant 49 : index
      %get3A_571 = arith.constant 0 : index
      %get3A_572 = vector.load %arg11[%get3A_570, %get3A_571] : memref<64x128xf32, #tpu.memory_space<vmem>>, vector<1x128xf32>
      %max3A = arith.maximumf %get3A_572, %broadcast_in_dim3A_569 : vector<1x128xf32>
      %swap3A_573 = arith.constant 49 : index
      %swap3A_574 = arith.constant 0 : index
      %swap3A_575 = vector.load %arg11[%swap3A_573, %swap3A_574] : memref<64x128xf32, #tpu.memory_space<vmem>>, vector<1x128xf32>
      tpu.vector_store %arg11[%swap3A_573, %swap3A_574], %max3A {strides = array<i32>} : memref<64x128xf32, #tpu.memory_space<vmem>>, vector<1x128xf32>,
    } else {
    }
    %le3A_442 = arith.constant 50 : i32
    %le3A_443 = arith.cmpi sle, %get3A_39, %le3A_442 : i32
    %ge3A_444 = arith.constant 50 : i32
    %ge3A_445 = arith.cmpi sge, %get3A_44, %ge3A_444 : i32
    %and3A_446 = arith.andi %le3A_443, %ge3A_445 : i1
    %convert_element_type3A_447 = arith.extui %and3A_446 : i1 to i32
    %cond3A_448 = arith.constant 0 : i32
    %cond3A_449 = arith.cmpi ne, %convert_element_type3A_447, %cond3A_448 : i32
    scf.if %cond3A_449 {
      %eq3A_559 = arith.constant 50 : i32
      %eq3A_560 = vector.broadcast %eq3A_559 : i32 to vector<1000xi32>
      %eq3A_561 = arith.cmpi eq, %get3A_8, %eq3A_560 : vector<1000xi32>
      %jit3A = arith.constant 0.000000e+00 : f32
      %jit3A_562 = arith.constant 0xFF800000 : f32
      %broadcast_in_dim3A_563 = vector.broadcast %jit3A : f32 to vector<1000xf32>
      %broadcast_in_dim3A_564 = vector.broadcast %jit3A_562 : f32 to vector<1000xf32>
      %select_n3A = arith.select %eq3A_561, %broadcast_in_dim3A_563, %broadcast_in_dim3A_564 : vector<1000xi1>, vector<1000xf32>
      %broadcast_in_dim3A_565 = vector.shape_cast %select_n3A : vector<1000xf32> to vector<1000x1xf32>
      %add3A_566 = vector.broadcast %broadcast_in_dim3A_565 : vector<1000x1xf32> to vector<1000x128xf32>
      %add3A_567 = arith.addf %get3A_3, %add3A_566 : vector<1000x128xf32>
      %reduce_max3A = arith.constant dense<0xFF800000> : vector<128xf32>
      %reduce_max3A_568 = vector.multi_reduction <maximumf>, %add3A_567, %reduce_max3A [0] : vector<1000x128xf32> to vector<128xf32>
      %broadcast_in_dim3A_569 = vector.shape_cast %reduce_max3A_568 : vector<128xf32> to vector<1x128xf32>
      %get3A_570 = arith.constant 50 : index
      %get3A_571 = arith.constant 0 : index
      %get3A_572 = vector.load %arg11[%get3A_570, %get3A_571] : memref<64x128xf32, #tpu.memory_space<vmem>>, vector<1x128xf32>
      %max3A = arith.maximumf %get3A_572, %broadcast_in_dim3A_569 : vector<1x128xf32>
      %swap3A_573 = arith.constant 50 : index
      %swap3A_574 = arith.constant 0 : index
      %swap3A_575 = vector.load %arg11[%swap3A_573, %swap3A_574] : memref<64x128xf32, #tpu.memory_space<vmem>>, vector<1x128xf32>
      tpu.vector_store %arg11[%swap3A_573, %swap3A_574], %max3A {strides = array<i32>} : memref<64x128xf32, #tpu.memory_space<vmem>>, vector<1x128xf32>,
    } else {
    }
    %le3A_450 = arith.constant 51 : i32
    %le3A_451 = arith.cmpi sle, %get3A_39, %le3A_450 : i32
    %ge3A_452 = arith.constant 51 : i32
    %ge3A_453 = arith.cmpi sge, %get3A_44, %ge3A_452 : i32
    %and3A_454 = arith.andi %le3A_451, %ge3A_453 : i1
    %convert_element_type3A_455 = arith.extui %and3A_454 : i1 to i32
    %cond3A_456 = arith.constant 0 : i32
    %cond3A_457 = arith.cmpi ne, %convert_element_type3A_455, %cond3A_456 : i32
    scf.if %cond3A_457 {
      %eq3A_559 = arith.constant 51 : i32
      %eq3A_560 = vector.broadcast %eq3A_559 : i32 to vector<1000xi32>
      %eq3A_561 = arith.cmpi eq, %get3A_8, %eq3A_560 : vector<1000xi32>
      %jit3A = arith.constant 0.000000e+00 : f32
      %jit3A_562 = arith.constant 0xFF800000 : f32
      %broadcast_in_dim3A_563 = vector.broadcast %jit3A : f32 to vector<1000xf32>
      %broadcast_in_dim3A_564 = vector.broadcast %jit3A_562 : f32 to vector<1000xf32>
      %select_n3A = arith.select %eq3A_561, %broadcast_in_dim3A_563, %broadcast_in_dim3A_564 : vector<1000xi1>, vector<1000xf32>
      %broadcast_in_dim3A_565 = vector.shape_cast %select_n3A : vector<1000xf32> to vector<1000x1xf32>
      %add3A_566 = vector.broadcast %broadcast_in_dim3A_565 : vector<1000x1xf32> to vector<1000x128xf32>
      %add3A_567 = arith.addf %get3A_3, %add3A_566 : vector<1000x128xf32>
      %reduce_max3A = arith.constant dense<0xFF800000> : vector<128xf32>
      %reduce_max3A_568 = vector.multi_reduction <maximumf>, %add3A_567, %reduce_max3A [0] : vector<1000x128xf32> to vector<128xf32>
      %broadcast_in_dim3A_569 = vector.shape_cast %reduce_max3A_568 : vector<128xf32> to vector<1x128xf32>
      %get3A_570 = arith.constant 51 : index
      %get3A_571 = arith.constant 0 : index
      %get3A_572 = vector.load %arg11[%get3A_570, %get3A_571] : memref<64x128xf32, #tpu.memory_space<vmem>>, vector<1x128xf32>
      %max3A = arith.maximumf %get3A_572, %broadcast_in_dim3A_569 : vector<1x128xf32>
      %swap3A_573 = arith.constant 51 : index
      %swap3A_574 = arith.constant 0 : index
      %swap3A_575 = vector.load %arg11[%swap3A_573, %swap3A_574] : memref<64x128xf32, #tpu.memory_space<vmem>>, vector<1x128xf32>
      tpu.vector_store %arg11[%swap3A_573, %swap3A_574], %max3A {strides = array<i32>} : memref<64x128xf32, #tpu.memory_space<vmem>>, vector<1x128xf32>,
    } else {
    }
    %le3A_458 = arith.constant 52 : i32
    %le3A_459 = arith.cmpi sle, %get3A_39, %le3A_458 : i32
    %ge3A_460 = arith.constant 52 : i32
    %ge3A_461 = arith.cmpi sge, %get3A_44, %ge3A_460 : i32
    %and3A_462 = arith.andi %le3A_459, %ge3A_461 : i1
    %convert_element_type3A_463 = arith.extui %and3A_462 : i1 to i32
    %cond3A_464 = arith.constant 0 : i32
    %cond3A_465 = arith.cmpi ne, %convert_element_type3A_463, %cond3A_464 : i32
    scf.if %cond3A_465 {
      %eq3A_559 = arith.constant 52 : i32
      %eq3A_560 = vector.broadcast %eq3A_559 : i32 to vector<1000xi32>
      %eq3A_561 = arith.cmpi eq, %get3A_8, %eq3A_560 : vector<1000xi32>
      %jit3A = arith.constant 0.000000e+00 : f32
      %jit3A_562 = arith.constant 0xFF800000 : f32
      %broadcast_in_dim3A_563 = vector.broadcast %jit3A : f32 to vector<1000xf32>
      %broadcast_in_dim3A_564 = vector.broadcast %jit3A_562 : f32 to vector<1000xf32>
      %select_n3A = arith.select %eq3A_561, %broadcast_in_dim3A_563, %broadcast_in_dim3A_564 : vector<1000xi1>, vector<1000xf32>
      %broadcast_in_dim3A_565 = vector.shape_cast %select_n3A : vector<1000xf32> to vector<1000x1xf32>
      %add3A_566 = vector.broadcast %broadcast_in_dim3A_565 : vector<1000x1xf32> to vector<1000x128xf32>
      %add3A_567 = arith.addf %get3A_3, %add3A_566 : vector<1000x128xf32>
      %reduce_max3A = arith.constant dense<0xFF800000> : vector<128xf32>
      %reduce_max3A_568 = vector.multi_reduction <maximumf>, %add3A_567, %reduce_max3A [0] : vector<1000x128xf32> to vector<128xf32>
      %broadcast_in_dim3A_569 = vector.shape_cast %reduce_max3A_568 : vector<128xf32> to vector<1x128xf32>
      %get3A_570 = arith.constant 52 : index
      %get3A_571 = arith.constant 0 : index
      %get3A_572 = vector.load %arg11[%get3A_570, %get3A_571] : memref<64x128xf32, #tpu.memory_space<vmem>>, vector<1x128xf32>
      %max3A = arith.maximumf %get3A_572, %broadcast_in_dim3A_569 : vector<1x128xf32>
      %swap3A_573 = arith.constant 52 : index
      %swap3A_574 = arith.constant 0 : index
      %swap3A_575 = vector.load %arg11[%swap3A_573, %swap3A_574] : memref<64x128xf32, #tpu.memory_space<vmem>>, vector<1x128xf32>
      tpu.vector_store %arg11[%swap3A_573, %swap3A_574], %max3A {strides = array<i32>} : memref<64x128xf32, #tpu.memory_space<vmem>>, vector<1x128xf32>,
    } else {
    }
    %le3A_466 = arith.constant 53 : i32
    %le3A_467 = arith.cmpi sle, %get3A_39, %le3A_466 : i32
    %ge3A_468 = arith.constant 53 : i32
    %ge3A_469 = arith.cmpi sge, %get3A_44, %ge3A_468 : i32
    %and3A_470 = arith.andi %le3A_467, %ge3A_469 : i1
    %convert_element_type3A_471 = arith.extui %and3A_470 : i1 to i32
    %cond3A_472 = arith.constant 0 : i32
    %cond3A_473 = arith.cmpi ne, %convert_element_type3A_471, %cond3A_472 : i32
    scf.if %cond3A_473 {
      %eq3A_559 = arith.constant 53 : i32
      %eq3A_560 = vector.broadcast %eq3A_559 : i32 to vector<1000xi32>
      %eq3A_561 = arith.cmpi eq, %get3A_8, %eq3A_560 : vector<1000xi32>
      %jit3A = arith.constant 0.000000e+00 : f32
      %jit3A_562 = arith.constant 0xFF800000 : f32
      %broadcast_in_dim3A_563 = vector.broadcast %jit3A : f32 to vector<1000xf32>
      %broadcast_in_dim3A_564 = vector.broadcast %jit3A_562 : f32 to vector<1000xf32>
      %select_n3A = arith.select %eq3A_561, %broadcast_in_dim3A_563, %broadcast_in_dim3A_564 : vector<1000xi1>, vector<1000xf32>
      %broadcast_in_dim3A_565 = vector.shape_cast %select_n3A : vector<1000xf32> to vector<1000x1xf32>
      %add3A_566 = vector.broadcast %broadcast_in_dim3A_565 : vector<1000x1xf32> to vector<1000x128xf32>
      %add3A_567 = arith.addf %get3A_3, %add3A_566 : vector<1000x128xf32>
      %reduce_max3A = arith.constant dense<0xFF800000> : vector<128xf32>
      %reduce_max3A_568 = vector.multi_reduction <maximumf>, %add3A_567, %reduce_max3A [0] : vector<1000x128xf32> to vector<128xf32>
      %broadcast_in_dim3A_569 = vector.shape_cast %reduce_max3A_568 : vector<128xf32> to vector<1x128xf32>
      %get3A_570 = arith.constant 53 : index
      %get3A_571 = arith.constant 0 : index
      %get3A_572 = vector.load %arg11[%get3A_570, %get3A_571] : memref<64x128xf32, #tpu.memory_space<vmem>>, vector<1x128xf32>
      %max3A = arith.maximumf %get3A_572, %broadcast_in_dim3A_569 : vector<1x128xf32>
      %swap3A_573 = arith.constant 53 : index
      %swap3A_574 = arith.constant 0 : index
      %swap3A_575 = vector.load %arg11[%swap3A_573, %swap3A_574] : memref<64x128xf32, #tpu.memory_space<vmem>>, vector<1x128xf32>
      tpu.vector_store %arg11[%swap3A_573, %swap3A_574], %max3A {strides = array<i32>} : memref<64x128xf32, #tpu.memory_space<vmem>>, vector<1x128xf32>,
    } else {
    }
    %le3A_474 = arith.constant 54 : i32
    %le3A_475 = arith.cmpi sle, %get3A_39, %le3A_474 : i32
    %ge3A_476 = arith.constant 54 : i32
    %ge3A_477 = arith.cmpi sge, %get3A_44, %ge3A_476 : i32
    %and3A_478 = arith.andi %le3A_475, %ge3A_477 : i1
    %convert_element_type3A_479 = arith.extui %and3A_478 : i1 to i32
    %cond3A_480 = arith.constant 0 : i32
    %cond3A_481 = arith.cmpi ne, %convert_element_type3A_479, %cond3A_480 : i32
    scf.if %cond3A_481 {
      %eq3A_559 = arith.constant 54 : i32
      %eq3A_560 = vector.broadcast %eq3A_559 : i32 to vector<1000xi32>
      %eq3A_561 = arith.cmpi eq, %get3A_8, %eq3A_560 : vector<1000xi32>
      %jit3A = arith.constant 0.000000e+00 : f32
      %jit3A_562 = arith.constant 0xFF800000 : f32
      %broadcast_in_dim3A_563 = vector.broadcast %jit3A : f32 to vector<1000xf32>
      %broadcast_in_dim3A_564 = vector.broadcast %jit3A_562 : f32 to vector<1000xf32>
      %select_n3A = arith.select %eq3A_561, %broadcast_in_dim3A_563, %broadcast_in_dim3A_564 : vector<1000xi1>, vector<1000xf32>
      %broadcast_in_dim3A_565 = vector.shape_cast %select_n3A : vector<1000xf32> to vector<1000x1xf32>
      %add3A_566 = vector.broadcast %broadcast_in_dim3A_565 : vector<1000x1xf32> to vector<1000x128xf32>
      %add3A_567 = arith.addf %get3A_3, %add3A_566 : vector<1000x128xf32>
      %reduce_max3A = arith.constant dense<0xFF800000> : vector<128xf32>
      %reduce_max3A_568 = vector.multi_reduction <maximumf>, %add3A_567, %reduce_max3A [0] : vector<1000x128xf32> to vector<128xf32>
      %broadcast_in_dim3A_569 = vector.shape_cast %reduce_max3A_568 : vector<128xf32> to vector<1x128xf32>
      %get3A_570 = arith.constant 54 : index
      %get3A_571 = arith.constant 0 : index
      %get3A_572 = vector.load %arg11[%get3A_570, %get3A_571] : memref<64x128xf32, #tpu.memory_space<vmem>>, vector<1x128xf32>
      %max3A = arith.maximumf %get3A_572, %broadcast_in_dim3A_569 : vector<1x128xf32>
      %swap3A_573 = arith.constant 54 : index
      %swap3A_574 = arith.constant 0 : index
      %swap3A_575 = vector.load %arg11[%swap3A_573, %swap3A_574] : memref<64x128xf32, #tpu.memory_space<vmem>>, vector<1x128xf32>
      tpu.vector_store %arg11[%swap3A_573, %swap3A_574], %max3A {strides = array<i32>} : memref<64x128xf32, #tpu.memory_space<vmem>>, vector<1x128xf32>,
    } else {
    }
    %le3A_482 = arith.constant 55 : i32
    %le3A_483 = arith.cmpi sle, %get3A_39, %le3A_482 : i32
    %ge3A_484 = arith.constant 55 : i32
    %ge3A_485 = arith.cmpi sge, %get3A_44, %ge3A_484 : i32
    %and3A_486 = arith.andi %le3A_483, %ge3A_485 : i1
    %convert_element_type3A_487 = arith.extui %and3A_486 : i1 to i32
    %cond3A_488 = arith.constant 0 : i32
    %cond3A_489 = arith.cmpi ne, %convert_element_type3A_487, %cond3A_488 : i32
    scf.if %cond3A_489 {
      %eq3A_559 = arith.constant 55 : i32
      %eq3A_560 = vector.broadcast %eq3A_559 : i32 to vector<1000xi32>
      %eq3A_561 = arith.cmpi eq, %get3A_8, %eq3A_560 : vector<1000xi32>
      %jit3A = arith.constant 0.000000e+00 : f32
      %jit3A_562 = arith.constant 0xFF800000 : f32
      %broadcast_in_dim3A_563 = vector.broadcast %jit3A : f32 to vector<1000xf32>
      %broadcast_in_dim3A_564 = vector.broadcast %jit3A_562 : f32 to vector<1000xf32>
      %select_n3A = arith.select %eq3A_561, %broadcast_in_dim3A_563, %broadcast_in_dim3A_564 : vector<1000xi1>, vector<1000xf32>
      %broadcast_in_dim3A_565 = vector.shape_cast %select_n3A : vector<1000xf32> to vector<1000x1xf32>
      %add3A_566 = vector.broadcast %broadcast_in_dim3A_565 : vector<1000x1xf32> to vector<1000x128xf32>
      %add3A_567 = arith.addf %get3A_3, %add3A_566 : vector<1000x128xf32>
      %reduce_max3A = arith.constant dense<0xFF800000> : vector<128xf32>
      %reduce_max3A_568 = vector.multi_reduction <maximumf>, %add3A_567, %reduce_max3A [0] : vector<1000x128xf32> to vector<128xf32>
      %broadcast_in_dim3A_569 = vector.shape_cast %reduce_max3A_568 : vector<128xf32> to vector<1x128xf32>
      %get3A_570 = arith.constant 55 : index
      %get3A_571 = arith.constant 0 : index
      %get3A_572 = vector.load %arg11[%get3A_570, %get3A_571] : memref<64x128xf32, #tpu.memory_space<vmem>>, vector<1x128xf32>
      %max3A = arith.maximumf %get3A_572, %broadcast_in_dim3A_569 : vector<1x128xf32>
      %swap3A_573 = arith.constant 55 : index
      %swap3A_574 = arith.constant 0 : index
      %swap3A_575 = vector.load %arg11[%swap3A_573, %swap3A_574] : memref<64x128xf32, #tpu.memory_space<vmem>>, vector<1x128xf32>
      tpu.vector_store %arg11[%swap3A_573, %swap3A_574], %max3A {strides = array<i32>} : memref<64x128xf32, #tpu.memory_space<vmem>>, vector<1x128xf32>,
    } else {
    }
    %le3A_490 = arith.constant 56 : i32
    %le3A_491 = arith.cmpi sle, %get3A_39, %le3A_490 : i32
    %ge3A_492 = arith.constant 56 : i32
    %ge3A_493 = arith.cmpi sge, %get3A_44, %ge3A_492 : i32
    %and3A_494 = arith.andi %le3A_491, %ge3A_493 : i1
    %convert_element_type3A_495 = arith.extui %and3A_494 : i1 to i32
    %cond3A_496 = arith.constant 0 : i32
    %cond3A_497 = arith.cmpi ne, %convert_element_type3A_495, %cond3A_496 : i32
    scf.if %cond3A_497 {
      %eq3A_559 = arith.constant 56 : i32
      %eq3A_560 = vector.broadcast %eq3A_559 : i32 to vector<1000xi32>
      %eq3A_561 = arith.cmpi eq, %get3A_8, %eq3A_560 : vector<1000xi32>
      %jit3A = arith.constant 0.000000e+00 : f32
      %jit3A_562 = arith.constant 0xFF800000 : f32
      %broadcast_in_dim3A_563 = vector.broadcast %jit3A : f32 to vector<1000xf32>
      %broadcast_in_dim3A_564 = vector.broadcast %jit3A_562 : f32 to vector<1000xf32>
      %select_n3A = arith.select %eq3A_561, %broadcast_in_dim3A_563, %broadcast_in_dim3A_564 : vector<1000xi1>, vector<1000xf32>
      %broadcast_in_dim3A_565 = vector.shape_cast %select_n3A : vector<1000xf32> to vector<1000x1xf32>
      %add3A_566 = vector.broadcast %broadcast_in_dim3A_565 : vector<1000x1xf32> to vector<1000x128xf32>
      %add3A_567 = arith.addf %get3A_3, %add3A_566 : vector<1000x128xf32>
      %reduce_max3A = arith.constant dense<0xFF800000> : vector<128xf32>
      %reduce_max3A_568 = vector.multi_reduction <maximumf>, %add3A_567, %reduce_max3A [0] : vector<1000x128xf32> to vector<128xf32>
      %broadcast_in_dim3A_569 = vector.shape_cast %reduce_max3A_568 : vector<128xf32> to vector<1x128xf32>
      %get3A_570 = arith.constant 56 : index
      %get3A_571 = arith.constant 0 : index
      %get3A_572 = vector.load %arg11[%get3A_570, %get3A_571] : memref<64x128xf32, #tpu.memory_space<vmem>>, vector<1x128xf32>
      %max3A = arith.maximumf %get3A_572, %broadcast_in_dim3A_569 : vector<1x128xf32>
      %swap3A_573 = arith.constant 56 : index
      %swap3A_574 = arith.constant 0 : index
      %swap3A_575 = vector.load %arg11[%swap3A_573, %swap3A_574] : memref<64x128xf32, #tpu.memory_space<vmem>>, vector<1x128xf32>
      tpu.vector_store %arg11[%swap3A_573, %swap3A_574], %max3A {strides = array<i32>} : memref<64x128xf32, #tpu.memory_space<vmem>>, vector<1x128xf32>,
    } else {
    }
    %le3A_498 = arith.constant 57 : i32
    %le3A_499 = arith.cmpi sle, %get3A_39, %le3A_498 : i32
    %ge3A_500 = arith.constant 57 : i32
    %ge3A_501 = arith.cmpi sge, %get3A_44, %ge3A_500 : i32
    %and3A_502 = arith.andi %le3A_499, %ge3A_501 : i1
    %convert_element_type3A_503 = arith.extui %and3A_502 : i1 to i32
    %cond3A_504 = arith.constant 0 : i32
    %cond3A_505 = arith.cmpi ne, %convert_element_type3A_503, %cond3A_504 : i32
    scf.if %cond3A_505 {
      %eq3A_559 = arith.constant 57 : i32
      %eq3A_560 = vector.broadcast %eq3A_559 : i32 to vector<1000xi32>
      %eq3A_561 = arith.cmpi eq, %get3A_8, %eq3A_560 : vector<1000xi32>
      %jit3A = arith.constant 0.000000e+00 : f32
      %jit3A_562 = arith.constant 0xFF800000 : f32
      %broadcast_in_dim3A_563 = vector.broadcast %jit3A : f32 to vector<1000xf32>
      %broadcast_in_dim3A_564 = vector.broadcast %jit3A_562 : f32 to vector<1000xf32>
      %select_n3A = arith.select %eq3A_561, %broadcast_in_dim3A_563, %broadcast_in_dim3A_564 : vector<1000xi1>, vector<1000xf32>
      %broadcast_in_dim3A_565 = vector.shape_cast %select_n3A : vector<1000xf32> to vector<1000x1xf32>
      %add3A_566 = vector.broadcast %broadcast_in_dim3A_565 : vector<1000x1xf32> to vector<1000x128xf32>
      %add3A_567 = arith.addf %get3A_3, %add3A_566 : vector<1000x128xf32>
      %reduce_max3A = arith.constant dense<0xFF800000> : vector<128xf32>
      %reduce_max3A_568 = vector.multi_reduction <maximumf>, %add3A_567, %reduce_max3A [0] : vector<1000x128xf32> to vector<128xf32>
      %broadcast_in_dim3A_569 = vector.shape_cast %reduce_max3A_568 : vector<128xf32> to vector<1x128xf32>
      %get3A_570 = arith.constant 57 : index
      %get3A_571 = arith.constant 0 : index
      %get3A_572 = vector.load %arg11[%get3A_570, %get3A_571] : memref<64x128xf32, #tpu.memory_space<vmem>>, vector<1x128xf32>
      %max3A = arith.maximumf %get3A_572, %broadcast_in_dim3A_569 : vector<1x128xf32>
      %swap3A_573 = arith.constant 57 : index
      %swap3A_574 = arith.constant 0 : index
      %swap3A_575 = vector.load %arg11[%swap3A_573, %swap3A_574] : memref<64x128xf32, #tpu.memory_space<vmem>>, vector<1x128xf32>
      tpu.vector_store %arg11[%swap3A_573, %swap3A_574], %max3A {strides = array<i32>} : memref<64x128xf32, #tpu.memory_space<vmem>>, vector<1x128xf32>,
    } else {
    }
    %le3A_506 = arith.constant 58 : i32
    %le3A_507 = arith.cmpi sle, %get3A_39, %le3A_506 : i32
    %ge3A_508 = arith.constant 58 : i32
    %ge3A_509 = arith.cmpi sge, %get3A_44, %ge3A_508 : i32
    %and3A_510 = arith.andi %le3A_507, %ge3A_509 : i1
    %convert_element_type3A_511 = arith.extui %and3A_510 : i1 to i32
    %cond3A_512 = arith.constant 0 : i32
    %cond3A_513 = arith.cmpi ne, %convert_element_type3A_511, %cond3A_512 : i32
    scf.if %cond3A_513 {
      %eq3A_559 = arith.constant 58 : i32
      %eq3A_560 = vector.broadcast %eq3A_559 : i32 to vector<1000xi32>
      %eq3A_561 = arith.cmpi eq, %get3A_8, %eq3A_560 : vector<1000xi32>
      %jit3A = arith.constant 0.000000e+00 : f32
      %jit3A_562 = arith.constant 0xFF800000 : f32
      %broadcast_in_dim3A_563 = vector.broadcast %jit3A : f32 to vector<1000xf32>
      %broadcast_in_dim3A_564 = vector.broadcast %jit3A_562 : f32 to vector<1000xf32>
      %select_n3A = arith.select %eq3A_561, %broadcast_in_dim3A_563, %broadcast_in_dim3A_564 : vector<1000xi1>, vector<1000xf32>
      %broadcast_in_dim3A_565 = vector.shape_cast %select_n3A : vector<1000xf32> to vector<1000x1xf32>
      %add3A_566 = vector.broadcast %broadcast_in_dim3A_565 : vector<1000x1xf32> to vector<1000x128xf32>
      %add3A_567 = arith.addf %get3A_3, %add3A_566 : vector<1000x128xf32>
      %reduce_max3A = arith.constant dense<0xFF800000> : vector<128xf32>
      %reduce_max3A_568 = vector.multi_reduction <maximumf>, %add3A_567, %reduce_max3A [0] : vector<1000x128xf32> to vector<128xf32>
      %broadcast_in_dim3A_569 = vector.shape_cast %reduce_max3A_568 : vector<128xf32> to vector<1x128xf32>
      %get3A_570 = arith.constant 58 : index
      %get3A_571 = arith.constant 0 : index
      %get3A_572 = vector.load %arg11[%get3A_570, %get3A_571] : memref<64x128xf32, #tpu.memory_space<vmem>>, vector<1x128xf32>
      %max3A = arith.maximumf %get3A_572, %broadcast_in_dim3A_569 : vector<1x128xf32>
      %swap3A_573 = arith.constant 58 : index
      %swap3A_574 = arith.constant 0 : index
      %swap3A_575 = vector.load %arg11[%swap3A_573, %swap3A_574] : memref<64x128xf32, #tpu.memory_space<vmem>>, vector<1x128xf32>
      tpu.vector_store %arg11[%swap3A_573, %swap3A_574], %max3A {strides = array<i32>} : memref<64x128xf32, #tpu.memory_space<vmem>>, vector<1x128xf32>,
    } else {
    }
    %le3A_514 = arith.constant 59 : i32
    %le3A_515 = arith.cmpi sle, %get3A_39, %le3A_514 : i32
    %ge3A_516 = arith.constant 59 : i32
    %ge3A_517 = arith.cmpi sge, %get3A_44, %ge3A_516 : i32
    %and3A_518 = arith.andi %le3A_515, %ge3A_517 : i1
    %convert_element_type3A_519 = arith.extui %and3A_518 : i1 to i32
    %cond3A_520 = arith.constant 0 : i32
    %cond3A_521 = arith.cmpi ne, %convert_element_type3A_519, %cond3A_520 : i32
    scf.if %cond3A_521 {
      %eq3A_559 = arith.constant 59 : i32
      %eq3A_560 = vector.broadcast %eq3A_559 : i32 to vector<1000xi32>
      %eq3A_561 = arith.cmpi eq, %get3A_8, %eq3A_560 : vector<1000xi32>
      %jit3A = arith.constant 0.000000e+00 : f32
      %jit3A_562 = arith.constant 0xFF800000 : f32
      %broadcast_in_dim3A_563 = vector.broadcast %jit3A : f32 to vector<1000xf32>
      %broadcast_in_dim3A_564 = vector.broadcast %jit3A_562 : f32 to vector<1000xf32>
      %select_n3A = arith.select %eq3A_561, %broadcast_in_dim3A_563, %broadcast_in_dim3A_564 : vector<1000xi1>, vector<1000xf32>
      %broadcast_in_dim3A_565 = vector.shape_cast %select_n3A : vector<1000xf32> to vector<1000x1xf32>
      %add3A_566 = vector.broadcast %broadcast_in_dim3A_565 : vector<1000x1xf32> to vector<1000x128xf32>
      %add3A_567 = arith.addf %get3A_3, %add3A_566 : vector<1000x128xf32>
      %reduce_max3A = arith.constant dense<0xFF800000> : vector<128xf32>
      %reduce_max3A_568 = vector.multi_reduction <maximumf>, %add3A_567, %reduce_max3A [0] : vector<1000x128xf32> to vector<128xf32>
      %broadcast_in_dim3A_569 = vector.shape_cast %reduce_max3A_568 : vector<128xf32> to vector<1x128xf32>
      %get3A_570 = arith.constant 59 : index
      %get3A_571 = arith.constant 0 : index
      %get3A_572 = vector.load %arg11[%get3A_570, %get3A_571] : memref<64x128xf32, #tpu.memory_space<vmem>>, vector<1x128xf32>
      %max3A = arith.maximumf %get3A_572, %broadcast_in_dim3A_569 : vector<1x128xf32>
      %swap3A_573 = arith.constant 59 : index
      %swap3A_574 = arith.constant 0 : index
      %swap3A_575 = vector.load %arg11[%swap3A_573, %swap3A_574] : memref<64x128xf32, #tpu.memory_space<vmem>>, vector<1x128xf32>
      tpu.vector_store %arg11[%swap3A_573, %swap3A_574], %max3A {strides = array<i32>} : memref<64x128xf32, #tpu.memory_space<vmem>>, vector<1x128xf32>,
    } else {
    }
    %le3A_522 = arith.constant 60 : i32
    %le3A_523 = arith.cmpi sle, %get3A_39, %le3A_522 : i32
    %ge3A_524 = arith.constant 60 : i32
    %ge3A_525 = arith.cmpi sge, %get3A_44, %ge3A_524 : i32
    %and3A_526 = arith.andi %le3A_523, %ge3A_525 : i1
    %convert_element_type3A_527 = arith.extui %and3A_526 : i1 to i32
    %cond3A_528 = arith.constant 0 : i32
    %cond3A_529 = arith.cmpi ne, %convert_element_type3A_527, %cond3A_528 : i32
    scf.if %cond3A_529 {
      %eq3A_559 = arith.constant 60 : i32
      %eq3A_560 = vector.broadcast %eq3A_559 : i32 to vector<1000xi32>
      %eq3A_561 = arith.cmpi eq, %get3A_8, %eq3A_560 : vector<1000xi32>
      %jit3A = arith.constant 0.000000e+00 : f32
      %jit3A_562 = arith.constant 0xFF800000 : f32
      %broadcast_in_dim3A_563 = vector.broadcast %jit3A : f32 to vector<1000xf32>
      %broadcast_in_dim3A_564 = vector.broadcast %jit3A_562 : f32 to vector<1000xf32>
      %select_n3A = arith.select %eq3A_561, %broadcast_in_dim3A_563, %broadcast_in_dim3A_564 : vector<1000xi1>, vector<1000xf32>
      %broadcast_in_dim3A_565 = vector.shape_cast %select_n3A : vector<1000xf32> to vector<1000x1xf32>
      %add3A_566 = vector.broadcast %broadcast_in_dim3A_565 : vector<1000x1xf32> to vector<1000x128xf32>
      %add3A_567 = arith.addf %get3A_3, %add3A_566 : vector<1000x128xf32>
      %reduce_max3A = arith.constant dense<0xFF800000> : vector<128xf32>
      %reduce_max3A_568 = vector.multi_reduction <maximumf>, %add3A_567, %reduce_max3A [0] : vector<1000x128xf32> to vector<128xf32>
      %broadcast_in_dim3A_569 = vector.shape_cast %reduce_max3A_568 : vector<128xf32> to vector<1x128xf32>
      %get3A_570 = arith.constant 60 : index
      %get3A_571 = arith.constant 0 : index
      %get3A_572 = vector.load %arg11[%get3A_570, %get3A_571] : memref<64x128xf32, #tpu.memory_space<vmem>>, vector<1x128xf32>
      %max3A = arith.maximumf %get3A_572, %broadcast_in_dim3A_569 : vector<1x128xf32>
      %swap3A_573 = arith.constant 60 : index
      %swap3A_574 = arith.constant 0 : index
      %swap3A_575 = vector.load %arg11[%swap3A_573, %swap3A_574] : memref<64x128xf32, #tpu.memory_space<vmem>>, vector<1x128xf32>
      tpu.vector_store %arg11[%swap3A_573, %swap3A_574], %max3A {strides = array<i32>} : memref<64x128xf32, #tpu.memory_space<vmem>>, vector<1x128xf32>,
    } else {
    }
    %le3A_530 = arith.constant 61 : i32
    %le3A_531 = arith.cmpi sle, %get3A_39, %le3A_530 : i32
    %ge3A_532 = arith.constant 61 : i32
    %ge3A_533 = arith.cmpi sge, %get3A_44, %ge3A_532 : i32
    %and3A_534 = arith.andi %le3A_531, %ge3A_533 : i1
    %convert_element_type3A_535 = arith.extui %and3A_534 : i1 to i32
    %cond3A_536 = arith.constant 0 : i32
    %cond3A_537 = arith.cmpi ne, %convert_element_type3A_535, %cond3A_536 : i32
    scf.if %cond3A_537 {
      %eq3A_559 = arith.constant 61 : i32
      %eq3A_560 = vector.broadcast %eq3A_559 : i32 to vector<1000xi32>
      %eq3A_561 = arith.cmpi eq, %get3A_8, %eq3A_560 : vector<1000xi32>
      %jit3A = arith.constant 0.000000e+00 : f32
      %jit3A_562 = arith.constant 0xFF800000 : f32
      %broadcast_in_dim3A_563 = vector.broadcast %jit3A : f32 to vector<1000xf32>
      %broadcast_in_dim3A_564 = vector.broadcast %jit3A_562 : f32 to vector<1000xf32>
      %select_n3A = arith.select %eq3A_561, %broadcast_in_dim3A_563, %broadcast_in_dim3A_564 : vector<1000xi1>, vector<1000xf32>
      %broadcast_in_dim3A_565 = vector.shape_cast %select_n3A : vector<1000xf32> to vector<1000x1xf32>
      %add3A_566 = vector.broadcast %broadcast_in_dim3A_565 : vector<1000x1xf32> to vector<1000x128xf32>
      %add3A_567 = arith.addf %get3A_3, %add3A_566 : vector<1000x128xf32>
      %reduce_max3A = arith.constant dense<0xFF800000> : vector<128xf32>
      %reduce_max3A_568 = vector.multi_reduction <maximumf>, %add3A_567, %reduce_max3A [0] : vector<1000x128xf32> to vector<128xf32>
      %broadcast_in_dim3A_569 = vector.shape_cast %reduce_max3A_568 : vector<128xf32> to vector<1x128xf32>
      %get3A_570 = arith.constant 61 : index
      %get3A_571 = arith.constant 0 : index
      %get3A_572 = vector.load %arg11[%get3A_570, %get3A_571] : memref<64x128xf32, #tpu.memory_space<vmem>>, vector<1x128xf32>
      %max3A = arith.maximumf %get3A_572, %broadcast_in_dim3A_569 : vector<1x128xf32>
      %swap3A_573 = arith.constant 61 : index
      %swap3A_574 = arith.constant 0 : index
      %swap3A_575 = vector.load %arg11[%swap3A_573, %swap3A_574] : memref<64x128xf32, #tpu.memory_space<vmem>>, vector<1x128xf32>
      tpu.vector_store %arg11[%swap3A_573, %swap3A_574], %max3A {strides = array<i32>} : memref<64x128xf32, #tpu.memory_space<vmem>>, vector<1x128xf32>,
    } else {
    }
    %le3A_538 = arith.constant 62 : i32
    %le3A_539 = arith.cmpi sle, %get3A_39, %le3A_538 : i32
    %ge3A_540 = arith.constant 62 : i32
    %ge3A_541 = arith.cmpi sge, %get3A_44, %ge3A_540 : i32
    %and3A_542 = arith.andi %le3A_539, %ge3A_541 : i1
    %convert_element_type3A_543 = arith.extui %and3A_542 : i1 to i32
    %cond3A_544 = arith.constant 0 : i32
    %cond3A_545 = arith.cmpi ne, %convert_element_type3A_543, %cond3A_544 : i32
    scf.if %cond3A_545 {
      %eq3A_559 = arith.constant 62 : i32
      %eq3A_560 = vector.broadcast %eq3A_559 : i32 to vector<1000xi32>
      %eq3A_561 = arith.cmpi eq, %get3A_8, %eq3A_560 : vector<1000xi32>
      %jit3A = arith.constant 0.000000e+00 : f32
      %jit3A_562 = arith.constant 0xFF800000 : f32
      %broadcast_in_dim3A_563 = vector.broadcast %jit3A : f32 to vector<1000xf32>
      %broadcast_in_dim3A_564 = vector.broadcast %jit3A_562 : f32 to vector<1000xf32>
      %select_n3A = arith.select %eq3A_561, %broadcast_in_dim3A_563, %broadcast_in_dim3A_564 : vector<1000xi1>, vector<1000xf32>
      %broadcast_in_dim3A_565 = vector.shape_cast %select_n3A : vector<1000xf32> to vector<1000x1xf32>
      %add3A_566 = vector.broadcast %broadcast_in_dim3A_565 : vector<1000x1xf32> to vector<1000x128xf32>
      %add3A_567 = arith.addf %get3A_3, %add3A_566 : vector<1000x128xf32>
      %reduce_max3A = arith.constant dense<0xFF800000> : vector<128xf32>
      %reduce_max3A_568 = vector.multi_reduction <maximumf>, %add3A_567, %reduce_max3A [0] : vector<1000x128xf32> to vector<128xf32>
      %broadcast_in_dim3A_569 = vector.shape_cast %reduce_max3A_568 : vector<128xf32> to vector<1x128xf32>
      %get3A_570 = arith.constant 62 : index
      %get3A_571 = arith.constant 0 : index
      %get3A_572 = vector.load %arg11[%get3A_570, %get3A_571] : memref<64x128xf32, #tpu.memory_space<vmem>>, vector<1x128xf32>
      %max3A = arith.maximumf %get3A_572, %broadcast_in_dim3A_569 : vector<1x128xf32>
      %swap3A_573 = arith.constant 62 : index
      %swap3A_574 = arith.constant 0 : index
      %swap3A_575 = vector.load %arg11[%swap3A_573, %swap3A_574] : memref<64x128xf32, #tpu.memory_space<vmem>>, vector<1x128xf32>
      tpu.vector_store %arg11[%swap3A_573, %swap3A_574], %max3A {strides = array<i32>} : memref<64x128xf32, #tpu.memory_space<vmem>>, vector<1x128xf32>,
    } else {
    }
    %le3A_546 = arith.constant 63 : i32
    %le3A_547 = arith.cmpi sle, %get3A_39, %le3A_546 : i32
    %ge3A_548 = arith.constant 63 : i32
    %ge3A_549 = arith.cmpi sge, %get3A_44, %ge3A_548 : i32
    %and3A_550 = arith.andi %le3A_547, %ge3A_549 : i1
    %convert_element_type3A_551 = arith.extui %and3A_550 : i1 to i32
    %cond3A_552 = arith.constant 0 : i32
    %cond3A_553 = arith.cmpi ne, %convert_element_type3A_551, %cond3A_552 : i32
    scf.if %cond3A_553 {
      %eq3A_559 = arith.constant 63 : i32
      %eq3A_560 = vector.broadcast %eq3A_559 : i32 to vector<1000xi32>
      %eq3A_561 = arith.cmpi eq, %get3A_8, %eq3A_560 : vector<1000xi32>
      %jit3A = arith.constant 0.000000e+00 : f32
      %jit3A_562 = arith.constant 0xFF800000 : f32
      %broadcast_in_dim3A_563 = vector.broadcast %jit3A : f32 to vector<1000xf32>
      %broadcast_in_dim3A_564 = vector.broadcast %jit3A_562 : f32 to vector<1000xf32>
      %select_n3A = arith.select %eq3A_561, %broadcast_in_dim3A_563, %broadcast_in_dim3A_564 : vector<1000xi1>, vector<1000xf32>
      %broadcast_in_dim3A_565 = vector.shape_cast %select_n3A : vector<1000xf32> to vector<1000x1xf32>
      %add3A_566 = vector.broadcast %broadcast_in_dim3A_565 : vector<1000x1xf32> to vector<1000x128xf32>
      %add3A_567 = arith.addf %get3A_3, %add3A_566 : vector<1000x128xf32>
      %reduce_max3A = arith.constant dense<0xFF800000> : vector<128xf32>
      %reduce_max3A_568 = vector.multi_reduction <maximumf>, %add3A_567, %reduce_max3A [0] : vector<1000x128xf32> to vector<128xf32>
      %broadcast_in_dim3A_569 = vector.shape_cast %reduce_max3A_568 : vector<128xf32> to vector<1x128xf32>
      %get3A_570 = arith.constant 63 : index
      %get3A_571 = arith.constant 0 : index
      %get3A_572 = vector.load %arg11[%get3A_570, %get3A_571] : memref<64x128xf32, #tpu.memory_space<vmem>>, vector<1x128xf32>
      %max3A = arith.maximumf %get3A_572, %broadcast_in_dim3A_569 : vector<1x128xf32>
      %swap3A_573 = arith.constant 63 : index
      %swap3A_574 = arith.constant 0 : index
      %swap3A_575 = vector.load %arg11[%swap3A_573, %swap3A_574] : memref<64x128xf32, #tpu.memory_space<vmem>>, vector<1x128xf32>
      tpu.vector_store %arg11[%swap3A_573, %swap3A_574], %max3A {strides = array<i32>} : memref<64x128xf32, #tpu.memory_space<vmem>>, vector<1x128xf32>,
    } else {
    }
    %eq3A_554 = arith.constant 9 : i32
    %eq3A_555 = arith.cmpi eq, %arg0, %eq3A_554 : i32
    %convert_element_type3A_556 = arith.extui %eq3A_555 : i1 to i32
    %cond3A_557 = arith.constant 0 : i32
    %cond3A_558 = arith.cmpi ne, %convert_element_type3A_556, %cond3A_557 : i32
    scf.if %cond3A_558 {
      %get3A_559 = arith.constant 0 : index
      %get3A_560 = arith.constant 0 : index
      %get3A_561 = vector.load %arg10[%get3A_559, %get3A_560] : memref<64x128xf32, #tpu.memory_space<vmem>>, vector<64x128xf32>
      %get3A_562 = arith.constant 0 : index
      %get3A_563 = arith.constant 0 : index
      %get3A_564 = vector.load %arg5[%get3A_562, %get3A_563] : memref<256x64xf32, #tpu.memory_space<vmem>>, vector<128x64xf32>
      %dot_general3A_565 = arith.constant dense<0.000000e+00> : vector<64x64xf32>
      %dot_general3A_566 = tpu.matmul %get3A_561, %get3A_564, %dot_general3A_565 {dimension_numbers = #tpu.dot_dimension_numbers<[1], [0], [0], [1], [0, 0, 1, 1], [], []>, transpose_lhs_hint = false} : vector<64x128xf32>, vector<128x64xf32>, vector<64x64xf32> -> vector<64x64xf32>
      %get3A_567 = arith.constant 0 : index
      %get3A_568 = arith.constant 0 : index
      %get3A_569 = vector.load %arg11[%get3A_567, %get3A_568] : memref<64x128xf32, #tpu.memory_space<vmem>>, vector<64x128xf32>
      %get3A_570 = arith.constant 128 : index
      %get3A_571 = arith.constant 0 : index
      %get3A_572 = vector.load %arg5[%get3A_570, %get3A_571] : memref<256x64xf32, #tpu.memory_space<vmem>>, vector<128x64xf32>
      %dot_general3A_573 = arith.constant dense<0.000000e+00> : vector<64x64xf32>
      %dot_general3A_574 = tpu.matmul %get3A_569, %get3A_572, %dot_general3A_573 {dimension_numbers = #tpu.dot_dimension_numbers<[1], [0], [0], [1], [0, 0, 1, 1], [], []>, transpose_lhs_hint = false} : vector<64x128xf32>, vector<128x64xf32>, vector<64x64xf32> -> vector<64x64xf32>
      %add3A_575 = arith.addf %dot_general3A_566, %dot_general3A_574 : vector<64x64xf32>
      %get3A_576 = arith.constant 0 : index
      %get3A_577 = arith.constant 0 : index
      %get3A_578 = vector.load %arg6[%get3A_576, %get3A_577] : memref<1x64xf32, #tpu.memory_space<vmem>>, vector<1x64xf32>
      %add3A_579 = vector.broadcast %get3A_578 : vector<1x64xf32> to vector<64x64xf32>
      %add3A_580 = arith.addf %add3A_575, %add3A_579 : vector<64x64xf32>
      %get3A_581 = arith.constant 0 : index
      %get3A_582 = arith.constant 0 : index
      %get3A_583 = vector.load %arg7[%get3A_581, %get3A_582] : memref<64x1xf32, #tpu.memory_space<vmem>>, vector<64x1xf32>
      %dot_general3A_584 = arith.constant dense<0.000000e+00> : vector<64x1xf32>
      %dot_general3A_585 = tpu.matmul %add3A_580, %get3A_583, %dot_general3A_584 {dimension_numbers = #tpu.dot_dimension_numbers<[1], [0], [0], [1], [0, 0, 1, 1], [], []>, transpose_lhs_hint = false} : vector<64x64xf32>, vector<64x1xf32>, vector<64x1xf32> -> vector<64x1xf32>
      %get3A_586 = arith.constant 0 : index
      %get3A_587 = arith.constant 0 : index
      %get3A_588 = vector.load %arg8[%get3A_586, %get3A_587] : memref<1x1xf32, #tpu.memory_space<vmem>>, vector<1x1xf32>
      %add3A_589 = vector.broadcast %get3A_588 : vector<1x1xf32> to vector<64x1xf32>
      %add3A_590 = arith.addf %dot_general3A_585, %add3A_589 : vector<64x1xf32>
      %swap3A_591 = arith.constant 0 : index
      %swap3A_592 = arith.constant 0 : index
      %swap3A_593 = vector.load %arg9[%swap3A_591, %swap3A_592] : memref<64x1xf32, #tpu.memory_space<vmem>>, vector<64x1xf32>
      tpu.vector_store %arg9[%swap3A_591, %swap3A_592], %add3A_590 {strides = array<i32>} : memref<64x1xf32, #tpu.memory_space<vmem>>, vector<64x1xf32>,
    } else {
    }
    return
  }
  func.func @transform_0(%arg0: i32) -> (i32, i32) {
    %c0_i32 = arith.constant 0 : i32
    %c0_i32_0 = arith.constant 0 : i32
    return %arg0, %c0_i32 : i32, i32
  }
  func.func @transform_1(%arg0: i32) -> (i32, i32, i32) {
    %c0_i32 = arith.constant 0 : i32
    %c0_i32_0 = arith.constant 0 : i32
    %c0_i32_1 = arith.constant 0 : i32
    return %arg0, %c0_i32, %c0_i32_0 : i32, i32, i32
  }
  func.func @transform_2(%arg0: i32) -> (i32, i32) {
    %c0_i32 = arith.constant 0 : i32
    %c0_i32_0 = arith.constant 0 : i32
    %c0_i32_1 = arith.constant 0 : i32
    return %c0_i32, %c0_i32_0 : i32, i32
  }
  func.func @transform_3(%arg0: i32) -> (i32, i32) {
    %c0_i32 = arith.constant 0 : i32
    %c0_i32_0 = arith.constant 0 : i32
    %c0_i32_1 = arith.constant 0 : i32
    return %c0_i32, %c0_i32_0 : i32, i32
  }
  func.func @transform_4(%arg0: i32) -> (i32, i32) {
    %c0_i32 = arith.constant 0 : i32
    %c0_i32_0 = arith.constant 0 : i32
    %c0_i32_1 = arith.constant 0 : i32
    return %c0_i32, %c0_i32_0 : i32, i32
  }
  func.func @transform_5(%arg0: i32) -> (i32, i32) {
    %c0_i32 = arith.constant 0 : i32
    %c0_i32_0 = arith.constant 0 : i32
    %c0_i32_1 = arith.constant 0 : i32
    return %c0_i32, %c0_i32_0 : i32, i32
  }
  func.func @transform_6(%arg0: i32) -> (i32, i32) {
    %c0_i32 = arith.constant 0 : i32
    %c0_i32_0 = arith.constant 0 : i32
    %c0_i32_1 = arith.constant 0 : i32
    return %c0_i32, %c0_i32_0 : i32, i32
  }
  func.func @transform_7(%arg0: i32) -> (i32, i32) {
    %c0_i32 = arith.constant 0 : i32
    %c0_i32_0 = arith.constant 0 : i32
    %c0_i32_1 = arith.constant 0 : i32
    return %c0_i32, %c0_i32_0 : i32, i32
  }
  func.func @transform_8(%arg0: i32) -> (i32, i32) {
    %c0_i32 = arith.constant 0 : i32
    %c0_i32_0 = arith.constant 0 : i32
    %c0_i32_1 = arith.constant 0 : i32
    return %c0_i32, %c0_i32_0 : i32, i32
  }
}

</mosaic_0001>

<sc_bundles>
// kernel: kernel.14.cloned.1.call-start
scs
__scs_entry_jumppad:
0x0: {  	(pc) =	sbr.rel $0x88, $3  }
0x1: {  	(tag) =	ssettag $0x0;
	lr =	simm.s32 $0x1  }
0x2: {  	[smem:$0x3F83] =	sst lr;
	_ =	strace $0xD0000000  }
0x3: {  	_ = 	snop  }
0x4: {  	_ = 	snop  }
0x5: {  	_ = 	snop  }
0x6: {  	_ = 	snop  }
0x7: {  	_ = 	snop  }
__scs_overlays_trampoline_lowered:
0x8: {  	[smem:$0x3F92] =	sst s0  }
0x9: {  	[smem:$0x3F93] =	sst s1  }
0xa: {  	[smem:$0x3F94] =	sst s2  }
0xb: {  	[smem:$0x3F95] =	sst s3  }
0xc: {  	[smem:$0x3F96] =	sst s4  }
0xd: {  	[smem:$0x3F97] =	sst s5  }
0xe: {  	[smem:$0x3F98] =	sst s6  }
0xf: {  	[smem:$0x3F99] =	sst s7  }
0x10: {  	[smem:$0x3F9A] =	sst s8  }
0x11: {  	[smem:$0x3F9B] =	sst s9;
	s0 =	simm.s32 @!p0 $0x0  }
0x12: {  	s1 =	sld [smem:$0x3F81];
	s0 =	simm.s32 @p0 $0x1  }
0x13: {  	[smem:$0x3F9C] =	sst s0;
	s0 =	simm.s32 @!p1 $0x0  }
0x14: {  	s2 =	sld [smem:$0x3F80];
	s0 =	simm.s32 @p1 $0x1  }
0x15: {  	[smem:$0x3F9D] =	sst s0;
	s0 =	simm.s32 @!p2 $0x0  }
0x16: {  	s3 =	sld [smem:$0x3FDB];
	s0 =	simm.s32 @p2 $0x1  }
0x17: {  	s4 =	simm.s32 $0x1BF5;
	[smem:$0x3F9F] =	sst s0  }
0x18: {  	s0 =	sld [smem:$0x3F82];
	_ =	swait.ge [sflag:s4], $0x0  }
0x19: {  	s7 =	sld [smem:$0x3F83]  }
0x1a: {  	s8 =	sadd.s32 $0xFFFFE003, lr  }
0x1b: {  	s9 =	sadd.s32 $0xFFFFFEF7, lr;
	s5 =	simm.s32 $0xFFFFFFFF;
	p2 =	slt.u32 s8, $0xFFFFF086  }
0x1c: {  	p1 =	slt.u32 s9, $0xF7A;
	s5 =	simm.s32 @!p2 $0x0  }
0x1d: {  	s5 =	simm.s32 @p1 $0x1;
	p0 =	seq.s32 s7, s2  }
0x1e: {  	s7 =	smul.u32 @!p0 $0xF7A, s2;
	p2 =	seq.s32 @!p0 s5, $0x0  }
0x1f: {  	s9 =	smul.u32 $0xF7A, s1;
	s8 =	simm.s32 @!p0 $0x1BF5;
	p2 =	por !p2, p0  }
0x20: {  	[sflag:s8] =	ssyncset.s32 @!p0 $0xFFFFF086;
	s6 =	sadd.s32 @!p0 s3, s7;
	s7 =	simm.s32 @!p0 $0x108  }
0x21: {  	s3 =	sadd.s32 s3, s9;
	s6 =	sadd.s32 @!p0 $0x88, s6;
	s7 =	simm.s32 @p2 $0x1082  }
0x22: {  	[simem:s7], [sflag:s8] =	dma.local @!p0 [hbm:s6], $0xF7A  }
0x23: {  	s9 =	sor.u32 $0xD0000000, s2;
	s6 =	simm.s32 $0x108;
	_ =	swait.ge @!p0 [sflag:s8], $0x0  }
0x24: {  	s3 =	sadd.s32 $0x88, s3;
	s6 =	simm.s32 @!p1 $0x1082;
	[sflag:s4] =	ssyncset.s32 $0xFFFFF086  }
0x25: {  	[simem:s6], [sflag:s4] =	dma.local [hbm:s3], $0xF7A  }
0x26: {  	[smem:$0x3F83] =	sst s1;
	(tag) =	ssettag s2;
	_ =	strace s9  }
0x27: {  	s1 =	sld [smem:$0x3F93]  }
0x28: {  	s2 =	sld [smem:$0x3F94]  }
0x29: {  	s4 =	sld [smem:$0x3F96]  }
0x2a: {  	p0 =	seq.s32 s5, $0x0;
	s5 =	sld [smem:$0x3F97]  }
0x2b: {  	s6 =	sld [smem:$0x3F98]  }
0x2c: {  	s7 =	sld [smem:$0x3F99]  }
0x2d: {  	s3 =	simm.s32 $0x108;
	s8 =	sld [smem:$0x3F9A]  }
0x2e: {  	s3 =	simm.s32 @!p0 $0x1082;
	s9 =	sld [smem:$0x3F9B]  }
0x2f: {  	lr =	sadd.s32 s0, s3;
	s0 =	sld [smem:$0x3F92]  }
0x30: {  	s3 =	sld [smem:$0x3F95]  }
0x31: {  	[smem:$0x3F9E] =	sst s10  }
0x32: {  	s10 =	sld [smem:$0x3F9C];
	_ =	sdelay $0x3  }
0x33: {  	p0 =	seq.s32 s10, $0x1;
	s10 =	sld [smem:$0x3F9E];
	_ =	sdelay $0x3  }
0x34: {  	[smem:$0x3F9E] =	sst s10  }
0x35: {  	s10 =	sld [smem:$0x3F9D];
	_ =	sdelay $0x3  }
0x36: {  	p1 =	seq.s32 s10, $0x1;
	s10 =	sld [smem:$0x3F9E];
	_ =	sdelay $0x3  }
0x37: {  	[smem:$0x3F9E] =	sst s10  }
0x38: {  	s10 =	sld [smem:$0x3F9F]  }
0x39: {  	_ = 	snop;
	(pc) =	sbr.ind lr, $3  }
0x3a: {  	_ = 	snop  }
0x3b: {  	_ = 	snop  }
0x3c: {  	p2 =	seq.s32 s10, $0x1;
	s10 =	sld [smem:$0x3F9E]  }
0x3d: {  	_ =	shalt  }
0x3e: {  	_ =	shalt  }
0x3f: {  	_ =	shalt  }
0x40: {  	_ =	shalt  }
0x41: {  	_ =	shalt  }
0x42: {  	_ =	shalt  }
0x43: {  	_ =	shalt  }
0x44: {  	_ =	shalt  }
0x45: {  	_ =	shalt  }
0x46: {  	_ =	shalt  }
0x47: {  	_ =	shalt  }
0x48: {  	_ =	shalt  }
0x49: {  	_ =	shalt  }
0x4a: {  	_ =	shalt  }
0x4b: {  	_ =	shalt  }
0x4c: {  	_ =	shalt  }
0x4d: {  	_ =	shalt  }
0x4e: {  	_ =	shalt  }
0x4f: {  	_ =	shalt  }
0x50: {  	_ =	shalt  }
0x51: {  	_ =	shalt  }
0x52: {  	_ =	shalt  }
0x53: {  	_ =	shalt  }
0x54: {  	_ =	shalt  }
0x55: {  	_ =	shalt  }
0x56: {  	_ =	shalt  }
0x57: {  	_ =	shalt  }
0x58: {  	_ =	shalt  }
0x59: {  	_ =	shalt  }
0x5a: {  	_ =	shalt  }
0x5b: {  	_ =	shalt  }
0x5c: {  	_ =	shalt  }
0x5d: {  	_ =	shalt  }
0x5e: {  	_ =	shalt  }
0x5f: {  	_ =	shalt  }
0x60: {  	_ =	shalt  }
0x61: {  	_ =	shalt  }
0x62: {  	_ =	shalt  }
0x63: {  	_ =	shalt  }
0x64: {  	_ =	shalt  }
0x65: {  	_ =	shalt  }
0x66: {  	_ =	shalt  }
0x67: {  	_ =	shalt  }
0x68: {  	_ =	shalt  }
0x69: {  	_ =	shalt  }
0x6a: {  	_ =	shalt  }
0x6b: {  	_ =	shalt  }
0x6c: {  	_ =	shalt  }
0x6d: {  	_ =	shalt  }
0x6e: {  	_ =	shalt  }
0x6f: {  	_ =	shalt  }
0x70: {  	_ =	shalt  }
0x71: {  	_ =	shalt  }
0x72: {  	_ =	shalt  }
0x73: {  	_ =	shalt  }
0x74: {  	_ =	shalt  }
0x75: {  	_ =	shalt  }
0x76: {  	_ =	shalt  }
0x77: {  	_ =	shalt  }
0x78: {  	_ =	shalt  }
0x79: {  	_ =	shalt  }
0x7a: {  	_ =	shalt  }
0x7b: {  	_ =	shalt  }
0x7c: {  	_ =	shalt  }
0x7d: {  	_ =	shalt  }
0x7e: {  	_ =	shalt  }
0x7f: {  	_ =	shalt  }
0x80: {  	_ =	shalt  }
0x81: {  	_ =	shalt  }
0x82: {  	_ =	shalt  }
0x83: {  	_ =	shalt  }
0x84: {  	_ =	shalt  }
0x85: {  	_ =	shalt  }
0x86: {  	_ =	shalt  }
0x87: {  	_ =	shalt  }
.Lfunc_end0:
.L_simem_size_0:
called_computation_lowered:
.L_overlay_start_0:
0x88: {  	s2 =	sld [smem:$0x3FD9]  }
0x89: {  	s3 =	sld [smem:$0x3FFE];
	_ =	sdelay $0x1  }
0x8a: {  	s1 =	srdreg.scid  }
0x8b: {  	s0 =	sand.u32 $0x1, s1  }
0x8c: {  	s17 =	sshll.u32 s0, $0xA;
	s2 =	sadd.s32 s3, s2  }
0x8d: {  	s2 =	sadd.s32 s2, s17  }
0x8e: {  	[smem:$0x3FAA] =	sst s2  }
0x8f: {  	_ = 	snop  }
0x90: {  	(tm) =	ssettm $0x1  }
0x91: {  	s18 =	sld [smem:$0x3FFB];
	_ =	sdelay $0x3  }
0x92: {  	_ =	strace s18  }
0x93: {  	s2 =	sld [smem:$0x3FFC];
	_ =	sdelay $0x3  }
0x94: {  	_ =	strace s2  }
0x95: {  	s2 =	sld [smem:$0x3FFD];
	_ =	sdelay $0x3  }
0x96: {  	_ =	strace s2  }
0x97: {  	_ =	strace $0x8FFFFFFF  }
0x98: {  	s19 =	sld [smem:$0x3FDB];
	_ =	sdelay $0x1  }
0x99: {  	s20 =	simm.s32 $_scs_section_size  }
0x9a: {  	s4 =	simm.s32 $_size__tile_overlayer_lowered;
	s5 =	simm.s32 $_tile_overlayer_lowered  }
0x9b: {  	s6 =	simm.s32 $0x1BFF;
	s21 =	sshll.u32 s5, $0x1;
	s3 =	sadd.s32 s20, s19  }
0x9c: {  	s22 =	simm.s32 $0x0;
	s4 =	sshll.u32 s4, $0x1;
	s5 =	sadd.s32 s21, s3  }
0x9d: {  	[timem:s22], [sflag:s6] =	dma.local [hbm:s5], s4  }
0x9e: {  	_ =	swait.ge [sflag:s6], s4  }
0x9f: {  	s4 =	ssub.s32 $0x0, s4;
	[sflag:s6] =	ssyncset.done $0x0  }
0xa0: {  	[sflag:s6] =	ssyncadd.s32 s4;
	_ =	sdelay $0x1  }
0xa1: {  	s23 =	simm.s32 $0x1B8B  }
0xa2: {  	_ =	swait.ge [sflag:s23], $0x1  }
0xa3: {  	[sflag:s23] =	ssyncset.done $0x0  }
0xa4: {  	[sflag:s23] =	ssyncadd.s32 $0xFFFFFFFF  }
0xa5: {  	s4 =	sld [smem:$0x0]  }
0xa6: {  	s5 =	sand.u32 $0xFFFFFFFE, s1  }
0xa7: {  	p0 =	sne.s32 s1, s5  }
0xa8: {  	s5 =	sshll.u32 @p0 s5, $0xE  }
0xa9: {  	s5 =	sadd.s32 @p0 $0x11B8D, s5;
	s6 =	sshll.u32 @p0 s4, $0x11  }
0xaa: {  	s5 =	sor.u32 @p0 s6, s5  }
0xab: {  	[sflag:s5] =	ssyncadd.remote.s32 @p0 $0x1;
	_ =	sdelay $0x1  }
0xac: {  	s5 =	simm.s32 @p0 $0x1B8D  }
0xad: {  	_ =	swait.eq @p0 [sflag:s5], $0x1  }
0xae: {  	[sflag:s5] =	ssyncadd.s32 @p0 $0xFFFFFFFF  }
0xaf: {  	s6 =	sshll.u32 @!p0 s1, $0xE  }
0xb0: {  	s6 =	sor.u32 @!p0 $0x4000, s6;
	s5 =	simm.s32 @!p0 $0x1B8D  }
0xb1: {  	s4 =	sshll.u32 @!p0 s4, $0x11;
	s6 =	sadd.s32 @!p0 $0x11B8D, s6;
	_ =	swait.eq @!p0 [sflag:s5], $0x1  }
0xb2: {  	s4 =	sor.u32 @!p0 s4, s6;
	[sflag:s5] =	ssyncadd.s32 @!p0 $0xFFFFFFFF  }
0xb3: {  	s25 =	simm.s32 $0x1B8E;
	s24 =	sld [smem:$0x3FFE];
	[sflag:s4] =	ssyncadd.remote.s32 @!p0 $0x1  }
0xb4: {  	s26 =	simm.s32 $execute0_lowered;
	[smem:$0x3FD2] =	sst s25  }
0xb5: {  	s5 =	sshll.u32 s26, $0x1;
	_ =	strace $0x8000004C;
	[dreg:$0x1] =	wrdreg $0xFFFFFFFF  }
0xb6: {  	s28 =	simm.s32 $_size_execute0_lowered;
	s3 =	sadd.s32 s3, s5;
	[dreg:$0x0] =	wrdreg $0x0  }
0xb7: {  	s5 =	sshll.u32 s28, $0x1;
	[dreg:$0x2] =	wrdreg s3  }
0xb8: {  	[dreg:$0x3] =	wrdreg s5  }
0xb9: {  	[dreg:$0x4] =	wrdreg $0xC0  }
0xba: {  	_ =	task [dreg:s22], $0x5FFFF  }
0xbb: {  	[dreg:$0x1] =	wrdreg $0xFFFFFFFF  }
0xbc: {  	[dreg:$0x0] =	wrdreg $0x60  }
0xbd: {  	[dreg:$0x2] =	wrdreg s24  }
0xbe: {  	[dreg:$0x3] =	wrdreg $0xA8000  }
0xbf: {  	[dreg:$0x4] =	wrdreg $0x9  }
0xc0: {  	_ =	task.clear_ibuf [dreg:s22], $0x5FFFF;
	_ =	strace $0x9000004C  }
0xc1: {  	s29 =	simm.s32 $0x9;
	_ =	strace $0x8000004E  }
0xc2: {  	_ =	swait.ge [sflag:s29], $0x1  }
0xc3: {  	[sflag:s29] =	ssyncadd.s32 $0xFFFFFFFF  }
0xc4: {  	_ =	strace $0x9000004E  }
0xc5: {  	_ =	sfence  }
0xc6: {  	s30 =	sld [smem:$0x0];
	_ =	sdelay $0x2  }
0xc7: {  	s31 =	sshll.u32 s1, $0xD;
	s1 =	sshrl.u32 s1, $0x2  }
0xc8: {  	s4 =	sand.u32 $0x4000, s31;
	s1 =	sadd.s32 s1, s30  }
0xc9: {  	s0 =	sor.u32 s4, s0;
	s1 =	sshll.u32 s1, $0x11  }
0xca: {  	s0 =	sor.u32 s1, s0  }
0xcb: {  	s0 =	sadd.s32 $0x8F2B, s0  }
0xcc: {  	[sflag:s0] =	ssyncadd.remote.s32 $0x1  }
0xcd: {  	_ =	sfence.sel $0xFFFF  }
0xce: {  	[dreg:$0x0] =	wrdreg $0xFFFFFFFF;
	(pc) =	sbr.abs _section_cstart, $3  }
0xcf: {  	[dreg:$0x1] =	wrdreg $0xFFFFFFFF  }
0xd0: {  	_ =	task.clear_ibuf [dreg:s22], $0x2FFFF;
	_ =	strace $0x9FFFFFFF  }
0xd1: {  	(tm) =	ssettm $0x7FFFFFFF  }
tec
execute0_lowered:
.L_overlay_start_1:
0x0: {  	(tag) =	ssettag $0x1  }
0x1: {  	s0 =	srdreg.scid;
	s11 =	rddreg [dreg:$0x0]  }
0x2: {  	s2 =	rddreg [dreg:$0x1];
	s1 =	stileid.u32  }
0x3: {  	s3 =	simm.s32 $0x0;
	s20 =	simm.s32 $0x8000;
	s21 =	simm.s32 $0x9400  }
0x4: {  	s22 =	simm.s32 $0x1;
	s23 =	simm.s32 $0x28;
	s24 =	simm.s32 $0x2  }
0x5: {  	s26 =	simm.s32 $0x3;
	s28 =	simm.s32 $0x4;
	s5 =	smul.u32 $0x2780, s1  }
0x6: {  	s29 =	simm.s32 $0x0;
	s0 =	sand.u32 $0x1, s0;
	s12 =	smul.u32 $0x4F000, s1  }
0x7: {  	[smem:$0x7FF] =	sst s3;
	s14 =	sadd.s32 $0xF4DA00, s11;
	s30 =	smul.u32 $0x27100, s1  }
0x8: {  	p0 =	seq.s32 s1, $0xF;
	s4 =	sshll.u32 s0, $0x4;
	_ =	strace $0x8000004D  }
0x9: {  	s7 =	ssub.s32 $0x2, s0;
	s16 =	smul.u32 $0x271000, s0;
	p4 =	seq.s32 s0, $0x1  }
0xa: {  	s9 =	sor.u32 s1, s4;
	s10 =	sadd.s32 s5, s11;
	s8 =	sshrl.u32 s7, $0x1  }
0xb: {  	s12 =	sshrl.u32 s12, $0x2;
	p2 =	seq.s32 @p4 s1, $0xF;
	p5 =	seq.s32 @!p4 s1, $0xF  }
0xc: {  	s4 =	sshll.u32 s9, $0xC;
	s13 =	ssub.s32 s7, s8;
	s7 =	sadd.s32 $0x142FA00, s10  }
0xd: {  	s8 =	sadd.s32 $0x1454A80, s11;
	s15 =	smul.u32 $0x27100, s9;
	s9 =	sadd.s32 s12, s2  }
0xe: {  	s10 =	sadd.s32 $0x1456C00, s10;
	s31 =	sadd.s32 s16, s14;
	s16 =	simm.s32 $0x5  }
0xf: {  	p1 =	por !p2, !p4;
	p2 =	por p2, !p4;
	p3 =	por !p5, p4  }
0x10: {  	p4 =	por p5, p4;
	s6 =	sadd.s32 s4, s11;
	s4 =	sadd.s32 $0x5A00, s11  }
0x11: {  	s11 =	sadd.s32 $0x147BC80, s11;
	s12 =	smax.u32 s13, $0x1;
	s0 =	sadd.s32 s30, s31  }
0x12: {  	s19 =	sshrl.u32 @!p0 s9, $0x3;
	s5 =	sadd.s32 $0xA4BA00, s6;
	s6 =	sadd.s32 $0x128400, s2  }
0x13: {  	s13 =	sadd.s32 s14, s15;
	s15 =	sadd.s32 $0x780, s0;
	s0 =	sshll.u32 @!p0 s1, $0x6  }
0x14: {  	s14 =	sadd.s32 $0x280, s13;
	s17 =	sshrl.u32 @p0 s6, $0x3;
	s18 =	sor.u32 @!p0 $0x1C05, s0  }
.LBB2_1:
0x15: {  	[tilespmem:s3], [sflag:$0x5] =	stream.linear.gather [hbm4b:s5+s3], $0x7D00, $0x38;
	[tilespmem:$0x1E080] =	vst v63  }
0x16: {  	_ =	swait.ge [sflag:s16], $0x7D00  }
0x17: {  	[sflag:s16] =	ssyncset.done $0x0  }
0x18: {  	s0 =	simm.s32 @p0 $0x1FC5;
	[sflag:s16] =	ssyncadd.s32 $0xFFFF8300  }
0x19: {  	[spmem:s17], [sflag:s0] =	dma.local @p0 [hbm:s4], $0x2080  }
0x1a: {  	s0 =	simm.s32 @p0 $0x5  }
0x1b: {  	_ =	swait.ge @p0 [sflag:s0], $0x2080  }
0x1c: {  	[sflag:s0] =	ssyncset.done @p0 $0x0  }
0x1d: {  	[sflag:s0] =	ssyncadd.s32 @p0 $0xFFFFDF80;
	s0 =	simm.s32 @!p0 $0x5  }
0x1e: {  	[spmem:s19], [sflag:s18] =	dma.local @!p0 [hbm:s4], $0x2780  }
0x1f: {  	_ =	swait.ge @!p0 [sflag:s0], $0x2780  }
0x20: {  	[sflag:s0] =	ssyncset.done @!p0 $0x0  }
0x21: {  	[sflag:s0] =	ssyncadd.s32 @!p0 $0xFFFFD880  }
0x22: {  	[bflag:$0x0] =	sbarrier.arrive $0xFFFF  }
0x23: {  	[tilespmem:s20], [sflag:$0x1] =	stream.linear.gather [hbm4b:s13+s3], $0x1400, $0x38;
	[tilespmem:$0x1E080] =	vst v63  }
0x24: {  	_ = 	snop  }
0x25: {  	[tilespmem:s21], [sflag:$0x2] =	stream.linear.gather [hbm4b:s14+s3], $0x1400, $0x38;
	[tilespmem:$0x1E080] =	vst v63  }
0x26: {  	_ =	swait.ge [sflag:s22], $0x1400  }
0x27: {  	[sflag:s22] =	ssyncset.done $0x0  }
0x28: {  	[sflag:s22] =	ssyncadd.s32 $0xFFFFEC00  }
0x29: {  	[spmem:s2] =	stream.indirect.scatter.add.f32 [tilespmem:s20], [sflag:$0x3], $0x80, s3, s23, $0xb8;
	[tilespmem:$0x1E080] =	vst v63  }
0x2a: {  	_ =	swait.ge [sflag:s24], $0x1400  }
0x2b: {  	[sflag:s24] =	ssyncset.done $0x0  }
0x2c: {  	s25 =	simm.s32 $0x80;
	[sflag:s24] =	ssyncadd.s32 $0xFFFFEC00  }
0x2d: {  	[spmem:s2] =	stream.indirect.scatter.add.f32 [tilespmem:s21], [sflag:$0x4], $0x80, s25, s23, $0xb8;
	[tilespmem:$0x1E080] =	vst v63  }
0x2e: {  	_ =	swait.ge [sflag:s26], $0x1400  }
0x2f: {  	[sflag:s26] =	ssyncset.done $0x0  }
0x30: {  	s25 =	sadd.s32 $0xFFFFFD80, s15;
	[sflag:s26] =	ssyncadd.s32 $0xFFFFEC00  }
0x31: {  	[tilespmem:s20], [sflag:$0x1] =	stream.linear.gather [hbm4b:s25+s3], $0x1400, $0x38;
	[tilespmem:$0x1E080] =	vst v63  }
0x32: {  	_ =	swait.ge [sflag:s28], $0x1400  }
0x33: {  	[sflag:s28] =	ssyncset.done $0x0  }
0x34: {  	[sflag:s28] =	ssyncadd.s32 $0xFFFFEC00  }
0x35: {  	[tilespmem:s21], [sflag:$0x2] =	stream.linear.gather [hbm4b:s15+s3], $0x1400, $0x38;
	[tilespmem:$0x1E080] =	vst v63  }
0x36: {  	_ =	swait.ge [sflag:s22], $0x1400  }
0x37: {  	[sflag:s22] =	ssyncset.done $0x0  }
0x38: {  	s25 =	simm.s32 $0x100;
	[sflag:s22] =	ssyncadd.s32 $0xFFFFEC00  }
0x39: {  	[spmem:s2] =	stream.indirect.scatter.add.f32 [tilespmem:s20], [sflag:$0x3], $0x80, s25, s23, $0xb8;
	[tilespmem:$0x1E080] =	vst v63  }
0x3a: {  	_ =	swait.ge [sflag:s24], $0x1400  }
0x3b: {  	s30 =	simm.s32 $0x400;
	[sflag:s24] =	ssyncset.done $0x0  }
0x3c: {  	s31 =	sadd.s32 $0x500, s15;
	s0 =	simm.s32 $0x180;
	[sflag:s24] =	ssyncadd.s32 $0xFFFFEC00  }
.LBB2_2:
0x3d: {  	[spmem:s2] =	stream.indirect.scatter.add.f32 [tilespmem:s21], [sflag:$0x4], $0x80, s0, s23, $0xb8;
	[tilespmem:$0x1E080] =	vst v63  }
0x3e: {  	s0 =	smov.u32 s30  }
0x3f: {  	p5 =	sne.s32 s30, $0x1EC00;
	s30 =	sadd.s32 $0x400, s30;
	_ =	swait.ge [sflag:s26], $0x1400  }
0x40: {  	[sflag:s26] =	ssyncset.done $0x0  }
0x41: {  	s25 =	sadd.s32 $0xFFFFFD80, s31;
	[sflag:s26] =	ssyncadd.s32 $0xFFFFEC00  }
0x42: {  	[tilespmem:s20], [sflag:$0x1] =	stream.linear.gather [hbm4b:s25+s3], $0x1400, $0x38;
	[tilespmem:$0x1E080] =	vst v63  }
0x43: {  	_ =	swait.ge [sflag:s28], $0x1400  }
0x44: {  	[sflag:s28] =	ssyncset.done $0x0  }
0x45: {  	[sflag:s28] =	ssyncadd.s32 $0xFFFFEC00  }
0x46: {  	[tilespmem:s21], [sflag:$0x2] =	stream.linear.gather [hbm4b:s31+s3], $0x1400, $0x38;
	[tilespmem:$0x1E080] =	vst v63  }
0x47: {  	_ =	swait.ge [sflag:s22], $0x1400  }
0x48: {  	s0 =	sshra.s32 s0, $0x2;
	[sflag:s22] =	ssyncset.done $0x0  }
.Ltmp0:
0x49: {  	s25 =	sadd.s32 $0x100, s0;
	[sflag:s22] =	ssyncadd.s32 $0xFFFFEC00;
	(pc) =	sbr.rel @p5 .LBB2_2-.Ltmp0, $4  }
0x4a: {  	[spmem:s2] =	stream.indirect.scatter.add.f32 [tilespmem:s20], [sflag:$0x3], $0x80, s25, s23, $0xb8;
	[tilespmem:$0x1E080] =	vst v63  }
0x4b: {  	_ =	swait.ge [sflag:s24], $0x1400  }
0x4c: {  	[sflag:s24] =	ssyncset.done $0x0  }
0x4d: {  	s0 =	sadd.s32 $0x180, s0;
	s31 =	sadd.s32 $0x500, s31;
	[sflag:s24] =	ssyncadd.s32 $0xFFFFEC00  }
0x4e: {  	[spmem:s2] =	stream.indirect.scatter.add.f32 [tilespmem:s21], [sflag:$0x4], $0x80, s0, s23, $0xb8;
	[tilespmem:$0x1E080] =	vst v63  }
0x4f: {  	_ =	swait.ge [sflag:s26], $0x1400  }
0x50: {  	[sflag:s26] =	ssyncset.done $0x0  }
0x51: {  	[sflag:s26] =	ssyncadd.s32 $0xFFFFEC00  }
0x52: {  	_ =	swait.ge [sflag:s28], $0x1400  }
0x53: {  	[sflag:s28] =	ssyncset.done $0x0  }
0x54: {  	[sflag:s28] =	ssyncadd.s32 $0xFFFFEC00  }
0x55: {  	s0 =	sshrl.u32 @!p1 s6, $0x3;
	s25 =	simm.s32 @!p1 $0x1FC5;
	[bflag:$0x0] =	sbarrier.arrive $0xFFFF  }
0x56: {  	[hbm:s11], [sflag:s25] =	dma.local @!p1 [spmem:s0], $0x2080  }
0x57: {  	s0 =	simm.s32 @!p1 $0x5  }
0x58: {  	_ =	swait.ge @!p1 [sflag:s0], $0x2080  }
0x59: {  	s25 =	sshll.u32 @!p2 s1, $0x6;
	[sflag:s0] =	ssyncset.done @!p1 $0x0  }
0x5a: {  	[sflag:s0] =	ssyncadd.s32 @!p1 $0xFFFFDF80;
	s0 =	sor.u32 @!p2 $0x1C05, s25;
	s25 =	sshrl.u32 @!p2 s9, $0x3  }
0x5b: {  	[hbm:s10], [sflag:s0] =	dma.local @!p2 [spmem:s25], $0x2780  }
0x5c: {  	s0 =	simm.s32 @!p2 $0x5  }
0x5d: {  	_ =	swait.ge @!p2 [sflag:s0], $0x2780  }
0x5e: {  	[sflag:s0] =	ssyncset.done @!p2 $0x0  }
0x5f: {  	s25 =	simm.s32 @!p3 $0x1FC5;
	[sflag:s0] =	ssyncadd.s32 @!p2 $0xFFFFD880;
	s0 =	sshrl.u32 @!p3 s6, $0x3  }
0x60: {  	[hbm:s8], [sflag:s25] =	dma.local @!p3 [spmem:s0], $0x2080  }
0x61: {  	s0 =	simm.s32 @!p3 $0x5  }
0x62: {  	s29 =	sadd.s32 $0x1, s29;
	_ =	swait.ge @!p3 [sflag:s0], $0x2080  }
0x63: {  	p5 =	sne.s32 s29, s12;
	s25 =	sshll.u32 @!p4 s1, $0x6;
	[sflag:s0] =	ssyncset.done @!p3 $0x0  }
0x64: {  	[sflag:s0] =	ssyncadd.s32 @!p3 $0xFFFFDF80;
	s0 =	sor.u32 @!p4 $0x1C05, s25;
	s25 =	sshrl.u32 @!p4 s9, $0x3  }
0x65: {  	[hbm:s7], [sflag:s0] =	dma.local @!p4 [spmem:s25], $0x2780  }
.Ltmp1:
0x66: {  	_ = 	snop;
	(pc) =	sbr.rel @p5 .LBB2_1-.Ltmp1, $4  }
0x67: {  	s0 =	simm.s32 @!p4 $0x5  }
0x68: {  	_ =	swait.ge @!p4 [sflag:s0], $0x2780  }
0x69: {  	[sflag:s0] =	ssyncset.done @!p4 $0x0  }
0x6a: {  	[sflag:s0] =	ssyncadd.s32 @!p4 $0xFFFFD880  }
0x6b: {  	_ =	sfence.sel $0x180000  }
0x6c: {  	[bflag:$0x0] =	sbarrier.arrive $0xFFFF  }
0x6d: {  	_ =	strace $0x9000004D  }
0x6e: {  	[bflag:$0x2] =	sbarrier.arrive $0xFFFF  }
0x6f: {  	p0 =	sne.s32 s1, $0x0;
	s0 =	rddreg [dreg:$0x2]  }
0x70: {  	s0 =	sadd.s32 @!p0 $0x100000, s0  }
0x71: {  	[sflag:s0] =	ssyncadd.tile.s32 @!p0 $0x1;
	_ =	shalt  }
.Lfunc_end2:
_tile_overlayer_lowered:
.L_overlay_start_2:
0x72: {  	(tag) =	ssettag $0x2  }
0x73: {  	s0 =	rddreg [dreg:$0x0];
	s2 =	stileid.u32  }
0x74: {  	s1 =	rddreg [dreg:$0x1];
	p0 =	sne.s32 s2, $0x0  }
0x75: {  	s3 =	rddreg [dreg:$0x2];
	[bflag:$0x3] =	sbarrier.arrive $0xFFFF;
	s2 =	simm.s32 @!p0 $0x1C05  }
0x76: {  	[timem:s3], [sflag:s2] =	dma.local @!p0 [hbm:s0], s1  }
0x77: {  	s0 =	simm.s32 @!p0 $0x5  }
0x78: {  	_ =	swait.ge @!p0 [sflag:s0], s1  }
0x79: {  	s1 =	ssub.s32 @!p0 $0x0, s1;
	[sflag:s0] =	ssyncset.done @!p0 $0x0  }
0x7a: {  	[sflag:s0] =	ssyncadd.s32 @!p0 s1  }
0x7b: {  	[bflag:$0x3] =	sbarrier.arrive $0xFFFF  }
0x7c: {  	_ =	shalt  }

// kernel: kernel.17.cloned.1.call-start
scs
__scs_entry_jumppad:
0x0: {  	(pc) =	sbr.rel $0x88, $3  }
0x1: {  	(tag) =	ssettag $0x0;
	lr =	simm.s32 $0x1  }
0x2: {  	[smem:$0x3F83] =	sst lr;
	_ =	strace $0xD0000000  }
0x3: {  	_ = 	snop  }
0x4: {  	_ = 	snop  }
0x5: {  	_ = 	snop  }
0x6: {  	_ = 	snop  }
0x7: {  	_ = 	snop  }
__scs_overlays_trampoline_lowered:
0x8: {  	[smem:$0x3F92] =	sst s0  }
0x9: {  	[smem:$0x3F93] =	sst s1  }
0xa: {  	[smem:$0x3F94] =	sst s2  }
0xb: {  	[smem:$0x3F95] =	sst s3  }
0xc: {  	[smem:$0x3F96] =	sst s4  }
0xd: {  	[smem:$0x3F97] =	sst s5  }
0xe: {  	[smem:$0x3F98] =	sst s6  }
0xf: {  	[smem:$0x3F99] =	sst s7  }
0x10: {  	[smem:$0x3F9A] =	sst s8  }
0x11: {  	[smem:$0x3F9B] =	sst s9;
	s0 =	simm.s32 @!p0 $0x0  }
0x12: {  	s1 =	sld [smem:$0x3F81];
	s0 =	simm.s32 @p0 $0x1  }
0x13: {  	[smem:$0x3F9C] =	sst s0;
	s0 =	simm.s32 @!p1 $0x0  }
0x14: {  	s2 =	sld [smem:$0x3F80];
	s0 =	simm.s32 @p1 $0x1  }
0x15: {  	[smem:$0x3F9D] =	sst s0;
	s0 =	simm.s32 @!p2 $0x0  }
0x16: {  	s3 =	sld [smem:$0x3FDB];
	s0 =	simm.s32 @p2 $0x1  }
0x17: {  	s4 =	simm.s32 $0x1BF5;
	[smem:$0x3F9F] =	sst s0  }
0x18: {  	s0 =	sld [smem:$0x3F82];
	_ =	swait.ge [sflag:s4], $0x0  }
0x19: {  	s7 =	sld [smem:$0x3F83]  }
0x1a: {  	s8 =	sadd.s32 $0xFFFFE003, lr  }
0x1b: {  	s9 =	sadd.s32 $0xFFFFFEF7, lr;
	s5 =	simm.s32 $0xFFFFFFFF;
	p2 =	slt.u32 s8, $0xFFFFF086  }
0x1c: {  	p1 =	slt.u32 s9, $0xF7A;
	s5 =	simm.s32 @!p2 $0x0  }
0x1d: {  	s5 =	simm.s32 @p1 $0x1;
	p0 =	seq.s32 s7, s2  }
0x1e: {  	s7 =	smul.u32 @!p0 $0xF7A, s2;
	p2 =	seq.s32 @!p0 s5, $0x0  }
0x1f: {  	s9 =	smul.u32 $0xF7A, s1;
	s8 =	simm.s32 @!p0 $0x1BF5;
	p2 =	por !p2, p0  }
0x20: {  	[sflag:s8] =	ssyncset.s32 @!p0 $0xFFFFF086;
	s6 =	sadd.s32 @!p0 s3, s7;
	s7 =	simm.s32 @!p0 $0x108  }
0x21: {  	s3 =	sadd.s32 s3, s9;
	s6 =	sadd.s32 @!p0 $0x88, s6;
	s7 =	simm.s32 @p2 $0x1082  }
0x22: {  	[simem:s7], [sflag:s8] =	dma.local @!p0 [hbm:s6], $0xF7A  }
0x23: {  	s9 =	sor.u32 $0xD0000000, s2;
	s6 =	simm.s32 $0x108;
	_ =	swait.ge @!p0 [sflag:s8], $0x0  }
0x24: {  	s3 =	sadd.s32 $0x88, s3;
	s6 =	simm.s32 @!p1 $0x1082;
	[sflag:s4] =	ssyncset.s32 $0xFFFFF086  }
0x25: {  	[simem:s6], [sflag:s4] =	dma.local [hbm:s3], $0xF7A  }
0x26: {  	[smem:$0x3F83] =	sst s1;
	(tag) =	ssettag s2;
	_ =	strace s9  }
0x27: {  	s1 =	sld [smem:$0x3F93]  }
0x28: {  	s2 =	sld [smem:$0x3F94]  }
0x29: {  	s4 =	sld [smem:$0x3F96]  }
0x2a: {  	p0 =	seq.s32 s5, $0x0;
	s5 =	sld [smem:$0x3F97]  }
0x2b: {  	s6 =	sld [smem:$0x3F98]  }
0x2c: {  	s7 =	sld [smem:$0x3F99]  }
0x2d: {  	s3 =	simm.s32 $0x108;
	s8 =	sld [smem:$0x3F9A]  }
0x2e: {  	s3 =	simm.s32 @!p0 $0x1082;
	s9 =	sld [smem:$0x3F9B]  }
0x2f: {  	lr =	sadd.s32 s0, s3;
	s0 =	sld [smem:$0x3F92]  }
0x30: {  	s3 =	sld [smem:$0x3F95]  }
0x31: {  	[smem:$0x3F9E] =	sst s10  }
0x32: {  	s10 =	sld [smem:$0x3F9C];
	_ =	sdelay $0x3  }
0x33: {  	p0 =	seq.s32 s10, $0x1;
	s10 =	sld [smem:$0x3F9E];
	_ =	sdelay $0x3  }
0x34: {  	[smem:$0x3F9E] =	sst s10  }
0x35: {  	s10 =	sld [smem:$0x3F9D];
	_ =	sdelay $0x3  }
0x36: {  	p1 =	seq.s32 s10, $0x1;
	s10 =	sld [smem:$0x3F9E];
	_ =	sdelay $0x3  }
0x37: {  	[smem:$0x3F9E] =	sst s10  }
0x38: {  	s10 =	sld [smem:$0x3F9F]  }
0x39: {  	_ = 	snop;
	(pc) =	sbr.ind lr, $3  }
0x3a: {  	_ = 	snop  }
0x3b: {  	_ = 	snop  }
0x3c: {  	p2 =	seq.s32 s10, $0x1;
	s10 =	sld [smem:$0x3F9E]  }
0x3d: {  	_ =	shalt  }
0x3e: {  	_ =	shalt  }
0x3f: {  	_ =	shalt  }
0x40: {  	_ =	shalt  }
0x41: {  	_ =	shalt  }
0x42: {  	_ =	shalt  }
0x43: {  	_ =	shalt  }
0x44: {  	_ =	shalt  }
0x45: {  	_ =	shalt  }
0x46: {  	_ =	shalt  }
0x47: {  	_ =	shalt  }
0x48: {  	_ =	shalt  }
0x49: {  	_ =	shalt  }
0x4a: {  	_ =	shalt  }
0x4b: {  	_ =	shalt  }
0x4c: {  	_ =	shalt  }
0x4d: {  	_ =	shalt  }
0x4e: {  	_ =	shalt  }
0x4f: {  	_ =	shalt  }
0x50: {  	_ =	shalt  }
0x51: {  	_ =	shalt  }
0x52: {  	_ =	shalt  }
0x53: {  	_ =	shalt  }
0x54: {  	_ =	shalt  }
0x55: {  	_ =	shalt  }
0x56: {  	_ =	shalt  }
0x57: {  	_ =	shalt  }
0x58: {  	_ =	shalt  }
0x59: {  	_ =	shalt  }
0x5a: {  	_ =	shalt  }
0x5b: {  	_ =	shalt  }
0x5c: {  	_ =	shalt  }
0x5d: {  	_ =	shalt  }
0x5e: {  	_ =	shalt  }
0x5f: {  	_ =	shalt  }
0x60: {  	_ =	shalt  }
0x61: {  	_ =	shalt  }
0x62: {  	_ =	shalt  }
0x63: {  	_ =	shalt  }
0x64: {  	_ =	shalt  }
0x65: {  	_ =	shalt  }
0x66: {  	_ =	shalt  }
0x67: {  	_ =	shalt  }
0x68: {  	_ =	shalt  }
0x69: {  	_ =	shalt  }
0x6a: {  	_ =	shalt  }
0x6b: {  	_ =	shalt  }
0x6c: {  	_ =	shalt  }
0x6d: {  	_ =	shalt  }
0x6e: {  	_ =	shalt  }
0x6f: {  	_ =	shalt  }
0x70: {  	_ =	shalt  }
0x71: {  	_ =	shalt  }
0x72: {  	_ =	shalt  }
0x73: {  	_ =	shalt  }
0x74: {  	_ =	shalt  }
0x75: {  	_ =	shalt  }
0x76: {  	_ =	shalt  }
0x77: {  	_ =	shalt  }
0x78: {  	_ =	shalt  }
0x79: {  	_ =	shalt  }
0x7a: {  	_ =	shalt  }
0x7b: {  	_ =	shalt  }
0x7c: {  	_ =	shalt  }
0x7d: {  	_ =	shalt  }
0x7e: {  	_ =	shalt  }
0x7f: {  	_ =	shalt  }
0x80: {  	_ =	shalt  }
0x81: {  	_ =	shalt  }
0x82: {  	_ =	shalt  }
0x83: {  	_ =	shalt  }
0x84: {  	_ =	shalt  }
0x85: {  	_ =	shalt  }
0x86: {  	_ =	shalt  }
0x87: {  	_ =	shalt  }
.Lfunc_end0:
.L_simem_size_0:
called_computation.1_lowered:
.L_overlay_start_0:
0x88: {  	s2 =	sld [smem:$0x3FD9]  }
0x89: {  	s3 =	sld [smem:$0x3FFE];
	_ =	sdelay $0x1  }
0x8a: {  	s1 =	srdreg.scid  }
0x8b: {  	s0 =	sand.u32 $0x1, s1  }
0x8c: {  	s17 =	sshll.u32 s0, $0xA;
	s2 =	sadd.s32 s3, s2  }
0x8d: {  	s2 =	sadd.s32 s2, s17  }
0x8e: {  	[smem:$0x3FAA] =	sst s2  }
0x8f: {  	_ = 	snop  }
0x90: {  	(tm) =	ssettm $0x1  }
0x91: {  	s18 =	sld [smem:$0x3FFB];
	_ =	sdelay $0x3  }
0x92: {  	_ =	strace s18  }
0x93: {  	s2 =	sld [smem:$0x3FFC];
	_ =	sdelay $0x3  }
0x94: {  	_ =	strace s2  }
0x95: {  	s2 =	sld [smem:$0x3FFD];
	_ =	sdelay $0x3  }
0x96: {  	_ =	strace s2  }
0x97: {  	_ =	strace $0x8FFFFFFF  }
0x98: {  	s19 =	sld [smem:$0x3FDB];
	_ =	sdelay $0x1  }
0x99: {  	s20 =	simm.s32 $_scs_section_size  }
0x9a: {  	s4 =	simm.s32 $_size__tile_overlayer_lowered;
	s5 =	simm.s32 $_tile_overlayer_lowered  }
0x9b: {  	s6 =	simm.s32 $0x1BFF;
	s21 =	sshll.u32 s5, $0x1;
	s3 =	sadd.s32 s20, s19  }
0x9c: {  	s22 =	simm.s32 $0x0;
	s4 =	sshll.u32 s4, $0x1;
	s5 =	sadd.s32 s21, s3  }
0x9d: {  	[timem:s22], [sflag:s6] =	dma.local [hbm:s5], s4  }
0x9e: {  	_ =	swait.ge [sflag:s6], s4  }
0x9f: {  	s4 =	ssub.s32 $0x0, s4;
	[sflag:s6] =	ssyncset.done $0x0  }
0xa0: {  	[sflag:s6] =	ssyncadd.s32 s4;
	_ =	sdelay $0x1  }
0xa1: {  	s23 =	simm.s32 $0x1B8B  }
0xa2: {  	_ =	swait.ge [sflag:s23], $0x1  }
0xa3: {  	[sflag:s23] =	ssyncset.done $0x0  }
0xa4: {  	[sflag:s23] =	ssyncadd.s32 $0xFFFFFFFF  }
0xa5: {  	s4 =	sld [smem:$0x0]  }
0xa6: {  	s5 =	sand.u32 $0xFFFFFFFE, s1  }
0xa7: {  	p0 =	sne.s32 s1, s5  }
0xa8: {  	s5 =	sshll.u32 @p0 s5, $0xE  }
0xa9: {  	s5 =	sadd.s32 @p0 $0x11B8D, s5;
	s6 =	sshll.u32 @p0 s4, $0x11  }
0xaa: {  	s5 =	sor.u32 @p0 s6, s5  }
0xab: {  	[sflag:s5] =	ssyncadd.remote.s32 @p0 $0x1;
	_ =	sdelay $0x1  }
0xac: {  	s5 =	simm.s32 @p0 $0x1B8D  }
0xad: {  	_ =	swait.eq @p0 [sflag:s5], $0x1  }
0xae: {  	[sflag:s5] =	ssyncadd.s32 @p0 $0xFFFFFFFF  }
0xaf: {  	s6 =	sshll.u32 @!p0 s1, $0xE  }
0xb0: {  	s6 =	sor.u32 @!p0 $0x4000, s6;
	s5 =	simm.s32 @!p0 $0x1B8D  }
0xb1: {  	s4 =	sshll.u32 @!p0 s4, $0x11;
	s6 =	sadd.s32 @!p0 $0x11B8D, s6;
	_ =	swait.eq @!p0 [sflag:s5], $0x1  }
0xb2: {  	s4 =	sor.u32 @!p0 s4, s6;
	[sflag:s5] =	ssyncadd.s32 @!p0 $0xFFFFFFFF  }
0xb3: {  	s25 =	simm.s32 $0x1B8E;
	s24 =	sld [smem:$0x3FFE];
	[sflag:s4] =	ssyncadd.remote.s32 @!p0 $0x1  }
0xb4: {  	s26 =	simm.s32 $execute0_lowered;
	[smem:$0x3FD2] =	sst s25  }
0xb5: {  	s5 =	sshll.u32 s26, $0x1;
	_ =	strace $0x80000049;
	[dreg:$0x1] =	wrdreg $0xFFFFFFFF  }
0xb6: {  	s28 =	simm.s32 $_size_execute0_lowered;
	s3 =	sadd.s32 s3, s5;
	[dreg:$0x0] =	wrdreg $0x0  }
0xb7: {  	s5 =	sshll.u32 s28, $0x1;
	[dreg:$0x2] =	wrdreg s3  }
0xb8: {  	[dreg:$0x3] =	wrdreg s5  }
0xb9: {  	[dreg:$0x4] =	wrdreg $0xC0  }
0xba: {  	_ =	task [dreg:s22], $0x5FFFF  }
0xbb: {  	[dreg:$0x1] =	wrdreg $0xFFFFFFFF  }
0xbc: {  	[dreg:$0x0] =	wrdreg $0x60  }
0xbd: {  	[dreg:$0x2] =	wrdreg s24  }
0xbe: {  	[dreg:$0x3] =	wrdreg $0xA  }
0xbf: {  	_ =	task.clear_ibuf [dreg:s22], $0x4FFFF;
	_ =	strace $0x90000049  }
0xc0: {  	s29 =	simm.s32 $0xA;
	_ =	strace $0x8000004B  }
0xc1: {  	_ =	swait.ge [sflag:s29], $0x1  }
0xc2: {  	[sflag:s29] =	ssyncadd.s32 $0xFFFFFFFF  }
0xc3: {  	_ =	strace $0x9000004B  }
0xc4: {  	_ =	sfence  }
0xc5: {  	s30 =	sld [smem:$0x0];
	_ =	sdelay $0x2  }
0xc6: {  	s31 =	sshll.u32 s1, $0xD;
	s1 =	sshrl.u32 s1, $0x2  }
0xc7: {  	s4 =	sand.u32 $0x4000, s31;
	s1 =	sadd.s32 s1, s30  }
0xc8: {  	s0 =	sor.u32 s4, s0;
	s1 =	sshll.u32 s1, $0x11  }
0xc9: {  	s0 =	sor.u32 s1, s0  }
0xca: {  	s0 =	sadd.s32 $0x8F2B, s0  }
0xcb: {  	[sflag:s0] =	ssyncadd.remote.s32 $0x1  }
0xcc: {  	_ =	sfence.sel $0xFFFF  }
0xcd: {  	[dreg:$0x0] =	wrdreg $0xFFFFFFFF;
	(pc) =	sbr.abs _section_cstart, $3  }
0xce: {  	[dreg:$0x1] =	wrdreg $0xFFFFFFFF  }
0xcf: {  	_ =	task.clear_ibuf [dreg:s22], $0x2FFFF;
	_ =	strace $0x9FFFFFFF  }
0xd0: {  	(tm) =	ssettm $0x7FFFFFFF  }
0xd1: {  	_ =	shalt  }
tec
execute0_lowered:
.L_overlay_start_1:
0x0: {  	(tag) =	ssettag $0x1  }
0x1: {  	s5 =	rddreg [dreg:$0x0]  }
0x2: {  	s1 =	srdreg.scid;
	s2 =	simm.s32 $0x0;
	s0 =	stileid.u32  }
0x3: {  	s31 =	simm.s32 $0x50;
	s12 =	simm.s32 $0x4000;
	s11 =	simm.s32 $0x1  }
0x4: {  	s13 =	simm.s32 $0x6800;
	s14 =	simm.s32 $0x9000;
	s15 =	simm.s32 $0xB800  }
0x5: {  	s16 =	simm.s32 $0x6;
	s17 =	simm.s32 $0x7;
	s18 =	simm.s32 $0x8  }
0x6: {  	s19 =	simm.s32 $0x9;
	s20 =	simm.s32 $0xA;
	s21 =	simm.s32 $0x0  }
0x7: {  	s6 =	sand.u32 $0x1, s1;
	[smem:$0x7FF] =	sst s2;
	s3 =	sadd.s32 $0x29600, s5  }
0x8: {  	s29 =	smul.u32 $0x27100, s0;
	_ =	strace $0x8000004A;
	[dreg:$0x2] =	wrdreg s31  }
0x9: {  	s4 =	sshll.u32 s6, $0x4;
	s8 =	ssub.s32 $0x2, s6;
	[dreg:$0x3] =	wrdreg s12  }
0xa: {  	s10 =	smul.u32 $0x271000, s6;
	s12 =	simm.s32 $0x2;
	[dreg:$0x4] =	wrdreg s13  }
0xb: {  	s13 =	simm.s32 $0x3;
	[dreg:$0x5] =	wrdreg s14;
	s14 =	simm.s32 $0x4  }
0xc: {  	[dreg:$0x6] =	wrdreg s15;
	s15 =	simm.s32 $0x5;
	s4 =	sor.u32 s0, s4  }
0xd: {  	s9 =	sshrl.u32 s8, $0x1;
	s7 =	sshll.u32 s4, $0xB;
	s4 =	smul.u32 $0x2710, s4  }
0xe: {  	s8 =	ssub.s32 s8, s9;
	s7 =	sadd.s32 s7, s5;
	s5 =	sadd.s32 $0x569A00, s5  }
0xf: {  	s9 =	simm.s32 $0xB;
	s6 =	sadd.s32 $0x559A00, s7;
	s30 =	sadd.s32 s10, s5  }
0x10: {  	s7 =	smax.u32 s8, $0x1;
	s10 =	simm.s32 $0xE000;
	s8 =	sadd.s32 s29, s30  }
.LBB2_1:
0x11: {  	[tilespmem:s2], [sflag:$0xB] =	stream.linear.gather [hbm4b:s6+s2], $0x3E80, $0x38;
	[tilespmem:$0x10800] =	vst v63  }
0x12: {  	_ =	swait.ge [sflag:s9], $0x3E80  }
0x13: {  	p0 =	por $0x0, $0x0;
	[sflag:s9] =	ssyncset.done $0x0  }
0x14: {  	s22 =	simm.s32 @p0 $0x6;
	[sflag:s9] =	ssyncadd.s32 $0xFFFFC180  }
0x15: {  	_ =	swait.ge @p0 [sflag:s22], $0x2800  }
0x16: {  	s23 =	simm.s32 @p0 $0x4000;
	s24 =	simm.s32 @p0 $0x7;
	[sflag:s22] =	ssyncset.done @p0 $0x0  }
0x17: {  	s25 =	simm.s32 @p0 $0x50;
	[sflag:s22] =	ssyncadd.s32 @p0 $0xFFFFD800;
	s22 =	simm.s32 @p0 $0x0  }
0x18: {  	[tilespmem:s23], [sflag:$0x1] =	stream.indirect.gather @p0 [hbm4b:s3+s25], $0x80, s22, s25, $0xb8;
	[tilespmem:$0x10800] =	vst v63  }
0x19: {  	_ =	swait.ge @p0 [sflag:s24], $0x2800  }
0x1a: {  	s22 =	simm.s32 @p0 $0x80;
	[sflag:s24] =	ssyncset.done @p0 $0x0  }
0x1b: {  	s23 =	simm.s32 @p0 $0x6800;
	[sflag:s24] =	ssyncadd.s32 @p0 $0xFFFFD800;
	s24 =	simm.s32 @p0 $0x8  }
0x1c: {  	[tilespmem:s23], [sflag:$0x2] =	stream.indirect.gather @p0 [hbm4b:s3+s25], $0x80, s22, s25, $0xb8;
	[tilespmem:$0x10800] =	vst v63  }
0x1d: {  	_ =	swait.ge @p0 [sflag:s24], $0x2800  }
0x1e: {  	s22 =	simm.s32 @p0 $0x100;
	[sflag:s24] =	ssyncset.done @p0 $0x0  }
0x1f: {  	s23 =	simm.s32 @p0 $0x9000;
	[sflag:s24] =	ssyncadd.s32 @p0 $0xFFFFD800;
	s24 =	simm.s32 @p0 $0x9  }
0x20: {  	[tilespmem:s23], [sflag:$0x3] =	stream.indirect.gather @p0 [hbm4b:s3+s25], $0x80, s22, s25, $0xb8;
	[tilespmem:$0x10800] =	vst v63  }
0x21: {  	_ =	swait.ge @p0 [sflag:s24], $0x2800  }
0x22: {  	s22 =	simm.s32 @p0 $0x180;
	[sflag:s24] =	ssyncset.done @p0 $0x0  }
0x23: {  	s23 =	simm.s32 @p0 $0xB800;
	[sflag:s24] =	ssyncadd.s32 @p0 $0xFFFFD800;
	s24 =	simm.s32 @p0 $0xA  }
0x24: {  	[tilespmem:s23], [sflag:$0x4] =	stream.indirect.gather @p0 [hbm4b:s3+s25], $0x80, s22, s25, $0xb8;
	[tilespmem:$0x10800] =	vst v63  }
0x25: {  	_ =	swait.ge @p0 [sflag:s24], $0x2800  }
0x26: {  	s22 =	simm.s32 @!p0 $0x4000;
	[sflag:s24] =	ssyncset.done @p0 $0x0  }
0x27: {  	s23 =	simm.s32 @!p0 $0x50;
	[sflag:s24] =	ssyncadd.s32 @p0 $0xFFFFD800;
	s24 =	simm.s32 @!p0 $0x0  }
0x28: {  	[tilespmem:s22], [sflag:$0x1] =	stream.indirect.gather @!p0 [hbm4b:s3+s23], $0x80, s24, s23, $0xb8;
	[tilespmem:$0x10800] =	vst v63  }
0x29: {  	s22 =	simm.s32 @!p0 $0x80;
	s24 =	simm.s32 @!p0 $0x6800  }
0x2a: {  	[tilespmem:s24], [sflag:$0x2] =	stream.indirect.gather @!p0 [hbm4b:s3+s23], $0x80, s22, s23, $0xb8;
	[tilespmem:$0x10800] =	vst v63  }
0x2b: {  	s24 =	simm.s32 $0x4  }
0x2c: {  	s26 =	simm.s32 @!p0 $0x9000;
	s25 =	simm.s32 @!p0 $0x100;
	s24 =	simm.s32 @!p0 $0x4  }
0x2d: {  	[tilespmem:s26], [sflag:$0x3] =	stream.indirect.gather @!p0 [hbm4b:s3+s23], $0x80, s25, s23, $0xb8;
	[tilespmem:$0x10800] =	vst v63  }
0x2e: {  	s22 =	simm.s32 @!p0 $0xB800;
	s25 =	simm.s32 @!p0 $0x180;
	s31 =	sshll.u32 s24, $0x7  }
0x2f: {  	[tilespmem:s22], [sflag:$0x4] =	stream.indirect.gather @!p0 [hbm4b:s3+s23], $0x80, s25, s23, $0xb8;
	[tilespmem:$0x10800] =	vst v63  }
0x30: {  	s28 =	rddreg [dreg:$0x2];
	s24 =	smul.u32 $0x50, s24;
	s0 =	sand.u32 $0x3FFFFF80, s31  }
0x31: {  	[tilespmem:s10], [sflag:$0x5] =	stream.indirect.gather [hbm4b:s3+s28], $0x80, s0, s28, $0xb8;
	[tilespmem:$0x10800] =	vst v63  }
0x32: {  	s23 =	simm.s32 @p0 $0x50;
	s31 =	sadd.s32 s4, s24;
	_ =	swait.ge [sflag:s11], $0x2800  }
0x33: {  	s24 =	sadd.s32 $0x1900, s8;
	s23 =	simm.s32 @!p0 $0x50;
	[sflag:s11] =	ssyncset.done $0x0  }
0x34: {  	s25 =	sadd.s32 s4, s23;
	s1 =	rddreg [dreg:$0x3];
	[sflag:s11] =	ssyncadd.s32 $0xFFFFD800  }
0x35: {  	[hbm4b:s8+s2] =	stream.linear.scatter [tilespmem:s1], [sflag:$0x6], $0x2800, $0x38;
	[tilespmem:$0x10800] =	vst v63  }
0x36: {  	s22 =	sshll.u32 s25, $0x4;
	s25 =	simm.s32 @p0 $0xA0;
	_ =	swait.ge [sflag:s12], $0x2800  }
0x37: {  	s22 =	sadd.s32 s5, s22;
	s25 =	simm.s32 @!p0 $0xA0;
	[sflag:s12] =	ssyncset.done $0x0  }
0x38: {  	s29 =	sadd.s32 s4, s25;
	s26 =	rddreg [dreg:$0x4];
	[sflag:s12] =	ssyncadd.s32 $0xFFFFD800  }
0x39: {  	[hbm4b:s22+s2] =	stream.linear.scatter [tilespmem:s26], [sflag:$0x7], $0x2800, $0x38;
	[tilespmem:$0x10800] =	vst v63  }
0x3a: {  	s25 =	simm.s32 $0xA00;
	s23 =	sshll.u32 s29, $0x4;
	_ =	swait.ge [sflag:s13], $0x2800  }
0x3b: {  	s23 =	sadd.s32 s5, s23;
	s22 =	simm.s32 $0xF0;
	[sflag:s13] =	ssyncset.done $0x0  }
0x3c: {  	s22 =	simm.s32 @!p0 $0xF0;
	s30 =	rddreg [dreg:$0x5];
	[sflag:s13] =	ssyncadd.s32 $0xFFFFD800  }
0x3d: {  	[hbm4b:s23+s2] =	stream.linear.scatter [tilespmem:s30], [sflag:$0x8], $0x2800, $0x38;
	[tilespmem:$0x10800] =	vst v63  }
0x3e: {  	s29 =	sshll.u32 s31, $0x4;
	s22 =	sadd.s32 s4, s22;
	_ =	swait.ge [sflag:s14], $0x2800  }
0x3f: {  	s26 =	simm.s32 $0x1400;
	s22 =	sshll.u32 s22, $0x4;
	[sflag:s14] =	ssyncset.done $0x0  }
0x40: {  	s22 =	sadd.s32 s5, s22;
	s28 =	rddreg [dreg:$0x6];
	[sflag:s14] =	ssyncadd.s32 $0xFFFFD800  }
0x41: {  	[hbm4b:s22+s2] =	stream.linear.scatter [tilespmem:s28], [sflag:$0x9], $0x2800, $0x38;
	[tilespmem:$0x10800] =	vst v63  }
0x42: {  	p0 =	por $0x1, $0x1;
	s23 =	simm.s32 $0x280;
	_ =	swait.ge [sflag:s15], $0x2800  }
0x43: {  	s22 =	simm.s32 $0x9;
	s28 =	sadd.s32 s5, s29;
	[sflag:s15] =	ssyncset.done $0x0  }
.LBB2_2:
0x44: {  	s29 =	simm.s32 @p0 $0x6;
	[sflag:s15] =	ssyncadd.s32 $0xFFFFD800  }
0x45: {  	[hbm4b:s28+s2] =	stream.linear.scatter [tilespmem:s10], [sflag:$0xA], $0x2800, $0x38;
	[tilespmem:$0x10800] =	vst v63  }
0x46: {  	s30 =	smov.u32 s26;
	_ =	swait.ge @p0 [sflag:s29], $0x2800  }
0x47: {  	s31 =	simm.s32 @p0 $0x7;
	s25 =	sshra.s32 @p0 s25, $0x2;
	[sflag:s29] =	ssyncset.done @p0 $0x0  }
0x48: {  	s28 =	simm.s32 @p0 $0x4000;
	[sflag:s29] =	ssyncadd.s32 @p0 $0xFFFFD800;
	s29 =	simm.s32 @p0 $0x50  }
0x49: {  	[tilespmem:s28], [sflag:$0x1] =	stream.indirect.gather @p0 [hbm4b:s3+s29], $0x80, s25, s29, $0xb8;
	[tilespmem:$0x10800] =	vst v63  }
0x4a: {  	s0 =	sadd.s32 @p0 $0x100, s25;
	s1 =	sadd.s32 @p0 $0x180, s25;
	_ =	swait.ge @p0 [sflag:s31], $0x2800  }
0x4b: {  	s28 =	sadd.s32 @p0 $0x80, s25;
	s25 =	smov.u32 s30;
	[sflag:s31] =	ssyncset.done @p0 $0x0  }
0x4c: {  	s30 =	simm.s32 @p0 $0x6800;
	[sflag:s31] =	ssyncadd.s32 @p0 $0xFFFFD800;
	s31 =	simm.s32 @p0 $0x8  }
0x4d: {  	[tilespmem:s30], [sflag:$0x2] =	stream.indirect.gather @p0 [hbm4b:s3+s29], $0x80, s28, s29, $0xb8;
	[tilespmem:$0x10800] =	vst v63  }
0x4e: {  	_ =	swait.ge @p0 [sflag:s31], $0x2800  }
0x4f: {  	[sflag:s31] =	ssyncset.done @p0 $0x0  }
0x50: {  	s28 =	simm.s32 @p0 $0x9000;
	s30 =	simm.s32 @p0 $0x9;
	[sflag:s31] =	ssyncadd.s32 @p0 $0xFFFFD800  }
0x51: {  	[tilespmem:s28], [sflag:$0x3] =	stream.indirect.gather @p0 [hbm4b:s3+s29], $0x80, s0, s29, $0xb8;
	[tilespmem:$0x10800] =	vst v63  }
0x52: {  	_ =	swait.ge @p0 [sflag:s30], $0x2800  }
0x53: {  	[sflag:s30] =	ssyncset.done @p0 $0x0  }
0x54: {  	s0 =	simm.s32 @p0 $0xB800;
	s28 =	simm.s32 @p0 $0xA;
	[sflag:s30] =	ssyncadd.s32 @p0 $0xFFFFD800  }
0x55: {  	[tilespmem:s0], [sflag:$0x4] =	stream.indirect.gather @p0 [hbm4b:s3+s29], $0x80, s1, s29, $0xb8;
	[tilespmem:$0x10800] =	vst v63  }
0x56: {  	_ =	swait.ge @p0 [sflag:s28], $0x2800  }
0x57: {  	s0 =	simm.s32 @!p0 $0x4000;
	[sflag:s28] =	ssyncset.done @p0 $0x0  }
0x58: {  	s1 =	simm.s32 @!p0 $0x50;
	[sflag:s28] =	ssyncadd.s32 @p0 $0xFFFFD800;
	s28 =	simm.s32 @!p0 $0x0  }
0x59: {  	[tilespmem:s0], [sflag:$0x1] =	stream.indirect.gather @!p0 [hbm4b:s3+s1], $0x80, s28, s1, $0xb8;
	[tilespmem:$0x10800] =	vst v63  }
0x5a: {  	s30 =	smov.u32 s22;
	s0 =	simm.s32 @!p0 $0x80;
	s28 =	simm.s32 @!p0 $0x6800  }
0x5b: {  	[tilespmem:s28], [sflag:$0x2] =	stream.indirect.gather @!p0 [hbm4b:s3+s1], $0x80, s0, s1, $0xb8;
	[tilespmem:$0x10800] =	vst v63  }
0x5c: {  	s30 =	simm.s32 @!p0 $0x4;
	s0 =	simm.s32 @!p0 $0x100;
	s28 =	simm.s32 @!p0 $0x9000  }
0x5d: {  	[tilespmem:s28], [sflag:$0x3] =	stream.indirect.gather @!p0 [hbm4b:s3+s1], $0x80, s0, s1, $0xb8;
	[tilespmem:$0x10800] =	vst v63  }
0x5e: {  	s29 =	simm.s32 @!p0 $0xB800;
	s0 =	simm.s32 @!p0 $0x180;
	s28 =	sshll.u32 s30, $0x7  }
0x5f: {  	[tilespmem:s29], [sflag:$0x4] =	stream.indirect.gather @!p0 [hbm4b:s3+s1], $0x80, s0, s1, $0xb8;
	[tilespmem:$0x10800] =	vst v63  }
0x60: {  	s31 =	rddreg [dreg:$0x2];
	s30 =	smul.u32 $0x50, s30;
	s29 =	sand.u32 $0x3FFFFF80, s28  }
0x61: {  	[tilespmem:s10], [sflag:$0x5] =	stream.indirect.gather [hbm4b:s3+s31], $0x80, s29, s31, $0xb8;
	[tilespmem:$0x10800] =	vst v63  }
0x62: {  	s28 =	sadd.s32 @p0 $0xFFFFFF60, s23;
	_ =	swait.ge [sflag:s11], $0x2800  }
0x63: {  	s1 =	sadd.s32 s4, s30;
	s28 =	simm.s32 @!p0 $0x50;
	[sflag:s11] =	ssyncset.done $0x0  }
0x64: {  	s30 =	sadd.s32 s4, s28;
	s29 =	rddreg [dreg:$0x3];
	[sflag:s11] =	ssyncadd.s32 $0xFFFFD800  }
0x65: {  	[hbm4b:s24+s2] =	stream.linear.scatter [tilespmem:s29], [sflag:$0x6], $0x2800, $0x38;
	[tilespmem:$0x10800] =	vst v63  }
0x66: {  	s0 =	sshll.u32 s1, $0x4;
	s1 =	sshll.u32 s30, $0x4;
	_ =	swait.ge [sflag:s12], $0x2800  }
0x67: {  	s1 =	sadd.s32 s5, s1;
	s29 =	sadd.s32 @p0 $0xFFFFFFB0, s23;
	[sflag:s12] =	ssyncset.done $0x0  }
0x68: {  	s29 =	simm.s32 @!p0 $0xA0;
	s28 =	rddreg [dreg:$0x4];
	[sflag:s12] =	ssyncadd.s32 $0xFFFFD800  }
0x69: {  	[hbm4b:s1+s2] =	stream.linear.scatter [tilespmem:s28], [sflag:$0x7], $0x2800, $0x38;
	[tilespmem:$0x10800] =	vst v63  }
0x6a: {  	s31 =	sadd.s32 s4, s29;
	_ =	swait.ge [sflag:s13], $0x2800  }
0x6b: {  	s1 =	sshll.u32 s31, $0x4;
	[sflag:s13] =	ssyncset.done $0x0  }
0x6c: {  	s1 =	sadd.s32 s5, s1;
	s28 =	rddreg [dreg:$0x5];
	[sflag:s13] =	ssyncadd.s32 $0xFFFFD800  }
0x6d: {  	[hbm4b:s1+s2] =	stream.linear.scatter [tilespmem:s28], [sflag:$0x8], $0x2800, $0x38;
	[tilespmem:$0x10800] =	vst v63  }
0x6e: {  	s26 =	sadd.s32 $0xA00, s26;
	s1 =	smov.u32 s23  }
0x6f: {  	p1 =	sne.s32 s26, $0xFA00;
	s1 =	simm.s32 @!p0 $0xF0  }
0x70: {  	s22 =	sadd.s32 $0x5, s22;
	_ =	swait.ge [sflag:s14], $0x2800;
	s1 =	sadd.s32 s4, s1  }
.Ltmp0:
0x71: {  	[sflag:s14] =	ssyncset.done $0x0;
	s1 =	sshll.u32 s1, $0x4;
	(pc) =	sbr.rel @p1 .LBB2_2-.Ltmp0, $4  }
0x72: {  	s28 =	rddreg [dreg:$0x6];
	[sflag:s14] =	ssyncadd.s32 $0xFFFFD800;
	s1 =	sadd.s32 s5, s1  }
0x73: {  	[hbm4b:s1+s2] =	stream.linear.scatter [tilespmem:s28], [sflag:$0x9], $0x2800, $0x38;
	[tilespmem:$0x10800] =	vst v63  }
0x74: {  	s24 =	sadd.s32 $0x1900, s24;
	s23 =	sadd.s32 $0x190, s23;
	_ =	swait.ge [sflag:s15], $0x2800  }
0x75: {  	p0 =	sne.s32 s25, $0x0;
	s28 =	sadd.s32 s5, s0;
	[sflag:s15] =	ssyncset.done $0x0  }
0x76: {  	s0 =	simm.s32 @p0 $0x6;
	[sflag:s15] =	ssyncadd.s32 $0xFFFFD800  }
0x77: {  	[hbm4b:s28+s2] =	stream.linear.scatter [tilespmem:s10], [sflag:$0xA], $0x2800, $0x38;
	[tilespmem:$0x10800] =	vst v63  }
0x78: {  	_ =	swait.ge @p0 [sflag:s0], $0x2800  }
0x79: {  	s1 =	simm.s32 @p0 $0x4000;
	s26 =	simm.s32 @p0 $0x7;
	[sflag:s0] =	ssyncset.done @p0 $0x0  }
0x7a: {  	[sflag:s0] =	ssyncadd.s32 @p0 $0xFFFFD800;
	s0 =	sshra.s32 @p0 s25, $0x2;
	s25 =	simm.s32 @p0 $0x50  }
0x7b: {  	[tilespmem:s1], [sflag:$0x1] =	stream.indirect.gather @p0 [hbm4b:s3+s25], $0x80, s0, s25, $0xb8;
	[tilespmem:$0x10800] =	vst v63  }
0x7c: {  	_ =	swait.ge @p0 [sflag:s26], $0x2800  }
0x7d: {  	s28 =	simm.s32 @p0 $0x8;
	[sflag:s26] =	ssyncset.done @p0 $0x0  }
0x7e: {  	s1 =	sadd.s32 @p0 $0x80, s0;
	[sflag:s26] =	ssyncadd.s32 @p0 $0xFFFFD800;
	s26 =	simm.s32 @p0 $0x6800  }
0x7f: {  	[tilespmem:s26], [sflag:$0x2] =	stream.indirect.gather @p0 [hbm4b:s3+s25], $0x80, s1, s25, $0xb8;
	[tilespmem:$0x10800] =	vst v63  }
0x80: {  	_ =	swait.ge @p0 [sflag:s28], $0x2800  }
0x81: {  	s1 =	sadd.s32 @p0 $0x100, s0;
	[sflag:s28] =	ssyncset.done @p0 $0x0  }
0x82: {  	s26 =	simm.s32 @p0 $0x9000;
	[sflag:s28] =	ssyncadd.s32 @p0 $0xFFFFD800;
	s28 =	simm.s32 @p0 $0x9  }
0x83: {  	[tilespmem:s26], [sflag:$0x3] =	stream.indirect.gather @p0 [hbm4b:s3+s25], $0x80, s1, s25, $0xb8;
	[tilespmem:$0x10800] =	vst v63  }
0x84: {  	_ =	swait.ge @p0 [sflag:s28], $0x2800  }
0x85: {  	s0 =	sadd.s32 @p0 $0x180, s0;
	[sflag:s28] =	ssyncset.done @p0 $0x0  }
0x86: {  	s1 =	simm.s32 @p0 $0xB800;
	s26 =	simm.s32 @p0 $0xA;
	[sflag:s28] =	ssyncadd.s32 @p0 $0xFFFFD800  }
0x87: {  	[tilespmem:s1], [sflag:$0x4] =	stream.indirect.gather @p0 [hbm4b:s3+s25], $0x80, s0, s25, $0xb8;
	[tilespmem:$0x10800] =	vst v63  }
0x88: {  	_ =	swait.ge @p0 [sflag:s26], $0x2800  }
0x89: {  	s0 =	simm.s32 @!p0 $0x4000;
	[sflag:s26] =	ssyncset.done @p0 $0x0  }
0x8a: {  	s1 =	simm.s32 @!p0 $0x50;
	s25 =	simm.s32 @!p0 $0x0;
	[sflag:s26] =	ssyncadd.s32 @p0 $0xFFFFD800  }
0x8b: {  	[tilespmem:s0], [sflag:$0x1] =	stream.indirect.gather @!p0 [hbm4b:s3+s1], $0x80, s25, s1, $0xb8;
	[tilespmem:$0x10800] =	vst v63  }
0x8c: {  	s0 =	simm.s32 @!p0 $0x80;
	s25 =	simm.s32 @!p0 $0x6800  }
0x8d: {  	[tilespmem:s25], [sflag:$0x2] =	stream.indirect.gather @!p0 [hbm4b:s3+s1], $0x80, s0, s1, $0xb8;
	[tilespmem:$0x10800] =	vst v63  }
0x8e: {  	s22 =	simm.s32 @!p0 $0x4;
	s0 =	simm.s32 @!p0 $0x100;
	s25 =	simm.s32 @!p0 $0x9000  }
0x8f: {  	[tilespmem:s25], [sflag:$0x3] =	stream.indirect.gather @!p0 [hbm4b:s3+s1], $0x80, s0, s1, $0xb8;
	[tilespmem:$0x10800] =	vst v63  }
0x90: {  	s31 =	sshll.u32 s22, $0x7;
	s26 =	simm.s32 @!p0 $0xB800;
	s0 =	simm.s32 @!p0 $0x180  }
0x91: {  	[tilespmem:s26], [sflag:$0x4] =	stream.indirect.gather @!p0 [hbm4b:s3+s1], $0x80, s0, s1, $0xb8;
	[tilespmem:$0x10800] =	vst v63  }
0x92: {  	s30 =	sand.u32 $0x3FFFFF80, s31;
	s29 =	rddreg [dreg:$0x2]  }
0x93: {  	[tilespmem:s10], [sflag:$0x5] =	stream.indirect.gather [hbm4b:s3+s29], $0x80, s30, s29, $0xb8;
	[tilespmem:$0x10800] =	vst v63  }
0x94: {  	_ =	swait.ge [sflag:s11], $0x2800  }
0x95: {  	s1 =	sadd.s32 @p0 $0xFFFFFF60, s23;
	[sflag:s11] =	ssyncset.done $0x0  }
0x96: {  	s1 =	simm.s32 @!p0 $0x50;
	s31 =	rddreg [dreg:$0x3];
	[sflag:s11] =	ssyncadd.s32 $0xFFFFD800  }
0x97: {  	[hbm4b:s24+s2] =	stream.linear.scatter [tilespmem:s31], [sflag:$0x6], $0x2800, $0x38;
	[tilespmem:$0x10800] =	vst v63  }
0x98: {  	s24 =	sadd.s32 s4, s1  }
0x99: {  	_ =	swait.ge [sflag:s12], $0x2800;
	s0 =	sshll.u32 s24, $0x4  }
0x9a: {  	s24 =	sadd.s32 @p0 $0xFFFFFFB0, s23;
	s25 =	rddreg [dreg:$0x4];
	[sflag:s12] =	ssyncset.done $0x0  }
0x9b: {  	s0 =	sadd.s32 s5, s0;
	s24 =	simm.s32 @!p0 $0xA0;
	[sflag:s12] =	ssyncadd.s32 $0xFFFFD800  }
0x9c: {  	[hbm4b:s0+s2] =	stream.linear.scatter [tilespmem:s25], [sflag:$0x7], $0x2800, $0x38;
	[tilespmem:$0x10800] =	vst v63  }
0x9d: {  	s26 =	sadd.s32 s4, s24;
	_ =	swait.ge [sflag:s13], $0x2800  }
0x9e: {  	s23 =	simm.s32 @!p0 $0xF0;
	s0 =	sshll.u32 s26, $0x4;
	[sflag:s13] =	ssyncset.done $0x0  }
0x9f: {  	s0 =	sadd.s32 s5, s0;
	s28 =	rddreg [dreg:$0x5];
	[sflag:s13] =	ssyncadd.s32 $0xFFFFD800  }
0xa0: {  	[hbm4b:s0+s2] =	stream.linear.scatter [tilespmem:s28], [sflag:$0x8], $0x2800, $0x38;
	[tilespmem:$0x10800] =	vst v63  }
0xa1: {  	s29 =	sadd.s32 s4, s23;
	_ =	swait.ge [sflag:s14], $0x2800  }
0xa2: {  	s22 =	smul.u32 $0x50, s22;
	s0 =	sshll.u32 s29, $0x4;
	[sflag:s14] =	ssyncset.done $0x0  }
0xa3: {  	s0 =	sadd.s32 s5, s0;
	s30 =	rddreg [dreg:$0x6];
	[sflag:s14] =	ssyncadd.s32 $0xFFFFD800  }
0xa4: {  	[hbm4b:s0+s2] =	stream.linear.scatter [tilespmem:s30], [sflag:$0x9], $0x2800, $0x38;
	[tilespmem:$0x10800] =	vst v63  }
0xa5: {  	s31 =	sadd.s32 s4, s22;
	_ =	swait.ge [sflag:s15], $0x2800  }
0xa6: {  	s0 =	sshll.u32 s31, $0x4;
	[sflag:s15] =	ssyncset.done $0x0  }
0xa7: {  	s0 =	sadd.s32 s5, s0;
	[sflag:s15] =	ssyncadd.s32 $0xFFFFD800  }
0xa8: {  	[hbm4b:s0+s2] =	stream.linear.scatter [tilespmem:s10], [sflag:$0xA], $0x2800, $0x38;
	[tilespmem:$0x10800] =	vst v63  }
0xa9: {  	_ =	swait.ge [sflag:s16], $0x2800  }
0xaa: {  	[sflag:s16] =	ssyncset.done $0x0  }
0xab: {  	[sflag:s16] =	ssyncadd.s32 $0xFFFFD800  }
0xac: {  	_ =	swait.ge [sflag:s17], $0x2800  }
0xad: {  	[sflag:s17] =	ssyncset.done $0x0  }
0xae: {  	[sflag:s17] =	ssyncadd.s32 $0xFFFFD800  }
0xaf: {  	_ =	swait.ge [sflag:s18], $0x2800  }
0xb0: {  	[sflag:s18] =	ssyncset.done $0x0  }
0xb1: {  	s21 =	sadd.s32 $0x1, s21;
	[sflag:s18] =	ssyncadd.s32 $0xFFFFD800  }
0xb2: {  	p0 =	sne.s32 s21, s7;
	_ =	swait.ge [sflag:s19], $0x2800  }
.Ltmp1:
0xb3: {  	[sflag:s19] =	ssyncset.done $0x0;
	(pc) =	sbr.rel @p0 .LBB2_1-.Ltmp1, $4  }
0xb4: {  	[sflag:s19] =	ssyncadd.s32 $0xFFFFD800  }
0xb5: {  	_ =	swait.ge [sflag:s20], $0x2800  }
0xb6: {  	[sflag:s20] =	ssyncset.done $0x0  }
0xb7: {  	[sflag:s20] =	ssyncadd.s32 $0xFFFFD800  }
0xb8: {  	_ =	sfence.sel $0x180000  }
0xb9: {  	[bflag:$0x0] =	sbarrier.arrive $0xFFFF  }
0xba: {  	_ =	strace $0x9000004A  }
0xbb: {  	s0 =	stileid.u32;
	[bflag:$0x2] =	sbarrier.arrive $0xFFFF  }
0xbc: {  	p0 =	sne.s32 s0, $0x0;
	s0 =	rddreg [dreg:$0x1]  }
0xbd: {  	s0 =	sadd.s32 @!p0 $0x100000, s0  }
0xbe: {  	[sflag:s0] =	ssyncadd.tile.s32 @!p0 $0x1;
	_ =	shalt  }
.Lfunc_end2:
_tile_overlayer_lowered:
.L_overlay_start_2:
0xbf: {  	(tag) =	ssettag $0x2  }
0xc0: {  	s0 =	rddreg [dreg:$0x0];
	s2 =	stileid.u32  }
0xc1: {  	s1 =	rddreg [dreg:$0x1];
	p0 =	sne.s32 s2, $0x0  }
0xc2: {  	s3 =	rddreg [dreg:$0x2];
	[bflag:$0x3] =	sbarrier.arrive $0xFFFF;
	s2 =	simm.s32 @!p0 $0x1C0B  }
0xc3: {  	[timem:s3], [sflag:s2] =	dma.local @!p0 [hbm:s0], s1  }
0xc4: {  	s0 =	simm.s32 @!p0 $0xB  }
0xc5: {  	_ =	swait.ge @!p0 [sflag:s0], s1  }
0xc6: {  	s1 =	ssub.s32 @!p0 $0x0, s1;
	[sflag:s0] =	ssyncset.done @!p0 $0x0  }
0xc7: {  	[sflag:s0] =	ssyncadd.s32 @!p0 s1  }
0xc8: {  	[bflag:$0x3] =	sbarrier.arrive $0xFFFF  }
0xc9: {  	_ =	shalt  }

// kernel: kernel.20.cloned.1.call-start
scs
__scs_entry_jumppad:
0x0: {  	(pc) =	sbr.rel $0x88, $3  }
0x1: {  	(tag) =	ssettag $0x0;
	lr =	simm.s32 $0x1  }
0x2: {  	[smem:$0x3F83] =	sst lr;
	_ =	strace $0xD0000000  }
0x3: {  	_ = 	snop  }
0x4: {  	_ = 	snop  }
0x5: {  	_ = 	snop  }
0x6: {  	_ = 	snop  }
0x7: {  	_ = 	snop  }
__scs_overlays_trampoline_lowered:
0x8: {  	[smem:$0x3F92] =	sst s0  }
0x9: {  	[smem:$0x3F93] =	sst s1  }
0xa: {  	[smem:$0x3F94] =	sst s2  }
0xb: {  	[smem:$0x3F95] =	sst s3  }
0xc: {  	[smem:$0x3F96] =	sst s4  }
0xd: {  	[smem:$0x3F97] =	sst s5  }
0xe: {  	[smem:$0x3F98] =	sst s6  }
0xf: {  	[smem:$0x3F99] =	sst s7  }
0x10: {  	[smem:$0x3F9A] =	sst s8  }
0x11: {  	[smem:$0x3F9B] =	sst s9;
	s0 =	simm.s32 @!p0 $0x0  }
0x12: {  	s1 =	sld [smem:$0x3F81];
	s0 =	simm.s32 @p0 $0x1  }
0x13: {  	[smem:$0x3F9C] =	sst s0;
	s0 =	simm.s32 @!p1 $0x0  }
0x14: {  	s2 =	sld [smem:$0x3F80];
	s0 =	simm.s32 @p1 $0x1  }
0x15: {  	[smem:$0x3F9D] =	sst s0;
	s0 =	simm.s32 @!p2 $0x0  }
0x16: {  	s3 =	sld [smem:$0x3FDB];
	s0 =	simm.s32 @p2 $0x1  }
0x17: {  	s4 =	simm.s32 $0x1BF5;
	[smem:$0x3F9F] =	sst s0  }
0x18: {  	s0 =	sld [smem:$0x3F82];
	_ =	swait.ge [sflag:s4], $0x0  }
0x19: {  	s7 =	sld [smem:$0x3F83]  }
0x1a: {  	s8 =	sadd.s32 $0xFFFFE003, lr  }
0x1b: {  	s9 =	sadd.s32 $0xFFFFFEF7, lr;
	s5 =	simm.s32 $0xFFFFFFFF;
	p2 =	slt.u32 s8, $0xFFFFF086  }
0x1c: {  	p1 =	slt.u32 s9, $0xF7A;
	s5 =	simm.s32 @!p2 $0x0  }
0x1d: {  	s5 =	simm.s32 @p1 $0x1;
	p0 =	seq.s32 s7, s2  }
0x1e: {  	s7 =	smul.u32 @!p0 $0xF7A, s2;
	p2 =	seq.s32 @!p0 s5, $0x0  }
0x1f: {  	s9 =	smul.u32 $0xF7A, s1;
	s8 =	simm.s32 @!p0 $0x1BF5;
	p2 =	por !p2, p0  }
0x20: {  	[sflag:s8] =	ssyncset.s32 @!p0 $0xFFFFF086;
	s6 =	sadd.s32 @!p0 s3, s7;
	s7 =	simm.s32 @!p0 $0x108  }
0x21: {  	s3 =	sadd.s32 s3, s9;
	s6 =	sadd.s32 @!p0 $0x88, s6;
	s7 =	simm.s32 @p2 $0x1082  }
0x22: {  	[simem:s7], [sflag:s8] =	dma.local @!p0 [hbm:s6], $0xF7A  }
0x23: {  	s9 =	sor.u32 $0xD0000000, s2;
	s6 =	simm.s32 $0x108;
	_ =	swait.ge @!p0 [sflag:s8], $0x0  }
0x24: {  	s3 =	sadd.s32 $0x88, s3;
	s6 =	simm.s32 @!p1 $0x1082;
	[sflag:s4] =	ssyncset.s32 $0xFFFFF086  }
0x25: {  	[simem:s6], [sflag:s4] =	dma.local [hbm:s3], $0xF7A  }
0x26: {  	[smem:$0x3F83] =	sst s1;
	(tag) =	ssettag s2;
	_ =	strace s9  }
0x27: {  	s1 =	sld [smem:$0x3F93]  }
0x28: {  	s2 =	sld [smem:$0x3F94]  }
0x29: {  	s4 =	sld [smem:$0x3F96]  }
0x2a: {  	p0 =	seq.s32 s5, $0x0;
	s5 =	sld [smem:$0x3F97]  }
0x2b: {  	s6 =	sld [smem:$0x3F98]  }
0x2c: {  	s7 =	sld [smem:$0x3F99]  }
0x2d: {  	s3 =	simm.s32 $0x108;
	s8 =	sld [smem:$0x3F9A]  }
0x2e: {  	s3 =	simm.s32 @!p0 $0x1082;
	s9 =	sld [smem:$0x3F9B]  }
0x2f: {  	lr =	sadd.s32 s0, s3;
	s0 =	sld [smem:$0x3F92]  }
0x30: {  	s3 =	sld [smem:$0x3F95]  }
0x31: {  	[smem:$0x3F9E] =	sst s10  }
0x32: {  	s10 =	sld [smem:$0x3F9C];
	_ =	sdelay $0x3  }
0x33: {  	p0 =	seq.s32 s10, $0x1;
	s10 =	sld [smem:$0x3F9E];
	_ =	sdelay $0x3  }
0x34: {  	[smem:$0x3F9E] =	sst s10  }
0x35: {  	s10 =	sld [smem:$0x3F9D];
	_ =	sdelay $0x3  }
0x36: {  	p1 =	seq.s32 s10, $0x1;
	s10 =	sld [smem:$0x3F9E];
	_ =	sdelay $0x3  }
0x37: {  	[smem:$0x3F9E] =	sst s10  }
0x38: {  	s10 =	sld [smem:$0x3F9F]  }
0x39: {  	_ = 	snop;
	(pc) =	sbr.ind lr, $3  }
0x3a: {  	_ = 	snop  }
0x3b: {  	_ = 	snop  }
0x3c: {  	p2 =	seq.s32 s10, $0x1;
	s10 =	sld [smem:$0x3F9E]  }
0x3d: {  	_ =	shalt  }
0x3e: {  	_ =	shalt  }
0x3f: {  	_ =	shalt  }
0x40: {  	_ =	shalt  }
0x41: {  	_ =	shalt  }
0x42: {  	_ =	shalt  }
0x43: {  	_ =	shalt  }
0x44: {  	_ =	shalt  }
0x45: {  	_ =	shalt  }
0x46: {  	_ =	shalt  }
0x47: {  	_ =	shalt  }
0x48: {  	_ =	shalt  }
0x49: {  	_ =	shalt  }
0x4a: {  	_ =	shalt  }
0x4b: {  	_ =	shalt  }
0x4c: {  	_ =	shalt  }
0x4d: {  	_ =	shalt  }
0x4e: {  	_ =	shalt  }
0x4f: {  	_ =	shalt  }
0x50: {  	_ =	shalt  }
0x51: {  	_ =	shalt  }
0x52: {  	_ =	shalt  }
0x53: {  	_ =	shalt  }
0x54: {  	_ =	shalt  }
0x55: {  	_ =	shalt  }
0x56: {  	_ =	shalt  }
0x57: {  	_ =	shalt  }
0x58: {  	_ =	shalt  }
0x59: {  	_ =	shalt  }
0x5a: {  	_ =	shalt  }
0x5b: {  	_ =	shalt  }
0x5c: {  	_ =	shalt  }
0x5d: {  	_ =	shalt  }
0x5e: {  	_ =	shalt  }
0x5f: {  	_ =	shalt  }
0x60: {  	_ =	shalt  }
0x61: {  	_ =	shalt  }
0x62: {  	_ =	shalt  }
0x63: {  	_ =	shalt  }
0x64: {  	_ =	shalt  }
0x65: {  	_ =	shalt  }
0x66: {  	_ =	shalt  }
0x67: {  	_ =	shalt  }
0x68: {  	_ =	shalt  }
0x69: {  	_ =	shalt  }
0x6a: {  	_ =	shalt  }
0x6b: {  	_ =	shalt  }
0x6c: {  	_ =	shalt  }
0x6d: {  	_ =	shalt  }
0x6e: {  	_ =	shalt  }
0x6f: {  	_ =	shalt  }
0x70: {  	_ =	shalt  }
0x71: {  	_ =	shalt  }
0x72: {  	_ =	shalt  }
0x73: {  	_ =	shalt  }
0x74: {  	_ =	shalt  }
0x75: {  	_ =	shalt  }
0x76: {  	_ =	shalt  }
0x77: {  	_ =	shalt  }
0x78: {  	_ =	shalt  }
0x79: {  	_ =	shalt  }
0x7a: {  	_ =	shalt  }
0x7b: {  	_ =	shalt  }
0x7c: {  	_ =	shalt  }
0x7d: {  	_ =	shalt  }
0x7e: {  	_ =	shalt  }
0x7f: {  	_ =	shalt  }
0x80: {  	_ =	shalt  }
0x81: {  	_ =	shalt  }
0x82: {  	_ =	shalt  }
0x83: {  	_ =	shalt  }
0x84: {  	_ =	shalt  }
0x85: {  	_ =	shalt  }
0x86: {  	_ =	shalt  }
0x87: {  	_ =	shalt  }
.Lfunc_end0:
.L_simem_size_0:
called_computation.2_lowered:
.L_overlay_start_0:
0x88: {  	s2 =	sld [smem:$0x3FD9]  }
0x89: {  	s3 =	sld [smem:$0x3FFE];
	_ =	sdelay $0x1  }
0x8a: {  	s1 =	srdreg.scid  }
0x8b: {  	s0 =	sand.u32 $0x1, s1  }
0x8c: {  	s16 =	sshll.u32 s0, $0xA;
	s2 =	sadd.s32 s3, s2  }
0x8d: {  	s2 =	sadd.s32 s2, s16  }
0x8e: {  	[smem:$0x3FAA] =	sst s2  }
0x8f: {  	_ = 	snop  }
0x90: {  	(tm) =	ssettm $0x1  }
0x91: {  	s17 =	sld [smem:$0x3FFB];
	_ =	sdelay $0x3  }
0x92: {  	_ =	strace s17  }
0x93: {  	s2 =	sld [smem:$0x3FFC];
	_ =	sdelay $0x3  }
0x94: {  	_ =	strace s2  }
0x95: {  	s2 =	sld [smem:$0x3FFD];
	_ =	sdelay $0x3  }
0x96: {  	_ =	strace s2  }
0x97: {  	_ =	strace $0x8FFFFFFF  }
0x98: {  	s18 =	sld [smem:$0x3FDB];
	_ =	sdelay $0x1  }
0x99: {  	s19 =	simm.s32 $_scs_section_size  }
0x9a: {  	s4 =	simm.s32 $_size__tile_overlayer_lowered;
	s5 =	simm.s32 $_tile_overlayer_lowered  }
0x9b: {  	s22 =	simm.s32 $0x1BFF;
	s21 =	sshll.u32 s5, $0x1;
	s2 =	sadd.s32 s19, s18  }
0x9c: {  	s6 =	simm.s32 $0x0;
	s20 =	sshll.u32 s4, $0x1;
	s4 =	sadd.s32 s21, s2  }
0x9d: {  	[timem:s6], [sflag:s22] =	dma.local [hbm:s4], s20  }
0x9e: {  	_ =	swait.ge [sflag:s22], s20  }
0x9f: {  	s3 =	ssub.s32 $0x0, s20;
	[sflag:s22] =	ssyncset.done $0x0  }
0xa0: {  	[sflag:s22] =	ssyncadd.s32 s3;
	_ =	sdelay $0x1  }
0xa1: {  	s23 =	simm.s32 $0x1B8B  }
0xa2: {  	_ =	swait.ge [sflag:s23], $0x1  }
0xa3: {  	[sflag:s23] =	ssyncset.done $0x0  }
0xa4: {  	s25 =	simm.s32 $0x1B8E;
	s24 =	sld [smem:$0x3FFE];
	[sflag:s23] =	ssyncadd.s32 $0xFFFFFFFF  }
0xa5: {  	s26 =	simm.s32 $execute0_lowered;
	[smem:$0x3FD2] =	sst s25  }
0xa6: {  	s4 =	sshll.u32 s26, $0x1;
	_ =	strace $0x80000046;
	[dreg:$0x1] =	wrdreg $0xFFFFFFFF  }
0xa7: {  	s28 =	simm.s32 $_size_execute0_lowered;
	s2 =	sadd.s32 s2, s4;
	[dreg:$0x0] =	wrdreg $0x0  }
0xa8: {  	s4 =	sshll.u32 s28, $0x1;
	[dreg:$0x2] =	wrdreg s2  }
0xa9: {  	[dreg:$0x3] =	wrdreg s4  }
0xaa: {  	[dreg:$0x4] =	wrdreg $0xC0  }
0xab: {  	_ =	task [dreg:s6], $0x5FFFF  }
0xac: {  	[dreg:$0x1] =	wrdreg $0xFFFFFFFF  }
0xad: {  	[dreg:$0x0] =	wrdreg $0x60  }
0xae: {  	[dreg:$0x2] =	wrdreg s24  }
0xaf: {  	[dreg:$0x3] =	wrdreg $0xB  }
0xb0: {  	_ =	task.clear_ibuf [dreg:s6], $0x4FFFF;
	_ =	strace $0x90000046  }
0xb1: {  	s29 =	simm.s32 $0xB;
	_ =	strace $0x80000048  }
0xb2: {  	_ =	swait.ge [sflag:s29], $0x1  }
0xb3: {  	[sflag:s29] =	ssyncadd.s32 $0xFFFFFFFF  }
0xb4: {  	_ =	strace $0x90000048  }
0xb5: {  	_ =	sfence  }
0xb6: {  	s30 =	sld [smem:$0x0];
	_ =	sdelay $0x2  }
0xb7: {  	s31 =	sshll.u32 s1, $0xD;
	s1 =	sshrl.u32 s1, $0x2  }
0xb8: {  	s3 =	sand.u32 $0x4000, s31;
	s1 =	sadd.s32 s1, s30  }
0xb9: {  	s0 =	sor.u32 s3, s0;
	s1 =	sshll.u32 s1, $0x11  }
0xba: {  	s0 =	sor.u32 s1, s0  }
0xbb: {  	s0 =	sadd.s32 $0x8F2B, s0  }
0xbc: {  	[sflag:s0] =	ssyncadd.remote.s32 $0x1  }
0xbd: {  	_ =	sfence.sel $0xFFFF  }
0xbe: {  	[dreg:$0x0] =	wrdreg $0xFFFFFFFF;
	(pc) =	sbr.abs _section_cstart, $3  }
0xbf: {  	[dreg:$0x1] =	wrdreg $0xFFFFFFFF  }
0xc0: {  	_ =	task.clear_ibuf [dreg:s6], $0x2FFFF;
	_ =	strace $0x9FFFFFFF  }
0xc1: {  	(tm) =	ssettm $0x7FFFFFFF  }
tec
execute0_lowered:
.L_overlay_start_1:
0x0: {  	(tag) =	ssettag $0x1  }
0x1: {  	s5 =	rddreg [dreg:$0x0]  }
0x2: {  	s1 =	srdreg.scid;
	s2 =	simm.s32 $0x0;
	s0 =	stileid.u32  }
0x3: {  	s31 =	simm.s32 $0x50;
	s12 =	simm.s32 $0x4000;
	s11 =	simm.s32 $0x1  }
0x4: {  	s13 =	simm.s32 $0x6800;
	s14 =	simm.s32 $0x9000;
	s15 =	simm.s32 $0xB800  }
0x5: {  	s16 =	simm.s32 $0x6;
	s17 =	simm.s32 $0x7;
	s18 =	simm.s32 $0x8  }
0x6: {  	s19 =	simm.s32 $0x9;
	s20 =	simm.s32 $0xA;
	s21 =	simm.s32 $0x0  }
0x7: {  	s6 =	sand.u32 $0x1, s1;
	[smem:$0x7FF] =	sst s2;
	s3 =	sadd.s32 $0x29600, s5  }
0x8: {  	s29 =	smul.u32 $0x27100, s0;
	_ =	strace $0x80000047;
	[dreg:$0x2] =	wrdreg s31  }
0x9: {  	s4 =	sshll.u32 s6, $0x4;
	s8 =	ssub.s32 $0x2, s6;
	[dreg:$0x3] =	wrdreg s12  }
0xa: {  	s10 =	smul.u32 $0x271000, s6;
	s12 =	simm.s32 $0x2;
	[dreg:$0x4] =	wrdreg s13  }
0xb: {  	s13 =	simm.s32 $0x3;
	[dreg:$0x5] =	wrdreg s14;
	s14 =	simm.s32 $0x4  }
0xc: {  	[dreg:$0x6] =	wrdreg s15;
	s15 =	simm.s32 $0x5;
	s4 =	sor.u32 s0, s4  }
0xd: {  	s9 =	sshrl.u32 s8, $0x1;
	s7 =	sshll.u32 s4, $0xB;
	s4 =	smul.u32 $0x2710, s4  }
0xe: {  	s8 =	ssub.s32 s8, s9;
	s7 =	sadd.s32 s7, s5;
	s5 =	sadd.s32 $0x77A00, s5  }
0xf: {  	s9 =	simm.s32 $0xB;
	s6 =	sadd.s32 $0x19600, s7;
	s30 =	sadd.s32 s10, s5  }
0x10: {  	s7 =	smax.u32 s8, $0x1;
	s10 =	simm.s32 $0xE000;
	s8 =	sadd.s32 s29, s30  }
.LBB2_1:
0x11: {  	[tilespmem:s2], [sflag:$0xB] =	stream.linear.gather [hbm4b:s6+s2], $0x3E80, $0x38;
	[tilespmem:$0x10800] =	vst v63  }
0x12: {  	_ =	swait.ge [sflag:s9], $0x3E80  }
0x13: {  	p0 =	por $0x0, $0x0;
	[sflag:s9] =	ssyncset.done $0x0  }
0x14: {  	s22 =	simm.s32 @p0 $0x6;
	[sflag:s9] =	ssyncadd.s32 $0xFFFFC180  }
0x15: {  	_ =	swait.ge @p0 [sflag:s22], $0x2800  }
0x16: {  	s23 =	simm.s32 @p0 $0x4000;
	s24 =	simm.s32 @p0 $0x7;
	[sflag:s22] =	ssyncset.done @p0 $0x0  }
0x17: {  	s25 =	simm.s32 @p0 $0x50;
	[sflag:s22] =	ssyncadd.s32 @p0 $0xFFFFD800;
	s22 =	simm.s32 @p0 $0x0  }
0x18: {  	[tilespmem:s23], [sflag:$0x1] =	stream.indirect.gather @p0 [hbm4b:s3+s25], $0x80, s22, s25, $0xb8;
	[tilespmem:$0x10800] =	vst v63  }
0x19: {  	_ =	swait.ge @p0 [sflag:s24], $0x2800  }
0x1a: {  	s22 =	simm.s32 @p0 $0x80;
	[sflag:s24] =	ssyncset.done @p0 $0x0  }
0x1b: {  	s23 =	simm.s32 @p0 $0x6800;
	[sflag:s24] =	ssyncadd.s32 @p0 $0xFFFFD800;
	s24 =	simm.s32 @p0 $0x8  }
0x1c: {  	[tilespmem:s23], [sflag:$0x2] =	stream.indirect.gather @p0 [hbm4b:s3+s25], $0x80, s22, s25, $0xb8;
	[tilespmem:$0x10800] =	vst v63  }
0x1d: {  	_ =	swait.ge @p0 [sflag:s24], $0x2800  }
0x1e: {  	s22 =	simm.s32 @p0 $0x100;
	[sflag:s24] =	ssyncset.done @p0 $0x0  }
0x1f: {  	s23 =	simm.s32 @p0 $0x9000;
	[sflag:s24] =	ssyncadd.s32 @p0 $0xFFFFD800;
	s24 =	simm.s32 @p0 $0x9  }
0x20: {  	[tilespmem:s23], [sflag:$0x3] =	stream.indirect.gather @p0 [hbm4b:s3+s25], $0x80, s22, s25, $0xb8;
	[tilespmem:$0x10800] =	vst v63  }
0x21: {  	_ =	swait.ge @p0 [sflag:s24], $0x2800  }
0x22: {  	s22 =	simm.s32 @p0 $0x180;
	[sflag:s24] =	ssyncset.done @p0 $0x0  }
0x23: {  	s23 =	simm.s32 @p0 $0xB800;
	[sflag:s24] =	ssyncadd.s32 @p0 $0xFFFFD800;
	s24 =	simm.s32 @p0 $0xA  }
0x24: {  	[tilespmem:s23], [sflag:$0x4] =	stream.indirect.gather @p0 [hbm4b:s3+s25], $0x80, s22, s25, $0xb8;
	[tilespmem:$0x10800] =	vst v63  }
0x25: {  	_ =	swait.ge @p0 [sflag:s24], $0x2800  }
0x26: {  	s22 =	simm.s32 @!p0 $0x4000;
	[sflag:s24] =	ssyncset.done @p0 $0x0  }
0x27: {  	s23 =	simm.s32 @!p0 $0x50;
	[sflag:s24] =	ssyncadd.s32 @p0 $0xFFFFD800;
	s24 =	simm.s32 @!p0 $0x0  }
0x28: {  	[tilespmem:s22], [sflag:$0x1] =	stream.indirect.gather @!p0 [hbm4b:s3+s23], $0x80, s24, s23, $0xb8;
	[tilespmem:$0x10800] =	vst v63  }
0x29: {  	s22 =	simm.s32 @!p0 $0x80;
	s24 =	simm.s32 @!p0 $0x6800  }
0x2a: {  	[tilespmem:s24], [sflag:$0x2] =	stream.indirect.gather @!p0 [hbm4b:s3+s23], $0x80, s22, s23, $0xb8;
	[tilespmem:$0x10800] =	vst v63  }
0x2b: {  	s24 =	simm.s32 $0x4  }
0x2c: {  	s26 =	simm.s32 @!p0 $0x9000;
	s25 =	simm.s32 @!p0 $0x100;
	s24 =	simm.s32 @!p0 $0x4  }
0x2d: {  	[tilespmem:s26], [sflag:$0x3] =	stream.indirect.gather @!p0 [hbm4b:s3+s23], $0x80, s25, s23, $0xb8;
	[tilespmem:$0x10800] =	vst v63  }
0x2e: {  	s22 =	simm.s32 @!p0 $0xB800;
	s25 =	simm.s32 @!p0 $0x180;
	s31 =	sshll.u32 s24, $0x7  }
0x2f: {  	[tilespmem:s22], [sflag:$0x4] =	stream.indirect.gather @!p0 [hbm4b:s3+s23], $0x80, s25, s23, $0xb8;
	[tilespmem:$0x10800] =	vst v63  }
0x30: {  	s28 =	rddreg [dreg:$0x2];
	s24 =	smul.u32 $0x50, s24;
	s0 =	sand.u32 $0x3FFFFF80, s31  }
0x31: {  	[tilespmem:s10], [sflag:$0x5] =	stream.indirect.gather [hbm4b:s3+s28], $0x80, s0, s28, $0xb8;
	[tilespmem:$0x10800] =	vst v63  }
0x32: {  	s23 =	simm.s32 @p0 $0x50;
	s31 =	sadd.s32 s4, s24;
	_ =	swait.ge [sflag:s11], $0x2800  }
0x33: {  	s24 =	sadd.s32 $0x1900, s8;
	s23 =	simm.s32 @!p0 $0x50;
	[sflag:s11] =	ssyncset.done $0x0  }
0x34: {  	s25 =	sadd.s32 s4, s23;
	s1 =	rddreg [dreg:$0x3];
	[sflag:s11] =	ssyncadd.s32 $0xFFFFD800  }
0x35: {  	[hbm4b:s8+s2] =	stream.linear.scatter [tilespmem:s1], [sflag:$0x6], $0x2800, $0x38;
	[tilespmem:$0x10800] =	vst v63  }
0x36: {  	s22 =	sshll.u32 s25, $0x4;
	s25 =	simm.s32 @p0 $0xA0;
	_ =	swait.ge [sflag:s12], $0x2800  }
0x37: {  	s22 =	sadd.s32 s5, s22;
	s25 =	simm.s32 @!p0 $0xA0;
	[sflag:s12] =	ssyncset.done $0x0  }
0x38: {  	s29 =	sadd.s32 s4, s25;
	s26 =	rddreg [dreg:$0x4];
	[sflag:s12] =	ssyncadd.s32 $0xFFFFD800  }
0x39: {  	[hbm4b:s22+s2] =	stream.linear.scatter [tilespmem:s26], [sflag:$0x7], $0x2800, $0x38;
	[tilespmem:$0x10800] =	vst v63  }
0x3a: {  	s25 =	simm.s32 $0xA00;
	s23 =	sshll.u32 s29, $0x4;
	_ =	swait.ge [sflag:s13], $0x2800  }
0x3b: {  	s23 =	sadd.s32 s5, s23;
	s22 =	simm.s32 $0xF0;
	[sflag:s13] =	ssyncset.done $0x0  }
0x3c: {  	s22 =	simm.s32 @!p0 $0xF0;
	s30 =	rddreg [dreg:$0x5];
	[sflag:s13] =	ssyncadd.s32 $0xFFFFD800  }
0x3d: {  	[hbm4b:s23+s2] =	stream.linear.scatter [tilespmem:s30], [sflag:$0x8], $0x2800, $0x38;
	[tilespmem:$0x10800] =	vst v63  }
0x3e: {  	s29 =	sshll.u32 s31, $0x4;
	s22 =	sadd.s32 s4, s22;
	_ =	swait.ge [sflag:s14], $0x2800  }
0x3f: {  	s26 =	simm.s32 $0x1400;
	s22 =	sshll.u32 s22, $0x4;
	[sflag:s14] =	ssyncset.done $0x0  }
0x40: {  	s22 =	sadd.s32 s5, s22;
	s28 =	rddreg [dreg:$0x6];
	[sflag:s14] =	ssyncadd.s32 $0xFFFFD800  }
0x41: {  	[hbm4b:s22+s2] =	stream.linear.scatter [tilespmem:s28], [sflag:$0x9], $0x2800, $0x38;
	[tilespmem:$0x10800] =	vst v63  }
0x42: {  	p0 =	por $0x1, $0x1;
	s23 =	simm.s32 $0x280;
	_ =	swait.ge [sflag:s15], $0x2800  }
0x43: {  	s22 =	simm.s32 $0x9;
	s28 =	sadd.s32 s5, s29;
	[sflag:s15] =	ssyncset.done $0x0  }
.LBB2_2:
0x44: {  	s29 =	simm.s32 @p0 $0x6;
	[sflag:s15] =	ssyncadd.s32 $0xFFFFD800  }
0x45: {  	[hbm4b:s28+s2] =	stream.linear.scatter [tilespmem:s10], [sflag:$0xA], $0x2800, $0x38;
	[tilespmem:$0x10800] =	vst v63  }
0x46: {  	s30 =	smov.u32 s26;
	_ =	swait.ge @p0 [sflag:s29], $0x2800  }
0x47: {  	s31 =	simm.s32 @p0 $0x7;
	s25 =	sshra.s32 @p0 s25, $0x2;
	[sflag:s29] =	ssyncset.done @p0 $0x0  }
0x48: {  	s28 =	simm.s32 @p0 $0x4000;
	[sflag:s29] =	ssyncadd.s32 @p0 $0xFFFFD800;
	s29 =	simm.s32 @p0 $0x50  }
0x49: {  	[tilespmem:s28], [sflag:$0x1] =	stream.indirect.gather @p0 [hbm4b:s3+s29], $0x80, s25, s29, $0xb8;
	[tilespmem:$0x10800] =	vst v63  }
0x4a: {  	s0 =	sadd.s32 @p0 $0x100, s25;
	s1 =	sadd.s32 @p0 $0x180, s25;
	_ =	swait.ge @p0 [sflag:s31], $0x2800  }
0x4b: {  	s28 =	sadd.s32 @p0 $0x80, s25;
	s25 =	smov.u32 s30;
	[sflag:s31] =	ssyncset.done @p0 $0x0  }
0x4c: {  	s30 =	simm.s32 @p0 $0x6800;
	[sflag:s31] =	ssyncadd.s32 @p0 $0xFFFFD800;
	s31 =	simm.s32 @p0 $0x8  }
0x4d: {  	[tilespmem:s30], [sflag:$0x2] =	stream.indirect.gather @p0 [hbm4b:s3+s29], $0x80, s28, s29, $0xb8;
	[tilespmem:$0x10800] =	vst v63  }
0x4e: {  	_ =	swait.ge @p0 [sflag:s31], $0x2800  }
0x4f: {  	[sflag:s31] =	ssyncset.done @p0 $0x0  }
0x50: {  	s28 =	simm.s32 @p0 $0x9000;
	s30 =	simm.s32 @p0 $0x9;
	[sflag:s31] =	ssyncadd.s32 @p0 $0xFFFFD800  }
0x51: {  	[tilespmem:s28], [sflag:$0x3] =	stream.indirect.gather @p0 [hbm4b:s3+s29], $0x80, s0, s29, $0xb8;
	[tilespmem:$0x10800] =	vst v63  }
0x52: {  	_ =	swait.ge @p0 [sflag:s30], $0x2800  }
0x53: {  	[sflag:s30] =	ssyncset.done @p0 $0x0  }
0x54: {  	s0 =	simm.s32 @p0 $0xB800;
	s28 =	simm.s32 @p0 $0xA;
	[sflag:s30] =	ssyncadd.s32 @p0 $0xFFFFD800  }
0x55: {  	[tilespmem:s0], [sflag:$0x4] =	stream.indirect.gather @p0 [hbm4b:s3+s29], $0x80, s1, s29, $0xb8;
	[tilespmem:$0x10800] =	vst v63  }
0x56: {  	_ =	swait.ge @p0 [sflag:s28], $0x2800  }
0x57: {  	s0 =	simm.s32 @!p0 $0x4000;
	[sflag:s28] =	ssyncset.done @p0 $0x0  }
0x58: {  	s1 =	simm.s32 @!p0 $0x50;
	[sflag:s28] =	ssyncadd.s32 @p0 $0xFFFFD800;
	s28 =	simm.s32 @!p0 $0x0  }
0x59: {  	[tilespmem:s0], [sflag:$0x1] =	stream.indirect.gather @!p0 [hbm4b:s3+s1], $0x80, s28, s1, $0xb8;
	[tilespmem:$0x10800] =	vst v63  }
0x5a: {  	s30 =	smov.u32 s22;
	s0 =	simm.s32 @!p0 $0x80;
	s28 =	simm.s32 @!p0 $0x6800  }
0x5b: {  	[tilespmem:s28], [sflag:$0x2] =	stream.indirect.gather @!p0 [hbm4b:s3+s1], $0x80, s0, s1, $0xb8;
	[tilespmem:$0x10800] =	vst v63  }
0x5c: {  	s30 =	simm.s32 @!p0 $0x4;
	s0 =	simm.s32 @!p0 $0x100;
	s28 =	simm.s32 @!p0 $0x9000  }
0x5d: {  	[tilespmem:s28], [sflag:$0x3] =	stream.indirect.gather @!p0 [hbm4b:s3+s1], $0x80, s0, s1, $0xb8;
	[tilespmem:$0x10800] =	vst v63  }
0x5e: {  	s29 =	simm.s32 @!p0 $0xB800;
	s0 =	simm.s32 @!p0 $0x180;
	s28 =	sshll.u32 s30, $0x7  }
0x5f: {  	[tilespmem:s29], [sflag:$0x4] =	stream.indirect.gather @!p0 [hbm4b:s3+s1], $0x80, s0, s1, $0xb8;
	[tilespmem:$0x10800] =	vst v63  }
0x60: {  	s31 =	rddreg [dreg:$0x2];
	s30 =	smul.u32 $0x50, s30;
	s29 =	sand.u32 $0x3FFFFF80, s28  }
0x61: {  	[tilespmem:s10], [sflag:$0x5] =	stream.indirect.gather [hbm4b:s3+s31], $0x80, s29, s31, $0xb8;
	[tilespmem:$0x10800] =	vst v63  }
0x62: {  	s28 =	sadd.s32 @p0 $0xFFFFFF60, s23;
	_ =	swait.ge [sflag:s11], $0x2800  }
0x63: {  	s1 =	sadd.s32 s4, s30;
	s28 =	simm.s32 @!p0 $0x50;
	[sflag:s11] =	ssyncset.done $0x0  }
0x64: {  	s30 =	sadd.s32 s4, s28;
	s29 =	rddreg [dreg:$0x3];
	[sflag:s11] =	ssyncadd.s32 $0xFFFFD800  }
0x65: {  	[hbm4b:s24+s2] =	stream.linear.scatter [tilespmem:s29], [sflag:$0x6], $0x2800, $0x38;
	[tilespmem:$0x10800] =	vst v63  }
0x66: {  	s0 =	sshll.u32 s1, $0x4;
	s1 =	sshll.u32 s30, $0x4;
	_ =	swait.ge [sflag:s12], $0x2800  }
0x67: {  	s1 =	sadd.s32 s5, s1;
	s29 =	sadd.s32 @p0 $0xFFFFFFB0, s23;
	[sflag:s12] =	ssyncset.done $0x0  }
0x68: {  	s29 =	simm.s32 @!p0 $0xA0;
	s28 =	rddreg [dreg:$0x4];
	[sflag:s12] =	ssyncadd.s32 $0xFFFFD800  }
0x69: {  	[hbm4b:s1+s2] =	stream.linear.scatter [tilespmem:s28], [sflag:$0x7], $0x2800, $0x38;
	[tilespmem:$0x10800] =	vst v63  }
0x6a: {  	s31 =	sadd.s32 s4, s29;
	_ =	swait.ge [sflag:s13], $0x2800  }
0x6b: {  	s1 =	sshll.u32 s31, $0x4;
	[sflag:s13] =	ssyncset.done $0x0  }
0x6c: {  	s1 =	sadd.s32 s5, s1;
	s28 =	rddreg [dreg:$0x5];
	[sflag:s13] =	ssyncadd.s32 $0xFFFFD800  }
0x6d: {  	[hbm4b:s1+s2] =	stream.linear.scatter [tilespmem:s28], [sflag:$0x8], $0x2800, $0x38;
	[tilespmem:$0x10800] =	vst v63  }
0x6e: {  	s26 =	sadd.s32 $0xA00, s26;
	s1 =	smov.u32 s23  }
0x6f: {  	p1 =	sne.s32 s26, $0xFA00;
	s1 =	simm.s32 @!p0 $0xF0  }
0x70: {  	s22 =	sadd.s32 $0x5, s22;
	_ =	swait.ge [sflag:s14], $0x2800;
	s1 =	sadd.s32 s4, s1  }
.Ltmp0:
0x71: {  	[sflag:s14] =	ssyncset.done $0x0;
	s1 =	sshll.u32 s1, $0x4;
	(pc) =	sbr.rel @p1 .LBB2_2-.Ltmp0, $4  }
0x72: {  	s28 =	rddreg [dreg:$0x6];
	[sflag:s14] =	ssyncadd.s32 $0xFFFFD800;
	s1 =	sadd.s32 s5, s1  }
0x73: {  	[hbm4b:s1+s2] =	stream.linear.scatter [tilespmem:s28], [sflag:$0x9], $0x2800, $0x38;
	[tilespmem:$0x10800] =	vst v63  }
0x74: {  	s24 =	sadd.s32 $0x1900, s24;
	s23 =	sadd.s32 $0x190, s23;
	_ =	swait.ge [sflag:s15], $0x2800  }
0x75: {  	p0 =	sne.s32 s25, $0x0;
	s28 =	sadd.s32 s5, s0;
	[sflag:s15] =	ssyncset.done $0x0  }
0x76: {  	s0 =	simm.s32 @p0 $0x6;
	[sflag:s15] =	ssyncadd.s32 $0xFFFFD800  }
0x77: {  	[hbm4b:s28+s2] =	stream.linear.scatter [tilespmem:s10], [sflag:$0xA], $0x2800, $0x38;
	[tilespmem:$0x10800] =	vst v63  }
0x78: {  	_ =	swait.ge @p0 [sflag:s0], $0x2800  }
0x79: {  	s1 =	simm.s32 @p0 $0x4000;
	s26 =	simm.s32 @p0 $0x7;
	[sflag:s0] =	ssyncset.done @p0 $0x0  }
0x7a: {  	[sflag:s0] =	ssyncadd.s32 @p0 $0xFFFFD800;
	s0 =	sshra.s32 @p0 s25, $0x2;
	s25 =	simm.s32 @p0 $0x50  }
0x7b: {  	[tilespmem:s1], [sflag:$0x1] =	stream.indirect.gather @p0 [hbm4b:s3+s25], $0x80, s0, s25, $0xb8;
	[tilespmem:$0x10800] =	vst v63  }
0x7c: {  	_ =	swait.ge @p0 [sflag:s26], $0x2800  }
0x7d: {  	s28 =	simm.s32 @p0 $0x8;
	[sflag:s26] =	ssyncset.done @p0 $0x0  }
0x7e: {  	s1 =	sadd.s32 @p0 $0x80, s0;
	[sflag:s26] =	ssyncadd.s32 @p0 $0xFFFFD800;
	s26 =	simm.s32 @p0 $0x6800  }
0x7f: {  	[tilespmem:s26], [sflag:$0x2] =	stream.indirect.gather @p0 [hbm4b:s3+s25], $0x80, s1, s25, $0xb8;
	[tilespmem:$0x10800] =	vst v63  }
0x80: {  	_ =	swait.ge @p0 [sflag:s28], $0x2800  }
0x81: {  	s1 =	sadd.s32 @p0 $0x100, s0;
	[sflag:s28] =	ssyncset.done @p0 $0x0  }
0x82: {  	s26 =	simm.s32 @p0 $0x9000;
	[sflag:s28] =	ssyncadd.s32 @p0 $0xFFFFD800;
	s28 =	simm.s32 @p0 $0x9  }
0x83: {  	[tilespmem:s26], [sflag:$0x3] =	stream.indirect.gather @p0 [hbm4b:s3+s25], $0x80, s1, s25, $0xb8;
	[tilespmem:$0x10800] =	vst v63  }
0x84: {  	_ =	swait.ge @p0 [sflag:s28], $0x2800  }
0x85: {  	s0 =	sadd.s32 @p0 $0x180, s0;
	[sflag:s28] =	ssyncset.done @p0 $0x0  }
0x86: {  	s1 =	simm.s32 @p0 $0xB800;
	s26 =	simm.s32 @p0 $0xA;
	[sflag:s28] =	ssyncadd.s32 @p0 $0xFFFFD800  }
0x87: {  	[tilespmem:s1], [sflag:$0x4] =	stream.indirect.gather @p0 [hbm4b:s3+s25], $0x80, s0, s25, $0xb8;
	[tilespmem:$0x10800] =	vst v63  }
0x88: {  	_ =	swait.ge @p0 [sflag:s26], $0x2800  }
0x89: {  	s0 =	simm.s32 @!p0 $0x4000;
	[sflag:s26] =	ssyncset.done @p0 $0x0  }
0x8a: {  	s1 =	simm.s32 @!p0 $0x50;
	s25 =	simm.s32 @!p0 $0x0;
	[sflag:s26] =	ssyncadd.s32 @p0 $0xFFFFD800  }
0x8b: {  	[tilespmem:s0], [sflag:$0x1] =	stream.indirect.gather @!p0 [hbm4b:s3+s1], $0x80, s25, s1, $0xb8;
	[tilespmem:$0x10800] =	vst v63  }
0x8c: {  	s0 =	simm.s32 @!p0 $0x80;
	s25 =	simm.s32 @!p0 $0x6800  }
0x8d: {  	[tilespmem:s25], [sflag:$0x2] =	stream.indirect.gather @!p0 [hbm4b:s3+s1], $0x80, s0, s1, $0xb8;
	[tilespmem:$0x10800] =	vst v63  }
0x8e: {  	s22 =	simm.s32 @!p0 $0x4;
	s0 =	simm.s32 @!p0 $0x100;
	s25 =	simm.s32 @!p0 $0x9000  }
0x8f: {  	[tilespmem:s25], [sflag:$0x3] =	stream.indirect.gather @!p0 [hbm4b:s3+s1], $0x80, s0, s1, $0xb8;
	[tilespmem:$0x10800] =	vst v63  }
0x90: {  	s31 =	sshll.u32 s22, $0x7;
	s26 =	simm.s32 @!p0 $0xB800;
	s0 =	simm.s32 @!p0 $0x180  }
0x91: {  	[tilespmem:s26], [sflag:$0x4] =	stream.indirect.gather @!p0 [hbm4b:s3+s1], $0x80, s0, s1, $0xb8;
	[tilespmem:$0x10800] =	vst v63  }
0x92: {  	s30 =	sand.u32 $0x3FFFFF80, s31;
	s29 =	rddreg [dreg:$0x2]  }
0x93: {  	[tilespmem:s10], [sflag:$0x5] =	stream.indirect.gather [hbm4b:s3+s29], $0x80, s30, s29, $0xb8;
	[tilespmem:$0x10800] =	vst v63  }
0x94: {  	_ =	swait.ge [sflag:s11], $0x2800  }
0x95: {  	s1 =	sadd.s32 @p0 $0xFFFFFF60, s23;
	[sflag:s11] =	ssyncset.done $0x0  }
0x96: {  	s1 =	simm.s32 @!p0 $0x50;
	s31 =	rddreg [dreg:$0x3];
	[sflag:s11] =	ssyncadd.s32 $0xFFFFD800  }
0x97: {  	[hbm4b:s24+s2] =	stream.linear.scatter [tilespmem:s31], [sflag:$0x6], $0x2800, $0x38;
	[tilespmem:$0x10800] =	vst v63  }
0x98: {  	s24 =	sadd.s32 s4, s1  }
0x99: {  	_ =	swait.ge [sflag:s12], $0x2800;
	s0 =	sshll.u32 s24, $0x4  }
0x9a: {  	s24 =	sadd.s32 @p0 $0xFFFFFFB0, s23;
	s25 =	rddreg [dreg:$0x4];
	[sflag:s12] =	ssyncset.done $0x0  }
0x9b: {  	s0 =	sadd.s32 s5, s0;
	s24 =	simm.s32 @!p0 $0xA0;
	[sflag:s12] =	ssyncadd.s32 $0xFFFFD800  }
0x9c: {  	[hbm4b:s0+s2] =	stream.linear.scatter [tilespmem:s25], [sflag:$0x7], $0x2800, $0x38;
	[tilespmem:$0x10800] =	vst v63  }
0x9d: {  	s26 =	sadd.s32 s4, s24;
	_ =	swait.ge [sflag:s13], $0x2800  }
0x9e: {  	s23 =	simm.s32 @!p0 $0xF0;
	s0 =	sshll.u32 s26, $0x4;
	[sflag:s13] =	ssyncset.done $0x0  }
0x9f: {  	s0 =	sadd.s32 s5, s0;
	s28 =	rddreg [dreg:$0x5];
	[sflag:s13] =	ssyncadd.s32 $0xFFFFD800  }
0xa0: {  	[hbm4b:s0+s2] =	stream.linear.scatter [tilespmem:s28], [sflag:$0x8], $0x2800, $0x38;
	[tilespmem:$0x10800] =	vst v63  }
0xa1: {  	s29 =	sadd.s32 s4, s23;
	_ =	swait.ge [sflag:s14], $0x2800  }
0xa2: {  	s22 =	smul.u32 $0x50, s22;
	s0 =	sshll.u32 s29, $0x4;
	[sflag:s14] =	ssyncset.done $0x0  }
0xa3: {  	s0 =	sadd.s32 s5, s0;
	s30 =	rddreg [dreg:$0x6];
	[sflag:s14] =	ssyncadd.s32 $0xFFFFD800  }
0xa4: {  	[hbm4b:s0+s2] =	stream.linear.scatter [tilespmem:s30], [sflag:$0x9], $0x2800, $0x38;
	[tilespmem:$0x10800] =	vst v63  }
0xa5: {  	s31 =	sadd.s32 s4, s22;
	_ =	swait.ge [sflag:s15], $0x2800  }
0xa6: {  	s0 =	sshll.u32 s31, $0x4;
	[sflag:s15] =	ssyncset.done $0x0  }
0xa7: {  	s0 =	sadd.s32 s5, s0;
	[sflag:s15] =	ssyncadd.s32 $0xFFFFD800  }
0xa8: {  	[hbm4b:s0+s2] =	stream.linear.scatter [tilespmem:s10], [sflag:$0xA], $0x2800, $0x38;
	[tilespmem:$0x10800] =	vst v63  }
0xa9: {  	_ =	swait.ge [sflag:s16], $0x2800  }
0xaa: {  	[sflag:s16] =	ssyncset.done $0x0  }
0xab: {  	[sflag:s16] =	ssyncadd.s32 $0xFFFFD800  }
0xac: {  	_ =	swait.ge [sflag:s17], $0x2800  }
0xad: {  	[sflag:s17] =	ssyncset.done $0x0  }
0xae: {  	[sflag:s17] =	ssyncadd.s32 $0xFFFFD800  }
0xaf: {  	_ =	swait.ge [sflag:s18], $0x2800  }
0xb0: {  	[sflag:s18] =	ssyncset.done $0x0  }
0xb1: {  	s21 =	sadd.s32 $0x1, s21;
	[sflag:s18] =	ssyncadd.s32 $0xFFFFD800  }
0xb2: {  	p0 =	sne.s32 s21, s7;
	_ =	swait.ge [sflag:s19], $0x2800  }
.Ltmp1:
0xb3: {  	[sflag:s19] =	ssyncset.done $0x0;
	(pc) =	sbr.rel @p0 .LBB2_1-.Ltmp1, $4  }
0xb4: {  	[sflag:s19] =	ssyncadd.s32 $0xFFFFD800  }
0xb5: {  	_ =	swait.ge [sflag:s20], $0x2800  }
0xb6: {  	[sflag:s20] =	ssyncset.done $0x0  }
0xb7: {  	[sflag:s20] =	ssyncadd.s32 $0xFFFFD800  }
0xb8: {  	_ =	sfence.sel $0x180000  }
0xb9: {  	[bflag:$0x0] =	sbarrier.arrive $0xFFFF  }
0xba: {  	_ =	strace $0x90000047  }
0xbb: {  	s0 =	stileid.u32;
	[bflag:$0x2] =	sbarrier.arrive $0xFFFF  }
0xbc: {  	p0 =	sne.s32 s0, $0x0;
	s0 =	rddreg [dreg:$0x1]  }
0xbd: {  	s0 =	sadd.s32 @!p0 $0x100000, s0  }
0xbe: {  	[sflag:s0] =	ssyncadd.tile.s32 @!p0 $0x1;
	_ =	shalt  }
.Lfunc_end2:
_tile_overlayer_lowered:
.L_overlay_start_2:
0xbf: {  	(tag) =	ssettag $0x2  }
0xc0: {  	s0 =	rddreg [dreg:$0x0];
	s2 =	stileid.u32  }
0xc1: {  	s1 =	rddreg [dreg:$0x1];
	p0 =	sne.s32 s2, $0x0  }
0xc2: {  	s3 =	rddreg [dreg:$0x2];
	[bflag:$0x3] =	sbarrier.arrive $0xFFFF;
	s2 =	simm.s32 @!p0 $0x1C0B  }
0xc3: {  	[timem:s3], [sflag:s2] =	dma.local @!p0 [hbm:s0], s1  }
0xc4: {  	s0 =	simm.s32 @!p0 $0xB  }
0xc5: {  	_ =	swait.ge @!p0 [sflag:s0], s1  }
0xc6: {  	s1 =	ssub.s32 @!p0 $0x0, s1;
	[sflag:s0] =	ssyncset.done @!p0 $0x0  }
0xc7: {  	[sflag:s0] =	ssyncadd.s32 @!p0 s1  }
0xc8: {  	[bflag:$0x3] =	sbarrier.arrive $0xFFFF  }
0xc9: {  	_ =	shalt  }

// kernel: kernel.23.cloned.1.call-start
scs
__scs_entry_jumppad:
0x0: {  	(pc) =	sbr.rel $0x88, $3  }
0x1: {  	(tag) =	ssettag $0x0;
	lr =	simm.s32 $0x1  }
0x2: {  	[smem:$0x3F83] =	sst lr;
	_ =	strace $0xD0000000  }
0x3: {  	_ = 	snop  }
0x4: {  	_ = 	snop  }
0x5: {  	_ = 	snop  }
0x6: {  	_ = 	snop  }
0x7: {  	_ = 	snop  }
__scs_overlays_trampoline_lowered:
0x8: {  	[smem:$0x3F92] =	sst s0  }
0x9: {  	[smem:$0x3F93] =	sst s1  }
0xa: {  	[smem:$0x3F94] =	sst s2  }
0xb: {  	[smem:$0x3F95] =	sst s3  }
0xc: {  	[smem:$0x3F96] =	sst s4  }
0xd: {  	[smem:$0x3F97] =	sst s5  }
0xe: {  	[smem:$0x3F98] =	sst s6  }
0xf: {  	[smem:$0x3F99] =	sst s7  }
0x10: {  	[smem:$0x3F9A] =	sst s8  }
0x11: {  	[smem:$0x3F9B] =	sst s9;
	s0 =	simm.s32 @!p0 $0x0  }
0x12: {  	s1 =	sld [smem:$0x3F81];
	s0 =	simm.s32 @p0 $0x1  }
0x13: {  	[smem:$0x3F9C] =	sst s0;
	s0 =	simm.s32 @!p1 $0x0  }
0x14: {  	s2 =	sld [smem:$0x3F80];
	s0 =	simm.s32 @p1 $0x1  }
0x15: {  	[smem:$0x3F9D] =	sst s0;
	s0 =	simm.s32 @!p2 $0x0  }
0x16: {  	s3 =	sld [smem:$0x3FDB];
	s0 =	simm.s32 @p2 $0x1  }
0x17: {  	s4 =	simm.s32 $0x1BF5;
	[smem:$0x3F9F] =	sst s0  }
0x18: {  	s0 =	sld [smem:$0x3F82];
	_ =	swait.ge [sflag:s4], $0x0  }
0x19: {  	s7 =	sld [smem:$0x3F83]  }
0x1a: {  	s8 =	sadd.s32 $0xFFFFE003, lr  }
0x1b: {  	s9 =	sadd.s32 $0xFFFFFEF7, lr;
	s5 =	simm.s32 $0xFFFFFFFF;
	p2 =	slt.u32 s8, $0xFFFFF086  }
0x1c: {  	p1 =	slt.u32 s9, $0xF7A;
	s5 =	simm.s32 @!p2 $0x0  }
0x1d: {  	s5 =	simm.s32 @p1 $0x1;
	p0 =	seq.s32 s7, s2  }
0x1e: {  	s7 =	smul.u32 @!p0 $0xF7A, s2;
	p2 =	seq.s32 @!p0 s5, $0x0  }
0x1f: {  	s9 =	smul.u32 $0xF7A, s1;
	s8 =	simm.s32 @!p0 $0x1BF5;
	p2 =	por !p2, p0  }
0x20: {  	[sflag:s8] =	ssyncset.s32 @!p0 $0xFFFFF086;
	s6 =	sadd.s32 @!p0 s3, s7;
	s7 =	simm.s32 @!p0 $0x108  }
0x21: {  	s3 =	sadd.s32 s3, s9;
	s6 =	sadd.s32 @!p0 $0x88, s6;
	s7 =	simm.s32 @p2 $0x1082  }
0x22: {  	[simem:s7], [sflag:s8] =	dma.local @!p0 [hbm:s6], $0xF7A  }
0x23: {  	s9 =	sor.u32 $0xD0000000, s2;
	s6 =	simm.s32 $0x108;
	_ =	swait.ge @!p0 [sflag:s8], $0x0  }
0x24: {  	s3 =	sadd.s32 $0x88, s3;
	s6 =	simm.s32 @!p1 $0x1082;
	[sflag:s4] =	ssyncset.s32 $0xFFFFF086  }
0x25: {  	[simem:s6], [sflag:s4] =	dma.local [hbm:s3], $0xF7A  }
0x26: {  	[smem:$0x3F83] =	sst s1;
	(tag) =	ssettag s2;
	_ =	strace s9  }
0x27: {  	s1 =	sld [smem:$0x3F93]  }
0x28: {  	s2 =	sld [smem:$0x3F94]  }
0x29: {  	s4 =	sld [smem:$0x3F96]  }
0x2a: {  	p0 =	seq.s32 s5, $0x0;
	s5 =	sld [smem:$0x3F97]  }
0x2b: {  	s6 =	sld [smem:$0x3F98]  }
0x2c: {  	s7 =	sld [smem:$0x3F99]  }
0x2d: {  	s3 =	simm.s32 $0x108;
	s8 =	sld [smem:$0x3F9A]  }
0x2e: {  	s3 =	simm.s32 @!p0 $0x1082;
	s9 =	sld [smem:$0x3F9B]  }
0x2f: {  	lr =	sadd.s32 s0, s3;
	s0 =	sld [smem:$0x3F92]  }
0x30: {  	s3 =	sld [smem:$0x3F95]  }
0x31: {  	[smem:$0x3F9E] =	sst s10  }
0x32: {  	s10 =	sld [smem:$0x3F9C];
	_ =	sdelay $0x3  }
0x33: {  	p0 =	seq.s32 s10, $0x1;
	s10 =	sld [smem:$0x3F9E];
	_ =	sdelay $0x3  }
0x34: {  	[smem:$0x3F9E] =	sst s10  }
0x35: {  	s10 =	sld [smem:$0x3F9D];
	_ =	sdelay $0x3  }
0x36: {  	p1 =	seq.s32 s10, $0x1;
	s10 =	sld [smem:$0x3F9E];
	_ =	sdelay $0x3  }
0x37: {  	[smem:$0x3F9E] =	sst s10  }
0x38: {  	s10 =	sld [smem:$0x3F9F]  }
0x39: {  	_ = 	snop;
	(pc) =	sbr.ind lr, $3  }
0x3a: {  	_ = 	snop  }
0x3b: {  	_ = 	snop  }
0x3c: {  	p2 =	seq.s32 s10, $0x1;
	s10 =	sld [smem:$0x3F9E]  }
0x3d: {  	_ =	shalt  }
0x3e: {  	_ =	shalt  }
0x3f: {  	_ =	shalt  }
0x40: {  	_ =	shalt  }
0x41: {  	_ =	shalt  }
0x42: {  	_ =	shalt  }
0x43: {  	_ =	shalt  }
0x44: {  	_ =	shalt  }
0x45: {  	_ =	shalt  }
0x46: {  	_ =	shalt  }
0x47: {  	_ =	shalt  }
0x48: {  	_ =	shalt  }
0x49: {  	_ =	shalt  }
0x4a: {  	_ =	shalt  }
0x4b: {  	_ =	shalt  }
0x4c: {  	_ =	shalt  }
0x4d: {  	_ =	shalt  }
0x4e: {  	_ =	shalt  }
0x4f: {  	_ =	shalt  }
0x50: {  	_ =	shalt  }
0x51: {  	_ =	shalt  }
0x52: {  	_ =	shalt  }
0x53: {  	_ =	shalt  }
0x54: {  	_ =	shalt  }
0x55: {  	_ =	shalt  }
0x56: {  	_ =	shalt  }
0x57: {  	_ =	shalt  }
0x58: {  	_ =	shalt  }
0x59: {  	_ =	shalt  }
0x5a: {  	_ =	shalt  }
0x5b: {  	_ =	shalt  }
0x5c: {  	_ =	shalt  }
0x5d: {  	_ =	shalt  }
0x5e: {  	_ =	shalt  }
0x5f: {  	_ =	shalt  }
0x60: {  	_ =	shalt  }
0x61: {  	_ =	shalt  }
0x62: {  	_ =	shalt  }
0x63: {  	_ =	shalt  }
0x64: {  	_ =	shalt  }
0x65: {  	_ =	shalt  }
0x66: {  	_ =	shalt  }
0x67: {  	_ =	shalt  }
0x68: {  	_ =	shalt  }
0x69: {  	_ =	shalt  }
0x6a: {  	_ =	shalt  }
0x6b: {  	_ =	shalt  }
0x6c: {  	_ =	shalt  }
0x6d: {  	_ =	shalt  }
0x6e: {  	_ =	shalt  }
0x6f: {  	_ =	shalt  }
0x70: {  	_ =	shalt  }
0x71: {  	_ =	shalt  }
0x72: {  	_ =	shalt  }
0x73: {  	_ =	shalt  }
0x74: {  	_ =	shalt  }
0x75: {  	_ =	shalt  }
0x76: {  	_ =	shalt  }
0x77: {  	_ =	shalt  }
0x78: {  	_ =	shalt  }
0x79: {  	_ =	shalt  }
0x7a: {  	_ =	shalt  }
0x7b: {  	_ =	shalt  }
0x7c: {  	_ =	shalt  }
0x7d: {  	_ =	shalt  }
0x7e: {  	_ =	shalt  }
0x7f: {  	_ =	shalt  }
0x80: {  	_ =	shalt  }
0x81: {  	_ =	shalt  }
0x82: {  	_ =	shalt  }
0x83: {  	_ =	shalt  }
0x84: {  	_ =	shalt  }
0x85: {  	_ =	shalt  }
0x86: {  	_ =	shalt  }
0x87: {  	_ =	shalt  }
.Lfunc_end0:
.L_simem_size_0:
called_computation.3_lowered:
.L_overlay_start_0:
0x88: {  	s2 =	sld [smem:$0x3FD9]  }
0x89: {  	s3 =	sld [smem:$0x3FFE];
	_ =	sdelay $0x1  }
0x8a: {  	s1 =	srdreg.scid  }
0x8b: {  	s0 =	sand.u32 $0x1, s1  }
0x8c: {  	s17 =	sshll.u32 s0, $0xA;
	s2 =	sadd.s32 s3, s2  }
0x8d: {  	s2 =	sadd.s32 s2, s17  }
0x8e: {  	[smem:$0x3FAA] =	sst s2  }
0x8f: {  	_ = 	snop  }
0x90: {  	(tm) =	ssettm $0x1  }
0x91: {  	s18 =	sld [smem:$0x3FFB];
	_ =	sdelay $0x3  }
0x92: {  	_ =	strace s18  }
0x93: {  	s2 =	sld [smem:$0x3FFC];
	_ =	sdelay $0x3  }
0x94: {  	_ =	strace s2  }
0x95: {  	s2 =	sld [smem:$0x3FFD];
	_ =	sdelay $0x3  }
0x96: {  	_ =	strace s2  }
0x97: {  	_ =	strace $0x8FFFFFFF  }
0x98: {  	s19 =	sld [smem:$0x3FDB];
	_ =	sdelay $0x1  }
0x99: {  	s20 =	simm.s32 $_scs_section_size  }
0x9a: {  	s4 =	simm.s32 $_size__tile_overlayer_lowered;
	s5 =	simm.s32 $_tile_overlayer_lowered  }
0x9b: {  	s6 =	simm.s32 $0x1BFF;
	s21 =	sshll.u32 s5, $0x1;
	s3 =	sadd.s32 s20, s19  }
0x9c: {  	s22 =	simm.s32 $0x0;
	s4 =	sshll.u32 s4, $0x1;
	s5 =	sadd.s32 s21, s3  }
0x9d: {  	[timem:s22], [sflag:s6] =	dma.local [hbm:s5], s4  }
0x9e: {  	_ =	swait.ge [sflag:s6], s4  }
0x9f: {  	s4 =	ssub.s32 $0x0, s4;
	[sflag:s6] =	ssyncset.done $0x0  }
0xa0: {  	[sflag:s6] =	ssyncadd.s32 s4;
	_ =	sdelay $0x1  }
0xa1: {  	s23 =	simm.s32 $0x1B8B  }
0xa2: {  	_ =	swait.ge [sflag:s23], $0x1  }
0xa3: {  	[sflag:s23] =	ssyncset.done $0x0  }
0xa4: {  	[sflag:s23] =	ssyncadd.s32 $0xFFFFFFFF  }
0xa5: {  	s4 =	sld [smem:$0x0]  }
0xa6: {  	s5 =	sand.u32 $0xFFFFFFFE, s1  }
0xa7: {  	p0 =	sne.s32 s1, s5  }
0xa8: {  	s5 =	sshll.u32 @p0 s5, $0xE  }
0xa9: {  	s5 =	sadd.s32 @p0 $0x11B8D, s5;
	s6 =	sshll.u32 @p0 s4, $0x11  }
0xaa: {  	s5 =	sor.u32 @p0 s6, s5  }
0xab: {  	[sflag:s5] =	ssyncadd.remote.s32 @p0 $0x1;
	_ =	sdelay $0x1  }
0xac: {  	s5 =	simm.s32 @p0 $0x1B8D  }
0xad: {  	_ =	swait.eq @p0 [sflag:s5], $0x1  }
0xae: {  	[sflag:s5] =	ssyncadd.s32 @p0 $0xFFFFFFFF  }
0xaf: {  	s6 =	sshll.u32 @!p0 s1, $0xE  }
0xb0: {  	s6 =	sor.u32 @!p0 $0x4000, s6;
	s5 =	simm.s32 @!p0 $0x1B8D  }
0xb1: {  	s4 =	sshll.u32 @!p0 s4, $0x11;
	s6 =	sadd.s32 @!p0 $0x11B8D, s6;
	_ =	swait.eq @!p0 [sflag:s5], $0x1  }
0xb2: {  	s4 =	sor.u32 @!p0 s4, s6;
	[sflag:s5] =	ssyncadd.s32 @!p0 $0xFFFFFFFF  }
0xb3: {  	s25 =	simm.s32 $0x1B8E;
	s24 =	sld [smem:$0x3FFE];
	[sflag:s4] =	ssyncadd.remote.s32 @!p0 $0x1  }
0xb4: {  	s26 =	simm.s32 $execute0_lowered;
	[smem:$0x3FD2] =	sst s25  }
0xb5: {  	s5 =	sshll.u32 s26, $0x1;
	_ =	strace $0x8000004F;
	[dreg:$0x1] =	wrdreg $0xFFFFFFFF  }
0xb6: {  	s28 =	simm.s32 $_size_execute0_lowered;
	s3 =	sadd.s32 s3, s5;
	[dreg:$0x0] =	wrdreg $0x0  }
0xb7: {  	s5 =	sshll.u32 s28, $0x1;
	[dreg:$0x2] =	wrdreg s3  }
0xb8: {  	[dreg:$0x3] =	wrdreg s5  }
0xb9: {  	[dreg:$0x4] =	wrdreg $0xC0  }
0xba: {  	_ =	task [dreg:s22], $0x5FFFF  }
0xbb: {  	[dreg:$0x1] =	wrdreg $0xFFFFFFFF  }
0xbc: {  	[dreg:$0x0] =	wrdreg $0x60  }
0xbd: {  	[dreg:$0x2] =	wrdreg s24  }
0xbe: {  	[dreg:$0x3] =	wrdreg $0xA8000  }
0xbf: {  	[dreg:$0x4] =	wrdreg $0xA  }
0xc0: {  	_ =	task.clear_ibuf [dreg:s22], $0x5FFFF;
	_ =	strace $0x9000004F  }
0xc1: {  	s29 =	simm.s32 $0xA;
	_ =	strace $0x80000051  }
0xc2: {  	_ =	swait.ge [sflag:s29], $0x1  }
0xc3: {  	[sflag:s29] =	ssyncadd.s32 $0xFFFFFFFF  }
0xc4: {  	_ =	strace $0x90000051  }
0xc5: {  	_ =	sfence  }
0xc6: {  	s30 =	sld [smem:$0x0];
	_ =	sdelay $0x2  }
0xc7: {  	s31 =	sshll.u32 s1, $0xD;
	s1 =	sshrl.u32 s1, $0x2  }
0xc8: {  	s4 =	sand.u32 $0x4000, s31;
	s1 =	sadd.s32 s1, s30  }
0xc9: {  	s0 =	sor.u32 s4, s0;
	s1 =	sshll.u32 s1, $0x11  }
0xca: {  	s0 =	sor.u32 s1, s0  }
0xcb: {  	s0 =	sadd.s32 $0x8F2B, s0  }
0xcc: {  	[sflag:s0] =	ssyncadd.remote.s32 $0x1  }
0xcd: {  	_ =	sfence.sel $0xFFFF  }
0xce: {  	[dreg:$0x0] =	wrdreg $0xFFFFFFFF;
	(pc) =	sbr.abs _section_cstart, $3  }
0xcf: {  	[dreg:$0x1] =	wrdreg $0xFFFFFFFF  }
0xd0: {  	_ =	task.clear_ibuf [dreg:s22], $0x2FFFF;
	_ =	strace $0x9FFFFFFF  }
0xd1: {  	(tm) =	ssettm $0x7FFFFFFF  }
tec
execute0_lowered:
.L_overlay_start_1:
0x0: {  	(tag) =	ssettag $0x1  }
0x1: {  	s0 =	rddreg [dreg:$0x0]  }
0x2: {  	s1 =	rddreg [dreg:$0x1];
	s2 =	srdreg.scid;
	s3 =	simm.s32 $0x0  }
0x3: {  	s16 =	simm.s32 $0x5;
	s20 =	simm.s32 $0x8000;
	s21 =	simm.s32 $0x9400  }
0x4: {  	s22 =	simm.s32 $0x1;
	s23 =	simm.s32 $0x28;
	s24 =	simm.s32 $0x2  }
0x5: {  	s26 =	simm.s32 $0x3;
	s10 =	sand.u32 $0x1, s2;
	s2 =	stileid.u32  }
0x6: {  	s28 =	simm.s32 $0x4;
	s29 =	simm.s32 $0x0;
	s5 =	smul.u32 $0x2780, s2  }
0x7: {  	[smem:$0x7FF] =	sst s3;
	s14 =	sadd.s32 $0xA6BA00, s0;
	s6 =	smul.u32 $0x4F000, s2  }
0x8: {  	s4 =	sshll.u32 s10, $0x4;
	_ =	strace $0x80000050;
	s15 =	smul.u32 $0x271000, s10  }
0x9: {  	s9 =	ssub.s32 $0x2, s10;
	p4 =	seq.s32 s10, $0x1;
	s31 =	smul.u32 $0x27100, s2  }
0xa: {  	p0 =	seq.s32 s2, $0xF;
	s8 =	sor.u32 s2, s4;
	s30 =	sshrl.u32 s9, $0x1  }
0xb: {  	p2 =	seq.s32 @p4 s2, $0xF;
	p5 =	seq.s32 @!p4 s2, $0xF;
	s4 =	sshll.u32 s8, $0xC  }
0xc: {  	s11 =	sadd.s32 s5, s0;
	s6 =	sshrl.u32 s6, $0x2;
	s12 =	ssub.s32 s9, s30  }
0xd: {  	s13 =	smul.u32 $0x27100, s8;
	s9 =	sadd.s32 $0x2D280, s0;
	s15 =	sadd.s32 s15, s14  }
0xe: {  	p1 =	por !p2, !p4;
	p2 =	por p2, !p4;
	p3 =	por !p5, p4  }
0xf: {  	p4 =	por p5, p4;
	s7 =	sadd.s32 s4, s0;
	s4 =	sadd.s32 $0x5A00, s0  }
0x10: {  	s6 =	sadd.s32 s6, s1;
	s8 =	sadd.s32 $0x8200, s11;
	s10 =	sadd.s32 $0x77A00, s11  }
0x11: {  	s11 =	sadd.s32 $0x9CA80, s0;
	s12 =	smax.u32 s12, $0x1;
	s0 =	sadd.s32 s31, s15  }
0x12: {  	s5 =	sadd.s32 $0xA4BA00, s7;
	s7 =	sadd.s32 $0x128400, s1;
	s13 =	sadd.s32 s14, s13  }
0x13: {  	s15 =	sadd.s32 $0x780, s0;
	s0 =	sshll.u32 @!p0 s2, $0x6;
	s19 =	sshrl.u32 @!p0 s6, $0x3  }
0x14: {  	s14 =	sadd.s32 $0x280, s13;
	s17 =	sshrl.u32 @p0 s7, $0x3;
	s18 =	sor.u32 @!p0 $0x1C05, s0  }
.LBB2_1:
0x15: {  	[tilespmem:s3], [sflag:$0x5] =	stream.linear.gather [hbm4b:s5+s3], $0x7D00, $0x38;
	[tilespmem:$0x1E080] =	vst v63  }
0x16: {  	_ =	swait.ge [sflag:s16], $0x7D00  }
0x17: {  	[sflag:s16] =	ssyncset.done $0x0  }
0x18: {  	s0 =	simm.s32 @p0 $0x1FC5;
	[sflag:s16] =	ssyncadd.s32 $0xFFFF8300  }
0x19: {  	[spmem:s17], [sflag:s0] =	dma.local @p0 [hbm:s4], $0x2080  }
0x1a: {  	s0 =	simm.s32 @p0 $0x5  }
0x1b: {  	_ =	swait.ge @p0 [sflag:s0], $0x2080  }
0x1c: {  	[sflag:s0] =	ssyncset.done @p0 $0x0  }
0x1d: {  	[sflag:s0] =	ssyncadd.s32 @p0 $0xFFFFDF80;
	s0 =	simm.s32 @!p0 $0x5  }
0x1e: {  	[spmem:s19], [sflag:s18] =	dma.local @!p0 [hbm:s4], $0x2780  }
0x1f: {  	_ =	swait.ge @!p0 [sflag:s0], $0x2780  }
0x20: {  	[sflag:s0] =	ssyncset.done @!p0 $0x0  }
0x21: {  	[sflag:s0] =	ssyncadd.s32 @!p0 $0xFFFFD880  }
0x22: {  	[bflag:$0x0] =	sbarrier.arrive $0xFFFF  }
0x23: {  	[tilespmem:s20], [sflag:$0x1] =	stream.linear.gather [hbm4b:s13+s3], $0x1400, $0x38;
	[tilespmem:$0x1E080] =	vst v63  }
0x24: {  	_ = 	snop  }
0x25: {  	[tilespmem:s21], [sflag:$0x2] =	stream.linear.gather [hbm4b:s14+s3], $0x1400, $0x38;
	[tilespmem:$0x1E080] =	vst v63  }
0x26: {  	_ =	swait.ge [sflag:s22], $0x1400  }
0x27: {  	[sflag:s22] =	ssyncset.done $0x0  }
0x28: {  	[sflag:s22] =	ssyncadd.s32 $0xFFFFEC00  }
0x29: {  	[spmem:s1] =	stream.indirect.scatter.add.f32 [tilespmem:s20], [sflag:$0x3], $0x80, s3, s23, $0xb8;
	[tilespmem:$0x1E080] =	vst v63  }
0x2a: {  	_ =	swait.ge [sflag:s24], $0x1400  }
0x2b: {  	[sflag:s24] =	ssyncset.done $0x0  }
0x2c: {  	s25 =	simm.s32 $0x80;
	[sflag:s24] =	ssyncadd.s32 $0xFFFFEC00  }
0x2d: {  	[spmem:s1] =	stream.indirect.scatter.add.f32 [tilespmem:s21], [sflag:$0x4], $0x80, s25, s23, $0xb8;
	[tilespmem:$0x1E080] =	vst v63  }
0x2e: {  	_ =	swait.ge [sflag:s26], $0x1400  }
0x2f: {  	[sflag:s26] =	ssyncset.done $0x0  }
0x30: {  	s25 =	sadd.s32 $0xFFFFFD80, s15;
	[sflag:s26] =	ssyncadd.s32 $0xFFFFEC00  }
0x31: {  	[tilespmem:s20], [sflag:$0x1] =	stream.linear.gather [hbm4b:s25+s3], $0x1400, $0x38;
	[tilespmem:$0x1E080] =	vst v63  }
0x32: {  	_ =	swait.ge [sflag:s28], $0x1400  }
0x33: {  	[sflag:s28] =	ssyncset.done $0x0  }
0x34: {  	[sflag:s28] =	ssyncadd.s32 $0xFFFFEC00  }
0x35: {  	[tilespmem:s21], [sflag:$0x2] =	stream.linear.gather [hbm4b:s15+s3], $0x1400, $0x38;
	[tilespmem:$0x1E080] =	vst v63  }
0x36: {  	_ =	swait.ge [sflag:s22], $0x1400  }
0x37: {  	[sflag:s22] =	ssyncset.done $0x0  }
0x38: {  	s25 =	simm.s32 $0x100;
	[sflag:s22] =	ssyncadd.s32 $0xFFFFEC00  }
0x39: {  	[spmem:s1] =	stream.indirect.scatter.add.f32 [tilespmem:s20], [sflag:$0x3], $0x80, s25, s23, $0xb8;
	[tilespmem:$0x1E080] =	vst v63  }
0x3a: {  	_ =	swait.ge [sflag:s24], $0x1400  }
0x3b: {  	s30 =	simm.s32 $0x400;
	[sflag:s24] =	ssyncset.done $0x0  }
0x3c: {  	s31 =	sadd.s32 $0x500, s15;
	s0 =	simm.s32 $0x180;
	[sflag:s24] =	ssyncadd.s32 $0xFFFFEC00  }
.LBB2_2:
0x3d: {  	[spmem:s1] =	stream.indirect.scatter.add.f32 [tilespmem:s21], [sflag:$0x4], $0x80, s0, s23, $0xb8;
	[tilespmem:$0x1E080] =	vst v63  }
0x3e: {  	s0 =	smov.u32 s30  }
0x3f: {  	p5 =	sne.s32 s30, $0x1EC00;
	s30 =	sadd.s32 $0x400, s30;
	_ =	swait.ge [sflag:s26], $0x1400  }
0x40: {  	[sflag:s26] =	ssyncset.done $0x0  }
0x41: {  	s25 =	sadd.s32 $0xFFFFFD80, s31;
	[sflag:s26] =	ssyncadd.s32 $0xFFFFEC00  }
0x42: {  	[tilespmem:s20], [sflag:$0x1] =	stream.linear.gather [hbm4b:s25+s3], $0x1400, $0x38;
	[tilespmem:$0x1E080] =	vst v63  }
0x43: {  	_ =	swait.ge [sflag:s28], $0x1400  }
0x44: {  	[sflag:s28] =	ssyncset.done $0x0  }
0x45: {  	[sflag:s28] =	ssyncadd.s32 $0xFFFFEC00  }
0x46: {  	[tilespmem:s21], [sflag:$0x2] =	stream.linear.gather [hbm4b:s31+s3], $0x1400, $0x38;
	[tilespmem:$0x1E080] =	vst v63  }
0x47: {  	_ =	swait.ge [sflag:s22], $0x1400  }
0x48: {  	s0 =	sshra.s32 s0, $0x2;
	[sflag:s22] =	ssyncset.done $0x0  }
.Ltmp0:
0x49: {  	s25 =	sadd.s32 $0x100, s0;
	[sflag:s22] =	ssyncadd.s32 $0xFFFFEC00;
	(pc) =	sbr.rel @p5 .LBB2_2-.Ltmp0, $4  }
0x4a: {  	[spmem:s1] =	stream.indirect.scatter.add.f32 [tilespmem:s20], [sflag:$0x3], $0x80, s25, s23, $0xb8;
	[tilespmem:$0x1E080] =	vst v63  }
0x4b: {  	_ =	swait.ge [sflag:s24], $0x1400  }
0x4c: {  	[sflag:s24] =	ssyncset.done $0x0  }
0x4d: {  	s0 =	sadd.s32 $0x180, s0;
	s31 =	sadd.s32 $0x500, s31;
	[sflag:s24] =	ssyncadd.s32 $0xFFFFEC00  }
0x4e: {  	[spmem:s1] =	stream.indirect.scatter.add.f32 [tilespmem:s21], [sflag:$0x4], $0x80, s0, s23, $0xb8;
	[tilespmem:$0x1E080] =	vst v63  }
0x4f: {  	_ =	swait.ge [sflag:s26], $0x1400  }
0x50: {  	[sflag:s26] =	ssyncset.done $0x0  }
0x51: {  	[sflag:s26] =	ssyncadd.s32 $0xFFFFEC00  }
0x52: {  	_ =	swait.ge [sflag:s28], $0x1400  }
0x53: {  	[sflag:s28] =	ssyncset.done $0x0  }
0x54: {  	[sflag:s28] =	ssyncadd.s32 $0xFFFFEC00  }
0x55: {  	s0 =	sshrl.u32 @!p1 s7, $0x3;
	s25 =	simm.s32 @!p1 $0x1FC5;
	[bflag:$0x0] =	sbarrier.arrive $0xFFFF  }
0x56: {  	[hbm:s11], [sflag:s25] =	dma.local @!p1 [spmem:s0], $0x2080  }
0x57: {  	s0 =	simm.s32 @!p1 $0x5  }
0x58: {  	_ =	swait.ge @!p1 [sflag:s0], $0x2080  }
0x59: {  	s25 =	sshll.u32 @!p2 s2, $0x6;
	[sflag:s0] =	ssyncset.done @!p1 $0x0  }
0x5a: {  	[sflag:s0] =	ssyncadd.s32 @!p1 $0xFFFFDF80;
	s0 =	sor.u32 @!p2 $0x1C05, s25;
	s25 =	sshrl.u32 @!p2 s6, $0x3  }
0x5b: {  	[hbm:s10], [sflag:s0] =	dma.local @!p2 [spmem:s25], $0x2780  }
0x5c: {  	s0 =	simm.s32 @!p2 $0x5  }
0x5d: {  	_ =	swait.ge @!p2 [sflag:s0], $0x2780  }
0x5e: {  	[sflag:s0] =	ssyncset.done @!p2 $0x0  }
0x5f: {  	s25 =	simm.s32 @!p3 $0x1FC5;
	[sflag:s0] =	ssyncadd.s32 @!p2 $0xFFFFD880;
	s0 =	sshrl.u32 @!p3 s7, $0x3  }
0x60: {  	[hbm:s9], [sflag:s25] =	dma.local @!p3 [spmem:s0], $0x2080  }
0x61: {  	s0 =	simm.s32 @!p3 $0x5  }
0x62: {  	s29 =	sadd.s32 $0x1, s29;
	_ =	swait.ge @!p3 [sflag:s0], $0x2080  }
0x63: {  	p5 =	sne.s32 s29, s12;
	s25 =	sshll.u32 @!p4 s2, $0x6;
	[sflag:s0] =	ssyncset.done @!p3 $0x0  }
0x64: {  	[sflag:s0] =	ssyncadd.s32 @!p3 $0xFFFFDF80;
	s0 =	sor.u32 @!p4 $0x1C05, s25;
	s25 =	sshrl.u32 @!p4 s6, $0x3  }
0x65: {  	[hbm:s8], [sflag:s0] =	dma.local @!p4 [spmem:s25], $0x2780  }
.Ltmp1:
0x66: {  	_ = 	snop;
	(pc) =	sbr.rel @p5 .LBB2_1-.Ltmp1, $4  }
0x67: {  	s0 =	simm.s32 @!p4 $0x5  }
0x68: {  	_ =	swait.ge @!p4 [sflag:s0], $0x2780  }
0x69: {  	[sflag:s0] =	ssyncset.done @!p4 $0x0  }
0x6a: {  	[sflag:s0] =	ssyncadd.s32 @!p4 $0xFFFFD880  }
0x6b: {  	_ =	sfence.sel $0x180000  }
0x6c: {  	[bflag:$0x0] =	sbarrier.arrive $0xFFFF  }
0x6d: {  	_ =	strace $0x90000050  }
0x6e: {  	[bflag:$0x2] =	sbarrier.arrive $0xFFFF  }
0x6f: {  	p0 =	sne.s32 s2, $0x0;
	s0 =	rddreg [dreg:$0x2]  }
0x70: {  	s0 =	sadd.s32 @!p0 $0x100000, s0  }
0x71: {  	[sflag:s0] =	ssyncadd.tile.s32 @!p0 $0x1;
	_ =	shalt  }
.Lfunc_end2:
_tile_overlayer_lowered:
.L_overlay_start_2:
0x72: {  	(tag) =	ssettag $0x2  }
0x73: {  	s0 =	rddreg [dreg:$0x0];
	s2 =	stileid.u32  }
0x74: {  	s1 =	rddreg [dreg:$0x1];
	p0 =	sne.s32 s2, $0x0  }
0x75: {  	s3 =	rddreg [dreg:$0x2];
	[bflag:$0x3] =	sbarrier.arrive $0xFFFF;
	s2 =	simm.s32 @!p0 $0x1C05  }
0x76: {  	[timem:s3], [sflag:s2] =	dma.local @!p0 [hbm:s0], s1  }
0x77: {  	s0 =	simm.s32 @!p0 $0x5  }
0x78: {  	_ =	swait.ge @!p0 [sflag:s0], s1  }
0x79: {  	s1 =	ssub.s32 @!p0 $0x0, s1;
	[sflag:s0] =	ssyncset.done @!p0 $0x0  }
0x7a: {  	[sflag:s0] =	ssyncadd.s32 @!p0 s1  }
0x7b: {  	[bflag:$0x3] =	sbarrier.arrive $0xFFFF  }
0x7c: {  	_ =	shalt  }

</sc_bundles>
